<compile_context>
chip_gen: v7x
topology: tpu7x:2x2x1
jax: 0.10.2.dev20260603
libtpu: 0.0.44.dev20260713+nightly
codegen_flags: <defaults>
</compile_context>

<pallas_src>
import functools

import jax
import jax.numpy as jnp
from jax import lax
from jax.experimental import pallas as pl
from jax.experimental.pallas import tpu as pltpu
from jax.experimental.pallas import tpu_sc as plsc

B, G, N, L, E, U, R, C = 64, 20000, 50000, 8, 100000, 25000, 128, 2

NLANE = 16
NCORE = 2
NSUB = 16
NPASS = (B // NLANE) // NCORE

E_PAD = 102400
EC, ECW = 20, 320
U_PAD = 25088
UC, UCW = 7, 224
UPT = UC * UCW
NZH = 3136 // UCW
G_PAD = 20480
GC = 4
N_PAD = 50176
H_GARB = N
A_GARB = U


def _splat(i):
    return jnp.full((NLANE,), i, jnp.int32)


def _tanh16(x):
    a = jnp.abs(x)
    e = jnp.exp(-2.0 * a)
    t = (1.0 - e) / (1.0 + e)
    return jnp.where(x < 0, -t, t)


NBUF = 4
ECB = EC // NBUF


def _sc_body(x4, lw16, wf, hb16, gidx, sidx, pidx, duidx, nb, ridx, zro,
             out, h_sh, agg_sh, idx_s, idx_p, rbuf, zbuf, idx_du,
             bias_all, ubuf_a, ubuf_b, featb, lw_v, wf_v, hb_v, ridx_v,
             ostage, gsems, ssems, bsem, zsem):
    cid = lax.axis_index("c")
    sid = lax.axis_index("s")

    pltpu.sync_copy(lw16, lw_v)
    pltpu.sync_copy(wf, wf_v)
    pltpu.sync_copy(hb16, hb_v)
    pltpu.sync_copy(ridx, ridx_v)
    pltpu.sync_copy(zro, zbuf)

    def _zero(dst_sh, base, nblk):
        ds_ = [pltpu.async_copy(
            zbuf, dst_sh.at[pl.ds(base + t * UCW, UCW)], zsem)
            for t in range(nblk)]
        return ds_

    def do_layer(li, _):
        pltpu.sync_copy(sidx.at[li, sid], idx_s)
        pltpu.sync_copy(pidx.at[li, sid], idx_p)
        pltpu.sync_copy(duidx.at[li, sid], idx_du)

        def _bias(cc, do_wait):
            c = (nb.at[idx_du.at[cc]],
                 bias_all.at[pl.ds(cc * UCW, UCW)], bsem)
            if do_wait:
                pltpu.make_async_copy(*c).wait()
            else:
                pltpu.async_copy(*c)

        for cc in range(UC):
            _bias(cc, False)

        def _gw(j, q, do_wait):
            c = (h_sh.at[idx_s.at[j]], rbuf.at[q], gsems[q])
            if do_wait:
                pltpu.make_async_copy(*c).wait()
            else:
                pltpu.async_copy(*c)

        def _sw(j, q, do_wait):
            c = (rbuf.at[q], agg_sh.at[idx_p.at[j]], ssems[q])
            if do_wait:
                pltpu.make_async_copy(*c).wait()
            else:
                pltpu.async_copy(*c, add=True)

        for q in range(NBUF):
            _gw(q, q, False)

        def eblk(t, _):
            base = t * NBUF
            for q in range(NBUF):
                _gw(base + q, q, True)
                _sw(base + q, q, False)
            for q in range(NBUF):
                _sw(base + q, q, True)

                @pl.when(t < ECB - 1)
                def _():
                    _gw(base + NBUF + q, q, False)
            return ()
        lax.fori_loop(0, ECB, eblk, ())
        plsc.subcore_barrier()

        w_spl = plsc.load_gather(lw_v, [_splat(li)])
        for cc in range(UC):
            _bias(cc, True)

        def _ur(cc, buf, sem, do_wait):
            c = (agg_sh.at[pl.ds(sid * UPT + cc * UCW, UCW)], buf, sem)
            if do_wait:
                pltpu.make_async_copy(*c).wait()
            else:
                pltpu.async_copy(*c)

        def _us(cc, buf, sem, do_wait):
            c = (buf, h_sh.at[idx_du.at[cc]], sem)
            if do_wait:
                pltpu.make_async_copy(*c).wait()
            else:
                pltpu.async_copy(*c)

        def _uz(cc, do_wait):
            c = (zbuf,
                 agg_sh.at[pl.ds(sid * UPT + cc * UCW, UCW)], zsem)
            if do_wait:
                pltpu.make_async_copy(*c).wait()
            else:
                pltpu.async_copy(*c)

        def _compute(buf, cc):
            def _grp(g, _):
                bvec = bias_all[pl.ds(cc * UCW + g * NLANE, NLANE)]
                for r in range(NLANE):
                    i = g * NLANE + r
                    bs = bvec.at[jnp.full((NLANE,), r, jnp.int32)].get(
                        mode="promise_in_bounds")
                    buf[i, :] = _tanh16(buf[i, :] * w_spl + bs)
                return ()
            lax.fori_loop(0, UCW // NLANE, _grp, ())

        _ur(0, ubuf_a, gsems[0], False)
        _ur(0, ubuf_a, gsems[0], True)
        _compute(ubuf_a, 0)
        _uz(0, False)
        _us(0, ubuf_a, ssems[0], False)
        _us(0, ubuf_a, ssems[0], True)
        _ur(1, ubuf_a, gsems[0], False)
        _ur(2, ubuf_b, gsems[1], False)

        def ublk(t, _):
            a = 2 * t + 1
            b = 2 * t + 2
            _ur(a, ubuf_a, gsems[0], True)
            _compute(ubuf_a, a)
            _uz(a, False)
            _us(a, ubuf_a, ssems[0], False)
            _ur(b, ubuf_b, gsems[1], True)
            _compute(ubuf_b, b)
            _uz(b, False)
            _us(b, ubuf_b, ssems[1], False)
            _us(a, ubuf_a, ssems[0], True)

            @pl.when(t < UC // 2 - 1)
            def _():
                _ur(a + 2, ubuf_a, gsems[0], False)
            _us(b, ubuf_b, ssems[1], True)

            @pl.when(t < UC // 2 - 1)
            def _():
                _ur(b + 2, ubuf_b, gsems[1], False)
            return ()
        lax.fori_loop(0, UC // 2, ublk, ())
        for cc in range(UC):
            _uz(cc, True)
        plsc.subcore_barrier()
        return ()

    def one_pass(p, _):
        k = 2 * p + cid

        zds = _zero(h_sh, sid * NZH * UCW, NZH) + _zero(agg_sh, sid * UPT, UC)
        for d in zds:
            d.wait()
        plsc.subcore_barrier()

        pltpu.sync_copy(gidx.at[sid], idx_s.at[pl.ds(0, GC)])
        gx = [pltpu.async_copy(
            x4.at[k, pl.ds(sid * GC * ECW + j * ECW, ECW)],
            rbuf.at[j], gsems[j]) for j in range(GC)]
        gs = []
        for j in range(GC):
            gx[j].wait()
            gs.append(pltpu.async_copy(rbuf.at[j], h_sh.at[idx_s.at[j]],
                                       ssems[j]))
        for d in gs:
            d.wait()
        plsc.subcore_barrier()

        lax.fori_loop(0, L, do_layer, ())

        @pl.when(sid == 0)
        def _():
            pltpu.sync_copy(h_sh.at[ridx_v], featb)

            def mm(r, acc):
                a0, a1 = acc
                v = featb[r, :]
                w0 = plsc.load_gather(wf_v, [_splat(2 * r)])
                w1 = plsc.load_gather(wf_v, [_splat(2 * r + 1)])
                return (a0 + v * w0, a1 + v * w1)
            a0, a1 = lax.fori_loop(
                0, R, mm, (jnp.zeros((NLANE,), jnp.float32),
                           jnp.zeros((NLANE,), jnp.float32)))
            b0 = plsc.load_gather(hb_v, [_splat(0)])
            b1 = plsc.load_gather(hb_v, [_splat(1)])
            ostage[...] = a0 + b0
            pltpu.sync_copy(ostage, out.at[k, 0])
            ostage[...] = a1 + b1
            pltpu.sync_copy(ostage, out.at[k, 1])
        plsc.subcore_barrier()
        return ()
    lax.fori_loop(0, NPASS, one_pass, ())


_sc_call = functools.partial(
    pl.kernel,
    out_type=jax.ShapeDtypeStruct((NPASS * NCORE, C, NLANE), jnp.float32),
    mesh=plsc.VectorSubcoreMesh(core_axis_name="c", subcore_axis_name="s"),
    compiler_params=pltpu.CompilerParams(needs_layout_passes=False,
                                         use_tc_tiling_on_sc=False),
    scratch_types=[
        pltpu.VMEM_SHARED((N_PAD, NLANE), jnp.float32),
        pltpu.VMEM_SHARED((U_PAD, NLANE), jnp.float32),
        pltpu.VMEM((EC, ECW), jnp.int32),
        pltpu.VMEM((EC, ECW), jnp.int32),
        pltpu.VMEM((NBUF, ECW, NLANE), jnp.float32),
        pltpu.VMEM((UCW, NLANE), jnp.float32),
        pltpu.VMEM((UC, UCW), jnp.int32),
        pltpu.VMEM((UPT,), jnp.float32),
        pltpu.VMEM((UCW, NLANE), jnp.float32),
        pltpu.VMEM((UCW, NLANE), jnp.float32),
        pltpu.VMEM((R, NLANE), jnp.float32),
        pltpu.VMEM((NLANE,), jnp.float32),
        pltpu.VMEM((2 * R,), jnp.float32),
        pltpu.VMEM((NLANE,), jnp.float32),
        pltpu.VMEM((R,), jnp.int32),
        pltpu.VMEM((NLANE,), jnp.float32),
        [pltpu.SemaphoreType.DMA] * NBUF,
        [pltpu.SemaphoreType.DMA] * NBUF,
        pltpu.SemaphoreType.DMA,
        pltpu.SemaphoreType.DMA,
    ],
)(_sc_body)


def _pad1(a, n, val):
    return jnp.concatenate(
        [a, jnp.full((n - a.shape[0],), val, a.dtype)])


def kernel(X_gene_batch, layer_weight, node_bias, head_W, head_b,
           gene_map, srcs, dst_uniques, dst_poss, root_ids):
    f32, i32 = jnp.float32, jnp.int32

    xt = jnp.zeros((G_PAD, B), f32).at[:G].set(X_gene_batch.T)
    x4 = xt.reshape(G_PAD, NPASS * NCORE, NLANE).transpose(1, 0, 2)

    gidx = _pad1(gene_map.astype(i32), G_PAD, H_GARB).reshape(NSUB, GC, ECW)

    epad = jnp.full((L, E_PAD - E), H_GARB, i32)
    sidx = jnp.concatenate([srcs.astype(i32), epad], axis=1)
    sidx = sidx.reshape(L, NSUB, EC, ECW)
    ppad = jnp.full((L, E_PAD - E), A_GARB, i32)
    pidx = jnp.concatenate([dst_poss.astype(i32), ppad], axis=1)
    pidx = pidx.reshape(L, NSUB, EC, ECW)

    upad = jnp.full((L, U_PAD - U), H_GARB, i32)
    duidx = jnp.concatenate([dst_uniques.astype(i32), upad], axis=1)
    duidx = duidx.reshape(L, NSUB, UC, UCW)
    nb_pad = _pad1(node_bias.astype(f32), N_PAD, 0.0)

    lw16 = _pad1(layer_weight.astype(f32), NLANE, 0.0)
    wf = head_W.astype(f32).reshape(2 * R)
    hb16 = _pad1(head_b.astype(f32), NLANE, 0.0)
    ridx = root_ids.astype(i32)
    zro = jnp.zeros((UCW, NLANE), f32)

    out4 = _sc_call(x4, lw16, wf, hb16, gidx, sidx, pidx, duidx, nb_pad,
                    ridx, zro)
    return out4.transpose(0, 2, 1).reshape(B, C)

# --- scband reference (transcript-rebuilt; emitter-appended) ---
"""Pipeline reference for scband-gcnshared-d1-55070070669890 (READ-ONLY COPY).

The authoritative reference and input builder live on the scoring server;
editing this copy changes nothing except your own understanding.
"""

import jax, jax.numpy as jnp
import numpy as np

B, G, N, L, E, U, R, C = 64, 20000, 50000, 8, 100000, 25000, 128, 2


def setup_inputs(seed: int = 0) -> dict:
    key = jax.random.key(seed)
    ks = jax.random.split(key, 4 + 3 * L)
    X = jax.random.normal(ks[0], (B, G), dtype=jnp.float32)
    gene_map = jax.random.permutation(ks[1], N)[:G].astype(jnp.int32)
    layer_weight = jnp.ones((L,), jnp.float32) * 0.01
    node_bias = jnp.zeros((N,), jnp.float32)
    head_W = jax.random.normal(ks[2], (R, C), dtype=jnp.float32) * 0.05
    head_b = jnp.zeros((C,), jnp.float32)
    root_ids = jax.random.permutation(ks[3], N)[:R].astype(jnp.int32)
    srcs, dsts_u, dsts_p = [], [], []
    for li in range(L):
        srcs.append(jax.random.randint(ks[4 + 3 * li], (E,), 0, N))
        dsts_u.append(jnp.sort(jax.random.permutation(ks[5 + 3 * li], N)[:U]).astype(jnp.int32))
        dsts_p.append(jax.random.randint(ks[6 + 3 * li], (E,), 0, U))
    return {
        "X_gene_batch": X,
        "layer_weight": layer_weight,
        "node_bias": node_bias,
        "head_W": head_W,
        "head_b": head_b,
        "gene_map": gene_map,
        "srcs": jnp.stack(srcs),
        "dst_uniques": jnp.stack(dsts_u),
        "dst_poss": jnp.stack(dsts_p),
        "root_ids": root_ids,
    }


def reference(X_gene_batch, layer_weight, node_bias, head_W, head_b,
              gene_map, srcs, dst_uniques, dst_poss, root_ids):
    # _init_state_scalar: h = zeros[B, N]; h[:, gene_map] = X
    h = jnp.zeros((X_gene_batch.shape[0], N), dtype=X_gene_batch.dtype)
    h = h.at[:, gene_map].set(X_gene_batch)
    # layered message passing with one scalar weight per layer
    for li in range(L):
        src = srcs[li]
        du = dst_uniques[li]
        dp = dst_poss[li]
        w = layer_weight[li]
        msg = jnp.take(h, src, axis=1) * w            # gather over edges
        agg = jnp.zeros((h.shape[0], U), dtype=h.dtype)
        agg = agg.at[:, dp].add(msg)                  # scatter-add to unique dsts
        h_dst = jnp.tanh(agg + jnp.take(node_bias, du)[None, :])
        # dropout p=0.0 -> identity
        h = h.at[:, du].set(h_dst)                    # scatter-overwrite state
    # readout: roots_concat (scalar state -> concat == select)
    feat = jnp.take(h, root_ids, axis=1)              # [B, R]
    return feat @ head_W + head_b                     # [B, C]

if __name__ == "__main__":
    import jax
    _d = setup_inputs()
    print(jax.jit(kernel)(*tuple(_d.values())))

</pallas_src>

<mosaic_0001>
#map = affine_map<(d0, d1) -> (0, 0, 0)>
#map1 = affine_map<(d0, d1) -> (0)>
#map2 = affine_map<(d0, d1) -> (0, 0, 0, 0)>
#map3 = affine_map<(d0, d1) -> (0, 0)>
module attributes {stable_mosaic.version = 14 : i64} {
  func.func @_sc_body(%arg0: i32, %arg1: i32, %arg2: memref<4x20480x16xf32, #tpu.memory_space<hbm>>, %arg3: memref<16xf32, #tpu.memory_space<hbm>>, %arg4: memref<256xf32, #tpu.memory_space<hbm>>, %arg5: memref<16xf32, #tpu.memory_space<hbm>>, %arg6: memref<16x4x320xi32, #tpu.memory_space<hbm>>, %arg7: memref<8x16x20x320xi32, #tpu.memory_space<hbm>>, %arg8: memref<8x16x20x320xi32, #tpu.memory_space<hbm>>, %arg9: memref<8x16x7x224xi32, #tpu.memory_space<hbm>>, %arg10: memref<50176xf32, #tpu.memory_space<hbm>>, %arg11: memref<128xi32, #tpu.memory_space<hbm>>, %arg12: memref<224x16xf32, #tpu.memory_space<hbm>>, %arg13: memref<4x2x16xf32, #tpu.memory_space<hbm>>, %arg14: memref<50176x16xf32, #tpu.memory_space<vmem_shared>>, %arg15: memref<25088x16xf32, #tpu.memory_space<vmem_shared>>, %arg16: memref<20x320xi32, #tpu.memory_space<vmem>>, %arg17: memref<20x320xi32, #tpu.memory_space<vmem>>, %arg18: memref<4x320x16xf32, #tpu.memory_space<vmem>>, %arg19: memref<224x16xf32, #tpu.memory_space<vmem>>, %arg20: memref<7x224xi32, #tpu.memory_space<vmem>>, %arg21: memref<1568xf32, #tpu.memory_space<vmem>>, %arg22: memref<224x16xf32, #tpu.memory_space<vmem>>, %arg23: memref<224x16xf32, #tpu.memory_space<vmem>>, %arg24: memref<128x16xf32, #tpu.memory_space<vmem>>, %arg25: memref<16xf32, #tpu.memory_space<vmem>>, %arg26: memref<256xf32, #tpu.memory_space<vmem>>, %arg27: memref<16xf32, #tpu.memory_space<vmem>>, %arg28: memref<128xi32, #tpu.memory_space<vmem>>, %arg29: memref<16xf32, #tpu.memory_space<vmem>>, %arg30: memref<!tpu.dma_semaphore, #tpu.memory_space<semaphore_mem>>, %arg31: memref<!tpu.dma_semaphore, #tpu.memory_space<semaphore_mem>>, %arg32: memref<!tpu.dma_semaphore, #tpu.memory_space<semaphore_mem>>, %arg33: memref<!tpu.dma_semaphore, #tpu.memory_space<semaphore_mem>>, %arg34: memref<!tpu.dma_semaphore, #tpu.memory_space<semaphore_mem>>, %arg35: memref<!tpu.dma_semaphore, #tpu.memory_space<semaphore_mem>>, %arg36: memref<!tpu.dma_semaphore, #tpu.memory_space<semaphore_mem>>, %arg37: memref<!tpu.dma_semaphore, #tpu.memory_space<semaphore_mem>>, %arg38: memref<!tpu.dma_semaphore, #tpu.memory_space<semaphore_mem>>, %arg39: memref<!tpu.dma_semaphore, #tpu.memory_space<semaphore_mem>>) attributes {dimension_semantics = [#tpu.dimension_semantics<core_parallel>, #tpu.dimension_semantics<subcore_parallel>], iteration_bounds = array<i64: 2, 16>, scalar_prefetch = 0 : i64, scratch_operands = 26 : i64, tpu.core_type = #tpu.core_type<sc_vector_subcore>, window_params = [{transform_indices = #map}, {transform_indices = #map1}, {transform_indices = #map1}, {transform_indices = #map1}, {transform_indices = #map}, {transform_indices = #map2}, {transform_indices = #map2}, {transform_indices = #map2}, {transform_indices = #map1}, {transform_indices = #map1}, {transform_indices = #map3}, {transform_indices = #map}]} {
    "tpu.region"() ({
      %run_scoped3A = tpu.sem_alloc : memref<!tpu.dma_semaphore, #tpu.memory_space<semaphore_mem>>
      tpu.enqueue_dma source(%arg3 : memref<16xf32, #tpu.memory_space<hbm>>) target(%arg25 : memref<16xf32, #tpu.memory_space<vmem>>) target_semaphore(%run_scoped3A : memref<!tpu.dma_semaphore, #tpu.memory_space<semaphore_mem>>)
      tpu.wait_dma2 semaphore(%run_scoped3A : memref<!tpu.dma_semaphore, #tpu.memory_space<semaphore_mem>>) src(%arg3 : memref<16xf32, #tpu.memory_space<hbm>>) dst(%arg25 : memref<16xf32, #tpu.memory_space<vmem>>)
      tpu.yield
    }) : () -> ()
    "tpu.region"() ({
      %run_scoped3A = tpu.sem_alloc : memref<!tpu.dma_semaphore, #tpu.memory_space<semaphore_mem>>
      tpu.enqueue_dma source(%arg4 : memref<256xf32, #tpu.memory_space<hbm>>) target(%arg26 : memref<256xf32, #tpu.memory_space<vmem>>) target_semaphore(%run_scoped3A : memref<!tpu.dma_semaphore, #tpu.memory_space<semaphore_mem>>)
      tpu.wait_dma2 semaphore(%run_scoped3A : memref<!tpu.dma_semaphore, #tpu.memory_space<semaphore_mem>>) src(%arg4 : memref<256xf32, #tpu.memory_space<hbm>>) dst(%arg26 : memref<256xf32, #tpu.memory_space<vmem>>)
      tpu.yield
    }) : () -> ()
    "tpu.region"() ({
      %run_scoped3A = tpu.sem_alloc : memref<!tpu.dma_semaphore, #tpu.memory_space<semaphore_mem>>
      tpu.enqueue_dma source(%arg5 : memref<16xf32, #tpu.memory_space<hbm>>) target(%arg27 : memref<16xf32, #tpu.memory_space<vmem>>) target_semaphore(%run_scoped3A : memref<!tpu.dma_semaphore, #tpu.memory_space<semaphore_mem>>)
      tpu.wait_dma2 semaphore(%run_scoped3A : memref<!tpu.dma_semaphore, #tpu.memory_space<semaphore_mem>>) src(%arg5 : memref<16xf32, #tpu.memory_space<hbm>>) dst(%arg27 : memref<16xf32, #tpu.memory_space<vmem>>)
      tpu.yield
    }) : () -> ()
    "tpu.region"() ({
      %run_scoped3A = tpu.sem_alloc : memref<!tpu.dma_semaphore, #tpu.memory_space<semaphore_mem>>
      tpu.enqueue_dma source(%arg11 : memref<128xi32, #tpu.memory_space<hbm>>) target(%arg28 : memref<128xi32, #tpu.memory_space<vmem>>) target_semaphore(%run_scoped3A : memref<!tpu.dma_semaphore, #tpu.memory_space<semaphore_mem>>)
      tpu.wait_dma2 semaphore(%run_scoped3A : memref<!tpu.dma_semaphore, #tpu.memory_space<semaphore_mem>>) src(%arg11 : memref<128xi32, #tpu.memory_space<hbm>>) dst(%arg28 : memref<128xi32, #tpu.memory_space<vmem>>)
      tpu.yield
    }) : () -> ()
    "tpu.region"() ({
      %run_scoped3A = tpu.sem_alloc : memref<!tpu.dma_semaphore, #tpu.memory_space<semaphore_mem>>
      tpu.enqueue_dma source(%arg12 : memref<224x16xf32, #tpu.memory_space<hbm>>) target(%arg19 : memref<224x16xf32, #tpu.memory_space<vmem>>) target_semaphore(%run_scoped3A : memref<!tpu.dma_semaphore, #tpu.memory_space<semaphore_mem>>)
      tpu.wait_dma2 semaphore(%run_scoped3A : memref<!tpu.dma_semaphore, #tpu.memory_space<semaphore_mem>>) src(%arg12 : memref<224x16xf32, #tpu.memory_space<hbm>>) dst(%arg19 : memref<224x16xf32, #tpu.memory_space<vmem>>)
      tpu.yield
    }) : () -> ()
    %scan3A = arith.constant 0 : i32
    %scan3A_0 = arith.constant 2 : i32
    %scan3A_1 = arith.addi %scan3A, %scan3A_0 : i32
    %scan3A_2 = arith.constant 1 : i32
    scf.for %scan3A_4 = %scan3A to %scan3A_1 step %scan3A_2  : i32 {
      %mul3A = arith.constant 2 : i32
      %mul3A_5 = arith.muli %mul3A, %scan3A_4 : i32
      %add3A = arith.addi %mul3A_5, %arg0 : i32
      %mul3A_6 = arith.constant 14 : i32
      %mul3A_7 = arith.muli %arg1, %mul3A_6 : i32
      %mul3A_8 = arith.constant 224 : i32
      %mul3A_9 = arith.muli %mul3A_7, %mul3A_8 : i32
      %add3A_10 = arith.constant 0 : i32
      %add3A_11 = arith.addi %mul3A_9, %add3A_10 : i32
      %dma_start3A = arith.constant 0 : i32
      %dma_start3A_12 = tpu.memref_slice %arg14[%add3A_11, %dma_start3A] : memref<50176x16xf32, #tpu.memory_space<vmem_shared>> -> memref<224x16xf32, #tpu.memory_space<vmem_shared>>
      %dma_start3A_13 = arith.constant 0 : i32
      %dma_start3A_14 = tpu.memref_slice %arg14[%add3A_11, %dma_start3A_13] : memref<50176x16xf32, #tpu.memory_space<vmem_shared>> -> memref<224x16xf32, #tpu.memory_space<vmem_shared>>
      tpu.enqueue_dma source(%arg19 : memref<224x16xf32, #tpu.memory_space<vmem>>) target(%dma_start3A_14 : memref<224x16xf32, #tpu.memory_space<vmem_shared>>) target_semaphore(%arg39 : memref<!tpu.dma_semaphore, #tpu.memory_space<semaphore_mem>>)
      %add3A_15 = arith.constant 224 : i32
      %add3A_16 = arith.addi %mul3A_9, %add3A_15 : i32
      %dma_start3A_17 = arith.constant 0 : i32
      %dma_start3A_18 = tpu.memref_slice %arg14[%add3A_16, %dma_start3A_17] : memref<50176x16xf32, #tpu.memory_space<vmem_shared>> -> memref<224x16xf32, #tpu.memory_space<vmem_shared>>
      %dma_start3A_19 = arith.constant 0 : i32
      %dma_start3A_20 = tpu.memref_slice %arg14[%add3A_16, %dma_start3A_19] : memref<50176x16xf32, #tpu.memory_space<vmem_shared>> -> memref<224x16xf32, #tpu.memory_space<vmem_shared>>
      tpu.enqueue_dma source(%arg19 : memref<224x16xf32, #tpu.memory_space<vmem>>) target(%dma_start3A_20 : memref<224x16xf32, #tpu.memory_space<vmem_shared>>) target_semaphore(%arg39 : memref<!tpu.dma_semaphore, #tpu.memory_space<semaphore_mem>>)
      %add3A_21 = arith.constant 448 : i32
      %add3A_22 = arith.addi %mul3A_9, %add3A_21 : i32
      %dma_start3A_23 = arith.constant 0 : i32
      %dma_start3A_24 = tpu.memref_slice %arg14[%add3A_22, %dma_start3A_23] : memref<50176x16xf32, #tpu.memory_space<vmem_shared>> -> memref<224x16xf32, #tpu.memory_space<vmem_shared>>
      %dma_start3A_25 = arith.constant 0 : i32
      %dma_start3A_26 = tpu.memref_slice %arg14[%add3A_22, %dma_start3A_25] : memref<50176x16xf32, #tpu.memory_space<vmem_shared>> -> memref<224x16xf32, #tpu.memory_space<vmem_shared>>
      tpu.enqueue_dma source(%arg19 : memref<224x16xf32, #tpu.memory_space<vmem>>) target(%dma_start3A_26 : memref<224x16xf32, #tpu.memory_space<vmem_shared>>) target_semaphore(%arg39 : memref<!tpu.dma_semaphore, #tpu.memory_space<semaphore_mem>>)
      %add3A_27 = arith.constant 672 : i32
      %add3A_28 = arith.addi %mul3A_9, %add3A_27 : i32
      %dma_start3A_29 = arith.constant 0 : i32
      %dma_start3A_30 = tpu.memref_slice %arg14[%add3A_28, %dma_start3A_29] : memref<50176x16xf32, #tpu.memory_space<vmem_shared>> -> memref<224x16xf32, #tpu.memory_space<vmem_shared>>
      %dma_start3A_31 = arith.constant 0 : i32
      %dma_start3A_32 = tpu.memref_slice %arg14[%add3A_28, %dma_start3A_31] : memref<50176x16xf32, #tpu.memory_space<vmem_shared>> -> memref<224x16xf32, #tpu.memory_space<vmem_shared>>
      tpu.enqueue_dma source(%arg19 : memref<224x16xf32, #tpu.memory_space<vmem>>) target(%dma_start3A_32 : memref<224x16xf32, #tpu.memory_space<vmem_shared>>) target_semaphore(%arg39 : memref<!tpu.dma_semaphore, #tpu.memory_space<semaphore_mem>>)
      %add3A_33 = arith.constant 896 : i32
      %add3A_34 = arith.addi %mul3A_9, %add3A_33 : i32
      %dma_start3A_35 = arith.constant 0 : i32
      %dma_start3A_36 = tpu.memref_slice %arg14[%add3A_34, %dma_start3A_35] : memref<50176x16xf32, #tpu.memory_space<vmem_shared>> -> memref<224x16xf32, #tpu.memory_space<vmem_shared>>
      %dma_start3A_37 = arith.constant 0 : i32
      %dma_start3A_38 = tpu.memref_slice %arg14[%add3A_34, %dma_start3A_37] : memref<50176x16xf32, #tpu.memory_space<vmem_shared>> -> memref<224x16xf32, #tpu.memory_space<vmem_shared>>
      tpu.enqueue_dma source(%arg19 : memref<224x16xf32, #tpu.memory_space<vmem>>) target(%dma_start3A_38 : memref<224x16xf32, #tpu.memory_space<vmem_shared>>) target_semaphore(%arg39 : memref<!tpu.dma_semaphore, #tpu.memory_space<semaphore_mem>>)
      %add3A_39 = arith.constant 1120 : i32
      %add3A_40 = arith.addi %mul3A_9, %add3A_39 : i32
      %dma_start3A_41 = arith.constant 0 : i32
      %dma_start3A_42 = tpu.memref_slice %arg14[%add3A_40, %dma_start3A_41] : memref<50176x16xf32, #tpu.memory_space<vmem_shared>> -> memref<224x16xf32, #tpu.memory_space<vmem_shared>>
      %dma_start3A_43 = arith.constant 0 : i32
      %dma_start3A_44 = tpu.memref_slice %arg14[%add3A_40, %dma_start3A_43] : memref<50176x16xf32, #tpu.memory_space<vmem_shared>> -> memref<224x16xf32, #tpu.memory_space<vmem_shared>>
      tpu.enqueue_dma source(%arg19 : memref<224x16xf32, #tpu.memory_space<vmem>>) target(%dma_start3A_44 : memref<224x16xf32, #tpu.memory_space<vmem_shared>>) target_semaphore(%arg39 : memref<!tpu.dma_semaphore, #tpu.memory_space<semaphore_mem>>)
      %add3A_45 = arith.constant 1344 : i32
      %add3A_46 = arith.addi %mul3A_9, %add3A_45 : i32
      %dma_start3A_47 = arith.constant 0 : i32
      %dma_start3A_48 = tpu.memref_slice %arg14[%add3A_46, %dma_start3A_47] : memref<50176x16xf32, #tpu.memory_space<vmem_shared>> -> memref<224x16xf32, #tpu.memory_space<vmem_shared>>
      %dma_start3A_49 = arith.constant 0 : i32
      %dma_start3A_50 = tpu.memref_slice %arg14[%add3A_46, %dma_start3A_49] : memref<50176x16xf32, #tpu.memory_space<vmem_shared>> -> memref<224x16xf32, #tpu.memory_space<vmem_shared>>
      tpu.enqueue_dma source(%arg19 : memref<224x16xf32, #tpu.memory_space<vmem>>) target(%dma_start3A_50 : memref<224x16xf32, #tpu.memory_space<vmem_shared>>) target_semaphore(%arg39 : memref<!tpu.dma_semaphore, #tpu.memory_space<semaphore_mem>>)
      %add3A_51 = arith.constant 1568 : i32
      %add3A_52 = arith.addi %mul3A_9, %add3A_51 : i32
      %dma_start3A_53 = arith.constant 0 : i32
      %dma_start3A_54 = tpu.memref_slice %arg14[%add3A_52, %dma_start3A_53] : memref<50176x16xf32, #tpu.memory_space<vmem_shared>> -> memref<224x16xf32, #tpu.memory_space<vmem_shared>>
      %dma_start3A_55 = arith.constant 0 : i32
      %dma_start3A_56 = tpu.memref_slice %arg14[%add3A_52, %dma_start3A_55] : memref<50176x16xf32, #tpu.memory_space<vmem_shared>> -> memref<224x16xf32, #tpu.memory_space<vmem_shared>>
      tpu.enqueue_dma source(%arg19 : memref<224x16xf32, #tpu.memory_space<vmem>>) target(%dma_start3A_56 : memref<224x16xf32, #tpu.memory_space<vmem_shared>>) target_semaphore(%arg39 : memref<!tpu.dma_semaphore, #tpu.memory_space<semaphore_mem>>)
      %add3A_57 = arith.constant 1792 : i32
      %add3A_58 = arith.addi %mul3A_9, %add3A_57 : i32
      %dma_start3A_59 = arith.constant 0 : i32
      %dma_start3A_60 = tpu.memref_slice %arg14[%add3A_58, %dma_start3A_59] : memref<50176x16xf32, #tpu.memory_space<vmem_shared>> -> memref<224x16xf32, #tpu.memory_space<vmem_shared>>
      %dma_start3A_61 = arith.constant 0 : i32
      %dma_start3A_62 = tpu.memref_slice %arg14[%add3A_58, %dma_start3A_61] : memref<50176x16xf32, #tpu.memory_space<vmem_shared>> -> memref<224x16xf32, #tpu.memory_space<vmem_shared>>
      tpu.enqueue_dma source(%arg19 : memref<224x16xf32, #tpu.memory_space<vmem>>) target(%dma_start3A_62 : memref<224x16xf32, #tpu.memory_space<vmem_shared>>) target_semaphore(%arg39 : memref<!tpu.dma_semaphore, #tpu.memory_space<semaphore_mem>>)
      %add3A_63 = arith.constant 2016 : i32
      %add3A_64 = arith.addi %mul3A_9, %add3A_63 : i32
      %dma_start3A_65 = arith.constant 0 : i32
      %dma_start3A_66 = tpu.memref_slice %arg14[%add3A_64, %dma_start3A_65] : memref<50176x16xf32, #tpu.memory_space<vmem_shared>> -> memref<224x16xf32, #tpu.memory_space<vmem_shared>>
      %dma_start3A_67 = arith.constant 0 : i32
      %dma_start3A_68 = tpu.memref_slice %arg14[%add3A_64, %dma_start3A_67] : memref<50176x16xf32, #tpu.memory_space<vmem_shared>> -> memref<224x16xf32, #tpu.memory_space<vmem_shared>>
      tpu.enqueue_dma source(%arg19 : memref<224x16xf32, #tpu.memory_space<vmem>>) target(%dma_start3A_68 : memref<224x16xf32, #tpu.memory_space<vmem_shared>>) target_semaphore(%arg39 : memref<!tpu.dma_semaphore, #tpu.memory_space<semaphore_mem>>)
      %add3A_69 = arith.constant 2240 : i32
      %add3A_70 = arith.addi %mul3A_9, %add3A_69 : i32
      %dma_start3A_71 = arith.constant 0 : i32
      %dma_start3A_72 = tpu.memref_slice %arg14[%add3A_70, %dma_start3A_71] : memref<50176x16xf32, #tpu.memory_space<vmem_shared>> -> memref<224x16xf32, #tpu.memory_space<vmem_shared>>
      %dma_start3A_73 = arith.constant 0 : i32
      %dma_start3A_74 = tpu.memref_slice %arg14[%add3A_70, %dma_start3A_73] : memref<50176x16xf32, #tpu.memory_space<vmem_shared>> -> memref<224x16xf32, #tpu.memory_space<vmem_shared>>
      tpu.enqueue_dma source(%arg19 : memref<224x16xf32, #tpu.memory_space<vmem>>) target(%dma_start3A_74 : memref<224x16xf32, #tpu.memory_space<vmem_shared>>) target_semaphore(%arg39 : memref<!tpu.dma_semaphore, #tpu.memory_space<semaphore_mem>>)
      %add3A_75 = arith.constant 2464 : i32
      %add3A_76 = arith.addi %mul3A_9, %add3A_75 : i32
      %dma_start3A_77 = arith.constant 0 : i32
      %dma_start3A_78 = tpu.memref_slice %arg14[%add3A_76, %dma_start3A_77] : memref<50176x16xf32, #tpu.memory_space<vmem_shared>> -> memref<224x16xf32, #tpu.memory_space<vmem_shared>>
      %dma_start3A_79 = arith.constant 0 : i32
      %dma_start3A_80 = tpu.memref_slice %arg14[%add3A_76, %dma_start3A_79] : memref<50176x16xf32, #tpu.memory_space<vmem_shared>> -> memref<224x16xf32, #tpu.memory_space<vmem_shared>>
      tpu.enqueue_dma source(%arg19 : memref<224x16xf32, #tpu.memory_space<vmem>>) target(%dma_start3A_80 : memref<224x16xf32, #tpu.memory_space<vmem_shared>>) target_semaphore(%arg39 : memref<!tpu.dma_semaphore, #tpu.memory_space<semaphore_mem>>)
      %add3A_81 = arith.constant 2688 : i32
      %add3A_82 = arith.addi %mul3A_9, %add3A_81 : i32
      %dma_start3A_83 = arith.constant 0 : i32
      %dma_start3A_84 = tpu.memref_slice %arg14[%add3A_82, %dma_start3A_83] : memref<50176x16xf32, #tpu.memory_space<vmem_shared>> -> memref<224x16xf32, #tpu.memory_space<vmem_shared>>
      %dma_start3A_85 = arith.constant 0 : i32
      %dma_start3A_86 = tpu.memref_slice %arg14[%add3A_82, %dma_start3A_85] : memref<50176x16xf32, #tpu.memory_space<vmem_shared>> -> memref<224x16xf32, #tpu.memory_space<vmem_shared>>
      tpu.enqueue_dma source(%arg19 : memref<224x16xf32, #tpu.memory_space<vmem>>) target(%dma_start3A_86 : memref<224x16xf32, #tpu.memory_space<vmem_shared>>) target_semaphore(%arg39 : memref<!tpu.dma_semaphore, #tpu.memory_space<semaphore_mem>>)
      %add3A_87 = arith.constant 2912 : i32
      %add3A_88 = arith.addi %mul3A_9, %add3A_87 : i32
      %dma_start3A_89 = arith.constant 0 : i32
      %dma_start3A_90 = tpu.memref_slice %arg14[%add3A_88, %dma_start3A_89] : memref<50176x16xf32, #tpu.memory_space<vmem_shared>> -> memref<224x16xf32, #tpu.memory_space<vmem_shared>>
      %dma_start3A_91 = arith.constant 0 : i32
      %dma_start3A_92 = tpu.memref_slice %arg14[%add3A_88, %dma_start3A_91] : memref<50176x16xf32, #tpu.memory_space<vmem_shared>> -> memref<224x16xf32, #tpu.memory_space<vmem_shared>>
      tpu.enqueue_dma source(%arg19 : memref<224x16xf32, #tpu.memory_space<vmem>>) target(%dma_start3A_92 : memref<224x16xf32, #tpu.memory_space<vmem_shared>>) target_semaphore(%arg39 : memref<!tpu.dma_semaphore, #tpu.memory_space<semaphore_mem>>)
      %mul3A_93 = arith.constant 1568 : i32
      %mul3A_94 = arith.muli %arg1, %mul3A_93 : i32
      %add3A_95 = arith.constant 0 : i32
      %add3A_96 = arith.addi %mul3A_94, %add3A_95 : i32
      %dma_start3A_97 = arith.constant 0 : i32
      %dma_start3A_98 = tpu.memref_slice %arg15[%add3A_96, %dma_start3A_97] : memref<25088x16xf32, #tpu.memory_space<vmem_shared>> -> memref<224x16xf32, #tpu.memory_space<vmem_shared>>
      %dma_start3A_99 = arith.constant 0 : i32
      %dma_start3A_100 = tpu.memref_slice %arg15[%add3A_96, %dma_start3A_99] : memref<25088x16xf32, #tpu.memory_space<vmem_shared>> -> memref<224x16xf32, #tpu.memory_space<vmem_shared>>
      tpu.enqueue_dma source(%arg19 : memref<224x16xf32, #tpu.memory_space<vmem>>) target(%dma_start3A_100 : memref<224x16xf32, #tpu.memory_space<vmem_shared>>) target_semaphore(%arg39 : memref<!tpu.dma_semaphore, #tpu.memory_space<semaphore_mem>>)
      %add3A_101 = arith.constant 224 : i32
      %add3A_102 = arith.addi %mul3A_94, %add3A_101 : i32
      %dma_start3A_103 = arith.constant 0 : i32
      %dma_start3A_104 = tpu.memref_slice %arg15[%add3A_102, %dma_start3A_103] : memref<25088x16xf32, #tpu.memory_space<vmem_shared>> -> memref<224x16xf32, #tpu.memory_space<vmem_shared>>
      %dma_start3A_105 = arith.constant 0 : i32
      %dma_start3A_106 = tpu.memref_slice %arg15[%add3A_102, %dma_start3A_105] : memref<25088x16xf32, #tpu.memory_space<vmem_shared>> -> memref<224x16xf32, #tpu.memory_space<vmem_shared>>
      tpu.enqueue_dma source(%arg19 : memref<224x16xf32, #tpu.memory_space<vmem>>) target(%dma_start3A_106 : memref<224x16xf32, #tpu.memory_space<vmem_shared>>) target_semaphore(%arg39 : memref<!tpu.dma_semaphore, #tpu.memory_space<semaphore_mem>>)
      %add3A_107 = arith.constant 448 : i32
      %add3A_108 = arith.addi %mul3A_94, %add3A_107 : i32
      %dma_start3A_109 = arith.constant 0 : i32
      %dma_start3A_110 = tpu.memref_slice %arg15[%add3A_108, %dma_start3A_109] : memref<25088x16xf32, #tpu.memory_space<vmem_shared>> -> memref<224x16xf32, #tpu.memory_space<vmem_shared>>
      %dma_start3A_111 = arith.constant 0 : i32
      %dma_start3A_112 = tpu.memref_slice %arg15[%add3A_108, %dma_start3A_111] : memref<25088x16xf32, #tpu.memory_space<vmem_shared>> -> memref<224x16xf32, #tpu.memory_space<vmem_shared>>
      tpu.enqueue_dma source(%arg19 : memref<224x16xf32, #tpu.memory_space<vmem>>) target(%dma_start3A_112 : memref<224x16xf32, #tpu.memory_space<vmem_shared>>) target_semaphore(%arg39 : memref<!tpu.dma_semaphore, #tpu.memory_space<semaphore_mem>>)
      %add3A_113 = arith.constant 672 : i32
      %add3A_114 = arith.addi %mul3A_94, %add3A_113 : i32
      %dma_start3A_115 = arith.constant 0 : i32
      %dma_start3A_116 = tpu.memref_slice %arg15[%add3A_114, %dma_start3A_115] : memref<25088x16xf32, #tpu.memory_space<vmem_shared>> -> memref<224x16xf32, #tpu.memory_space<vmem_shared>>
      %dma_start3A_117 = arith.constant 0 : i32
      %dma_start3A_118 = tpu.memref_slice %arg15[%add3A_114, %dma_start3A_117] : memref<25088x16xf32, #tpu.memory_space<vmem_shared>> -> memref<224x16xf32, #tpu.memory_space<vmem_shared>>
      tpu.enqueue_dma source(%arg19 : memref<224x16xf32, #tpu.memory_space<vmem>>) target(%dma_start3A_118 : memref<224x16xf32, #tpu.memory_space<vmem_shared>>) target_semaphore(%arg39 : memref<!tpu.dma_semaphore, #tpu.memory_space<semaphore_mem>>)
      %add3A_119 = arith.constant 896 : i32
      %add3A_120 = arith.addi %mul3A_94, %add3A_119 : i32
      %dma_start3A_121 = arith.constant 0 : i32
      %dma_start3A_122 = tpu.memref_slice %arg15[%add3A_120, %dma_start3A_121] : memref<25088x16xf32, #tpu.memory_space<vmem_shared>> -> memref<224x16xf32, #tpu.memory_space<vmem_shared>>
      %dma_start3A_123 = arith.constant 0 : i32
      %dma_start3A_124 = tpu.memref_slice %arg15[%add3A_120, %dma_start3A_123] : memref<25088x16xf32, #tpu.memory_space<vmem_shared>> -> memref<224x16xf32, #tpu.memory_space<vmem_shared>>
      tpu.enqueue_dma source(%arg19 : memref<224x16xf32, #tpu.memory_space<vmem>>) target(%dma_start3A_124 : memref<224x16xf32, #tpu.memory_space<vmem_shared>>) target_semaphore(%arg39 : memref<!tpu.dma_semaphore, #tpu.memory_space<semaphore_mem>>)
      %add3A_125 = arith.constant 1120 : i32
      %add3A_126 = arith.addi %mul3A_94, %add3A_125 : i32
      %dma_start3A_127 = arith.constant 0 : i32
      %dma_start3A_128 = tpu.memref_slice %arg15[%add3A_126, %dma_start3A_127] : memref<25088x16xf32, #tpu.memory_space<vmem_shared>> -> memref<224x16xf32, #tpu.memory_space<vmem_shared>>
      %dma_start3A_129 = arith.constant 0 : i32
      %dma_start3A_130 = tpu.memref_slice %arg15[%add3A_126, %dma_start3A_129] : memref<25088x16xf32, #tpu.memory_space<vmem_shared>> -> memref<224x16xf32, #tpu.memory_space<vmem_shared>>
      tpu.enqueue_dma source(%arg19 : memref<224x16xf32, #tpu.memory_space<vmem>>) target(%dma_start3A_130 : memref<224x16xf32, #tpu.memory_space<vmem_shared>>) target_semaphore(%arg39 : memref<!tpu.dma_semaphore, #tpu.memory_space<semaphore_mem>>)
      %add3A_131 = arith.constant 1344 : i32
      %add3A_132 = arith.addi %mul3A_94, %add3A_131 : i32
      %dma_start3A_133 = arith.constant 0 : i32
      %dma_start3A_134 = tpu.memref_slice %arg15[%add3A_132, %dma_start3A_133] : memref<25088x16xf32, #tpu.memory_space<vmem_shared>> -> memref<224x16xf32, #tpu.memory_space<vmem_shared>>
      %dma_start3A_135 = arith.constant 0 : i32
      %dma_start3A_136 = tpu.memref_slice %arg15[%add3A_132, %dma_start3A_135] : memref<25088x16xf32, #tpu.memory_space<vmem_shared>> -> memref<224x16xf32, #tpu.memory_space<vmem_shared>>
      tpu.enqueue_dma source(%arg19 : memref<224x16xf32, #tpu.memory_space<vmem>>) target(%dma_start3A_136 : memref<224x16xf32, #tpu.memory_space<vmem_shared>>) target_semaphore(%arg39 : memref<!tpu.dma_semaphore, #tpu.memory_space<semaphore_mem>>)
      %dma_wait3A = arith.constant 0 : i32
      %dma_wait3A_137 = tpu.memref_slice %arg14[%add3A_11, %dma_wait3A] : memref<50176x16xf32, #tpu.memory_space<vmem_shared>> -> memref<224x16xf32, #tpu.memory_space<vmem_shared>>
      %dma_wait3A_138 = arith.constant 0 : i32
      %dma_wait3A_139 = tpu.memref_slice %arg14[%add3A_11, %dma_wait3A_138] : memref<50176x16xf32, #tpu.memory_space<vmem_shared>> -> memref<224x16xf32, #tpu.memory_space<vmem_shared>>
      tpu.wait_dma2 semaphore(%arg39 : memref<!tpu.dma_semaphore, #tpu.memory_space<semaphore_mem>>) src(%arg19 : memref<224x16xf32, #tpu.memory_space<vmem>>) dst(%dma_wait3A_139 : memref<224x16xf32, #tpu.memory_space<vmem_shared>>)
      %dma_wait3A_140 = arith.constant 0 : i32
      %dma_wait3A_141 = tpu.memref_slice %arg14[%add3A_16, %dma_wait3A_140] : memref<50176x16xf32, #tpu.memory_space<vmem_shared>> -> memref<224x16xf32, #tpu.memory_space<vmem_shared>>
      %dma_wait3A_142 = arith.constant 0 : i32
      %dma_wait3A_143 = tpu.memref_slice %arg14[%add3A_16, %dma_wait3A_142] : memref<50176x16xf32, #tpu.memory_space<vmem_shared>> -> memref<224x16xf32, #tpu.memory_space<vmem_shared>>
      tpu.wait_dma2 semaphore(%arg39 : memref<!tpu.dma_semaphore, #tpu.memory_space<semaphore_mem>>) src(%arg19 : memref<224x16xf32, #tpu.memory_space<vmem>>) dst(%dma_wait3A_143 : memref<224x16xf32, #tpu.memory_space<vmem_shared>>)
      %dma_wait3A_144 = arith.constant 0 : i32
      %dma_wait3A_145 = tpu.memref_slice %arg14[%add3A_22, %dma_wait3A_144] : memref<50176x16xf32, #tpu.memory_space<vmem_shared>> -> memref<224x16xf32, #tpu.memory_space<vmem_shared>>
      %dma_wait3A_146 = arith.constant 0 : i32
      %dma_wait3A_147 = tpu.memref_slice %arg14[%add3A_22, %dma_wait3A_146] : memref<50176x16xf32, #tpu.memory_space<vmem_shared>> -> memref<224x16xf32, #tpu.memory_space<vmem_shared>>
      tpu.wait_dma2 semaphore(%arg39 : memref<!tpu.dma_semaphore, #tpu.memory_space<semaphore_mem>>) src(%arg19 : memref<224x16xf32, #tpu.memory_space<vmem>>) dst(%dma_wait3A_147 : memref<224x16xf32, #tpu.memory_space<vmem_shared>>)
      %dma_wait3A_148 = arith.constant 0 : i32
      %dma_wait3A_149 = tpu.memref_slice %arg14[%add3A_28, %dma_wait3A_148] : memref<50176x16xf32, #tpu.memory_space<vmem_shared>> -> memref<224x16xf32, #tpu.memory_space<vmem_shared>>
      %dma_wait3A_150 = arith.constant 0 : i32
      %dma_wait3A_151 = tpu.memref_slice %arg14[%add3A_28, %dma_wait3A_150] : memref<50176x16xf32, #tpu.memory_space<vmem_shared>> -> memref<224x16xf32, #tpu.memory_space<vmem_shared>>
      tpu.wait_dma2 semaphore(%arg39 : memref<!tpu.dma_semaphore, #tpu.memory_space<semaphore_mem>>) src(%arg19 : memref<224x16xf32, #tpu.memory_space<vmem>>) dst(%dma_wait3A_151 : memref<224x16xf32, #tpu.memory_space<vmem_shared>>)
      %dma_wait3A_152 = arith.constant 0 : i32
      %dma_wait3A_153 = tpu.memref_slice %arg14[%add3A_34, %dma_wait3A_152] : memref<50176x16xf32, #tpu.memory_space<vmem_shared>> -> memref<224x16xf32, #tpu.memory_space<vmem_shared>>
      %dma_wait3A_154 = arith.constant 0 : i32
      %dma_wait3A_155 = tpu.memref_slice %arg14[%add3A_34, %dma_wait3A_154] : memref<50176x16xf32, #tpu.memory_space<vmem_shared>> -> memref<224x16xf32, #tpu.memory_space<vmem_shared>>
      tpu.wait_dma2 semaphore(%arg39 : memref<!tpu.dma_semaphore, #tpu.memory_space<semaphore_mem>>) src(%arg19 : memref<224x16xf32, #tpu.memory_space<vmem>>) dst(%dma_wait3A_155 : memref<224x16xf32, #tpu.memory_space<vmem_shared>>)
      %dma_wait3A_156 = arith.constant 0 : i32
      %dma_wait3A_157 = tpu.memref_slice %arg14[%add3A_40, %dma_wait3A_156] : memref<50176x16xf32, #tpu.memory_space<vmem_shared>> -> memref<224x16xf32, #tpu.memory_space<vmem_shared>>
      %dma_wait3A_158 = arith.constant 0 : i32
      %dma_wait3A_159 = tpu.memref_slice %arg14[%add3A_40, %dma_wait3A_158] : memref<50176x16xf32, #tpu.memory_space<vmem_shared>> -> memref<224x16xf32, #tpu.memory_space<vmem_shared>>
      tpu.wait_dma2 semaphore(%arg39 : memref<!tpu.dma_semaphore, #tpu.memory_space<semaphore_mem>>) src(%arg19 : memref<224x16xf32, #tpu.memory_space<vmem>>) dst(%dma_wait3A_159 : memref<224x16xf32, #tpu.memory_space<vmem_shared>>)
      %dma_wait3A_160 = arith.constant 0 : i32
      %dma_wait3A_161 = tpu.memref_slice %arg14[%add3A_46, %dma_wait3A_160] : memref<50176x16xf32, #tpu.memory_space<vmem_shared>> -> memref<224x16xf32, #tpu.memory_space<vmem_shared>>
      %dma_wait3A_162 = arith.constant 0 : i32
      %dma_wait3A_163 = tpu.memref_slice %arg14[%add3A_46, %dma_wait3A_162] : memref<50176x16xf32, #tpu.memory_space<vmem_shared>> -> memref<224x16xf32, #tpu.memory_space<vmem_shared>>
      tpu.wait_dma2 semaphore(%arg39 : memref<!tpu.dma_semaphore, #tpu.memory_space<semaphore_mem>>) src(%arg19 : memref<224x16xf32, #tpu.memory_space<vmem>>) dst(%dma_wait3A_163 : memref<224x16xf32, #tpu.memory_space<vmem_shared>>)
      %dma_wait3A_164 = arith.constant 0 : i32
      %dma_wait3A_165 = tpu.memref_slice %arg14[%add3A_52, %dma_wait3A_164] : memref<50176x16xf32, #tpu.memory_space<vmem_shared>> -> memref<224x16xf32, #tpu.memory_space<vmem_shared>>
      %dma_wait3A_166 = arith.constant 0 : i32
      %dma_wait3A_167 = tpu.memref_slice %arg14[%add3A_52, %dma_wait3A_166] : memref<50176x16xf32, #tpu.memory_space<vmem_shared>> -> memref<224x16xf32, #tpu.memory_space<vmem_shared>>
      tpu.wait_dma2 semaphore(%arg39 : memref<!tpu.dma_semaphore, #tpu.memory_space<semaphore_mem>>) src(%arg19 : memref<224x16xf32, #tpu.memory_space<vmem>>) dst(%dma_wait3A_167 : memref<224x16xf32, #tpu.memory_space<vmem_shared>>)
      %dma_wait3A_168 = arith.constant 0 : i32
      %dma_wait3A_169 = tpu.memref_slice %arg14[%add3A_58, %dma_wait3A_168] : memref<50176x16xf32, #tpu.memory_space<vmem_shared>> -> memref<224x16xf32, #tpu.memory_space<vmem_shared>>
      %dma_wait3A_170 = arith.constant 0 : i32
      %dma_wait3A_171 = tpu.memref_slice %arg14[%add3A_58, %dma_wait3A_170] : memref<50176x16xf32, #tpu.memory_space<vmem_shared>> -> memref<224x16xf32, #tpu.memory_space<vmem_shared>>
      tpu.wait_dma2 semaphore(%arg39 : memref<!tpu.dma_semaphore, #tpu.memory_space<semaphore_mem>>) src(%arg19 : memref<224x16xf32, #tpu.memory_space<vmem>>) dst(%dma_wait3A_171 : memref<224x16xf32, #tpu.memory_space<vmem_shared>>)
      %dma_wait3A_172 = arith.constant 0 : i32
      %dma_wait3A_173 = tpu.memref_slice %arg14[%add3A_64, %dma_wait3A_172] : memref<50176x16xf32, #tpu.memory_space<vmem_shared>> -> memref<224x16xf32, #tpu.memory_space<vmem_shared>>
      %dma_wait3A_174 = arith.constant 0 : i32
      %dma_wait3A_175 = tpu.memref_slice %arg14[%add3A_64, %dma_wait3A_174] : memref<50176x16xf32, #tpu.memory_space<vmem_shared>> -> memref<224x16xf32, #tpu.memory_space<vmem_shared>>
      tpu.wait_dma2 semaphore(%arg39 : memref<!tpu.dma_semaphore, #tpu.memory_space<semaphore_mem>>) src(%arg19 : memref<224x16xf32, #tpu.memory_space<vmem>>) dst(%dma_wait3A_175 : memref<224x16xf32, #tpu.memory_space<vmem_shared>>)
      %dma_wait3A_176 = arith.constant 0 : i32
      %dma_wait3A_177 = tpu.memref_slice %arg14[%add3A_70, %dma_wait3A_176] : memref<50176x16xf32, #tpu.memory_space<vmem_shared>> -> memref<224x16xf32, #tpu.memory_space<vmem_shared>>
      %dma_wait3A_178 = arith.constant 0 : i32
      %dma_wait3A_179 = tpu.memref_slice %arg14[%add3A_70, %dma_wait3A_178] : memref<50176x16xf32, #tpu.memory_space<vmem_shared>> -> memref<224x16xf32, #tpu.memory_space<vmem_shared>>
      tpu.wait_dma2 semaphore(%arg39 : memref<!tpu.dma_semaphore, #tpu.memory_space<semaphore_mem>>) src(%arg19 : memref<224x16xf32, #tpu.memory_space<vmem>>) dst(%dma_wait3A_179 : memref<224x16xf32, #tpu.memory_space<vmem_shared>>)
      %dma_wait3A_180 = arith.constant 0 : i32
      %dma_wait3A_181 = tpu.memref_slice %arg14[%add3A_76, %dma_wait3A_180] : memref<50176x16xf32, #tpu.memory_space<vmem_shared>> -> memref<224x16xf32, #tpu.memory_space<vmem_shared>>
      %dma_wait3A_182 = arith.constant 0 : i32
      %dma_wait3A_183 = tpu.memref_slice %arg14[%add3A_76, %dma_wait3A_182] : memref<50176x16xf32, #tpu.memory_space<vmem_shared>> -> memref<224x16xf32, #tpu.memory_space<vmem_shared>>
      tpu.wait_dma2 semaphore(%arg39 : memref<!tpu.dma_semaphore, #tpu.memory_space<semaphore_mem>>) src(%arg19 : memref<224x16xf32, #tpu.memory_space<vmem>>) dst(%dma_wait3A_183 : memref<224x16xf32, #tpu.memory_space<vmem_shared>>)
      %dma_wait3A_184 = arith.constant 0 : i32
      %dma_wait3A_185 = tpu.memref_slice %arg14[%add3A_82, %dma_wait3A_184] : memref<50176x16xf32, #tpu.memory_space<vmem_shared>> -> memref<224x16xf32, #tpu.memory_space<vmem_shared>>
      %dma_wait3A_186 = arith.constant 0 : i32
      %dma_wait3A_187 = tpu.memref_slice %arg14[%add3A_82, %dma_wait3A_186] : memref<50176x16xf32, #tpu.memory_space<vmem_shared>> -> memref<224x16xf32, #tpu.memory_space<vmem_shared>>
      tpu.wait_dma2 semaphore(%arg39 : memref<!tpu.dma_semaphore, #tpu.memory_space<semaphore_mem>>) src(%arg19 : memref<224x16xf32, #tpu.memory_space<vmem>>) dst(%dma_wait3A_187 : memref<224x16xf32, #tpu.memory_space<vmem_shared>>)
      %dma_wait3A_188 = arith.constant 0 : i32
      %dma_wait3A_189 = tpu.memref_slice %arg14[%add3A_88, %dma_wait3A_188] : memref<50176x16xf32, #tpu.memory_space<vmem_shared>> -> memref<224x16xf32, #tpu.memory_space<vmem_shared>>
      %dma_wait3A_190 = arith.constant 0 : i32
      %dma_wait3A_191 = tpu.memref_slice %arg14[%add3A_88, %dma_wait3A_190] : memref<50176x16xf32, #tpu.memory_space<vmem_shared>> -> memref<224x16xf32, #tpu.memory_space<vmem_shared>>
      tpu.wait_dma2 semaphore(%arg39 : memref<!tpu.dma_semaphore, #tpu.memory_space<semaphore_mem>>) src(%arg19 : memref<224x16xf32, #tpu.memory_space<vmem>>) dst(%dma_wait3A_191 : memref<224x16xf32, #tpu.memory_space<vmem_shared>>)
      %dma_wait3A_192 = arith.constant 0 : i32
      %dma_wait3A_193 = tpu.memref_slice %arg15[%add3A_96, %dma_wait3A_192] : memref<25088x16xf32, #tpu.memory_space<vmem_shared>> -> memref<224x16xf32, #tpu.memory_space<vmem_shared>>
      %dma_wait3A_194 = arith.constant 0 : i32
      %dma_wait3A_195 = tpu.memref_slice %arg15[%add3A_96, %dma_wait3A_194] : memref<25088x16xf32, #tpu.memory_space<vmem_shared>> -> memref<224x16xf32, #tpu.memory_space<vmem_shared>>
      tpu.wait_dma2 semaphore(%arg39 : memref<!tpu.dma_semaphore, #tpu.memory_space<semaphore_mem>>) src(%arg19 : memref<224x16xf32, #tpu.memory_space<vmem>>) dst(%dma_wait3A_195 : memref<224x16xf32, #tpu.memory_space<vmem_shared>>)
      %dma_wait3A_196 = arith.constant 0 : i32
      %dma_wait3A_197 = tpu.memref_slice %arg15[%add3A_102, %dma_wait3A_196] : memref<25088x16xf32, #tpu.memory_space<vmem_shared>> -> memref<224x16xf32, #tpu.memory_space<vmem_shared>>
      %dma_wait3A_198 = arith.constant 0 : i32
      %dma_wait3A_199 = tpu.memref_slice %arg15[%add3A_102, %dma_wait3A_198] : memref<25088x16xf32, #tpu.memory_space<vmem_shared>> -> memref<224x16xf32, #tpu.memory_space<vmem_shared>>
      tpu.wait_dma2 semaphore(%arg39 : memref<!tpu.dma_semaphore, #tpu.memory_space<semaphore_mem>>) src(%arg19 : memref<224x16xf32, #tpu.memory_space<vmem>>) dst(%dma_wait3A_199 : memref<224x16xf32, #tpu.memory_space<vmem_shared>>)
      %dma_wait3A_200 = arith.constant 0 : i32
      %dma_wait3A_201 = tpu.memref_slice %arg15[%add3A_108, %dma_wait3A_200] : memref<25088x16xf32, #tpu.memory_space<vmem_shared>> -> memref<224x16xf32, #tpu.memory_space<vmem_shared>>
      %dma_wait3A_202 = arith.constant 0 : i32
      %dma_wait3A_203 = tpu.memref_slice %arg15[%add3A_108, %dma_wait3A_202] : memref<25088x16xf32, #tpu.memory_space<vmem_shared>> -> memref<224x16xf32, #tpu.memory_space<vmem_shared>>
      tpu.wait_dma2 semaphore(%arg39 : memref<!tpu.dma_semaphore, #tpu.memory_space<semaphore_mem>>) src(%arg19 : memref<224x16xf32, #tpu.memory_space<vmem>>) dst(%dma_wait3A_203 : memref<224x16xf32, #tpu.memory_space<vmem_shared>>)
      %dma_wait3A_204 = arith.constant 0 : i32
      %dma_wait3A_205 = tpu.memref_slice %arg15[%add3A_114, %dma_wait3A_204] : memref<25088x16xf32, #tpu.memory_space<vmem_shared>> -> memref<224x16xf32, #tpu.memory_space<vmem_shared>>
      %dma_wait3A_206 = arith.constant 0 : i32
      %dma_wait3A_207 = tpu.memref_slice %arg15[%add3A_114, %dma_wait3A_206] : memref<25088x16xf32, #tpu.memory_space<vmem_shared>> -> memref<224x16xf32, #tpu.memory_space<vmem_shared>>
      tpu.wait_dma2 semaphore(%arg39 : memref<!tpu.dma_semaphore, #tpu.memory_space<semaphore_mem>>) src(%arg19 : memref<224x16xf32, #tpu.memory_space<vmem>>) dst(%dma_wait3A_207 : memref<224x16xf32, #tpu.memory_space<vmem_shared>>)
      %dma_wait3A_208 = arith.constant 0 : i32
      %dma_wait3A_209 = tpu.memref_slice %arg15[%add3A_120, %dma_wait3A_208] : memref<25088x16xf32, #tpu.memory_space<vmem_shared>> -> memref<224x16xf32, #tpu.memory_space<vmem_shared>>
      %dma_wait3A_210 = arith.constant 0 : i32
      %dma_wait3A_211 = tpu.memref_slice %arg15[%add3A_120, %dma_wait3A_210] : memref<25088x16xf32, #tpu.memory_space<vmem_shared>> -> memref<224x16xf32, #tpu.memory_space<vmem_shared>>
      tpu.wait_dma2 semaphore(%arg39 : memref<!tpu.dma_semaphore, #tpu.memory_space<semaphore_mem>>) src(%arg19 : memref<224x16xf32, #tpu.memory_space<vmem>>) dst(%dma_wait3A_211 : memref<224x16xf32, #tpu.memory_space<vmem_shared>>)
      %dma_wait3A_212 = arith.constant 0 : i32
      %dma_wait3A_213 = tpu.memref_slice %arg15[%add3A_126, %dma_wait3A_212] : memref<25088x16xf32, #tpu.memory_space<vmem_shared>> -> memref<224x16xf32, #tpu.memory_space<vmem_shared>>
      %dma_wait3A_214 = arith.constant 0 : i32
      %dma_wait3A_215 = tpu.memref_slice %arg15[%add3A_126, %dma_wait3A_214] : memref<25088x16xf32, #tpu.memory_space<vmem_shared>> -> memref<224x16xf32, #tpu.memory_space<vmem_shared>>
      tpu.wait_dma2 semaphore(%arg39 : memref<!tpu.dma_semaphore, #tpu.memory_space<semaphore_mem>>) src(%arg19 : memref<224x16xf32, #tpu.memory_space<vmem>>) dst(%dma_wait3A_215 : memref<224x16xf32, #tpu.memory_space<vmem_shared>>)
      %dma_wait3A_216 = arith.constant 0 : i32
      %dma_wait3A_217 = tpu.memref_slice %arg15[%add3A_132, %dma_wait3A_216] : memref<25088x16xf32, #tpu.memory_space<vmem_shared>> -> memref<224x16xf32, #tpu.memory_space<vmem_shared>>
      %dma_wait3A_218 = arith.constant 0 : i32
      %dma_wait3A_219 = tpu.memref_slice %arg15[%add3A_132, %dma_wait3A_218] : memref<25088x16xf32, #tpu.memory_space<vmem_shared>> -> memref<224x16xf32, #tpu.memory_space<vmem_shared>>
      tpu.wait_dma2 semaphore(%arg39 : memref<!tpu.dma_semaphore, #tpu.memory_space<semaphore_mem>>) src(%arg19 : memref<224x16xf32, #tpu.memory_space<vmem>>) dst(%dma_wait3A_219 : memref<224x16xf32, #tpu.memory_space<vmem_shared>>)
      %barrier3A = arith.constant 0 : index
      tpu.barrier barrier_id(%barrier3A)
      "tpu.region"() ({
        %run_scoped3A = tpu.sem_alloc : memref<!tpu.dma_semaphore, #tpu.memory_space<semaphore_mem>>
        %dma_start3A_469 = arith.constant 0 : i32
        %dma_start3A_470 = arith.constant 0 : i32
        %dma_start3A_471 = tpu.memref_slice %arg16[%dma_start3A_469, %dma_start3A_470] : memref<20x320xi32, #tpu.memory_space<vmem>> -> memref<4x320xi32, #tpu.memory_space<vmem>>
        %dma_start3A_472 = arith.constant 0 : i32
        %dma_start3A_473 = arith.constant 0 : i32
        %dma_start3A_474 = tpu.memref_slice %arg6[%arg1, %dma_start3A_472, %dma_start3A_473] : memref<16x4x320xi32, #tpu.memory_space<hbm>> -> memref<1x4x320xi32, #tpu.memory_space<hbm>>
        %dma_start3A_475 = tpu.memref_squeeze %dma_start3A_474 : memref<1x4x320xi32, #tpu.memory_space<hbm>> -> memref<4x320xi32, #tpu.memory_space<hbm>>
        %dma_start3A_476 = arith.constant 0 : i32
        %dma_start3A_477 = arith.constant 0 : i32
        %dma_start3A_478 = tpu.memref_slice %arg16[%dma_start3A_476, %dma_start3A_477] : memref<20x320xi32, #tpu.memory_space<vmem>> -> memref<4x320xi32, #tpu.memory_space<vmem>>
        %dma_start3A_479 = arith.constant 0 : i32
        %dma_start3A_480 = arith.constant 0 : i32
        %dma_start3A_481 = tpu.memref_slice %arg6[%arg1, %dma_start3A_479, %dma_start3A_480] : memref<16x4x320xi32, #tpu.memory_space<hbm>> -> memref<1x4x320xi32, #tpu.memory_space<hbm>>
        %dma_start3A_482 = tpu.memref_squeeze %dma_start3A_481 : memref<1x4x320xi32, #tpu.memory_space<hbm>> -> memref<4x320xi32, #tpu.memory_space<hbm>>
        tpu.enqueue_dma source(%dma_start3A_482 : memref<4x320xi32, #tpu.memory_space<hbm>>) target(%dma_start3A_478 : memref<4x320xi32, #tpu.memory_space<vmem>>) target_semaphore(%run_scoped3A : memref<!tpu.dma_semaphore, #tpu.memory_space<semaphore_mem>>)
        %dma_wait3A_483 = arith.constant 0 : i32
        %dma_wait3A_484 = arith.constant 0 : i32
        %dma_wait3A_485 = tpu.memref_slice %arg16[%dma_wait3A_483, %dma_wait3A_484] : memref<20x320xi32, #tpu.memory_space<vmem>> -> memref<4x320xi32, #tpu.memory_space<vmem>>
        %dma_wait3A_486 = arith.constant 0 : i32
        %dma_wait3A_487 = arith.constant 0 : i32
        %dma_wait3A_488 = tpu.memref_slice %arg6[%arg1, %dma_wait3A_486, %dma_wait3A_487] : memref<16x4x320xi32, #tpu.memory_space<hbm>> -> memref<1x4x320xi32, #tpu.memory_space<hbm>>
        %dma_wait3A_489 = tpu.memref_squeeze %dma_wait3A_488 : memref<1x4x320xi32, #tpu.memory_space<hbm>> -> memref<4x320xi32, #tpu.memory_space<hbm>>
        %dma_wait3A_490 = arith.constant 0 : i32
        %dma_wait3A_491 = arith.constant 0 : i32
        %dma_wait3A_492 = tpu.memref_slice %arg16[%dma_wait3A_490, %dma_wait3A_491] : memref<20x320xi32, #tpu.memory_space<vmem>> -> memref<4x320xi32, #tpu.memory_space<vmem>>
        %dma_wait3A_493 = arith.constant 0 : i32
        %dma_wait3A_494 = arith.constant 0 : i32
        %dma_wait3A_495 = tpu.memref_slice %arg6[%arg1, %dma_wait3A_493, %dma_wait3A_494] : memref<16x4x320xi32, #tpu.memory_space<hbm>> -> memref<1x4x320xi32, #tpu.memory_space<hbm>>
        %dma_wait3A_496 = tpu.memref_squeeze %dma_wait3A_495 : memref<1x4x320xi32, #tpu.memory_space<hbm>> -> memref<4x320xi32, #tpu.memory_space<hbm>>
        tpu.wait_dma2 semaphore(%run_scoped3A : memref<!tpu.dma_semaphore, #tpu.memory_space<semaphore_mem>>) src(%dma_wait3A_496 : memref<4x320xi32, #tpu.memory_space<hbm>>) dst(%dma_wait3A_492 : memref<4x320xi32, #tpu.memory_space<vmem>>)
        tpu.yield
      }) : () -> ()
      %mul3A_220 = arith.constant 4 : i32
      %mul3A_221 = arith.muli %arg1, %mul3A_220 : i32
      %mul3A_222 = arith.constant 320 : i32
      %mul3A_223 = arith.muli %mul3A_221, %mul3A_222 : i32
      %add3A_224 = arith.constant 0 : i32
      %add3A_225 = arith.addi %mul3A_223, %add3A_224 : i32
      %dma_start3A_226 = arith.constant 0 : i32
      %dma_start3A_227 = arith.constant 0 : i32
      %dma_start3A_228 = arith.constant 0 : i32
      %dma_start3A_229 = tpu.memref_slice %arg18[%dma_start3A_226, %dma_start3A_227, %dma_start3A_228] : memref<4x320x16xf32, #tpu.memory_space<vmem>> -> memref<1x320x16xf32, #tpu.memory_space<vmem>>
      %dma_start3A_230 = tpu.memref_squeeze %dma_start3A_229 : memref<1x320x16xf32, #tpu.memory_space<vmem>> -> memref<320x16xf32, #tpu.memory_space<vmem>>
      %dma_start3A_231 = arith.constant 0 : i32
      %dma_start3A_232 = tpu.memref_slice %arg2[%add3A, %add3A_225, %dma_start3A_231] : memref<4x20480x16xf32, #tpu.memory_space<hbm>> -> memref<1x320x16xf32, #tpu.memory_space<hbm>>
      %dma_start3A_233 = tpu.memref_squeeze %dma_start3A_232 : memref<1x320x16xf32, #tpu.memory_space<hbm>> -> memref<320x16xf32, #tpu.memory_space<hbm>>
      %dma_start3A_234 = arith.constant 0 : i32
      %dma_start3A_235 = arith.constant 0 : i32
      %dma_start3A_236 = tpu.memref_slice %arg18[%dma_start3A_226, %dma_start3A_234, %dma_start3A_235] : memref<4x320x16xf32, #tpu.memory_space<vmem>> -> memref<1x320x16xf32, #tpu.memory_space<vmem>>
      %dma_start3A_237 = tpu.memref_squeeze %dma_start3A_236 : memref<1x320x16xf32, #tpu.memory_space<vmem>> -> memref<320x16xf32, #tpu.memory_space<vmem>>
      %dma_start3A_238 = arith.constant 0 : i32
      %dma_start3A_239 = tpu.memref_slice %arg2[%add3A, %add3A_225, %dma_start3A_238] : memref<4x20480x16xf32, #tpu.memory_space<hbm>> -> memref<1x320x16xf32, #tpu.memory_space<hbm>>
      %dma_start3A_240 = tpu.memref_squeeze %dma_start3A_239 : memref<1x320x16xf32, #tpu.memory_space<hbm>> -> memref<320x16xf32, #tpu.memory_space<hbm>>
      tpu.enqueue_dma source(%dma_start3A_240 : memref<320x16xf32, #tpu.memory_space<hbm>>) target(%dma_start3A_237 : memref<320x16xf32, #tpu.memory_space<vmem>>) target_semaphore(%arg30 : memref<!tpu.dma_semaphore, #tpu.memory_space<semaphore_mem>>)
      %mul3A_241 = arith.constant 4 : i32
      %mul3A_242 = arith.muli %arg1, %mul3A_241 : i32
      %mul3A_243 = arith.constant 320 : i32
      %mul3A_244 = arith.muli %mul3A_242, %mul3A_243 : i32
      %add3A_245 = arith.constant 320 : i32
      %add3A_246 = arith.addi %mul3A_244, %add3A_245 : i32
      %dma_start3A_247 = arith.constant 1 : i32
      %dma_start3A_248 = arith.constant 0 : i32
      %dma_start3A_249 = arith.constant 0 : i32
      %dma_start3A_250 = tpu.memref_slice %arg18[%dma_start3A_247, %dma_start3A_248, %dma_start3A_249] : memref<4x320x16xf32, #tpu.memory_space<vmem>> -> memref<1x320x16xf32, #tpu.memory_space<vmem>>
      %dma_start3A_251 = tpu.memref_squeeze %dma_start3A_250 : memref<1x320x16xf32, #tpu.memory_space<vmem>> -> memref<320x16xf32, #tpu.memory_space<vmem>>
      %dma_start3A_252 = arith.constant 0 : i32
      %dma_start3A_253 = tpu.memref_slice %arg2[%add3A, %add3A_246, %dma_start3A_252] : memref<4x20480x16xf32, #tpu.memory_space<hbm>> -> memref<1x320x16xf32, #tpu.memory_space<hbm>>
      %dma_start3A_254 = tpu.memref_squeeze %dma_start3A_253 : memref<1x320x16xf32, #tpu.memory_space<hbm>> -> memref<320x16xf32, #tpu.memory_space<hbm>>
      %dma_start3A_255 = arith.constant 0 : i32
      %dma_start3A_256 = arith.constant 0 : i32
      %dma_start3A_257 = tpu.memref_slice %arg18[%dma_start3A_247, %dma_start3A_255, %dma_start3A_256] : memref<4x320x16xf32, #tpu.memory_space<vmem>> -> memref<1x320x16xf32, #tpu.memory_space<vmem>>
      %dma_start3A_258 = tpu.memref_squeeze %dma_start3A_257 : memref<1x320x16xf32, #tpu.memory_space<vmem>> -> memref<320x16xf32, #tpu.memory_space<vmem>>
      %dma_start3A_259 = arith.constant 0 : i32
      %dma_start3A_260 = tpu.memref_slice %arg2[%add3A, %add3A_246, %dma_start3A_259] : memref<4x20480x16xf32, #tpu.memory_space<hbm>> -> memref<1x320x16xf32, #tpu.memory_space<hbm>>
      %dma_start3A_261 = tpu.memref_squeeze %dma_start3A_260 : memref<1x320x16xf32, #tpu.memory_space<hbm>> -> memref<320x16xf32, #tpu.memory_space<hbm>>
      tpu.enqueue_dma source(%dma_start3A_261 : memref<320x16xf32, #tpu.memory_space<hbm>>) target(%dma_start3A_258 : memref<320x16xf32, #tpu.memory_space<vmem>>) target_semaphore(%arg31 : memref<!tpu.dma_semaphore, #tpu.memory_space<semaphore_mem>>)
      %mul3A_262 = arith.constant 4 : i32
      %mul3A_263 = arith.muli %arg1, %mul3A_262 : i32
      %mul3A_264 = arith.constant 320 : i32
      %mul3A_265 = arith.muli %mul3A_263, %mul3A_264 : i32
      %add3A_266 = arith.constant 640 : i32
      %add3A_267 = arith.addi %mul3A_265, %add3A_266 : i32
      %dma_start3A_268 = arith.constant 2 : i32
      %dma_start3A_269 = arith.constant 0 : i32
      %dma_start3A_270 = arith.constant 0 : i32
      %dma_start3A_271 = tpu.memref_slice %arg18[%dma_start3A_268, %dma_start3A_269, %dma_start3A_270] : memref<4x320x16xf32, #tpu.memory_space<vmem>> -> memref<1x320x16xf32, #tpu.memory_space<vmem>>
      %dma_start3A_272 = tpu.memref_squeeze %dma_start3A_271 : memref<1x320x16xf32, #tpu.memory_space<vmem>> -> memref<320x16xf32, #tpu.memory_space<vmem>>
      %dma_start3A_273 = arith.constant 0 : i32
      %dma_start3A_274 = tpu.memref_slice %arg2[%add3A, %add3A_267, %dma_start3A_273] : memref<4x20480x16xf32, #tpu.memory_space<hbm>> -> memref<1x320x16xf32, #tpu.memory_space<hbm>>
      %dma_start3A_275 = tpu.memref_squeeze %dma_start3A_274 : memref<1x320x16xf32, #tpu.memory_space<hbm>> -> memref<320x16xf32, #tpu.memory_space<hbm>>
      %dma_start3A_276 = arith.constant 0 : i32
      %dma_start3A_277 = arith.constant 0 : i32
      %dma_start3A_278 = tpu.memref_slice %arg18[%dma_start3A_268, %dma_start3A_276, %dma_start3A_277] : memref<4x320x16xf32, #tpu.memory_space<vmem>> -> memref<1x320x16xf32, #tpu.memory_space<vmem>>
      %dma_start3A_279 = tpu.memref_squeeze %dma_start3A_278 : memref<1x320x16xf32, #tpu.memory_space<vmem>> -> memref<320x16xf32, #tpu.memory_space<vmem>>
      %dma_start3A_280 = arith.constant 0 : i32
      %dma_start3A_281 = tpu.memref_slice %arg2[%add3A, %add3A_267, %dma_start3A_280] : memref<4x20480x16xf32, #tpu.memory_space<hbm>> -> memref<1x320x16xf32, #tpu.memory_space<hbm>>
      %dma_start3A_282 = tpu.memref_squeeze %dma_start3A_281 : memref<1x320x16xf32, #tpu.memory_space<hbm>> -> memref<320x16xf32, #tpu.memory_space<hbm>>
      tpu.enqueue_dma source(%dma_start3A_282 : memref<320x16xf32, #tpu.memory_space<hbm>>) target(%dma_start3A_279 : memref<320x16xf32, #tpu.memory_space<vmem>>) target_semaphore(%arg32 : memref<!tpu.dma_semaphore, #tpu.memory_space<semaphore_mem>>)
      %mul3A_283 = arith.constant 4 : i32
      %mul3A_284 = arith.muli %arg1, %mul3A_283 : i32
      %mul3A_285 = arith.constant 320 : i32
      %mul3A_286 = arith.muli %mul3A_284, %mul3A_285 : i32
      %add3A_287 = arith.constant 960 : i32
      %add3A_288 = arith.addi %mul3A_286, %add3A_287 : i32
      %dma_start3A_289 = arith.constant 3 : i32
      %dma_start3A_290 = arith.constant 0 : i32
      %dma_start3A_291 = arith.constant 0 : i32
      %dma_start3A_292 = tpu.memref_slice %arg18[%dma_start3A_289, %dma_start3A_290, %dma_start3A_291] : memref<4x320x16xf32, #tpu.memory_space<vmem>> -> memref<1x320x16xf32, #tpu.memory_space<vmem>>
      %dma_start3A_293 = tpu.memref_squeeze %dma_start3A_292 : memref<1x320x16xf32, #tpu.memory_space<vmem>> -> memref<320x16xf32, #tpu.memory_space<vmem>>
      %dma_start3A_294 = arith.constant 0 : i32
      %dma_start3A_295 = tpu.memref_slice %arg2[%add3A, %add3A_288, %dma_start3A_294] : memref<4x20480x16xf32, #tpu.memory_space<hbm>> -> memref<1x320x16xf32, #tpu.memory_space<hbm>>
      %dma_start3A_296 = tpu.memref_squeeze %dma_start3A_295 : memref<1x320x16xf32, #tpu.memory_space<hbm>> -> memref<320x16xf32, #tpu.memory_space<hbm>>
      %dma_start3A_297 = arith.constant 0 : i32
      %dma_start3A_298 = arith.constant 0 : i32
      %dma_start3A_299 = tpu.memref_slice %arg18[%dma_start3A_289, %dma_start3A_297, %dma_start3A_298] : memref<4x320x16xf32, #tpu.memory_space<vmem>> -> memref<1x320x16xf32, #tpu.memory_space<vmem>>
      %dma_start3A_300 = tpu.memref_squeeze %dma_start3A_299 : memref<1x320x16xf32, #tpu.memory_space<vmem>> -> memref<320x16xf32, #tpu.memory_space<vmem>>
      %dma_start3A_301 = arith.constant 0 : i32
      %dma_start3A_302 = tpu.memref_slice %arg2[%add3A, %add3A_288, %dma_start3A_301] : memref<4x20480x16xf32, #tpu.memory_space<hbm>> -> memref<1x320x16xf32, #tpu.memory_space<hbm>>
      %dma_start3A_303 = tpu.memref_squeeze %dma_start3A_302 : memref<1x320x16xf32, #tpu.memory_space<hbm>> -> memref<320x16xf32, #tpu.memory_space<hbm>>
      tpu.enqueue_dma source(%dma_start3A_303 : memref<320x16xf32, #tpu.memory_space<hbm>>) target(%dma_start3A_300 : memref<320x16xf32, #tpu.memory_space<vmem>>) target_semaphore(%arg33 : memref<!tpu.dma_semaphore, #tpu.memory_space<semaphore_mem>>)
      %dma_wait3A_304 = arith.constant 0 : i32
      %dma_wait3A_305 = arith.constant 0 : i32
      %dma_wait3A_306 = arith.constant 0 : i32
      %dma_wait3A_307 = tpu.memref_slice %arg18[%dma_wait3A_304, %dma_wait3A_305, %dma_wait3A_306] : memref<4x320x16xf32, #tpu.memory_space<vmem>> -> memref<1x320x16xf32, #tpu.memory_space<vmem>>
      %dma_wait3A_308 = tpu.memref_squeeze %dma_wait3A_307 : memref<1x320x16xf32, #tpu.memory_space<vmem>> -> memref<320x16xf32, #tpu.memory_space<vmem>>
      %dma_wait3A_309 = arith.constant 0 : i32
      %dma_wait3A_310 = tpu.memref_slice %arg2[%add3A, %add3A_225, %dma_wait3A_309] : memref<4x20480x16xf32, #tpu.memory_space<hbm>> -> memref<1x320x16xf32, #tpu.memory_space<hbm>>
      %dma_wait3A_311 = tpu.memref_squeeze %dma_wait3A_310 : memref<1x320x16xf32, #tpu.memory_space<hbm>> -> memref<320x16xf32, #tpu.memory_space<hbm>>
      %dma_wait3A_312 = arith.constant 0 : i32
      %dma_wait3A_313 = arith.constant 0 : i32
      %dma_wait3A_314 = tpu.memref_slice %arg18[%dma_wait3A_304, %dma_wait3A_312, %dma_wait3A_313] : memref<4x320x16xf32, #tpu.memory_space<vmem>> -> memref<1x320x16xf32, #tpu.memory_space<vmem>>
      %dma_wait3A_315 = tpu.memref_squeeze %dma_wait3A_314 : memref<1x320x16xf32, #tpu.memory_space<vmem>> -> memref<320x16xf32, #tpu.memory_space<vmem>>
      %dma_wait3A_316 = arith.constant 0 : i32
      %dma_wait3A_317 = tpu.memref_slice %arg2[%add3A, %add3A_225, %dma_wait3A_316] : memref<4x20480x16xf32, #tpu.memory_space<hbm>> -> memref<1x320x16xf32, #tpu.memory_space<hbm>>
      %dma_wait3A_318 = tpu.memref_squeeze %dma_wait3A_317 : memref<1x320x16xf32, #tpu.memory_space<hbm>> -> memref<320x16xf32, #tpu.memory_space<hbm>>
      tpu.wait_dma2 semaphore(%arg30 : memref<!tpu.dma_semaphore, #tpu.memory_space<semaphore_mem>>) src(%dma_wait3A_318 : memref<320x16xf32, #tpu.memory_space<hbm>>) dst(%dma_wait3A_315 : memref<320x16xf32, #tpu.memory_space<vmem>>)
      %dma_start3A_319 = arith.constant 0 : i32
      %dma_start3A_320 = arith.constant 0 : i32
      %dma_start3A_321 = arith.constant 0 : i32
      %dma_start3A_322 = arith.constant 0 : i32
      %dma_start3A_323 = tpu.memref_slice %arg18[%dma_start3A_319, %dma_start3A_321, %dma_start3A_322] : memref<4x320x16xf32, #tpu.memory_space<vmem>> -> memref<1x320x16xf32, #tpu.memory_space<vmem>>
      %dma_start3A_324 = tpu.memref_squeeze %dma_start3A_323 : memref<1x320x16xf32, #tpu.memory_space<vmem>> -> memref<320x16xf32, #tpu.memory_space<vmem>>
      %dma_start3A_325 = arith.constant 0 : i32
      %dma_start3A_326 = tpu.memref_slice %arg16[%dma_start3A_320, %dma_start3A_325] : memref<20x320xi32, #tpu.memory_space<vmem>> -> memref<1x320xi32, #tpu.memory_space<vmem>>
      %dma_start3A_327 = tpu.memref_squeeze %dma_start3A_326 : memref<1x320xi32, #tpu.memory_space<vmem>> -> memref<320xi32, #tpu.memory_space<vmem>>
      %dma_start3A_328 = arith.constant 0 : i32
      %dma_start3A_329 = arith.constant 0 : i32
      %dma_start3A_330 = tpu.memref_slice %arg14[%dma_start3A_328, %dma_start3A_329] : memref<50176x16xf32, #tpu.memory_space<vmem_shared>> -> memref<50176x16xf32, #tpu.memory_space<vmem_shared>>
      tpu.enqueue_indirect_dma source(%dma_start3A_324 : memref<320x16xf32, #tpu.memory_space<vmem>>) target(%dma_start3A_330 : memref<50176x16xf32, #tpu.memory_space<vmem_shared>>) offsets(%dma_start3A_327 : memref<320xi32, #tpu.memory_space<vmem>>) semaphore(%arg34 : memref<!tpu.dma_semaphore, #tpu.memory_space<semaphore_mem>>)
      %dma_wait3A_331 = arith.constant 1 : i32
      %dma_wait3A_332 = arith.constant 0 : i32
      %dma_wait3A_333 = arith.constant 0 : i32
      %dma_wait3A_334 = tpu.memref_slice %arg18[%dma_wait3A_331, %dma_wait3A_332, %dma_wait3A_333] : memref<4x320x16xf32, #tpu.memory_space<vmem>> -> memref<1x320x16xf32, #tpu.memory_space<vmem>>
      %dma_wait3A_335 = tpu.memref_squeeze %dma_wait3A_334 : memref<1x320x16xf32, #tpu.memory_space<vmem>> -> memref<320x16xf32, #tpu.memory_space<vmem>>
      %dma_wait3A_336 = arith.constant 0 : i32
      %dma_wait3A_337 = tpu.memref_slice %arg2[%add3A, %add3A_246, %dma_wait3A_336] : memref<4x20480x16xf32, #tpu.memory_space<hbm>> -> memref<1x320x16xf32, #tpu.memory_space<hbm>>
      %dma_wait3A_338 = tpu.memref_squeeze %dma_wait3A_337 : memref<1x320x16xf32, #tpu.memory_space<hbm>> -> memref<320x16xf32, #tpu.memory_space<hbm>>
      %dma_wait3A_339 = arith.constant 0 : i32
      %dma_wait3A_340 = arith.constant 0 : i32
      %dma_wait3A_341 = tpu.memref_slice %arg18[%dma_wait3A_331, %dma_wait3A_339, %dma_wait3A_340] : memref<4x320x16xf32, #tpu.memory_space<vmem>> -> memref<1x320x16xf32, #tpu.memory_space<vmem>>
      %dma_wait3A_342 = tpu.memref_squeeze %dma_wait3A_341 : memref<1x320x16xf32, #tpu.memory_space<vmem>> -> memref<320x16xf32, #tpu.memory_space<vmem>>
      %dma_wait3A_343 = arith.constant 0 : i32
      %dma_wait3A_344 = tpu.memref_slice %arg2[%add3A, %add3A_246, %dma_wait3A_343] : memref<4x20480x16xf32, #tpu.memory_space<hbm>> -> memref<1x320x16xf32, #tpu.memory_space<hbm>>
      %dma_wait3A_345 = tpu.memref_squeeze %dma_wait3A_344 : memref<1x320x16xf32, #tpu.memory_space<hbm>> -> memref<320x16xf32, #tpu.memory_space<hbm>>
      tpu.wait_dma2 semaphore(%arg31 : memref<!tpu.dma_semaphore, #tpu.memory_space<semaphore_mem>>) src(%dma_wait3A_345 : memref<320x16xf32, #tpu.memory_space<hbm>>) dst(%dma_wait3A_342 : memref<320x16xf32, #tpu.memory_space<vmem>>)
      %dma_start3A_346 = arith.constant 1 : i32
      %dma_start3A_347 = arith.constant 1 : i32
      %dma_start3A_348 = arith.constant 0 : i32
      %dma_start3A_349 = arith.constant 0 : i32
      %dma_start3A_350 = tpu.memref_slice %arg18[%dma_start3A_346, %dma_start3A_348, %dma_start3A_349] : memref<4x320x16xf32, #tpu.memory_space<vmem>> -> memref<1x320x16xf32, #tpu.memory_space<vmem>>
      %dma_start3A_351 = tpu.memref_squeeze %dma_start3A_350 : memref<1x320x16xf32, #tpu.memory_space<vmem>> -> memref<320x16xf32, #tpu.memory_space<vmem>>
      %dma_start3A_352 = arith.constant 0 : i32
      %dma_start3A_353 = tpu.memref_slice %arg16[%dma_start3A_347, %dma_start3A_352] : memref<20x320xi32, #tpu.memory_space<vmem>> -> memref<1x320xi32, #tpu.memory_space<vmem>>
      %dma_start3A_354 = tpu.memref_squeeze %dma_start3A_353 : memref<1x320xi32, #tpu.memory_space<vmem>> -> memref<320xi32, #tpu.memory_space<vmem>>
      %dma_start3A_355 = arith.constant 0 : i32
      %dma_start3A_356 = arith.constant 0 : i32
      %dma_start3A_357 = tpu.memref_slice %arg14[%dma_start3A_355, %dma_start3A_356] : memref<50176x16xf32, #tpu.memory_space<vmem_shared>> -> memref<50176x16xf32, #tpu.memory_space<vmem_shared>>
      tpu.enqueue_indirect_dma source(%dma_start3A_351 : memref<320x16xf32, #tpu.memory_space<vmem>>) target(%dma_start3A_357 : memref<50176x16xf32, #tpu.memory_space<vmem_shared>>) offsets(%dma_start3A_354 : memref<320xi32, #tpu.memory_space<vmem>>) semaphore(%arg35 : memref<!tpu.dma_semaphore, #tpu.memory_space<semaphore_mem>>)
      %dma_wait3A_358 = arith.constant 2 : i32
      %dma_wait3A_359 = arith.constant 0 : i32
      %dma_wait3A_360 = arith.constant 0 : i32
      %dma_wait3A_361 = tpu.memref_slice %arg18[%dma_wait3A_358, %dma_wait3A_359, %dma_wait3A_360] : memref<4x320x16xf32, #tpu.memory_space<vmem>> -> memref<1x320x16xf32, #tpu.memory_space<vmem>>
      %dma_wait3A_362 = tpu.memref_squeeze %dma_wait3A_361 : memref<1x320x16xf32, #tpu.memory_space<vmem>> -> memref<320x16xf32, #tpu.memory_space<vmem>>
      %dma_wait3A_363 = arith.constant 0 : i32
      %dma_wait3A_364 = tpu.memref_slice %arg2[%add3A, %add3A_267, %dma_wait3A_363] : memref<4x20480x16xf32, #tpu.memory_space<hbm>> -> memref<1x320x16xf32, #tpu.memory_space<hbm>>
      %dma_wait3A_365 = tpu.memref_squeeze %dma_wait3A_364 : memref<1x320x16xf32, #tpu.memory_space<hbm>> -> memref<320x16xf32, #tpu.memory_space<hbm>>
      %dma_wait3A_366 = arith.constant 0 : i32
      %dma_wait3A_367 = arith.constant 0 : i32
      %dma_wait3A_368 = tpu.memref_slice %arg18[%dma_wait3A_358, %dma_wait3A_366, %dma_wait3A_367] : memref<4x320x16xf32, #tpu.memory_space<vmem>> -> memref<1x320x16xf32, #tpu.memory_space<vmem>>
      %dma_wait3A_369 = tpu.memref_squeeze %dma_wait3A_368 : memref<1x320x16xf32, #tpu.memory_space<vmem>> -> memref<320x16xf32, #tpu.memory_space<vmem>>
      %dma_wait3A_370 = arith.constant 0 : i32
      %dma_wait3A_371 = tpu.memref_slice %arg2[%add3A, %add3A_267, %dma_wait3A_370] : memref<4x20480x16xf32, #tpu.memory_space<hbm>> -> memref<1x320x16xf32, #tpu.memory_space<hbm>>
      %dma_wait3A_372 = tpu.memref_squeeze %dma_wait3A_371 : memref<1x320x16xf32, #tpu.memory_space<hbm>> -> memref<320x16xf32, #tpu.memory_space<hbm>>
      tpu.wait_dma2 semaphore(%arg32 : memref<!tpu.dma_semaphore, #tpu.memory_space<semaphore_mem>>) src(%dma_wait3A_372 : memref<320x16xf32, #tpu.memory_space<hbm>>) dst(%dma_wait3A_369 : memref<320x16xf32, #tpu.memory_space<vmem>>)
      %dma_start3A_373 = arith.constant 2 : i32
      %dma_start3A_374 = arith.constant 2 : i32
      %dma_start3A_375 = arith.constant 0 : i32
      %dma_start3A_376 = arith.constant 0 : i32
      %dma_start3A_377 = tpu.memref_slice %arg18[%dma_start3A_373, %dma_start3A_375, %dma_start3A_376] : memref<4x320x16xf32, #tpu.memory_space<vmem>> -> memref<1x320x16xf32, #tpu.memory_space<vmem>>
      %dma_start3A_378 = tpu.memref_squeeze %dma_start3A_377 : memref<1x320x16xf32, #tpu.memory_space<vmem>> -> memref<320x16xf32, #tpu.memory_space<vmem>>
      %dma_start3A_379 = arith.constant 0 : i32
      %dma_start3A_380 = tpu.memref_slice %arg16[%dma_start3A_374, %dma_start3A_379] : memref<20x320xi32, #tpu.memory_space<vmem>> -> memref<1x320xi32, #tpu.memory_space<vmem>>
      %dma_start3A_381 = tpu.memref_squeeze %dma_start3A_380 : memref<1x320xi32, #tpu.memory_space<vmem>> -> memref<320xi32, #tpu.memory_space<vmem>>
      %dma_start3A_382 = arith.constant 0 : i32
      %dma_start3A_383 = arith.constant 0 : i32
      %dma_start3A_384 = tpu.memref_slice %arg14[%dma_start3A_382, %dma_start3A_383] : memref<50176x16xf32, #tpu.memory_space<vmem_shared>> -> memref<50176x16xf32, #tpu.memory_space<vmem_shared>>
      tpu.enqueue_indirect_dma source(%dma_start3A_378 : memref<320x16xf32, #tpu.memory_space<vmem>>) target(%dma_start3A_384 : memref<50176x16xf32, #tpu.memory_space<vmem_shared>>) offsets(%dma_start3A_381 : memref<320xi32, #tpu.memory_space<vmem>>) semaphore(%arg36 : memref<!tpu.dma_semaphore, #tpu.memory_space<semaphore_mem>>)
      %dma_wait3A_385 = arith.constant 3 : i32
      %dma_wait3A_386 = arith.constant 0 : i32
      %dma_wait3A_387 = arith.constant 0 : i32
      %dma_wait3A_388 = tpu.memref_slice %arg18[%dma_wait3A_385, %dma_wait3A_386, %dma_wait3A_387] : memref<4x320x16xf32, #tpu.memory_space<vmem>> -> memref<1x320x16xf32, #tpu.memory_space<vmem>>
      %dma_wait3A_389 = tpu.memref_squeeze %dma_wait3A_388 : memref<1x320x16xf32, #tpu.memory_space<vmem>> -> memref<320x16xf32, #tpu.memory_space<vmem>>
      %dma_wait3A_390 = arith.constant 0 : i32
      %dma_wait3A_391 = tpu.memref_slice %arg2[%add3A, %add3A_288, %dma_wait3A_390] : memref<4x20480x16xf32, #tpu.memory_space<hbm>> -> memref<1x320x16xf32, #tpu.memory_space<hbm>>
      %dma_wait3A_392 = tpu.memref_squeeze %dma_wait3A_391 : memref<1x320x16xf32, #tpu.memory_space<hbm>> -> memref<320x16xf32, #tpu.memory_space<hbm>>
      %dma_wait3A_393 = arith.constant 0 : i32
      %dma_wait3A_394 = arith.constant 0 : i32
      %dma_wait3A_395 = tpu.memref_slice %arg18[%dma_wait3A_385, %dma_wait3A_393, %dma_wait3A_394] : memref<4x320x16xf32, #tpu.memory_space<vmem>> -> memref<1x320x16xf32, #tpu.memory_space<vmem>>
      %dma_wait3A_396 = tpu.memref_squeeze %dma_wait3A_395 : memref<1x320x16xf32, #tpu.memory_space<vmem>> -> memref<320x16xf32, #tpu.memory_space<vmem>>
      %dma_wait3A_397 = arith.constant 0 : i32
      %dma_wait3A_398 = tpu.memref_slice %arg2[%add3A, %add3A_288, %dma_wait3A_397] : memref<4x20480x16xf32, #tpu.memory_space<hbm>> -> memref<1x320x16xf32, #tpu.memory_space<hbm>>
      %dma_wait3A_399 = tpu.memref_squeeze %dma_wait3A_398 : memref<1x320x16xf32, #tpu.memory_space<hbm>> -> memref<320x16xf32, #tpu.memory_space<hbm>>
      tpu.wait_dma2 semaphore(%arg33 : memref<!tpu.dma_semaphore, #tpu.memory_space<semaphore_mem>>) src(%dma_wait3A_399 : memref<320x16xf32, #tpu.memory_space<hbm>>) dst(%dma_wait3A_396 : memref<320x16xf32, #tpu.memory_space<vmem>>)
      %dma_start3A_400 = arith.constant 3 : i32
      %dma_start3A_401 = arith.constant 3 : i32
      %dma_start3A_402 = arith.constant 0 : i32
      %dma_start3A_403 = arith.constant 0 : i32
      %dma_start3A_404 = tpu.memref_slice %arg18[%dma_start3A_400, %dma_start3A_402, %dma_start3A_403] : memref<4x320x16xf32, #tpu.memory_space<vmem>> -> memref<1x320x16xf32, #tpu.memory_space<vmem>>
      %dma_start3A_405 = tpu.memref_squeeze %dma_start3A_404 : memref<1x320x16xf32, #tpu.memory_space<vmem>> -> memref<320x16xf32, #tpu.memory_space<vmem>>
      %dma_start3A_406 = arith.constant 0 : i32
      %dma_start3A_407 = tpu.memref_slice %arg16[%dma_start3A_401, %dma_start3A_406] : memref<20x320xi32, #tpu.memory_space<vmem>> -> memref<1x320xi32, #tpu.memory_space<vmem>>
      %dma_start3A_408 = tpu.memref_squeeze %dma_start3A_407 : memref<1x320xi32, #tpu.memory_space<vmem>> -> memref<320xi32, #tpu.memory_space<vmem>>
      %dma_start3A_409 = arith.constant 0 : i32
      %dma_start3A_410 = arith.constant 0 : i32
      %dma_start3A_411 = tpu.memref_slice %arg14[%dma_start3A_409, %dma_start3A_410] : memref<50176x16xf32, #tpu.memory_space<vmem_shared>> -> memref<50176x16xf32, #tpu.memory_space<vmem_shared>>
      tpu.enqueue_indirect_dma source(%dma_start3A_405 : memref<320x16xf32, #tpu.memory_space<vmem>>) target(%dma_start3A_411 : memref<50176x16xf32, #tpu.memory_space<vmem_shared>>) offsets(%dma_start3A_408 : memref<320xi32, #tpu.memory_space<vmem>>) semaphore(%arg37 : memref<!tpu.dma_semaphore, #tpu.memory_space<semaphore_mem>>)
      %dma_wait3A_412 = arith.constant 0 : i32
      %dma_wait3A_413 = arith.constant 0 : i32
      %dma_wait3A_414 = arith.constant 0 : i32
      %dma_wait3A_415 = arith.constant 0 : i32
      %dma_wait3A_416 = tpu.memref_slice %arg18[%dma_wait3A_412, %dma_wait3A_414, %dma_wait3A_415] : memref<4x320x16xf32, #tpu.memory_space<vmem>> -> memref<1x320x16xf32, #tpu.memory_space<vmem>>
      %dma_wait3A_417 = tpu.memref_squeeze %dma_wait3A_416 : memref<1x320x16xf32, #tpu.memory_space<vmem>> -> memref<320x16xf32, #tpu.memory_space<vmem>>
      %dma_wait3A_418 = arith.constant 0 : i32
      %dma_wait3A_419 = tpu.memref_slice %arg16[%dma_wait3A_413, %dma_wait3A_418] : memref<20x320xi32, #tpu.memory_space<vmem>> -> memref<1x320xi32, #tpu.memory_space<vmem>>
      %dma_wait3A_420 = tpu.memref_squeeze %dma_wait3A_419 : memref<1x320xi32, #tpu.memory_space<vmem>> -> memref<320xi32, #tpu.memory_space<vmem>>
      %dma_wait3A_421 = arith.constant 0 : i32
      %dma_wait3A_422 = arith.constant 0 : i32
      %dma_wait3A_423 = tpu.memref_slice %arg14[%dma_wait3A_421, %dma_wait3A_422] : memref<50176x16xf32, #tpu.memory_space<vmem_shared>> -> memref<50176x16xf32, #tpu.memory_space<vmem_shared>>
      tpu.wait_indirect_dma semaphore(%arg34 : memref<!tpu.dma_semaphore, #tpu.memory_space<semaphore_mem>>) src(%dma_wait3A_417 : memref<320x16xf32, #tpu.memory_space<vmem>>) dst(%dma_wait3A_423 : memref<50176x16xf32, #tpu.memory_space<vmem_shared>>)
      %dma_wait3A_424 = arith.constant 1 : i32
      %dma_wait3A_425 = arith.constant 1 : i32
      %dma_wait3A_426 = arith.constant 0 : i32
      %dma_wait3A_427 = arith.constant 0 : i32
      %dma_wait3A_428 = tpu.memref_slice %arg18[%dma_wait3A_424, %dma_wait3A_426, %dma_wait3A_427] : memref<4x320x16xf32, #tpu.memory_space<vmem>> -> memref<1x320x16xf32, #tpu.memory_space<vmem>>
      %dma_wait3A_429 = tpu.memref_squeeze %dma_wait3A_428 : memref<1x320x16xf32, #tpu.memory_space<vmem>> -> memref<320x16xf32, #tpu.memory_space<vmem>>
      %dma_wait3A_430 = arith.constant 0 : i32
      %dma_wait3A_431 = tpu.memref_slice %arg16[%dma_wait3A_425, %dma_wait3A_430] : memref<20x320xi32, #tpu.memory_space<vmem>> -> memref<1x320xi32, #tpu.memory_space<vmem>>
      %dma_wait3A_432 = tpu.memref_squeeze %dma_wait3A_431 : memref<1x320xi32, #tpu.memory_space<vmem>> -> memref<320xi32, #tpu.memory_space<vmem>>
      %dma_wait3A_433 = arith.constant 0 : i32
      %dma_wait3A_434 = arith.constant 0 : i32
      %dma_wait3A_435 = tpu.memref_slice %arg14[%dma_wait3A_433, %dma_wait3A_434] : memref<50176x16xf32, #tpu.memory_space<vmem_shared>> -> memref<50176x16xf32, #tpu.memory_space<vmem_shared>>
      tpu.wait_indirect_dma semaphore(%arg35 : memref<!tpu.dma_semaphore, #tpu.memory_space<semaphore_mem>>) src(%dma_wait3A_429 : memref<320x16xf32, #tpu.memory_space<vmem>>) dst(%dma_wait3A_435 : memref<50176x16xf32, #tpu.memory_space<vmem_shared>>)
      %dma_wait3A_436 = arith.constant 2 : i32
      %dma_wait3A_437 = arith.constant 2 : i32
      %dma_wait3A_438 = arith.constant 0 : i32
      %dma_wait3A_439 = arith.constant 0 : i32
      %dma_wait3A_440 = tpu.memref_slice %arg18[%dma_wait3A_436, %dma_wait3A_438, %dma_wait3A_439] : memref<4x320x16xf32, #tpu.memory_space<vmem>> -> memref<1x320x16xf32, #tpu.memory_space<vmem>>
      %dma_wait3A_441 = tpu.memref_squeeze %dma_wait3A_440 : memref<1x320x16xf32, #tpu.memory_space<vmem>> -> memref<320x16xf32, #tpu.memory_space<vmem>>
      %dma_wait3A_442 = arith.constant 0 : i32
      %dma_wait3A_443 = tpu.memref_slice %arg16[%dma_wait3A_437, %dma_wait3A_442] : memref<20x320xi32, #tpu.memory_space<vmem>> -> memref<1x320xi32, #tpu.memory_space<vmem>>
      %dma_wait3A_444 = tpu.memref_squeeze %dma_wait3A_443 : memref<1x320xi32, #tpu.memory_space<vmem>> -> memref<320xi32, #tpu.memory_space<vmem>>
      %dma_wait3A_445 = arith.constant 0 : i32
      %dma_wait3A_446 = arith.constant 0 : i32
      %dma_wait3A_447 = tpu.memref_slice %arg14[%dma_wait3A_445, %dma_wait3A_446] : memref<50176x16xf32, #tpu.memory_space<vmem_shared>> -> memref<50176x16xf32, #tpu.memory_space<vmem_shared>>
      tpu.wait_indirect_dma semaphore(%arg36 : memref<!tpu.dma_semaphore, #tpu.memory_space<semaphore_mem>>) src(%dma_wait3A_441 : memref<320x16xf32, #tpu.memory_space<vmem>>) dst(%dma_wait3A_447 : memref<50176x16xf32, #tpu.memory_space<vmem_shared>>)
      %dma_wait3A_448 = arith.constant 3 : i32
      %dma_wait3A_449 = arith.constant 3 : i32
      %dma_wait3A_450 = arith.constant 0 : i32
      %dma_wait3A_451 = arith.constant 0 : i32
      %dma_wait3A_452 = tpu.memref_slice %arg18[%dma_wait3A_448, %dma_wait3A_450, %dma_wait3A_451] : memref<4x320x16xf32, #tpu.memory_space<vmem>> -> memref<1x320x16xf32, #tpu.memory_space<vmem>>
      %dma_wait3A_453 = tpu.memref_squeeze %dma_wait3A_452 : memref<1x320x16xf32, #tpu.memory_space<vmem>> -> memref<320x16xf32, #tpu.memory_space<vmem>>
      %dma_wait3A_454 = arith.constant 0 : i32
      %dma_wait3A_455 = tpu.memref_slice %arg16[%dma_wait3A_449, %dma_wait3A_454] : memref<20x320xi32, #tpu.memory_space<vmem>> -> memref<1x320xi32, #tpu.memory_space<vmem>>
      %dma_wait3A_456 = tpu.memref_squeeze %dma_wait3A_455 : memref<1x320xi32, #tpu.memory_space<vmem>> -> memref<320xi32, #tpu.memory_space<vmem>>
      %dma_wait3A_457 = arith.constant 0 : i32
      %dma_wait3A_458 = arith.constant 0 : i32
      %dma_wait3A_459 = tpu.memref_slice %arg14[%dma_wait3A_457, %dma_wait3A_458] : memref<50176x16xf32, #tpu.memory_space<vmem_shared>> -> memref<50176x16xf32, #tpu.memory_space<vmem_shared>>
      tpu.wait_indirect_dma semaphore(%arg37 : memref<!tpu.dma_semaphore, #tpu.memory_space<semaphore_mem>>) src(%dma_wait3A_453 : memref<320x16xf32, #tpu.memory_space<vmem>>) dst(%dma_wait3A_459 : memref<50176x16xf32, #tpu.memory_space<vmem_shared>>)
      %barrier3A_460 = arith.constant 0 : index
      tpu.barrier barrier_id(%barrier3A_460)
      %scan3A_461 = arith.constant 0 : i32
      %scan3A_462 = arith.constant 8 : i32
      %scan3A_463 = arith.addi %scan3A_461, %scan3A_462 : i32
      %scan3A_464 = arith.constant 1 : i32
      scf.for %scan3A_469 = %scan3A_461 to %scan3A_463 step %scan3A_464  : i32 {
        "tpu.region"() ({
          %run_scoped3A = tpu.sem_alloc : memref<!tpu.dma_semaphore, #tpu.memory_space<semaphore_mem>>
          %dma_start3A_757 = arith.constant 0 : i32
          %dma_start3A_758 = arith.constant 0 : i32
          %dma_start3A_759 = tpu.memref_slice %arg7[%scan3A_469, %arg1, %dma_start3A_757, %dma_start3A_758] : memref<8x16x20x320xi32, #tpu.memory_space<hbm>> -> memref<1x1x20x320xi32, #tpu.memory_space<hbm>>
          %dma_start3A_760 = tpu.memref_squeeze %dma_start3A_759 : memref<1x1x20x320xi32, #tpu.memory_space<hbm>> -> memref<20x320xi32, #tpu.memory_space<hbm>>
          %dma_start3A_761 = arith.constant 0 : i32
          %dma_start3A_762 = arith.constant 0 : i32
          %dma_start3A_763 = tpu.memref_slice %arg7[%scan3A_469, %arg1, %dma_start3A_761, %dma_start3A_762] : memref<8x16x20x320xi32, #tpu.memory_space<hbm>> -> memref<1x1x20x320xi32, #tpu.memory_space<hbm>>
          %dma_start3A_764 = tpu.memref_squeeze %dma_start3A_763 : memref<1x1x20x320xi32, #tpu.memory_space<hbm>> -> memref<20x320xi32, #tpu.memory_space<hbm>>
          tpu.enqueue_dma source(%dma_start3A_764 : memref<20x320xi32, #tpu.memory_space<hbm>>) target(%arg16 : memref<20x320xi32, #tpu.memory_space<vmem>>) target_semaphore(%run_scoped3A : memref<!tpu.dma_semaphore, #tpu.memory_space<semaphore_mem>>)
          %dma_wait3A_765 = arith.constant 0 : i32
          %dma_wait3A_766 = arith.constant 0 : i32
          %dma_wait3A_767 = tpu.memref_slice %arg7[%scan3A_469, %arg1, %dma_wait3A_765, %dma_wait3A_766] : memref<8x16x20x320xi32, #tpu.memory_space<hbm>> -> memref<1x1x20x320xi32, #tpu.memory_space<hbm>>
          %dma_wait3A_768 = tpu.memref_squeeze %dma_wait3A_767 : memref<1x1x20x320xi32, #tpu.memory_space<hbm>> -> memref<20x320xi32, #tpu.memory_space<hbm>>
          %dma_wait3A_769 = arith.constant 0 : i32
          %dma_wait3A_770 = arith.constant 0 : i32
          %dma_wait3A_771 = tpu.memref_slice %arg7[%scan3A_469, %arg1, %dma_wait3A_769, %dma_wait3A_770] : memref<8x16x20x320xi32, #tpu.memory_space<hbm>> -> memref<1x1x20x320xi32, #tpu.memory_space<hbm>>
          %dma_wait3A_772 = tpu.memref_squeeze %dma_wait3A_771 : memref<1x1x20x320xi32, #tpu.memory_space<hbm>> -> memref<20x320xi32, #tpu.memory_space<hbm>>
          tpu.wait_dma2 semaphore(%run_scoped3A : memref<!tpu.dma_semaphore, #tpu.memory_space<semaphore_mem>>) src(%dma_wait3A_772 : memref<20x320xi32, #tpu.memory_space<hbm>>) dst(%arg16 : memref<20x320xi32, #tpu.memory_space<vmem>>)
          tpu.yield
        }) : () -> ()
        "tpu.region"() ({
          %run_scoped3A = tpu.sem_alloc : memref<!tpu.dma_semaphore, #tpu.memory_space<semaphore_mem>>
          %dma_start3A_757 = arith.constant 0 : i32
          %dma_start3A_758 = arith.constant 0 : i32
          %dma_start3A_759 = tpu.memref_slice %arg8[%scan3A_469, %arg1, %dma_start3A_757, %dma_start3A_758] : memref<8x16x20x320xi32, #tpu.memory_space<hbm>> -> memref<1x1x20x320xi32, #tpu.memory_space<hbm>>
          %dma_start3A_760 = tpu.memref_squeeze %dma_start3A_759 : memref<1x1x20x320xi32, #tpu.memory_space<hbm>> -> memref<20x320xi32, #tpu.memory_space<hbm>>
          %dma_start3A_761 = arith.constant 0 : i32
          %dma_start3A_762 = arith.constant 0 : i32
          %dma_start3A_763 = tpu.memref_slice %arg8[%scan3A_469, %arg1, %dma_start3A_761, %dma_start3A_762] : memref<8x16x20x320xi32, #tpu.memory_space<hbm>> -> memref<1x1x20x320xi32, #tpu.memory_space<hbm>>
          %dma_start3A_764 = tpu.memref_squeeze %dma_start3A_763 : memref<1x1x20x320xi32, #tpu.memory_space<hbm>> -> memref<20x320xi32, #tpu.memory_space<hbm>>
          tpu.enqueue_dma source(%dma_start3A_764 : memref<20x320xi32, #tpu.memory_space<hbm>>) target(%arg17 : memref<20x320xi32, #tpu.memory_space<vmem>>) target_semaphore(%run_scoped3A : memref<!tpu.dma_semaphore, #tpu.memory_space<semaphore_mem>>)
          %dma_wait3A_765 = arith.constant 0 : i32
          %dma_wait3A_766 = arith.constant 0 : i32
          %dma_wait3A_767 = tpu.memref_slice %arg8[%scan3A_469, %arg1, %dma_wait3A_765, %dma_wait3A_766] : memref<8x16x20x320xi32, #tpu.memory_space<hbm>> -> memref<1x1x20x320xi32, #tpu.memory_space<hbm>>
          %dma_wait3A_768 = tpu.memref_squeeze %dma_wait3A_767 : memref<1x1x20x320xi32, #tpu.memory_space<hbm>> -> memref<20x320xi32, #tpu.memory_space<hbm>>
          %dma_wait3A_769 = arith.constant 0 : i32
          %dma_wait3A_770 = arith.constant 0 : i32
          %dma_wait3A_771 = tpu.memref_slice %arg8[%scan3A_469, %arg1, %dma_wait3A_769, %dma_wait3A_770] : memref<8x16x20x320xi32, #tpu.memory_space<hbm>> -> memref<1x1x20x320xi32, #tpu.memory_space<hbm>>
          %dma_wait3A_772 = tpu.memref_squeeze %dma_wait3A_771 : memref<1x1x20x320xi32, #tpu.memory_space<hbm>> -> memref<20x320xi32, #tpu.memory_space<hbm>>
          tpu.wait_dma2 semaphore(%run_scoped3A : memref<!tpu.dma_semaphore, #tpu.memory_space<semaphore_mem>>) src(%dma_wait3A_772 : memref<20x320xi32, #tpu.memory_space<hbm>>) dst(%arg17 : memref<20x320xi32, #tpu.memory_space<vmem>>)
          tpu.yield
        }) : () -> ()
        "tpu.region"() ({
          %run_scoped3A = tpu.sem_alloc : memref<!tpu.dma_semaphore, #tpu.memory_space<semaphore_mem>>
          %dma_start3A_757 = arith.constant 0 : i32
          %dma_start3A_758 = arith.constant 0 : i32
          %dma_start3A_759 = tpu.memref_slice %arg9[%scan3A_469, %arg1, %dma_start3A_757, %dma_start3A_758] : memref<8x16x7x224xi32, #tpu.memory_space<hbm>> -> memref<1x1x7x224xi32, #tpu.memory_space<hbm>>
          %dma_start3A_760 = tpu.memref_squeeze %dma_start3A_759 : memref<1x1x7x224xi32, #tpu.memory_space<hbm>> -> memref<7x224xi32, #tpu.memory_space<hbm>>
          %dma_start3A_761 = arith.constant 0 : i32
          %dma_start3A_762 = arith.constant 0 : i32
          %dma_start3A_763 = tpu.memref_slice %arg9[%scan3A_469, %arg1, %dma_start3A_761, %dma_start3A_762] : memref<8x16x7x224xi32, #tpu.memory_space<hbm>> -> memref<1x1x7x224xi32, #tpu.memory_space<hbm>>
          %dma_start3A_764 = tpu.memref_squeeze %dma_start3A_763 : memref<1x1x7x224xi32, #tpu.memory_space<hbm>> -> memref<7x224xi32, #tpu.memory_space<hbm>>
          tpu.enqueue_dma source(%dma_start3A_764 : memref<7x224xi32, #tpu.memory_space<hbm>>) target(%arg20 : memref<7x224xi32, #tpu.memory_space<vmem>>) target_semaphore(%run_scoped3A : memref<!tpu.dma_semaphore, #tpu.memory_space<semaphore_mem>>)
          %dma_wait3A_765 = arith.constant 0 : i32
          %dma_wait3A_766 = arith.constant 0 : i32
          %dma_wait3A_767 = tpu.memref_slice %arg9[%scan3A_469, %arg1, %dma_wait3A_765, %dma_wait3A_766] : memref<8x16x7x224xi32, #tpu.memory_space<hbm>> -> memref<1x1x7x224xi32, #tpu.memory_space<hbm>>
          %dma_wait3A_768 = tpu.memref_squeeze %dma_wait3A_767 : memref<1x1x7x224xi32, #tpu.memory_space<hbm>> -> memref<7x224xi32, #tpu.memory_space<hbm>>
          %dma_wait3A_769 = arith.constant 0 : i32
          %dma_wait3A_770 = arith.constant 0 : i32
          %dma_wait3A_771 = tpu.memref_slice %arg9[%scan3A_469, %arg1, %dma_wait3A_769, %dma_wait3A_770] : memref<8x16x7x224xi32, #tpu.memory_space<hbm>> -> memref<1x1x7x224xi32, #tpu.memory_space<hbm>>
          %dma_wait3A_772 = tpu.memref_squeeze %dma_wait3A_771 : memref<1x1x7x224xi32, #tpu.memory_space<hbm>> -> memref<7x224xi32, #tpu.memory_space<hbm>>
          tpu.wait_dma2 semaphore(%run_scoped3A : memref<!tpu.dma_semaphore, #tpu.memory_space<semaphore_mem>>) src(%dma_wait3A_772 : memref<7x224xi32, #tpu.memory_space<hbm>>) dst(%arg20 : memref<7x224xi32, #tpu.memory_space<vmem>>)
          tpu.yield
        }) : () -> ()
        %dma_start3A_470 = arith.constant 0 : i32
        %dma_start3A_471 = arith.constant 0 : i32
        %dma_start3A_472 = tpu.memref_slice %arg21[%dma_start3A_471] : memref<1568xf32, #tpu.memory_space<vmem>> -> memref<224xf32, #tpu.memory_space<vmem>>
        %dma_start3A_473 = arith.constant 0 : i32
        %dma_start3A_474 = tpu.memref_slice %arg20[%dma_start3A_470, %dma_start3A_473] : memref<7x224xi32, #tpu.memory_space<vmem>> -> memref<1x224xi32, #tpu.memory_space<vmem>>
        %dma_start3A_475 = tpu.memref_squeeze %dma_start3A_474 : memref<1x224xi32, #tpu.memory_space<vmem>> -> memref<224xi32, #tpu.memory_space<vmem>>
        %dma_start3A_476 = arith.constant 0 : i32
        %dma_start3A_477 = tpu.memref_slice %arg10[%dma_start3A_476] : memref<50176xf32, #tpu.memory_space<hbm>> -> memref<50176xf32, #tpu.memory_space<hbm>>
        tpu.enqueue_indirect_dma source(%dma_start3A_477 : memref<50176xf32, #tpu.memory_space<hbm>>) target(%dma_start3A_472 : memref<224xf32, #tpu.memory_space<vmem>>) offsets(%dma_start3A_475 : memref<224xi32, #tpu.memory_space<vmem>>) semaphore(%arg38 : memref<!tpu.dma_semaphore, #tpu.memory_space<semaphore_mem>>)
        %dma_start3A_478 = arith.constant 1 : i32
        %dma_start3A_479 = arith.constant 224 : i32
        %dma_start3A_480 = tpu.memref_slice %arg21[%dma_start3A_479] : memref<1568xf32, #tpu.memory_space<vmem>> -> memref<224xf32, #tpu.memory_space<vmem>>
        %dma_start3A_481 = arith.constant 0 : i32
        %dma_start3A_482 = tpu.memref_slice %arg20[%dma_start3A_478, %dma_start3A_481] : memref<7x224xi32, #tpu.memory_space<vmem>> -> memref<1x224xi32, #tpu.memory_space<vmem>>
        %dma_start3A_483 = tpu.memref_squeeze %dma_start3A_482 : memref<1x224xi32, #tpu.memory_space<vmem>> -> memref<224xi32, #tpu.memory_space<vmem>>
        %dma_start3A_484 = arith.constant 0 : i32
        %dma_start3A_485 = tpu.memref_slice %arg10[%dma_start3A_484] : memref<50176xf32, #tpu.memory_space<hbm>> -> memref<50176xf32, #tpu.memory_space<hbm>>
        tpu.enqueue_indirect_dma source(%dma_start3A_485 : memref<50176xf32, #tpu.memory_space<hbm>>) target(%dma_start3A_480 : memref<224xf32, #tpu.memory_space<vmem>>) offsets(%dma_start3A_483 : memref<224xi32, #tpu.memory_space<vmem>>) semaphore(%arg38 : memref<!tpu.dma_semaphore, #tpu.memory_space<semaphore_mem>>)
        %dma_start3A_486 = arith.constant 2 : i32
        %dma_start3A_487 = arith.constant 448 : i32
        %dma_start3A_488 = tpu.memref_slice %arg21[%dma_start3A_487] : memref<1568xf32, #tpu.memory_space<vmem>> -> memref<224xf32, #tpu.memory_space<vmem>>
        %dma_start3A_489 = arith.constant 0 : i32
        %dma_start3A_490 = tpu.memref_slice %arg20[%dma_start3A_486, %dma_start3A_489] : memref<7x224xi32, #tpu.memory_space<vmem>> -> memref<1x224xi32, #tpu.memory_space<vmem>>
        %dma_start3A_491 = tpu.memref_squeeze %dma_start3A_490 : memref<1x224xi32, #tpu.memory_space<vmem>> -> memref<224xi32, #tpu.memory_space<vmem>>
        %dma_start3A_492 = arith.constant 0 : i32
        %dma_start3A_493 = tpu.memref_slice %arg10[%dma_start3A_492] : memref<50176xf32, #tpu.memory_space<hbm>> -> memref<50176xf32, #tpu.memory_space<hbm>>
        tpu.enqueue_indirect_dma source(%dma_start3A_493 : memref<50176xf32, #tpu.memory_space<hbm>>) target(%dma_start3A_488 : memref<224xf32, #tpu.memory_space<vmem>>) offsets(%dma_start3A_491 : memref<224xi32, #tpu.memory_space<vmem>>) semaphore(%arg38 : memref<!tpu.dma_semaphore, #tpu.memory_space<semaphore_mem>>)
        %dma_start3A_494 = arith.constant 3 : i32
        %dma_start3A_495 = arith.constant 672 : i32
        %dma_start3A_496 = tpu.memref_slice %arg21[%dma_start3A_495] : memref<1568xf32, #tpu.memory_space<vmem>> -> memref<224xf32, #tpu.memory_space<vmem>>
        %dma_start3A_497 = arith.constant 0 : i32
        %dma_start3A_498 = tpu.memref_slice %arg20[%dma_start3A_494, %dma_start3A_497] : memref<7x224xi32, #tpu.memory_space<vmem>> -> memref<1x224xi32, #tpu.memory_space<vmem>>
        %dma_start3A_499 = tpu.memref_squeeze %dma_start3A_498 : memref<1x224xi32, #tpu.memory_space<vmem>> -> memref<224xi32, #tpu.memory_space<vmem>>
        %dma_start3A_500 = arith.constant 0 : i32
        %dma_start3A_501 = tpu.memref_slice %arg10[%dma_start3A_500] : memref<50176xf32, #tpu.memory_space<hbm>> -> memref<50176xf32, #tpu.memory_space<hbm>>
        tpu.enqueue_indirect_dma source(%dma_start3A_501 : memref<50176xf32, #tpu.memory_space<hbm>>) target(%dma_start3A_496 : memref<224xf32, #tpu.memory_space<vmem>>) offsets(%dma_start3A_499 : memref<224xi32, #tpu.memory_space<vmem>>) semaphore(%arg38 : memref<!tpu.dma_semaphore, #tpu.memory_space<semaphore_mem>>)
        %dma_start3A_502 = arith.constant 4 : i32
        %dma_start3A_503 = arith.constant 896 : i32
        %dma_start3A_504 = tpu.memref_slice %arg21[%dma_start3A_503] : memref<1568xf32, #tpu.memory_space<vmem>> -> memref<224xf32, #tpu.memory_space<vmem>>
        %dma_start3A_505 = arith.constant 0 : i32
        %dma_start3A_506 = tpu.memref_slice %arg20[%dma_start3A_502, %dma_start3A_505] : memref<7x224xi32, #tpu.memory_space<vmem>> -> memref<1x224xi32, #tpu.memory_space<vmem>>
        %dma_start3A_507 = tpu.memref_squeeze %dma_start3A_506 : memref<1x224xi32, #tpu.memory_space<vmem>> -> memref<224xi32, #tpu.memory_space<vmem>>
        %dma_start3A_508 = arith.constant 0 : i32
        %dma_start3A_509 = tpu.memref_slice %arg10[%dma_start3A_508] : memref<50176xf32, #tpu.memory_space<hbm>> -> memref<50176xf32, #tpu.memory_space<hbm>>
        tpu.enqueue_indirect_dma source(%dma_start3A_509 : memref<50176xf32, #tpu.memory_space<hbm>>) target(%dma_start3A_504 : memref<224xf32, #tpu.memory_space<vmem>>) offsets(%dma_start3A_507 : memref<224xi32, #tpu.memory_space<vmem>>) semaphore(%arg38 : memref<!tpu.dma_semaphore, #tpu.memory_space<semaphore_mem>>)
        %dma_start3A_510 = arith.constant 5 : i32
        %dma_start3A_511 = arith.constant 1120 : i32
        %dma_start3A_512 = tpu.memref_slice %arg21[%dma_start3A_511] : memref<1568xf32, #tpu.memory_space<vmem>> -> memref<224xf32, #tpu.memory_space<vmem>>
        %dma_start3A_513 = arith.constant 0 : i32
        %dma_start3A_514 = tpu.memref_slice %arg20[%dma_start3A_510, %dma_start3A_513] : memref<7x224xi32, #tpu.memory_space<vmem>> -> memref<1x224xi32, #tpu.memory_space<vmem>>
        %dma_start3A_515 = tpu.memref_squeeze %dma_start3A_514 : memref<1x224xi32, #tpu.memory_space<vmem>> -> memref<224xi32, #tpu.memory_space<vmem>>
        %dma_start3A_516 = arith.constant 0 : i32
        %dma_start3A_517 = tpu.memref_slice %arg10[%dma_start3A_516] : memref<50176xf32, #tpu.memory_space<hbm>> -> memref<50176xf32, #tpu.memory_space<hbm>>
        tpu.enqueue_indirect_dma source(%dma_start3A_517 : memref<50176xf32, #tpu.memory_space<hbm>>) target(%dma_start3A_512 : memref<224xf32, #tpu.memory_space<vmem>>) offsets(%dma_start3A_515 : memref<224xi32, #tpu.memory_space<vmem>>) semaphore(%arg38 : memref<!tpu.dma_semaphore, #tpu.memory_space<semaphore_mem>>)
        %dma_start3A_518 = arith.constant 6 : i32
        %dma_start3A_519 = arith.constant 1344 : i32
        %dma_start3A_520 = tpu.memref_slice %arg21[%dma_start3A_519] : memref<1568xf32, #tpu.memory_space<vmem>> -> memref<224xf32, #tpu.memory_space<vmem>>
        %dma_start3A_521 = arith.constant 0 : i32
        %dma_start3A_522 = tpu.memref_slice %arg20[%dma_start3A_518, %dma_start3A_521] : memref<7x224xi32, #tpu.memory_space<vmem>> -> memref<1x224xi32, #tpu.memory_space<vmem>>
        %dma_start3A_523 = tpu.memref_squeeze %dma_start3A_522 : memref<1x224xi32, #tpu.memory_space<vmem>> -> memref<224xi32, #tpu.memory_space<vmem>>
        %dma_start3A_524 = arith.constant 0 : i32
        %dma_start3A_525 = tpu.memref_slice %arg10[%dma_start3A_524] : memref<50176xf32, #tpu.memory_space<hbm>> -> memref<50176xf32, #tpu.memory_space<hbm>>
        tpu.enqueue_indirect_dma source(%dma_start3A_525 : memref<50176xf32, #tpu.memory_space<hbm>>) target(%dma_start3A_520 : memref<224xf32, #tpu.memory_space<vmem>>) offsets(%dma_start3A_523 : memref<224xi32, #tpu.memory_space<vmem>>) semaphore(%arg38 : memref<!tpu.dma_semaphore, #tpu.memory_space<semaphore_mem>>)
        %dma_start3A_526 = arith.constant 0 : i32
        %dma_start3A_527 = arith.constant 0 : i32
        %dma_start3A_528 = arith.constant 0 : i32
        %dma_start3A_529 = arith.constant 0 : i32
        %dma_start3A_530 = tpu.memref_slice %arg18[%dma_start3A_527, %dma_start3A_528, %dma_start3A_529] : memref<4x320x16xf32, #tpu.memory_space<vmem>> -> memref<1x320x16xf32, #tpu.memory_space<vmem>>
        %dma_start3A_531 = tpu.memref_squeeze %dma_start3A_530 : memref<1x320x16xf32, #tpu.memory_space<vmem>> -> memref<320x16xf32, #tpu.memory_space<vmem>>
        %dma_start3A_532 = arith.constant 0 : i32
        %dma_start3A_533 = tpu.memref_slice %arg16[%dma_start3A_526, %dma_start3A_532] : memref<20x320xi32, #tpu.memory_space<vmem>> -> memref<1x320xi32, #tpu.memory_space<vmem>>
        %dma_start3A_534 = tpu.memref_squeeze %dma_start3A_533 : memref<1x320xi32, #tpu.memory_space<vmem>> -> memref<320xi32, #tpu.memory_space<vmem>>
        %dma_start3A_535 = arith.constant 0 : i32
        %dma_start3A_536 = arith.constant 0 : i32
        %dma_start3A_537 = tpu.memref_slice %arg14[%dma_start3A_535, %dma_start3A_536] : memref<50176x16xf32, #tpu.memory_space<vmem_shared>> -> memref<50176x16xf32, #tpu.memory_space<vmem_shared>>
        tpu.enqueue_indirect_dma source(%dma_start3A_537 : memref<50176x16xf32, #tpu.memory_space<vmem_shared>>) target(%dma_start3A_531 : memref<320x16xf32, #tpu.memory_space<vmem>>) offsets(%dma_start3A_534 : memref<320xi32, #tpu.memory_space<vmem>>) semaphore(%arg30 : memref<!tpu.dma_semaphore, #tpu.memory_space<semaphore_mem>>)
        %dma_start3A_538 = arith.constant 1 : i32
        %dma_start3A_539 = arith.constant 1 : i32
        %dma_start3A_540 = arith.constant 0 : i32
        %dma_start3A_541 = arith.constant 0 : i32
        %dma_start3A_542 = tpu.memref_slice %arg18[%dma_start3A_539, %dma_start3A_540, %dma_start3A_541] : memref<4x320x16xf32, #tpu.memory_space<vmem>> -> memref<1x320x16xf32, #tpu.memory_space<vmem>>
        %dma_start3A_543 = tpu.memref_squeeze %dma_start3A_542 : memref<1x320x16xf32, #tpu.memory_space<vmem>> -> memref<320x16xf32, #tpu.memory_space<vmem>>
        %dma_start3A_544 = arith.constant 0 : i32
        %dma_start3A_545 = tpu.memref_slice %arg16[%dma_start3A_538, %dma_start3A_544] : memref<20x320xi32, #tpu.memory_space<vmem>> -> memref<1x320xi32, #tpu.memory_space<vmem>>
        %dma_start3A_546 = tpu.memref_squeeze %dma_start3A_545 : memref<1x320xi32, #tpu.memory_space<vmem>> -> memref<320xi32, #tpu.memory_space<vmem>>
        %dma_start3A_547 = arith.constant 0 : i32
        %dma_start3A_548 = arith.constant 0 : i32
        %dma_start3A_549 = tpu.memref_slice %arg14[%dma_start3A_547, %dma_start3A_548] : memref<50176x16xf32, #tpu.memory_space<vmem_shared>> -> memref<50176x16xf32, #tpu.memory_space<vmem_shared>>
        tpu.enqueue_indirect_dma source(%dma_start3A_549 : memref<50176x16xf32, #tpu.memory_space<vmem_shared>>) target(%dma_start3A_543 : memref<320x16xf32, #tpu.memory_space<vmem>>) offsets(%dma_start3A_546 : memref<320xi32, #tpu.memory_space<vmem>>) semaphore(%arg31 : memref<!tpu.dma_semaphore, #tpu.memory_space<semaphore_mem>>)
        %dma_start3A_550 = arith.constant 2 : i32
        %dma_start3A_551 = arith.constant 2 : i32
        %dma_start3A_552 = arith.constant 0 : i32
        %dma_start3A_553 = arith.constant 0 : i32
        %dma_start3A_554 = tpu.memref_slice %arg18[%dma_start3A_551, %dma_start3A_552, %dma_start3A_553] : memref<4x320x16xf32, #tpu.memory_space<vmem>> -> memref<1x320x16xf32, #tpu.memory_space<vmem>>
        %dma_start3A_555 = tpu.memref_squeeze %dma_start3A_554 : memref<1x320x16xf32, #tpu.memory_space<vmem>> -> memref<320x16xf32, #tpu.memory_space<vmem>>
        %dma_start3A_556 = arith.constant 0 : i32
        %dma_start3A_557 = tpu.memref_slice %arg16[%dma_start3A_550, %dma_start3A_556] : memref<20x320xi32, #tpu.memory_space<vmem>> -> memref<1x320xi32, #tpu.memory_space<vmem>>
        %dma_start3A_558 = tpu.memref_squeeze %dma_start3A_557 : memref<1x320xi32, #tpu.memory_space<vmem>> -> memref<320xi32, #tpu.memory_space<vmem>>
        %dma_start3A_559 = arith.constant 0 : i32
        %dma_start3A_560 = arith.constant 0 : i32
        %dma_start3A_561 = tpu.memref_slice %arg14[%dma_start3A_559, %dma_start3A_560] : memref<50176x16xf32, #tpu.memory_space<vmem_shared>> -> memref<50176x16xf32, #tpu.memory_space<vmem_shared>>
        tpu.enqueue_indirect_dma source(%dma_start3A_561 : memref<50176x16xf32, #tpu.memory_space<vmem_shared>>) target(%dma_start3A_555 : memref<320x16xf32, #tpu.memory_space<vmem>>) offsets(%dma_start3A_558 : memref<320xi32, #tpu.memory_space<vmem>>) semaphore(%arg32 : memref<!tpu.dma_semaphore, #tpu.memory_space<semaphore_mem>>)
        %dma_start3A_562 = arith.constant 3 : i32
        %dma_start3A_563 = arith.constant 3 : i32
        %dma_start3A_564 = arith.constant 0 : i32
        %dma_start3A_565 = arith.constant 0 : i32
        %dma_start3A_566 = tpu.memref_slice %arg18[%dma_start3A_563, %dma_start3A_564, %dma_start3A_565] : memref<4x320x16xf32, #tpu.memory_space<vmem>> -> memref<1x320x16xf32, #tpu.memory_space<vmem>>
        %dma_start3A_567 = tpu.memref_squeeze %dma_start3A_566 : memref<1x320x16xf32, #tpu.memory_space<vmem>> -> memref<320x16xf32, #tpu.memory_space<vmem>>
        %dma_start3A_568 = arith.constant 0 : i32
        %dma_start3A_569 = tpu.memref_slice %arg16[%dma_start3A_562, %dma_start3A_568] : memref<20x320xi32, #tpu.memory_space<vmem>> -> memref<1x320xi32, #tpu.memory_space<vmem>>
        %dma_start3A_570 = tpu.memref_squeeze %dma_start3A_569 : memref<1x320xi32, #tpu.memory_space<vmem>> -> memref<320xi32, #tpu.memory_space<vmem>>
        %dma_start3A_571 = arith.constant 0 : i32
        %dma_start3A_572 = arith.constant 0 : i32
        %dma_start3A_573 = tpu.memref_slice %arg14[%dma_start3A_571, %dma_start3A_572] : memref<50176x16xf32, #tpu.memory_space<vmem_shared>> -> memref<50176x16xf32, #tpu.memory_space<vmem_shared>>
        tpu.enqueue_indirect_dma source(%dma_start3A_573 : memref<50176x16xf32, #tpu.memory_space<vmem_shared>>) target(%dma_start3A_567 : memref<320x16xf32, #tpu.memory_space<vmem>>) offsets(%dma_start3A_570 : memref<320xi32, #tpu.memory_space<vmem>>) semaphore(%arg33 : memref<!tpu.dma_semaphore, #tpu.memory_space<semaphore_mem>>)
        %scan3A_574 = arith.constant 0 : i32
        %scan3A_575 = arith.constant 5 : i32
        %scan3A_576 = arith.addi %scan3A_574, %scan3A_575 : i32
        %scan3A_577 = arith.constant 1 : i32
        scf.for %scan3A_757 = %scan3A_574 to %scan3A_576 step %scan3A_577  : i32 {
          %mul3A_758 = arith.constant 4 : i32
          %mul3A_759 = arith.muli %scan3A_757, %mul3A_758 : i32
          %add3A_760 = arith.constant 0 : i32
          %add3A_761 = arith.addi %mul3A_759, %add3A_760 : i32
          %dma_wait3A_762 = arith.constant 0 : i32
          %dma_wait3A_763 = arith.constant 0 : i32
          %dma_wait3A_764 = arith.constant 0 : i32
          %dma_wait3A_765 = tpu.memref_slice %arg18[%dma_wait3A_762, %dma_wait3A_763, %dma_wait3A_764] : memref<4x320x16xf32, #tpu.memory_space<vmem>> -> memref<1x320x16xf32, #tpu.memory_space<vmem>>
          %dma_wait3A_766 = tpu.memref_squeeze %dma_wait3A_765 : memref<1x320x16xf32, #tpu.memory_space<vmem>> -> memref<320x16xf32, #tpu.memory_space<vmem>>
          %dma_wait3A_767 = arith.constant 0 : i32
          %dma_wait3A_768 = tpu.memref_slice %arg16[%add3A_761, %dma_wait3A_767] : memref<20x320xi32, #tpu.memory_space<vmem>> -> memref<1x320xi32, #tpu.memory_space<vmem>>
          %dma_wait3A_769 = tpu.memref_squeeze %dma_wait3A_768 : memref<1x320xi32, #tpu.memory_space<vmem>> -> memref<320xi32, #tpu.memory_space<vmem>>
          %dma_wait3A_770 = arith.constant 0 : i32
          %dma_wait3A_771 = arith.constant 0 : i32
          %dma_wait3A_772 = tpu.memref_slice %arg14[%dma_wait3A_770, %dma_wait3A_771] : memref<50176x16xf32, #tpu.memory_space<vmem_shared>> -> memref<50176x16xf32, #tpu.memory_space<vmem_shared>>
          tpu.wait_indirect_dma semaphore(%arg30 : memref<!tpu.dma_semaphore, #tpu.memory_space<semaphore_mem>>) src(%dma_wait3A_772 : memref<50176x16xf32, #tpu.memory_space<vmem_shared>>) dst(%dma_wait3A_766 : memref<320x16xf32, #tpu.memory_space<vmem>>)
          %add3A_773 = arith.constant 0 : i32
          %add3A_774 = arith.addi %mul3A_759, %add3A_773 : i32
          %dma_start3A_775 = arith.constant 0 : i32
          %dma_start3A_776 = arith.constant 0 : i32
          %dma_start3A_777 = arith.constant 0 : i32
          %dma_start3A_778 = tpu.memref_slice %arg18[%dma_start3A_775, %dma_start3A_776, %dma_start3A_777] : memref<4x320x16xf32, #tpu.memory_space<vmem>> -> memref<1x320x16xf32, #tpu.memory_space<vmem>>
          %dma_start3A_779 = tpu.memref_squeeze %dma_start3A_778 : memref<1x320x16xf32, #tpu.memory_space<vmem>> -> memref<320x16xf32, #tpu.memory_space<vmem>>
          %dma_start3A_780 = arith.constant 0 : i32
          %dma_start3A_781 = tpu.memref_slice %arg17[%add3A_774, %dma_start3A_780] : memref<20x320xi32, #tpu.memory_space<vmem>> -> memref<1x320xi32, #tpu.memory_space<vmem>>
          %dma_start3A_782 = tpu.memref_squeeze %dma_start3A_781 : memref<1x320xi32, #tpu.memory_space<vmem>> -> memref<320xi32, #tpu.memory_space<vmem>>
          %dma_start3A_783 = arith.constant 0 : i32
          %dma_start3A_784 = arith.constant 0 : i32
          %dma_start3A_785 = tpu.memref_slice %arg15[%dma_start3A_783, %dma_start3A_784] : memref<25088x16xf32, #tpu.memory_space<vmem_shared>> -> memref<25088x16xf32, #tpu.memory_space<vmem_shared>>
          tpu.enqueue_indirect_dma source(%dma_start3A_779 : memref<320x16xf32, #tpu.memory_space<vmem>>) target(%dma_start3A_785 : memref<25088x16xf32, #tpu.memory_space<vmem_shared>>) offsets(%dma_start3A_782 : memref<320xi32, #tpu.memory_space<vmem>>) semaphore(%arg34 : memref<!tpu.dma_semaphore, #tpu.memory_space<semaphore_mem>>) {add = true}
          %add3A_786 = arith.constant 1 : i32
          %add3A_787 = arith.addi %mul3A_759, %add3A_786 : i32
          %dma_wait3A_788 = arith.constant 1 : i32
          %dma_wait3A_789 = arith.constant 0 : i32
          %dma_wait3A_790 = arith.constant 0 : i32
          %dma_wait3A_791 = tpu.memref_slice %arg18[%dma_wait3A_788, %dma_wait3A_789, %dma_wait3A_790] : memref<4x320x16xf32, #tpu.memory_space<vmem>> -> memref<1x320x16xf32, #tpu.memory_space<vmem>>
          %dma_wait3A_792 = tpu.memref_squeeze %dma_wait3A_791 : memref<1x320x16xf32, #tpu.memory_space<vmem>> -> memref<320x16xf32, #tpu.memory_space<vmem>>
          %dma_wait3A_793 = arith.constant 0 : i32
          %dma_wait3A_794 = tpu.memref_slice %arg16[%add3A_787, %dma_wait3A_793] : memref<20x320xi32, #tpu.memory_space<vmem>> -> memref<1x320xi32, #tpu.memory_space<vmem>>
          %dma_wait3A_795 = tpu.memref_squeeze %dma_wait3A_794 : memref<1x320xi32, #tpu.memory_space<vmem>> -> memref<320xi32, #tpu.memory_space<vmem>>
          %dma_wait3A_796 = arith.constant 0 : i32
          %dma_wait3A_797 = arith.constant 0 : i32
          %dma_wait3A_798 = tpu.memref_slice %arg14[%dma_wait3A_796, %dma_wait3A_797] : memref<50176x16xf32, #tpu.memory_space<vmem_shared>> -> memref<50176x16xf32, #tpu.memory_space<vmem_shared>>
          tpu.wait_indirect_dma semaphore(%arg31 : memref<!tpu.dma_semaphore, #tpu.memory_space<semaphore_mem>>) src(%dma_wait3A_798 : memref<50176x16xf32, #tpu.memory_space<vmem_shared>>) dst(%dma_wait3A_792 : memref<320x16xf32, #tpu.memory_space<vmem>>)
          %add3A_799 = arith.constant 1 : i32
          %add3A_800 = arith.addi %mul3A_759, %add3A_799 : i32
          %dma_start3A_801 = arith.constant 1 : i32
          %dma_start3A_802 = arith.constant 0 : i32
          %dma_start3A_803 = arith.constant 0 : i32
          %dma_start3A_804 = tpu.memref_slice %arg18[%dma_start3A_801, %dma_start3A_802, %dma_start3A_803] : memref<4x320x16xf32, #tpu.memory_space<vmem>> -> memref<1x320x16xf32, #tpu.memory_space<vmem>>
          %dma_start3A_805 = tpu.memref_squeeze %dma_start3A_804 : memref<1x320x16xf32, #tpu.memory_space<vmem>> -> memref<320x16xf32, #tpu.memory_space<vmem>>
          %dma_start3A_806 = arith.constant 0 : i32
          %dma_start3A_807 = tpu.memref_slice %arg17[%add3A_800, %dma_start3A_806] : memref<20x320xi32, #tpu.memory_space<vmem>> -> memref<1x320xi32, #tpu.memory_space<vmem>>
          %dma_start3A_808 = tpu.memref_squeeze %dma_start3A_807 : memref<1x320xi32, #tpu.memory_space<vmem>> -> memref<320xi32, #tpu.memory_space<vmem>>
          %dma_start3A_809 = arith.constant 0 : i32
          %dma_start3A_810 = arith.constant 0 : i32
          %dma_start3A_811 = tpu.memref_slice %arg15[%dma_start3A_809, %dma_start3A_810] : memref<25088x16xf32, #tpu.memory_space<vmem_shared>> -> memref<25088x16xf32, #tpu.memory_space<vmem_shared>>
          tpu.enqueue_indirect_dma source(%dma_start3A_805 : memref<320x16xf32, #tpu.memory_space<vmem>>) target(%dma_start3A_811 : memref<25088x16xf32, #tpu.memory_space<vmem_shared>>) offsets(%dma_start3A_808 : memref<320xi32, #tpu.memory_space<vmem>>) semaphore(%arg35 : memref<!tpu.dma_semaphore, #tpu.memory_space<semaphore_mem>>) {add = true}
          %add3A_812 = arith.constant 2 : i32
          %add3A_813 = arith.addi %mul3A_759, %add3A_812 : i32
          %dma_wait3A_814 = arith.constant 2 : i32
          %dma_wait3A_815 = arith.constant 0 : i32
          %dma_wait3A_816 = arith.constant 0 : i32
          %dma_wait3A_817 = tpu.memref_slice %arg18[%dma_wait3A_814, %dma_wait3A_815, %dma_wait3A_816] : memref<4x320x16xf32, #tpu.memory_space<vmem>> -> memref<1x320x16xf32, #tpu.memory_space<vmem>>
          %dma_wait3A_818 = tpu.memref_squeeze %dma_wait3A_817 : memref<1x320x16xf32, #tpu.memory_space<vmem>> -> memref<320x16xf32, #tpu.memory_space<vmem>>
          %dma_wait3A_819 = arith.constant 0 : i32
          %dma_wait3A_820 = tpu.memref_slice %arg16[%add3A_813, %dma_wait3A_819] : memref<20x320xi32, #tpu.memory_space<vmem>> -> memref<1x320xi32, #tpu.memory_space<vmem>>
          %dma_wait3A_821 = tpu.memref_squeeze %dma_wait3A_820 : memref<1x320xi32, #tpu.memory_space<vmem>> -> memref<320xi32, #tpu.memory_space<vmem>>
          %dma_wait3A_822 = arith.constant 0 : i32
          %dma_wait3A_823 = arith.constant 0 : i32
          %dma_wait3A_824 = tpu.memref_slice %arg14[%dma_wait3A_822, %dma_wait3A_823] : memref<50176x16xf32, #tpu.memory_space<vmem_shared>> -> memref<50176x16xf32, #tpu.memory_space<vmem_shared>>
          tpu.wait_indirect_dma semaphore(%arg32 : memref<!tpu.dma_semaphore, #tpu.memory_space<semaphore_mem>>) src(%dma_wait3A_824 : memref<50176x16xf32, #tpu.memory_space<vmem_shared>>) dst(%dma_wait3A_818 : memref<320x16xf32, #tpu.memory_space<vmem>>)
          %add3A_825 = arith.constant 2 : i32
          %add3A_826 = arith.addi %mul3A_759, %add3A_825 : i32
          %dma_start3A_827 = arith.constant 2 : i32
          %dma_start3A_828 = arith.constant 0 : i32
          %dma_start3A_829 = arith.constant 0 : i32
          %dma_start3A_830 = tpu.memref_slice %arg18[%dma_start3A_827, %dma_start3A_828, %dma_start3A_829] : memref<4x320x16xf32, #tpu.memory_space<vmem>> -> memref<1x320x16xf32, #tpu.memory_space<vmem>>
          %dma_start3A_831 = tpu.memref_squeeze %dma_start3A_830 : memref<1x320x16xf32, #tpu.memory_space<vmem>> -> memref<320x16xf32, #tpu.memory_space<vmem>>
          %dma_start3A_832 = arith.constant 0 : i32
          %dma_start3A_833 = tpu.memref_slice %arg17[%add3A_826, %dma_start3A_832] : memref<20x320xi32, #tpu.memory_space<vmem>> -> memref<1x320xi32, #tpu.memory_space<vmem>>
          %dma_start3A_834 = tpu.memref_squeeze %dma_start3A_833 : memref<1x320xi32, #tpu.memory_space<vmem>> -> memref<320xi32, #tpu.memory_space<vmem>>
          %dma_start3A_835 = arith.constant 0 : i32
          %dma_start3A_836 = arith.constant 0 : i32
          %dma_start3A_837 = tpu.memref_slice %arg15[%dma_start3A_835, %dma_start3A_836] : memref<25088x16xf32, #tpu.memory_space<vmem_shared>> -> memref<25088x16xf32, #tpu.memory_space<vmem_shared>>
          tpu.enqueue_indirect_dma source(%dma_start3A_831 : memref<320x16xf32, #tpu.memory_space<vmem>>) target(%dma_start3A_837 : memref<25088x16xf32, #tpu.memory_space<vmem_shared>>) offsets(%dma_start3A_834 : memref<320xi32, #tpu.memory_space<vmem>>) semaphore(%arg36 : memref<!tpu.dma_semaphore, #tpu.memory_space<semaphore_mem>>) {add = true}
          %add3A_838 = arith.constant 3 : i32
          %add3A_839 = arith.addi %mul3A_759, %add3A_838 : i32
          %dma_wait3A_840 = arith.constant 3 : i32
          %dma_wait3A_841 = arith.constant 0 : i32
          %dma_wait3A_842 = arith.constant 0 : i32
          %dma_wait3A_843 = tpu.memref_slice %arg18[%dma_wait3A_840, %dma_wait3A_841, %dma_wait3A_842] : memref<4x320x16xf32, #tpu.memory_space<vmem>> -> memref<1x320x16xf32, #tpu.memory_space<vmem>>
          %dma_wait3A_844 = tpu.memref_squeeze %dma_wait3A_843 : memref<1x320x16xf32, #tpu.memory_space<vmem>> -> memref<320x16xf32, #tpu.memory_space<vmem>>
          %dma_wait3A_845 = arith.constant 0 : i32
          %dma_wait3A_846 = tpu.memref_slice %arg16[%add3A_839, %dma_wait3A_845] : memref<20x320xi32, #tpu.memory_space<vmem>> -> memref<1x320xi32, #tpu.memory_space<vmem>>
          %dma_wait3A_847 = tpu.memref_squeeze %dma_wait3A_846 : memref<1x320xi32, #tpu.memory_space<vmem>> -> memref<320xi32, #tpu.memory_space<vmem>>
          %dma_wait3A_848 = arith.constant 0 : i32
          %dma_wait3A_849 = arith.constant 0 : i32
          %dma_wait3A_850 = tpu.memref_slice %arg14[%dma_wait3A_848, %dma_wait3A_849] : memref<50176x16xf32, #tpu.memory_space<vmem_shared>> -> memref<50176x16xf32, #tpu.memory_space<vmem_shared>>
          tpu.wait_indirect_dma semaphore(%arg33 : memref<!tpu.dma_semaphore, #tpu.memory_space<semaphore_mem>>) src(%dma_wait3A_850 : memref<50176x16xf32, #tpu.memory_space<vmem_shared>>) dst(%dma_wait3A_844 : memref<320x16xf32, #tpu.memory_space<vmem>>)
          %add3A_851 = arith.constant 3 : i32
          %add3A_852 = arith.addi %mul3A_759, %add3A_851 : i32
          %dma_start3A_853 = arith.constant 3 : i32
          %dma_start3A_854 = arith.constant 0 : i32
          %dma_start3A_855 = arith.constant 0 : i32
          %dma_start3A_856 = tpu.memref_slice %arg18[%dma_start3A_853, %dma_start3A_854, %dma_start3A_855] : memref<4x320x16xf32, #tpu.memory_space<vmem>> -> memref<1x320x16xf32, #tpu.memory_space<vmem>>
          %dma_start3A_857 = tpu.memref_squeeze %dma_start3A_856 : memref<1x320x16xf32, #tpu.memory_space<vmem>> -> memref<320x16xf32, #tpu.memory_space<vmem>>
          %dma_start3A_858 = arith.constant 0 : i32
          %dma_start3A_859 = tpu.memref_slice %arg17[%add3A_852, %dma_start3A_858] : memref<20x320xi32, #tpu.memory_space<vmem>> -> memref<1x320xi32, #tpu.memory_space<vmem>>
          %dma_start3A_860 = tpu.memref_squeeze %dma_start3A_859 : memref<1x320xi32, #tpu.memory_space<vmem>> -> memref<320xi32, #tpu.memory_space<vmem>>
          %dma_start3A_861 = arith.constant 0 : i32
          %dma_start3A_862 = arith.constant 0 : i32
          %dma_start3A_863 = tpu.memref_slice %arg15[%dma_start3A_861, %dma_start3A_862] : memref<25088x16xf32, #tpu.memory_space<vmem_shared>> -> memref<25088x16xf32, #tpu.memory_space<vmem_shared>>
          tpu.enqueue_indirect_dma source(%dma_start3A_857 : memref<320x16xf32, #tpu.memory_space<vmem>>) target(%dma_start3A_863 : memref<25088x16xf32, #tpu.memory_space<vmem_shared>>) offsets(%dma_start3A_860 : memref<320xi32, #tpu.memory_space<vmem>>) semaphore(%arg37 : memref<!tpu.dma_semaphore, #tpu.memory_space<semaphore_mem>>) {add = true}
          %add3A_864 = arith.constant 0 : i32
          %add3A_865 = arith.addi %mul3A_759, %add3A_864 : i32
          %dma_wait3A_866 = arith.constant 0 : i32
          %dma_wait3A_867 = arith.constant 0 : i32
          %dma_wait3A_868 = arith.constant 0 : i32
          %dma_wait3A_869 = tpu.memref_slice %arg18[%dma_wait3A_866, %dma_wait3A_867, %dma_wait3A_868] : memref<4x320x16xf32, #tpu.memory_space<vmem>> -> memref<1x320x16xf32, #tpu.memory_space<vmem>>
          %dma_wait3A_870 = tpu.memref_squeeze %dma_wait3A_869 : memref<1x320x16xf32, #tpu.memory_space<vmem>> -> memref<320x16xf32, #tpu.memory_space<vmem>>
          %dma_wait3A_871 = arith.constant 0 : i32
          %dma_wait3A_872 = tpu.memref_slice %arg17[%add3A_865, %dma_wait3A_871] : memref<20x320xi32, #tpu.memory_space<vmem>> -> memref<1x320xi32, #tpu.memory_space<vmem>>
          %dma_wait3A_873 = tpu.memref_squeeze %dma_wait3A_872 : memref<1x320xi32, #tpu.memory_space<vmem>> -> memref<320xi32, #tpu.memory_space<vmem>>
          %dma_wait3A_874 = arith.constant 0 : i32
          %dma_wait3A_875 = arith.constant 0 : i32
          %dma_wait3A_876 = tpu.memref_slice %arg15[%dma_wait3A_874, %dma_wait3A_875] : memref<25088x16xf32, #tpu.memory_space<vmem_shared>> -> memref<25088x16xf32, #tpu.memory_space<vmem_shared>>
          tpu.wait_indirect_dma semaphore(%arg34 : memref<!tpu.dma_semaphore, #tpu.memory_space<semaphore_mem>>) src(%dma_wait3A_870 : memref<320x16xf32, #tpu.memory_space<vmem>>) dst(%dma_wait3A_876 : memref<25088x16xf32, #tpu.memory_space<vmem_shared>>)
          %lt3A = arith.constant 4 : i32
          %lt3A_877 = arith.cmpi slt, %scan3A_757, %lt3A : i32
          %convert_element_type3A_878 = arith.extui %lt3A_877 : i1 to i32
          %cond3A_879 = arith.constant 0 : i32
          %cond3A_880 = arith.cmpi ne, %convert_element_type3A_878, %cond3A_879 : i32
          scf.if %cond3A_880 {
            %add3A_935 = arith.constant 4 : i32
            %add3A_936 = arith.addi %mul3A_759, %add3A_935 : i32
            %add3A_937 = arith.constant 0 : i32
            %add3A_938 = arith.addi %add3A_936, %add3A_937 : i32
            %dma_start3A_939 = arith.constant 0 : i32
            %dma_start3A_940 = arith.constant 0 : i32
            %dma_start3A_941 = arith.constant 0 : i32
            %dma_start3A_942 = tpu.memref_slice %arg18[%dma_start3A_939, %dma_start3A_940, %dma_start3A_941] : memref<4x320x16xf32, #tpu.memory_space<vmem>> -> memref<1x320x16xf32, #tpu.memory_space<vmem>>
            %dma_start3A_943 = tpu.memref_squeeze %dma_start3A_942 : memref<1x320x16xf32, #tpu.memory_space<vmem>> -> memref<320x16xf32, #tpu.memory_space<vmem>>
            %dma_start3A_944 = arith.constant 0 : i32
            %dma_start3A_945 = tpu.memref_slice %arg16[%add3A_938, %dma_start3A_944] : memref<20x320xi32, #tpu.memory_space<vmem>> -> memref<1x320xi32, #tpu.memory_space<vmem>>
            %dma_start3A_946 = tpu.memref_squeeze %dma_start3A_945 : memref<1x320xi32, #tpu.memory_space<vmem>> -> memref<320xi32, #tpu.memory_space<vmem>>
            %dma_start3A_947 = arith.constant 0 : i32
            %dma_start3A_948 = arith.constant 0 : i32
            %dma_start3A_949 = tpu.memref_slice %arg14[%dma_start3A_947, %dma_start3A_948] : memref<50176x16xf32, #tpu.memory_space<vmem_shared>> -> memref<50176x16xf32, #tpu.memory_space<vmem_shared>>
            tpu.enqueue_indirect_dma source(%dma_start3A_949 : memref<50176x16xf32, #tpu.memory_space<vmem_shared>>) target(%dma_start3A_943 : memref<320x16xf32, #tpu.memory_space<vmem>>) offsets(%dma_start3A_946 : memref<320xi32, #tpu.memory_space<vmem>>) semaphore(%arg30 : memref<!tpu.dma_semaphore, #tpu.memory_space<semaphore_mem>>)
          } else {
          }
          %add3A_881 = arith.constant 1 : i32
          %add3A_882 = arith.addi %mul3A_759, %add3A_881 : i32
          %dma_wait3A_883 = arith.constant 1 : i32
          %dma_wait3A_884 = arith.constant 0 : i32
          %dma_wait3A_885 = arith.constant 0 : i32
          %dma_wait3A_886 = tpu.memref_slice %arg18[%dma_wait3A_883, %dma_wait3A_884, %dma_wait3A_885] : memref<4x320x16xf32, #tpu.memory_space<vmem>> -> memref<1x320x16xf32, #tpu.memory_space<vmem>>
          %dma_wait3A_887 = tpu.memref_squeeze %dma_wait3A_886 : memref<1x320x16xf32, #tpu.memory_space<vmem>> -> memref<320x16xf32, #tpu.memory_space<vmem>>
          %dma_wait3A_888 = arith.constant 0 : i32
          %dma_wait3A_889 = tpu.memref_slice %arg17[%add3A_882, %dma_wait3A_888] : memref<20x320xi32, #tpu.memory_space<vmem>> -> memref<1x320xi32, #tpu.memory_space<vmem>>
          %dma_wait3A_890 = tpu.memref_squeeze %dma_wait3A_889 : memref<1x320xi32, #tpu.memory_space<vmem>> -> memref<320xi32, #tpu.memory_space<vmem>>
          %dma_wait3A_891 = arith.constant 0 : i32
          %dma_wait3A_892 = arith.constant 0 : i32
          %dma_wait3A_893 = tpu.memref_slice %arg15[%dma_wait3A_891, %dma_wait3A_892] : memref<25088x16xf32, #tpu.memory_space<vmem_shared>> -> memref<25088x16xf32, #tpu.memory_space<vmem_shared>>
          tpu.wait_indirect_dma semaphore(%arg35 : memref<!tpu.dma_semaphore, #tpu.memory_space<semaphore_mem>>) src(%dma_wait3A_887 : memref<320x16xf32, #tpu.memory_space<vmem>>) dst(%dma_wait3A_893 : memref<25088x16xf32, #tpu.memory_space<vmem_shared>>)
          %lt3A_894 = arith.constant 4 : i32
          %lt3A_895 = arith.cmpi slt, %scan3A_757, %lt3A_894 : i32
          %convert_element_type3A_896 = arith.extui %lt3A_895 : i1 to i32
          %cond3A_897 = arith.constant 0 : i32
          %cond3A_898 = arith.cmpi ne, %convert_element_type3A_896, %cond3A_897 : i32
          scf.if %cond3A_898 {
            %add3A_935 = arith.constant 4 : i32
            %add3A_936 = arith.addi %mul3A_759, %add3A_935 : i32
            %add3A_937 = arith.constant 1 : i32
            %add3A_938 = arith.addi %add3A_936, %add3A_937 : i32
            %dma_start3A_939 = arith.constant 1 : i32
            %dma_start3A_940 = arith.constant 0 : i32
            %dma_start3A_941 = arith.constant 0 : i32
            %dma_start3A_942 = tpu.memref_slice %arg18[%dma_start3A_939, %dma_start3A_940, %dma_start3A_941] : memref<4x320x16xf32, #tpu.memory_space<vmem>> -> memref<1x320x16xf32, #tpu.memory_space<vmem>>
            %dma_start3A_943 = tpu.memref_squeeze %dma_start3A_942 : memref<1x320x16xf32, #tpu.memory_space<vmem>> -> memref<320x16xf32, #tpu.memory_space<vmem>>
            %dma_start3A_944 = arith.constant 0 : i32
            %dma_start3A_945 = tpu.memref_slice %arg16[%add3A_938, %dma_start3A_944] : memref<20x320xi32, #tpu.memory_space<vmem>> -> memref<1x320xi32, #tpu.memory_space<vmem>>
            %dma_start3A_946 = tpu.memref_squeeze %dma_start3A_945 : memref<1x320xi32, #tpu.memory_space<vmem>> -> memref<320xi32, #tpu.memory_space<vmem>>
            %dma_start3A_947 = arith.constant 0 : i32
            %dma_start3A_948 = arith.constant 0 : i32
            %dma_start3A_949 = tpu.memref_slice %arg14[%dma_start3A_947, %dma_start3A_948] : memref<50176x16xf32, #tpu.memory_space<vmem_shared>> -> memref<50176x16xf32, #tpu.memory_space<vmem_shared>>
            tpu.enqueue_indirect_dma source(%dma_start3A_949 : memref<50176x16xf32, #tpu.memory_space<vmem_shared>>) target(%dma_start3A_943 : memref<320x16xf32, #tpu.memory_space<vmem>>) offsets(%dma_start3A_946 : memref<320xi32, #tpu.memory_space<vmem>>) semaphore(%arg31 : memref<!tpu.dma_semaphore, #tpu.memory_space<semaphore_mem>>)
          } else {
          }
          %add3A_899 = arith.constant 2 : i32
          %add3A_900 = arith.addi %mul3A_759, %add3A_899 : i32
          %dma_wait3A_901 = arith.constant 2 : i32
          %dma_wait3A_902 = arith.constant 0 : i32
          %dma_wait3A_903 = arith.constant 0 : i32
          %dma_wait3A_904 = tpu.memref_slice %arg18[%dma_wait3A_901, %dma_wait3A_902, %dma_wait3A_903] : memref<4x320x16xf32, #tpu.memory_space<vmem>> -> memref<1x320x16xf32, #tpu.memory_space<vmem>>
          %dma_wait3A_905 = tpu.memref_squeeze %dma_wait3A_904 : memref<1x320x16xf32, #tpu.memory_space<vmem>> -> memref<320x16xf32, #tpu.memory_space<vmem>>
          %dma_wait3A_906 = arith.constant 0 : i32
          %dma_wait3A_907 = tpu.memref_slice %arg17[%add3A_900, %dma_wait3A_906] : memref<20x320xi32, #tpu.memory_space<vmem>> -> memref<1x320xi32, #tpu.memory_space<vmem>>
          %dma_wait3A_908 = tpu.memref_squeeze %dma_wait3A_907 : memref<1x320xi32, #tpu.memory_space<vmem>> -> memref<320xi32, #tpu.memory_space<vmem>>
          %dma_wait3A_909 = arith.constant 0 : i32
          %dma_wait3A_910 = arith.constant 0 : i32
          %dma_wait3A_911 = tpu.memref_slice %arg15[%dma_wait3A_909, %dma_wait3A_910] : memref<25088x16xf32, #tpu.memory_space<vmem_shared>> -> memref<25088x16xf32, #tpu.memory_space<vmem_shared>>
          tpu.wait_indirect_dma semaphore(%arg36 : memref<!tpu.dma_semaphore, #tpu.memory_space<semaphore_mem>>) src(%dma_wait3A_905 : memref<320x16xf32, #tpu.memory_space<vmem>>) dst(%dma_wait3A_911 : memref<25088x16xf32, #tpu.memory_space<vmem_shared>>)
          %lt3A_912 = arith.constant 4 : i32
          %lt3A_913 = arith.cmpi slt, %scan3A_757, %lt3A_912 : i32
          %convert_element_type3A_914 = arith.extui %lt3A_913 : i1 to i32
          %cond3A_915 = arith.constant 0 : i32
          %cond3A_916 = arith.cmpi ne, %convert_element_type3A_914, %cond3A_915 : i32
          scf.if %cond3A_916 {
            %add3A_935 = arith.constant 4 : i32
            %add3A_936 = arith.addi %mul3A_759, %add3A_935 : i32
            %add3A_937 = arith.constant 2 : i32
            %add3A_938 = arith.addi %add3A_936, %add3A_937 : i32
            %dma_start3A_939 = arith.constant 2 : i32
            %dma_start3A_940 = arith.constant 0 : i32
            %dma_start3A_941 = arith.constant 0 : i32
            %dma_start3A_942 = tpu.memref_slice %arg18[%dma_start3A_939, %dma_start3A_940, %dma_start3A_941] : memref<4x320x16xf32, #tpu.memory_space<vmem>> -> memref<1x320x16xf32, #tpu.memory_space<vmem>>
            %dma_start3A_943 = tpu.memref_squeeze %dma_start3A_942 : memref<1x320x16xf32, #tpu.memory_space<vmem>> -> memref<320x16xf32, #tpu.memory_space<vmem>>
            %dma_start3A_944 = arith.constant 0 : i32
            %dma_start3A_945 = tpu.memref_slice %arg16[%add3A_938, %dma_start3A_944] : memref<20x320xi32, #tpu.memory_space<vmem>> -> memref<1x320xi32, #tpu.memory_space<vmem>>
            %dma_start3A_946 = tpu.memref_squeeze %dma_start3A_945 : memref<1x320xi32, #tpu.memory_space<vmem>> -> memref<320xi32, #tpu.memory_space<vmem>>
            %dma_start3A_947 = arith.constant 0 : i32
            %dma_start3A_948 = arith.constant 0 : i32
            %dma_start3A_949 = tpu.memref_slice %arg14[%dma_start3A_947, %dma_start3A_948] : memref<50176x16xf32, #tpu.memory_space<vmem_shared>> -> memref<50176x16xf32, #tpu.memory_space<vmem_shared>>
            tpu.enqueue_indirect_dma source(%dma_start3A_949 : memref<50176x16xf32, #tpu.memory_space<vmem_shared>>) target(%dma_start3A_943 : memref<320x16xf32, #tpu.memory_space<vmem>>) offsets(%dma_start3A_946 : memref<320xi32, #tpu.memory_space<vmem>>) semaphore(%arg32 : memref<!tpu.dma_semaphore, #tpu.memory_space<semaphore_mem>>)
          } else {
          }
          %add3A_917 = arith.constant 3 : i32
          %add3A_918 = arith.addi %mul3A_759, %add3A_917 : i32
          %dma_wait3A_919 = arith.constant 3 : i32
          %dma_wait3A_920 = arith.constant 0 : i32
          %dma_wait3A_921 = arith.constant 0 : i32
          %dma_wait3A_922 = tpu.memref_slice %arg18[%dma_wait3A_919, %dma_wait3A_920, %dma_wait3A_921] : memref<4x320x16xf32, #tpu.memory_space<vmem>> -> memref<1x320x16xf32, #tpu.memory_space<vmem>>
          %dma_wait3A_923 = tpu.memref_squeeze %dma_wait3A_922 : memref<1x320x16xf32, #tpu.memory_space<vmem>> -> memref<320x16xf32, #tpu.memory_space<vmem>>
          %dma_wait3A_924 = arith.constant 0 : i32
          %dma_wait3A_925 = tpu.memref_slice %arg17[%add3A_918, %dma_wait3A_924] : memref<20x320xi32, #tpu.memory_space<vmem>> -> memref<1x320xi32, #tpu.memory_space<vmem>>
          %dma_wait3A_926 = tpu.memref_squeeze %dma_wait3A_925 : memref<1x320xi32, #tpu.memory_space<vmem>> -> memref<320xi32, #tpu.memory_space<vmem>>
          %dma_wait3A_927 = arith.constant 0 : i32
          %dma_wait3A_928 = arith.constant 0 : i32
          %dma_wait3A_929 = tpu.memref_slice %arg15[%dma_wait3A_927, %dma_wait3A_928] : memref<25088x16xf32, #tpu.memory_space<vmem_shared>> -> memref<25088x16xf32, #tpu.memory_space<vmem_shared>>
          tpu.wait_indirect_dma semaphore(%arg37 : memref<!tpu.dma_semaphore, #tpu.memory_space<semaphore_mem>>) src(%dma_wait3A_923 : memref<320x16xf32, #tpu.memory_space<vmem>>) dst(%dma_wait3A_929 : memref<25088x16xf32, #tpu.memory_space<vmem_shared>>)
          %lt3A_930 = arith.constant 4 : i32
          %lt3A_931 = arith.cmpi slt, %scan3A_757, %lt3A_930 : i32
          %convert_element_type3A_932 = arith.extui %lt3A_931 : i1 to i32
          %cond3A_933 = arith.constant 0 : i32
          %cond3A_934 = arith.cmpi ne, %convert_element_type3A_932, %cond3A_933 : i32
          scf.if %cond3A_934 {
            %add3A_935 = arith.constant 4 : i32
            %add3A_936 = arith.addi %mul3A_759, %add3A_935 : i32
            %add3A_937 = arith.constant 3 : i32
            %add3A_938 = arith.addi %add3A_936, %add3A_937 : i32
            %dma_start3A_939 = arith.constant 3 : i32
            %dma_start3A_940 = arith.constant 0 : i32
            %dma_start3A_941 = arith.constant 0 : i32
            %dma_start3A_942 = tpu.memref_slice %arg18[%dma_start3A_939, %dma_start3A_940, %dma_start3A_941] : memref<4x320x16xf32, #tpu.memory_space<vmem>> -> memref<1x320x16xf32, #tpu.memory_space<vmem>>
            %dma_start3A_943 = tpu.memref_squeeze %dma_start3A_942 : memref<1x320x16xf32, #tpu.memory_space<vmem>> -> memref<320x16xf32, #tpu.memory_space<vmem>>
            %dma_start3A_944 = arith.constant 0 : i32
            %dma_start3A_945 = tpu.memref_slice %arg16[%add3A_938, %dma_start3A_944] : memref<20x320xi32, #tpu.memory_space<vmem>> -> memref<1x320xi32, #tpu.memory_space<vmem>>
            %dma_start3A_946 = tpu.memref_squeeze %dma_start3A_945 : memref<1x320xi32, #tpu.memory_space<vmem>> -> memref<320xi32, #tpu.memory_space<vmem>>
            %dma_start3A_947 = arith.constant 0 : i32
            %dma_start3A_948 = arith.constant 0 : i32
            %dma_start3A_949 = tpu.memref_slice %arg14[%dma_start3A_947, %dma_start3A_948] : memref<50176x16xf32, #tpu.memory_space<vmem_shared>> -> memref<50176x16xf32, #tpu.memory_space<vmem_shared>>
            tpu.enqueue_indirect_dma source(%dma_start3A_949 : memref<50176x16xf32, #tpu.memory_space<vmem_shared>>) target(%dma_start3A_943 : memref<320x16xf32, #tpu.memory_space<vmem>>) offsets(%dma_start3A_946 : memref<320xi32, #tpu.memory_space<vmem>>) semaphore(%arg33 : memref<!tpu.dma_semaphore, #tpu.memory_space<semaphore_mem>>)
          } else {
          }
        }
        %scan3A_578 = arith.constant 5 : i32
        %barrier3A_579 = arith.constant 0 : index
        tpu.barrier barrier_id(%barrier3A_579)
        %broadcast_in_dim3A = vector.broadcast %scan3A_469 : i32 to vector<16xi32>
        %gather3A = tpu.vector_load_idx %arg25[%broadcast_in_dim3A] : memref<16xf32, #tpu.memory_space<vmem>>[vector<16xi32>], vector<16xf32>,
        %dma_wait3A_580 = arith.constant 0 : i32
        %dma_wait3A_581 = arith.constant 0 : i32
        %dma_wait3A_582 = tpu.memref_slice %arg21[%dma_wait3A_581] : memref<1568xf32, #tpu.memory_space<vmem>> -> memref<224xf32, #tpu.memory_space<vmem>>
        %dma_wait3A_583 = arith.constant 0 : i32
        %dma_wait3A_584 = tpu.memref_slice %arg20[%dma_wait3A_580, %dma_wait3A_583] : memref<7x224xi32, #tpu.memory_space<vmem>> -> memref<1x224xi32, #tpu.memory_space<vmem>>
        %dma_wait3A_585 = tpu.memref_squeeze %dma_wait3A_584 : memref<1x224xi32, #tpu.memory_space<vmem>> -> memref<224xi32, #tpu.memory_space<vmem>>
        %dma_wait3A_586 = arith.constant 0 : i32
        %dma_wait3A_587 = tpu.memref_slice %arg10[%dma_wait3A_586] : memref<50176xf32, #tpu.memory_space<hbm>> -> memref<50176xf32, #tpu.memory_space<hbm>>
        tpu.wait_indirect_dma semaphore(%arg38 : memref<!tpu.dma_semaphore, #tpu.memory_space<semaphore_mem>>) src(%dma_wait3A_587 : memref<50176xf32, #tpu.memory_space<hbm>>) dst(%dma_wait3A_582 : memref<224xf32, #tpu.memory_space<vmem>>)
        %dma_wait3A_588 = arith.constant 1 : i32
        %dma_wait3A_589 = arith.constant 224 : i32
        %dma_wait3A_590 = tpu.memref_slice %arg21[%dma_wait3A_589] : memref<1568xf32, #tpu.memory_space<vmem>> -> memref<224xf32, #tpu.memory_space<vmem>>
        %dma_wait3A_591 = arith.constant 0 : i32
        %dma_wait3A_592 = tpu.memref_slice %arg20[%dma_wait3A_588, %dma_wait3A_591] : memref<7x224xi32, #tpu.memory_space<vmem>> -> memref<1x224xi32, #tpu.memory_space<vmem>>
        %dma_wait3A_593 = tpu.memref_squeeze %dma_wait3A_592 : memref<1x224xi32, #tpu.memory_space<vmem>> -> memref<224xi32, #tpu.memory_space<vmem>>
        %dma_wait3A_594 = arith.constant 0 : i32
        %dma_wait3A_595 = tpu.memref_slice %arg10[%dma_wait3A_594] : memref<50176xf32, #tpu.memory_space<hbm>> -> memref<50176xf32, #tpu.memory_space<hbm>>
        tpu.wait_indirect_dma semaphore(%arg38 : memref<!tpu.dma_semaphore, #tpu.memory_space<semaphore_mem>>) src(%dma_wait3A_595 : memref<50176xf32, #tpu.memory_space<hbm>>) dst(%dma_wait3A_590 : memref<224xf32, #tpu.memory_space<vmem>>)
        %dma_wait3A_596 = arith.constant 2 : i32
        %dma_wait3A_597 = arith.constant 448 : i32
        %dma_wait3A_598 = tpu.memref_slice %arg21[%dma_wait3A_597] : memref<1568xf32, #tpu.memory_space<vmem>> -> memref<224xf32, #tpu.memory_space<vmem>>
        %dma_wait3A_599 = arith.constant 0 : i32
        %dma_wait3A_600 = tpu.memref_slice %arg20[%dma_wait3A_596, %dma_wait3A_599] : memref<7x224xi32, #tpu.memory_space<vmem>> -> memref<1x224xi32, #tpu.memory_space<vmem>>
        %dma_wait3A_601 = tpu.memref_squeeze %dma_wait3A_600 : memref<1x224xi32, #tpu.memory_space<vmem>> -> memref<224xi32, #tpu.memory_space<vmem>>
        %dma_wait3A_602 = arith.constant 0 : i32
        %dma_wait3A_603 = tpu.memref_slice %arg10[%dma_wait3A_602] : memref<50176xf32, #tpu.memory_space<hbm>> -> memref<50176xf32, #tpu.memory_space<hbm>>
        tpu.wait_indirect_dma semaphore(%arg38 : memref<!tpu.dma_semaphore, #tpu.memory_space<semaphore_mem>>) src(%dma_wait3A_603 : memref<50176xf32, #tpu.memory_space<hbm>>) dst(%dma_wait3A_598 : memref<224xf32, #tpu.memory_space<vmem>>)
        %dma_wait3A_604 = arith.constant 3 : i32
        %dma_wait3A_605 = arith.constant 672 : i32
        %dma_wait3A_606 = tpu.memref_slice %arg21[%dma_wait3A_605] : memref<1568xf32, #tpu.memory_space<vmem>> -> memref<224xf32, #tpu.memory_space<vmem>>
        %dma_wait3A_607 = arith.constant 0 : i32
        %dma_wait3A_608 = tpu.memref_slice %arg20[%dma_wait3A_604, %dma_wait3A_607] : memref<7x224xi32, #tpu.memory_space<vmem>> -> memref<1x224xi32, #tpu.memory_space<vmem>>
        %dma_wait3A_609 = tpu.memref_squeeze %dma_wait3A_608 : memref<1x224xi32, #tpu.memory_space<vmem>> -> memref<224xi32, #tpu.memory_space<vmem>>
        %dma_wait3A_610 = arith.constant 0 : i32
        %dma_wait3A_611 = tpu.memref_slice %arg10[%dma_wait3A_610] : memref<50176xf32, #tpu.memory_space<hbm>> -> memref<50176xf32, #tpu.memory_space<hbm>>
        tpu.wait_indirect_dma semaphore(%arg38 : memref<!tpu.dma_semaphore, #tpu.memory_space<semaphore_mem>>) src(%dma_wait3A_611 : memref<50176xf32, #tpu.memory_space<hbm>>) dst(%dma_wait3A_606 : memref<224xf32, #tpu.memory_space<vmem>>)
        %dma_wait3A_612 = arith.constant 4 : i32
        %dma_wait3A_613 = arith.constant 896 : i32
        %dma_wait3A_614 = tpu.memref_slice %arg21[%dma_wait3A_613] : memref<1568xf32, #tpu.memory_space<vmem>> -> memref<224xf32, #tpu.memory_space<vmem>>
        %dma_wait3A_615 = arith.constant 0 : i32
        %dma_wait3A_616 = tpu.memref_slice %arg20[%dma_wait3A_612, %dma_wait3A_615] : memref<7x224xi32, #tpu.memory_space<vmem>> -> memref<1x224xi32, #tpu.memory_space<vmem>>
        %dma_wait3A_617 = tpu.memref_squeeze %dma_wait3A_616 : memref<1x224xi32, #tpu.memory_space<vmem>> -> memref<224xi32, #tpu.memory_space<vmem>>
        %dma_wait3A_618 = arith.constant 0 : i32
        %dma_wait3A_619 = tpu.memref_slice %arg10[%dma_wait3A_618] : memref<50176xf32, #tpu.memory_space<hbm>> -> memref<50176xf32, #tpu.memory_space<hbm>>
        tpu.wait_indirect_dma semaphore(%arg38 : memref<!tpu.dma_semaphore, #tpu.memory_space<semaphore_mem>>) src(%dma_wait3A_619 : memref<50176xf32, #tpu.memory_space<hbm>>) dst(%dma_wait3A_614 : memref<224xf32, #tpu.memory_space<vmem>>)
        %dma_wait3A_620 = arith.constant 5 : i32
        %dma_wait3A_621 = arith.constant 1120 : i32
        %dma_wait3A_622 = tpu.memref_slice %arg21[%dma_wait3A_621] : memref<1568xf32, #tpu.memory_space<vmem>> -> memref<224xf32, #tpu.memory_space<vmem>>
        %dma_wait3A_623 = arith.constant 0 : i32
        %dma_wait3A_624 = tpu.memref_slice %arg20[%dma_wait3A_620, %dma_wait3A_623] : memref<7x224xi32, #tpu.memory_space<vmem>> -> memref<1x224xi32, #tpu.memory_space<vmem>>
        %dma_wait3A_625 = tpu.memref_squeeze %dma_wait3A_624 : memref<1x224xi32, #tpu.memory_space<vmem>> -> memref<224xi32, #tpu.memory_space<vmem>>
        %dma_wait3A_626 = arith.constant 0 : i32
        %dma_wait3A_627 = tpu.memref_slice %arg10[%dma_wait3A_626] : memref<50176xf32, #tpu.memory_space<hbm>> -> memref<50176xf32, #tpu.memory_space<hbm>>
        tpu.wait_indirect_dma semaphore(%arg38 : memref<!tpu.dma_semaphore, #tpu.memory_space<semaphore_mem>>) src(%dma_wait3A_627 : memref<50176xf32, #tpu.memory_space<hbm>>) dst(%dma_wait3A_622 : memref<224xf32, #tpu.memory_space<vmem>>)
        %dma_wait3A_628 = arith.constant 6 : i32
        %dma_wait3A_629 = arith.constant 1344 : i32
        %dma_wait3A_630 = tpu.memref_slice %arg21[%dma_wait3A_629] : memref<1568xf32, #tpu.memory_space<vmem>> -> memref<224xf32, #tpu.memory_space<vmem>>
        %dma_wait3A_631 = arith.constant 0 : i32
        %dma_wait3A_632 = tpu.memref_slice %arg20[%dma_wait3A_628, %dma_wait3A_631] : memref<7x224xi32, #tpu.memory_space<vmem>> -> memref<1x224xi32, #tpu.memory_space<vmem>>
        %dma_wait3A_633 = tpu.memref_squeeze %dma_wait3A_632 : memref<1x224xi32, #tpu.memory_space<vmem>> -> memref<224xi32, #tpu.memory_space<vmem>>
        %dma_wait3A_634 = arith.constant 0 : i32
        %dma_wait3A_635 = tpu.memref_slice %arg10[%dma_wait3A_634] : memref<50176xf32, #tpu.memory_space<hbm>> -> memref<50176xf32, #tpu.memory_space<hbm>>
        tpu.wait_indirect_dma semaphore(%arg38 : memref<!tpu.dma_semaphore, #tpu.memory_space<semaphore_mem>>) src(%dma_wait3A_635 : memref<50176xf32, #tpu.memory_space<hbm>>) dst(%dma_wait3A_630 : memref<224xf32, #tpu.memory_space<vmem>>)
        %mul3A_636 = arith.constant 1568 : i32
        %mul3A_637 = arith.muli %arg1, %mul3A_636 : i32
        %add3A_638 = arith.constant 0 : i32
        %add3A_639 = arith.addi %mul3A_637, %add3A_638 : i32
        %dma_start3A_640 = arith.constant 0 : i32
        %dma_start3A_641 = tpu.memref_slice %arg15[%add3A_639, %dma_start3A_640] : memref<25088x16xf32, #tpu.memory_space<vmem_shared>> -> memref<224x16xf32, #tpu.memory_space<vmem_shared>>
        %dma_start3A_642 = arith.constant 0 : i32
        %dma_start3A_643 = tpu.memref_slice %arg15[%add3A_639, %dma_start3A_642] : memref<25088x16xf32, #tpu.memory_space<vmem_shared>> -> memref<224x16xf32, #tpu.memory_space<vmem_shared>>
        tpu.enqueue_dma source(%dma_start3A_643 : memref<224x16xf32, #tpu.memory_space<vmem_shared>>) target(%arg22 : memref<224x16xf32, #tpu.memory_space<vmem>>) target_semaphore(%arg30 : memref<!tpu.dma_semaphore, #tpu.memory_space<semaphore_mem>>)
        %mul3A_644 = arith.constant 1568 : i32
        %mul3A_645 = arith.muli %arg1, %mul3A_644 : i32
        %add3A_646 = arith.constant 0 : i32
        %add3A_647 = arith.addi %mul3A_645, %add3A_646 : i32
        %dma_wait3A_648 = arith.constant 0 : i32
        %dma_wait3A_649 = tpu.memref_slice %arg15[%add3A_647, %dma_wait3A_648] : memref<25088x16xf32, #tpu.memory_space<vmem_shared>> -> memref<224x16xf32, #tpu.memory_space<vmem_shared>>
        %dma_wait3A_650 = arith.constant 0 : i32
        %dma_wait3A_651 = tpu.memref_slice %arg15[%add3A_647, %dma_wait3A_650] : memref<25088x16xf32, #tpu.memory_space<vmem_shared>> -> memref<224x16xf32, #tpu.memory_space<vmem_shared>>
        tpu.wait_dma2 semaphore(%arg30 : memref<!tpu.dma_semaphore, #tpu.memory_space<semaphore_mem>>) src(%dma_wait3A_651 : memref<224x16xf32, #tpu.memory_space<vmem_shared>>) dst(%arg22 : memref<224x16xf32, #tpu.memory_space<vmem>>)
        %scan3A_652 = arith.constant 0 : i32
        %scan3A_653 = arith.constant 14 : i32
        %scan3A_654 = arith.addi %scan3A_652, %scan3A_653 : i32
        %scan3A_655 = arith.constant 1 : i32
        scf.for %scan3A_757 = %scan3A_652 to %scan3A_654 step %scan3A_655  : i32 {
          %mul3A_758 = arith.constant 16 : i32
          %mul3A_759 = arith.muli %scan3A_757, %mul3A_758 : i32
          %add3A_760 = arith.constant 0 : i32
          %add3A_761 = arith.addi %add3A_760, %mul3A_759 : i32
          %get3A = arith.index_cast %add3A_761 : i32 to index
          %get3A_762 = tpu.vector_load %arg21[%get3A] {strides = array<i32>} : memref<1568xf32, #tpu.memory_space<vmem>>, vector<16xf32>,
          %mul3A_763 = arith.constant 16 : i32
          %mul3A_764 = arith.muli %scan3A_757, %mul3A_763 : i32
          %add3A_765 = arith.constant 0 : i32
          %add3A_766 = arith.addi %mul3A_764, %add3A_765 : i32
          %broadcast_in_dim3A_767 = arith.constant 0 : i32
          %broadcast_in_dim3A_768 = vector.broadcast %broadcast_in_dim3A_767 : i32 to vector<16xi32>
          %lt3A = arith.constant 0 : i32
          %lt3A_769 = vector.broadcast %lt3A : i32 to vector<16xi32>
          %lt3A_770 = arith.cmpi slt, %broadcast_in_dim3A_768, %lt3A_769 : vector<16xi32>
          %add3A_771 = arith.constant 16 : i32
          %add3A_772 = vector.broadcast %add3A_771 : i32 to vector<16xi32>
          %add3A_773 = arith.addi %broadcast_in_dim3A_768, %add3A_772 : vector<16xi32>
          %select_n3A = arith.select %lt3A_770, %add3A_773, %broadcast_in_dim3A_768 : vector<16xi1>, vector<16xi32>
          %broadcast_in_dim3A_774 = vector.shape_cast %select_n3A : vector<16xi32> to vector<16x1xi32>
          %gather3A_775 = vector.shape_cast %broadcast_in_dim3A_774 : vector<16x1xi32> to vector<16xi32>
          %gather3A_776 = tpu.dynamic_gather %get3A_762[%gather3A_775] in [0] : vector<16xf32>, vector<16xi32> -> vector<16xf32>
          %get3A_777 = arith.index_cast %add3A_766 : i32 to index
          %get3A_778 = arith.constant 0 : index
          %get3A_779 = tpu.vector_load %arg22[%get3A_777, %get3A_778] {strides = array<i32>} : memref<224x16xf32, #tpu.memory_space<vmem>>, vector<16xf32>,
          %mul3A_780 = arith.mulf %get3A_779, %gather3A : vector<16xf32>
          %add3A_781 = arith.addf %mul3A_780, %gather3A_776 : vector<16xf32>
          %abs3A = math.absf %add3A_781 : vector<16xf32>
          %mul3A_782 = arith.constant -2.000000e+00 : f32
          %mul3A_783 = vector.broadcast %mul3A_782 : f32 to vector<16xf32>
          %mul3A_784 = arith.mulf %mul3A_783, %abs3A : vector<16xf32>
          %exp3A = math.exp %mul3A_784 : vector<16xf32>
          %sub3A = arith.constant 1.000000e+00 : f32
          %sub3A_785 = vector.broadcast %sub3A : f32 to vector<16xf32>
          %sub3A_786 = arith.subf %sub3A_785, %exp3A : vector<16xf32>
          %add3A_787 = arith.constant 1.000000e+00 : f32
          %add3A_788 = vector.broadcast %add3A_787 : f32 to vector<16xf32>
          %add3A_789 = arith.addf %add3A_788, %exp3A : vector<16xf32>
          %div3A = arith.divf %sub3A_786, %add3A_789 : vector<16xf32>
          %lt3A_790 = arith.constant 0.000000e+00 : f32
          %lt3A_791 = vector.broadcast %lt3A_790 : f32 to vector<16xf32>
          %lt3A_792 = arith.cmpf olt, %add3A_781, %lt3A_791 : vector<16xf32>
          %neg3A = arith.constant 0.000000e+00 : f32
          %neg3A_793 = vector.broadcast %neg3A : f32 to vector<16xf32>
          %neg3A_794 = arith.subf %neg3A_793, %div3A : vector<16xf32>
          %select_n3A_795 = arith.select %lt3A_792, %neg3A_794, %div3A : vector<16xi1>, vector<16xf32>
          %swap3A = arith.index_cast %add3A_766 : i32 to index
          %swap3A_796 = arith.constant 0 : index
          %swap3A_797 = tpu.vector_load %arg22[%swap3A, %swap3A_796] {strides = array<i32>} : memref<224x16xf32, #tpu.memory_space<vmem>>, vector<16xf32>,
          tpu.vector_store %arg22[%swap3A, %swap3A_796], %select_n3A_795 {strides = array<i32>} : memref<224x16xf32, #tpu.memory_space<vmem>>, vector<16xf32>,
          %mul3A_798 = arith.constant 16 : i32
          %mul3A_799 = arith.muli %scan3A_757, %mul3A_798 : i32
          %add3A_800 = arith.constant 1 : i32
          %add3A_801 = arith.addi %mul3A_799, %add3A_800 : i32
          %broadcast_in_dim3A_802 = arith.constant 1 : i32
          %broadcast_in_dim3A_803 = vector.broadcast %broadcast_in_dim3A_802 : i32 to vector<16xi32>
          %lt3A_804 = arith.constant 0 : i32
          %lt3A_805 = vector.broadcast %lt3A_804 : i32 to vector<16xi32>
          %lt3A_806 = arith.cmpi slt, %broadcast_in_dim3A_803, %lt3A_805 : vector<16xi32>
          %add3A_807 = arith.constant 16 : i32
          %add3A_808 = vector.broadcast %add3A_807 : i32 to vector<16xi32>
          %add3A_809 = arith.addi %broadcast_in_dim3A_803, %add3A_808 : vector<16xi32>
          %select_n3A_810 = arith.select %lt3A_806, %add3A_809, %broadcast_in_dim3A_803 : vector<16xi1>, vector<16xi32>
          %broadcast_in_dim3A_811 = vector.shape_cast %select_n3A_810 : vector<16xi32> to vector<16x1xi32>
          %gather3A_812 = vector.shape_cast %broadcast_in_dim3A_811 : vector<16x1xi32> to vector<16xi32>
          %gather3A_813 = tpu.dynamic_gather %get3A_762[%gather3A_812] in [0] : vector<16xf32>, vector<16xi32> -> vector<16xf32>
          %get3A_814 = arith.index_cast %add3A_801 : i32 to index
          %get3A_815 = arith.constant 0 : index
          %get3A_816 = tpu.vector_load %arg22[%get3A_814, %get3A_815] {strides = array<i32>} : memref<224x16xf32, #tpu.memory_space<vmem>>, vector<16xf32>,
          %mul3A_817 = arith.mulf %get3A_816, %gather3A : vector<16xf32>
          %add3A_818 = arith.addf %mul3A_817, %gather3A_813 : vector<16xf32>
          %abs3A_819 = math.absf %add3A_818 : vector<16xf32>
          %mul3A_820 = arith.constant -2.000000e+00 : f32
          %mul3A_821 = vector.broadcast %mul3A_820 : f32 to vector<16xf32>
          %mul3A_822 = arith.mulf %mul3A_821, %abs3A_819 : vector<16xf32>
          %exp3A_823 = math.exp %mul3A_822 : vector<16xf32>
          %sub3A_824 = arith.constant 1.000000e+00 : f32
          %sub3A_825 = vector.broadcast %sub3A_824 : f32 to vector<16xf32>
          %sub3A_826 = arith.subf %sub3A_825, %exp3A_823 : vector<16xf32>
          %add3A_827 = arith.constant 1.000000e+00 : f32
          %add3A_828 = vector.broadcast %add3A_827 : f32 to vector<16xf32>
          %add3A_829 = arith.addf %add3A_828, %exp3A_823 : vector<16xf32>
          %div3A_830 = arith.divf %sub3A_826, %add3A_829 : vector<16xf32>
          %lt3A_831 = arith.constant 0.000000e+00 : f32
          %lt3A_832 = vector.broadcast %lt3A_831 : f32 to vector<16xf32>
          %lt3A_833 = arith.cmpf olt, %add3A_818, %lt3A_832 : vector<16xf32>
          %neg3A_834 = arith.constant 0.000000e+00 : f32
          %neg3A_835 = vector.broadcast %neg3A_834 : f32 to vector<16xf32>
          %neg3A_836 = arith.subf %neg3A_835, %div3A_830 : vector<16xf32>
          %select_n3A_837 = arith.select %lt3A_833, %neg3A_836, %div3A_830 : vector<16xi1>, vector<16xf32>
          %swap3A_838 = arith.index_cast %add3A_801 : i32 to index
          %swap3A_839 = arith.constant 0 : index
          %swap3A_840 = tpu.vector_load %arg22[%swap3A_838, %swap3A_839] {strides = array<i32>} : memref<224x16xf32, #tpu.memory_space<vmem>>, vector<16xf32>,
          tpu.vector_store %arg22[%swap3A_838, %swap3A_839], %select_n3A_837 {strides = array<i32>} : memref<224x16xf32, #tpu.memory_space<vmem>>, vector<16xf32>,
          %mul3A_841 = arith.constant 16 : i32
          %mul3A_842 = arith.muli %scan3A_757, %mul3A_841 : i32
          %add3A_843 = arith.constant 2 : i32
          %add3A_844 = arith.addi %mul3A_842, %add3A_843 : i32
          %broadcast_in_dim3A_845 = arith.constant 2 : i32
          %broadcast_in_dim3A_846 = vector.broadcast %broadcast_in_dim3A_845 : i32 to vector<16xi32>
          %lt3A_847 = arith.constant 0 : i32
          %lt3A_848 = vector.broadcast %lt3A_847 : i32 to vector<16xi32>
          %lt3A_849 = arith.cmpi slt, %broadcast_in_dim3A_846, %lt3A_848 : vector<16xi32>
          %add3A_850 = arith.constant 16 : i32
          %add3A_851 = vector.broadcast %add3A_850 : i32 to vector<16xi32>
          %add3A_852 = arith.addi %broadcast_in_dim3A_846, %add3A_851 : vector<16xi32>
          %select_n3A_853 = arith.select %lt3A_849, %add3A_852, %broadcast_in_dim3A_846 : vector<16xi1>, vector<16xi32>
          %broadcast_in_dim3A_854 = vector.shape_cast %select_n3A_853 : vector<16xi32> to vector<16x1xi32>
          %gather3A_855 = vector.shape_cast %broadcast_in_dim3A_854 : vector<16x1xi32> to vector<16xi32>
          %gather3A_856 = tpu.dynamic_gather %get3A_762[%gather3A_855] in [0] : vector<16xf32>, vector<16xi32> -> vector<16xf32>
          %get3A_857 = arith.index_cast %add3A_844 : i32 to index
          %get3A_858 = arith.constant 0 : index
          %get3A_859 = tpu.vector_load %arg22[%get3A_857, %get3A_858] {strides = array<i32>} : memref<224x16xf32, #tpu.memory_space<vmem>>, vector<16xf32>,
          %mul3A_860 = arith.mulf %get3A_859, %gather3A : vector<16xf32>
          %add3A_861 = arith.addf %mul3A_860, %gather3A_856 : vector<16xf32>
          %abs3A_862 = math.absf %add3A_861 : vector<16xf32>
          %mul3A_863 = arith.constant -2.000000e+00 : f32
          %mul3A_864 = vector.broadcast %mul3A_863 : f32 to vector<16xf32>
          %mul3A_865 = arith.mulf %mul3A_864, %abs3A_862 : vector<16xf32>
          %exp3A_866 = math.exp %mul3A_865 : vector<16xf32>
          %sub3A_867 = arith.constant 1.000000e+00 : f32
          %sub3A_868 = vector.broadcast %sub3A_867 : f32 to vector<16xf32>
          %sub3A_869 = arith.subf %sub3A_868, %exp3A_866 : vector<16xf32>
          %add3A_870 = arith.constant 1.000000e+00 : f32
          %add3A_871 = vector.broadcast %add3A_870 : f32 to vector<16xf32>
          %add3A_872 = arith.addf %add3A_871, %exp3A_866 : vector<16xf32>
          %div3A_873 = arith.divf %sub3A_869, %add3A_872 : vector<16xf32>
          %lt3A_874 = arith.constant 0.000000e+00 : f32
          %lt3A_875 = vector.broadcast %lt3A_874 : f32 to vector<16xf32>
          %lt3A_876 = arith.cmpf olt, %add3A_861, %lt3A_875 : vector<16xf32>
          %neg3A_877 = arith.constant 0.000000e+00 : f32
          %neg3A_878 = vector.broadcast %neg3A_877 : f32 to vector<16xf32>
          %neg3A_879 = arith.subf %neg3A_878, %div3A_873 : vector<16xf32>
          %select_n3A_880 = arith.select %lt3A_876, %neg3A_879, %div3A_873 : vector<16xi1>, vector<16xf32>
          %swap3A_881 = arith.index_cast %add3A_844 : i32 to index
          %swap3A_882 = arith.constant 0 : index
          %swap3A_883 = tpu.vector_load %arg22[%swap3A_881, %swap3A_882] {strides = array<i32>} : memref<224x16xf32, #tpu.memory_space<vmem>>, vector<16xf32>,
          tpu.vector_store %arg22[%swap3A_881, %swap3A_882], %select_n3A_880 {strides = array<i32>} : memref<224x16xf32, #tpu.memory_space<vmem>>, vector<16xf32>,
          %mul3A_884 = arith.constant 16 : i32
          %mul3A_885 = arith.muli %scan3A_757, %mul3A_884 : i32
          %add3A_886 = arith.constant 3 : i32
          %add3A_887 = arith.addi %mul3A_885, %add3A_886 : i32
          %broadcast_in_dim3A_888 = arith.constant 3 : i32
          %broadcast_in_dim3A_889 = vector.broadcast %broadcast_in_dim3A_888 : i32 to vector<16xi32>
          %lt3A_890 = arith.constant 0 : i32
          %lt3A_891 = vector.broadcast %lt3A_890 : i32 to vector<16xi32>
          %lt3A_892 = arith.cmpi slt, %broadcast_in_dim3A_889, %lt3A_891 : vector<16xi32>
          %add3A_893 = arith.constant 16 : i32
          %add3A_894 = vector.broadcast %add3A_893 : i32 to vector<16xi32>
          %add3A_895 = arith.addi %broadcast_in_dim3A_889, %add3A_894 : vector<16xi32>
          %select_n3A_896 = arith.select %lt3A_892, %add3A_895, %broadcast_in_dim3A_889 : vector<16xi1>, vector<16xi32>
          %broadcast_in_dim3A_897 = vector.shape_cast %select_n3A_896 : vector<16xi32> to vector<16x1xi32>
          %gather3A_898 = vector.shape_cast %broadcast_in_dim3A_897 : vector<16x1xi32> to vector<16xi32>
          %gather3A_899 = tpu.dynamic_gather %get3A_762[%gather3A_898] in [0] : vector<16xf32>, vector<16xi32> -> vector<16xf32>
          %get3A_900 = arith.index_cast %add3A_887 : i32 to index
          %get3A_901 = arith.constant 0 : index
          %get3A_902 = tpu.vector_load %arg22[%get3A_900, %get3A_901] {strides = array<i32>} : memref<224x16xf32, #tpu.memory_space<vmem>>, vector<16xf32>,
          %mul3A_903 = arith.mulf %get3A_902, %gather3A : vector<16xf32>
          %add3A_904 = arith.addf %mul3A_903, %gather3A_899 : vector<16xf32>
          %abs3A_905 = math.absf %add3A_904 : vector<16xf32>
          %mul3A_906 = arith.constant -2.000000e+00 : f32
          %mul3A_907 = vector.broadcast %mul3A_906 : f32 to vector<16xf32>
          %mul3A_908 = arith.mulf %mul3A_907, %abs3A_905 : vector<16xf32>
          %exp3A_909 = math.exp %mul3A_908 : vector<16xf32>
          %sub3A_910 = arith.constant 1.000000e+00 : f32
          %sub3A_911 = vector.broadcast %sub3A_910 : f32 to vector<16xf32>
          %sub3A_912 = arith.subf %sub3A_911, %exp3A_909 : vector<16xf32>
          %add3A_913 = arith.constant 1.000000e+00 : f32
          %add3A_914 = vector.broadcast %add3A_913 : f32 to vector<16xf32>
          %add3A_915 = arith.addf %add3A_914, %exp3A_909 : vector<16xf32>
          %div3A_916 = arith.divf %sub3A_912, %add3A_915 : vector<16xf32>
          %lt3A_917 = arith.constant 0.000000e+00 : f32
          %lt3A_918 = vector.broadcast %lt3A_917 : f32 to vector<16xf32>
          %lt3A_919 = arith.cmpf olt, %add3A_904, %lt3A_918 : vector<16xf32>
          %neg3A_920 = arith.constant 0.000000e+00 : f32
          %neg3A_921 = vector.broadcast %neg3A_920 : f32 to vector<16xf32>
          %neg3A_922 = arith.subf %neg3A_921, %div3A_916 : vector<16xf32>
          %select_n3A_923 = arith.select %lt3A_919, %neg3A_922, %div3A_916 : vector<16xi1>, vector<16xf32>
          %swap3A_924 = arith.index_cast %add3A_887 : i32 to index
          %swap3A_925 = arith.constant 0 : index
          %swap3A_926 = tpu.vector_load %arg22[%swap3A_924, %swap3A_925] {strides = array<i32>} : memref<224x16xf32, #tpu.memory_space<vmem>>, vector<16xf32>,
          tpu.vector_store %arg22[%swap3A_924, %swap3A_925], %select_n3A_923 {strides = array<i32>} : memref<224x16xf32, #tpu.memory_space<vmem>>, vector<16xf32>,
          %mul3A_927 = arith.constant 16 : i32
          %mul3A_928 = arith.muli %scan3A_757, %mul3A_927 : i32
          %add3A_929 = arith.constant 4 : i32
          %add3A_930 = arith.addi %mul3A_928, %add3A_929 : i32
          %broadcast_in_dim3A_931 = arith.constant 4 : i32
          %broadcast_in_dim3A_932 = vector.broadcast %broadcast_in_dim3A_931 : i32 to vector<16xi32>
          %lt3A_933 = arith.constant 0 : i32
          %lt3A_934 = vector.broadcast %lt3A_933 : i32 to vector<16xi32>
          %lt3A_935 = arith.cmpi slt, %broadcast_in_dim3A_932, %lt3A_934 : vector<16xi32>
          %add3A_936 = arith.constant 16 : i32
          %add3A_937 = vector.broadcast %add3A_936 : i32 to vector<16xi32>
          %add3A_938 = arith.addi %broadcast_in_dim3A_932, %add3A_937 : vector<16xi32>
          %select_n3A_939 = arith.select %lt3A_935, %add3A_938, %broadcast_in_dim3A_932 : vector<16xi1>, vector<16xi32>
          %broadcast_in_dim3A_940 = vector.shape_cast %select_n3A_939 : vector<16xi32> to vector<16x1xi32>
          %gather3A_941 = vector.shape_cast %broadcast_in_dim3A_940 : vector<16x1xi32> to vector<16xi32>
          %gather3A_942 = tpu.dynamic_gather %get3A_762[%gather3A_941] in [0] : vector<16xf32>, vector<16xi32> -> vector<16xf32>
          %get3A_943 = arith.index_cast %add3A_930 : i32 to index
          %get3A_944 = arith.constant 0 : index
          %get3A_945 = tpu.vector_load %arg22[%get3A_943, %get3A_944] {strides = array<i32>} : memref<224x16xf32, #tpu.memory_space<vmem>>, vector<16xf32>,
          %mul3A_946 = arith.mulf %get3A_945, %gather3A : vector<16xf32>
          %add3A_947 = arith.addf %mul3A_946, %gather3A_942 : vector<16xf32>
          %abs3A_948 = math.absf %add3A_947 : vector<16xf32>
          %mul3A_949 = arith.constant -2.000000e+00 : f32
          %mul3A_950 = vector.broadcast %mul3A_949 : f32 to vector<16xf32>
          %mul3A_951 = arith.mulf %mul3A_950, %abs3A_948 : vector<16xf32>
          %exp3A_952 = math.exp %mul3A_951 : vector<16xf32>
          %sub3A_953 = arith.constant 1.000000e+00 : f32
          %sub3A_954 = vector.broadcast %sub3A_953 : f32 to vector<16xf32>
          %sub3A_955 = arith.subf %sub3A_954, %exp3A_952 : vector<16xf32>
          %add3A_956 = arith.constant 1.000000e+00 : f32
          %add3A_957 = vector.broadcast %add3A_956 : f32 to vector<16xf32>
          %add3A_958 = arith.addf %add3A_957, %exp3A_952 : vector<16xf32>
          %div3A_959 = arith.divf %sub3A_955, %add3A_958 : vector<16xf32>
          %lt3A_960 = arith.constant 0.000000e+00 : f32
          %lt3A_961 = vector.broadcast %lt3A_960 : f32 to vector<16xf32>
          %lt3A_962 = arith.cmpf olt, %add3A_947, %lt3A_961 : vector<16xf32>
          %neg3A_963 = arith.constant 0.000000e+00 : f32
          %neg3A_964 = vector.broadcast %neg3A_963 : f32 to vector<16xf32>
          %neg3A_965 = arith.subf %neg3A_964, %div3A_959 : vector<16xf32>
          %select_n3A_966 = arith.select %lt3A_962, %neg3A_965, %div3A_959 : vector<16xi1>, vector<16xf32>
          %swap3A_967 = arith.index_cast %add3A_930 : i32 to index
          %swap3A_968 = arith.constant 0 : index
          %swap3A_969 = tpu.vector_load %arg22[%swap3A_967, %swap3A_968] {strides = array<i32>} : memref<224x16xf32, #tpu.memory_space<vmem>>, vector<16xf32>,
          tpu.vector_store %arg22[%swap3A_967, %swap3A_968], %select_n3A_966 {strides = array<i32>} : memref<224x16xf32, #tpu.memory_space<vmem>>, vector<16xf32>,
          %mul3A_970 = arith.constant 16 : i32
          %mul3A_971 = arith.muli %scan3A_757, %mul3A_970 : i32
          %add3A_972 = arith.constant 5 : i32
          %add3A_973 = arith.addi %mul3A_971, %add3A_972 : i32
          %broadcast_in_dim3A_974 = arith.constant 5 : i32
          %broadcast_in_dim3A_975 = vector.broadcast %broadcast_in_dim3A_974 : i32 to vector<16xi32>
          %lt3A_976 = arith.constant 0 : i32
          %lt3A_977 = vector.broadcast %lt3A_976 : i32 to vector<16xi32>
          %lt3A_978 = arith.cmpi slt, %broadcast_in_dim3A_975, %lt3A_977 : vector<16xi32>
          %add3A_979 = arith.constant 16 : i32
          %add3A_980 = vector.broadcast %add3A_979 : i32 to vector<16xi32>
          %add3A_981 = arith.addi %broadcast_in_dim3A_975, %add3A_980 : vector<16xi32>
          %select_n3A_982 = arith.select %lt3A_978, %add3A_981, %broadcast_in_dim3A_975 : vector<16xi1>, vector<16xi32>
          %broadcast_in_dim3A_983 = vector.shape_cast %select_n3A_982 : vector<16xi32> to vector<16x1xi32>
          %gather3A_984 = vector.shape_cast %broadcast_in_dim3A_983 : vector<16x1xi32> to vector<16xi32>
          %gather3A_985 = tpu.dynamic_gather %get3A_762[%gather3A_984] in [0] : vector<16xf32>, vector<16xi32> -> vector<16xf32>
          %get3A_986 = arith.index_cast %add3A_973 : i32 to index
          %get3A_987 = arith.constant 0 : index
          %get3A_988 = tpu.vector_load %arg22[%get3A_986, %get3A_987] {strides = array<i32>} : memref<224x16xf32, #tpu.memory_space<vmem>>, vector<16xf32>,
          %mul3A_989 = arith.mulf %get3A_988, %gather3A : vector<16xf32>
          %add3A_990 = arith.addf %mul3A_989, %gather3A_985 : vector<16xf32>
          %abs3A_991 = math.absf %add3A_990 : vector<16xf32>
          %mul3A_992 = arith.constant -2.000000e+00 : f32
          %mul3A_993 = vector.broadcast %mul3A_992 : f32 to vector<16xf32>
          %mul3A_994 = arith.mulf %mul3A_993, %abs3A_991 : vector<16xf32>
          %exp3A_995 = math.exp %mul3A_994 : vector<16xf32>
          %sub3A_996 = arith.constant 1.000000e+00 : f32
          %sub3A_997 = vector.broadcast %sub3A_996 : f32 to vector<16xf32>
          %sub3A_998 = arith.subf %sub3A_997, %exp3A_995 : vector<16xf32>
          %add3A_999 = arith.constant 1.000000e+00 : f32
          %add3A_1000 = vector.broadcast %add3A_999 : f32 to vector<16xf32>
          %add3A_1001 = arith.addf %add3A_1000, %exp3A_995 : vector<16xf32>
          %div3A_1002 = arith.divf %sub3A_998, %add3A_1001 : vector<16xf32>
          %lt3A_1003 = arith.constant 0.000000e+00 : f32
          %lt3A_1004 = vector.broadcast %lt3A_1003 : f32 to vector<16xf32>
          %lt3A_1005 = arith.cmpf olt, %add3A_990, %lt3A_1004 : vector<16xf32>
          %neg3A_1006 = arith.constant 0.000000e+00 : f32
          %neg3A_1007 = vector.broadcast %neg3A_1006 : f32 to vector<16xf32>
          %neg3A_1008 = arith.subf %neg3A_1007, %div3A_1002 : vector<16xf32>
          %select_n3A_1009 = arith.select %lt3A_1005, %neg3A_1008, %div3A_1002 : vector<16xi1>, vector<16xf32>
          %swap3A_1010 = arith.index_cast %add3A_973 : i32 to index
          %swap3A_1011 = arith.constant 0 : index
          %swap3A_1012 = tpu.vector_load %arg22[%swap3A_1010, %swap3A_1011] {strides = array<i32>} : memref<224x16xf32, #tpu.memory_space<vmem>>, vector<16xf32>,
          tpu.vector_store %arg22[%swap3A_1010, %swap3A_1011], %select_n3A_1009 {strides = array<i32>} : memref<224x16xf32, #tpu.memory_space<vmem>>, vector<16xf32>,
          %mul3A_1013 = arith.constant 16 : i32
          %mul3A_1014 = arith.muli %scan3A_757, %mul3A_1013 : i32
          %add3A_1015 = arith.constant 6 : i32
          %add3A_1016 = arith.addi %mul3A_1014, %add3A_1015 : i32
          %broadcast_in_dim3A_1017 = arith.constant 6 : i32
          %broadcast_in_dim3A_1018 = vector.broadcast %broadcast_in_dim3A_1017 : i32 to vector<16xi32>
          %lt3A_1019 = arith.constant 0 : i32
          %lt3A_1020 = vector.broadcast %lt3A_1019 : i32 to vector<16xi32>
          %lt3A_1021 = arith.cmpi slt, %broadcast_in_dim3A_1018, %lt3A_1020 : vector<16xi32>
          %add3A_1022 = arith.constant 16 : i32
          %add3A_1023 = vector.broadcast %add3A_1022 : i32 to vector<16xi32>
          %add3A_1024 = arith.addi %broadcast_in_dim3A_1018, %add3A_1023 : vector<16xi32>
          %select_n3A_1025 = arith.select %lt3A_1021, %add3A_1024, %broadcast_in_dim3A_1018 : vector<16xi1>, vector<16xi32>
          %broadcast_in_dim3A_1026 = vector.shape_cast %select_n3A_1025 : vector<16xi32> to vector<16x1xi32>
          %gather3A_1027 = vector.shape_cast %broadcast_in_dim3A_1026 : vector<16x1xi32> to vector<16xi32>
          %gather3A_1028 = tpu.dynamic_gather %get3A_762[%gather3A_1027] in [0] : vector<16xf32>, vector<16xi32> -> vector<16xf32>
          %get3A_1029 = arith.index_cast %add3A_1016 : i32 to index
          %get3A_1030 = arith.constant 0 : index
          %get3A_1031 = tpu.vector_load %arg22[%get3A_1029, %get3A_1030] {strides = array<i32>} : memref<224x16xf32, #tpu.memory_space<vmem>>, vector<16xf32>,
          %mul3A_1032 = arith.mulf %get3A_1031, %gather3A : vector<16xf32>
          %add3A_1033 = arith.addf %mul3A_1032, %gather3A_1028 : vector<16xf32>
          %abs3A_1034 = math.absf %add3A_1033 : vector<16xf32>
          %mul3A_1035 = arith.constant -2.000000e+00 : f32
          %mul3A_1036 = vector.broadcast %mul3A_1035 : f32 to vector<16xf32>
          %mul3A_1037 = arith.mulf %mul3A_1036, %abs3A_1034 : vector<16xf32>
          %exp3A_1038 = math.exp %mul3A_1037 : vector<16xf32>
          %sub3A_1039 = arith.constant 1.000000e+00 : f32
          %sub3A_1040 = vector.broadcast %sub3A_1039 : f32 to vector<16xf32>
          %sub3A_1041 = arith.subf %sub3A_1040, %exp3A_1038 : vector<16xf32>
          %add3A_1042 = arith.constant 1.000000e+00 : f32
          %add3A_1043 = vector.broadcast %add3A_1042 : f32 to vector<16xf32>
          %add3A_1044 = arith.addf %add3A_1043, %exp3A_1038 : vector<16xf32>
          %div3A_1045 = arith.divf %sub3A_1041, %add3A_1044 : vector<16xf32>
          %lt3A_1046 = arith.constant 0.000000e+00 : f32
          %lt3A_1047 = vector.broadcast %lt3A_1046 : f32 to vector<16xf32>
          %lt3A_1048 = arith.cmpf olt, %add3A_1033, %lt3A_1047 : vector<16xf32>
          %neg3A_1049 = arith.constant 0.000000e+00 : f32
          %neg3A_1050 = vector.broadcast %neg3A_1049 : f32 to vector<16xf32>
          %neg3A_1051 = arith.subf %neg3A_1050, %div3A_1045 : vector<16xf32>
          %select_n3A_1052 = arith.select %lt3A_1048, %neg3A_1051, %div3A_1045 : vector<16xi1>, vector<16xf32>
          %swap3A_1053 = arith.index_cast %add3A_1016 : i32 to index
          %swap3A_1054 = arith.constant 0 : index
          %swap3A_1055 = tpu.vector_load %arg22[%swap3A_1053, %swap3A_1054] {strides = array<i32>} : memref<224x16xf32, #tpu.memory_space<vmem>>, vector<16xf32>,
          tpu.vector_store %arg22[%swap3A_1053, %swap3A_1054], %select_n3A_1052 {strides = array<i32>} : memref<224x16xf32, #tpu.memory_space<vmem>>, vector<16xf32>,
          %mul3A_1056 = arith.constant 16 : i32
          %mul3A_1057 = arith.muli %scan3A_757, %mul3A_1056 : i32
          %add3A_1058 = arith.constant 7 : i32
          %add3A_1059 = arith.addi %mul3A_1057, %add3A_1058 : i32
          %broadcast_in_dim3A_1060 = arith.constant 7 : i32
          %broadcast_in_dim3A_1061 = vector.broadcast %broadcast_in_dim3A_1060 : i32 to vector<16xi32>
          %lt3A_1062 = arith.constant 0 : i32
          %lt3A_1063 = vector.broadcast %lt3A_1062 : i32 to vector<16xi32>
          %lt3A_1064 = arith.cmpi slt, %broadcast_in_dim3A_1061, %lt3A_1063 : vector<16xi32>
          %add3A_1065 = arith.constant 16 : i32
          %add3A_1066 = vector.broadcast %add3A_1065 : i32 to vector<16xi32>
          %add3A_1067 = arith.addi %broadcast_in_dim3A_1061, %add3A_1066 : vector<16xi32>
          %select_n3A_1068 = arith.select %lt3A_1064, %add3A_1067, %broadcast_in_dim3A_1061 : vector<16xi1>, vector<16xi32>
          %broadcast_in_dim3A_1069 = vector.shape_cast %select_n3A_1068 : vector<16xi32> to vector<16x1xi32>
          %gather3A_1070 = vector.shape_cast %broadcast_in_dim3A_1069 : vector<16x1xi32> to vector<16xi32>
          %gather3A_1071 = tpu.dynamic_gather %get3A_762[%gather3A_1070] in [0] : vector<16xf32>, vector<16xi32> -> vector<16xf32>
          %get3A_1072 = arith.index_cast %add3A_1059 : i32 to index
          %get3A_1073 = arith.constant 0 : index
          %get3A_1074 = tpu.vector_load %arg22[%get3A_1072, %get3A_1073] {strides = array<i32>} : memref<224x16xf32, #tpu.memory_space<vmem>>, vector<16xf32>,
          %mul3A_1075 = arith.mulf %get3A_1074, %gather3A : vector<16xf32>
          %add3A_1076 = arith.addf %mul3A_1075, %gather3A_1071 : vector<16xf32>
          %abs3A_1077 = math.absf %add3A_1076 : vector<16xf32>
          %mul3A_1078 = arith.constant -2.000000e+00 : f32
          %mul3A_1079 = vector.broadcast %mul3A_1078 : f32 to vector<16xf32>
          %mul3A_1080 = arith.mulf %mul3A_1079, %abs3A_1077 : vector<16xf32>
          %exp3A_1081 = math.exp %mul3A_1080 : vector<16xf32>
          %sub3A_1082 = arith.constant 1.000000e+00 : f32
          %sub3A_1083 = vector.broadcast %sub3A_1082 : f32 to vector<16xf32>
          %sub3A_1084 = arith.subf %sub3A_1083, %exp3A_1081 : vector<16xf32>
          %add3A_1085 = arith.constant 1.000000e+00 : f32
          %add3A_1086 = vector.broadcast %add3A_1085 : f32 to vector<16xf32>
          %add3A_1087 = arith.addf %add3A_1086, %exp3A_1081 : vector<16xf32>
          %div3A_1088 = arith.divf %sub3A_1084, %add3A_1087 : vector<16xf32>
          %lt3A_1089 = arith.constant 0.000000e+00 : f32
          %lt3A_1090 = vector.broadcast %lt3A_1089 : f32 to vector<16xf32>
          %lt3A_1091 = arith.cmpf olt, %add3A_1076, %lt3A_1090 : vector<16xf32>
          %neg3A_1092 = arith.constant 0.000000e+00 : f32
          %neg3A_1093 = vector.broadcast %neg3A_1092 : f32 to vector<16xf32>
          %neg3A_1094 = arith.subf %neg3A_1093, %div3A_1088 : vector<16xf32>
          %select_n3A_1095 = arith.select %lt3A_1091, %neg3A_1094, %div3A_1088 : vector<16xi1>, vector<16xf32>
          %swap3A_1096 = arith.index_cast %add3A_1059 : i32 to index
          %swap3A_1097 = arith.constant 0 : index
          %swap3A_1098 = tpu.vector_load %arg22[%swap3A_1096, %swap3A_1097] {strides = array<i32>} : memref<224x16xf32, #tpu.memory_space<vmem>>, vector<16xf32>,
          tpu.vector_store %arg22[%swap3A_1096, %swap3A_1097], %select_n3A_1095 {strides = array<i32>} : memref<224x16xf32, #tpu.memory_space<vmem>>, vector<16xf32>,
          %mul3A_1099 = arith.constant 16 : i32
          %mul3A_1100 = arith.muli %scan3A_757, %mul3A_1099 : i32
          %add3A_1101 = arith.constant 8 : i32
          %add3A_1102 = arith.addi %mul3A_1100, %add3A_1101 : i32
          %broadcast_in_dim3A_1103 = arith.constant 8 : i32
          %broadcast_in_dim3A_1104 = vector.broadcast %broadcast_in_dim3A_1103 : i32 to vector<16xi32>
          %lt3A_1105 = arith.constant 0 : i32
          %lt3A_1106 = vector.broadcast %lt3A_1105 : i32 to vector<16xi32>
          %lt3A_1107 = arith.cmpi slt, %broadcast_in_dim3A_1104, %lt3A_1106 : vector<16xi32>
          %add3A_1108 = arith.constant 16 : i32
          %add3A_1109 = vector.broadcast %add3A_1108 : i32 to vector<16xi32>
          %add3A_1110 = arith.addi %broadcast_in_dim3A_1104, %add3A_1109 : vector<16xi32>
          %select_n3A_1111 = arith.select %lt3A_1107, %add3A_1110, %broadcast_in_dim3A_1104 : vector<16xi1>, vector<16xi32>
          %broadcast_in_dim3A_1112 = vector.shape_cast %select_n3A_1111 : vector<16xi32> to vector<16x1xi32>
          %gather3A_1113 = vector.shape_cast %broadcast_in_dim3A_1112 : vector<16x1xi32> to vector<16xi32>
          %gather3A_1114 = tpu.dynamic_gather %get3A_762[%gather3A_1113] in [0] : vector<16xf32>, vector<16xi32> -> vector<16xf32>
          %get3A_1115 = arith.index_cast %add3A_1102 : i32 to index
          %get3A_1116 = arith.constant 0 : index
          %get3A_1117 = tpu.vector_load %arg22[%get3A_1115, %get3A_1116] {strides = array<i32>} : memref<224x16xf32, #tpu.memory_space<vmem>>, vector<16xf32>,
          %mul3A_1118 = arith.mulf %get3A_1117, %gather3A : vector<16xf32>
          %add3A_1119 = arith.addf %mul3A_1118, %gather3A_1114 : vector<16xf32>
          %abs3A_1120 = math.absf %add3A_1119 : vector<16xf32>
          %mul3A_1121 = arith.constant -2.000000e+00 : f32
          %mul3A_1122 = vector.broadcast %mul3A_1121 : f32 to vector<16xf32>
          %mul3A_1123 = arith.mulf %mul3A_1122, %abs3A_1120 : vector<16xf32>
          %exp3A_1124 = math.exp %mul3A_1123 : vector<16xf32>
          %sub3A_1125 = arith.constant 1.000000e+00 : f32
          %sub3A_1126 = vector.broadcast %sub3A_1125 : f32 to vector<16xf32>
          %sub3A_1127 = arith.subf %sub3A_1126, %exp3A_1124 : vector<16xf32>
          %add3A_1128 = arith.constant 1.000000e+00 : f32
          %add3A_1129 = vector.broadcast %add3A_1128 : f32 to vector<16xf32>
          %add3A_1130 = arith.addf %add3A_1129, %exp3A_1124 : vector<16xf32>
          %div3A_1131 = arith.divf %sub3A_1127, %add3A_1130 : vector<16xf32>
          %lt3A_1132 = arith.constant 0.000000e+00 : f32
          %lt3A_1133 = vector.broadcast %lt3A_1132 : f32 to vector<16xf32>
          %lt3A_1134 = arith.cmpf olt, %add3A_1119, %lt3A_1133 : vector<16xf32>
          %neg3A_1135 = arith.constant 0.000000e+00 : f32
          %neg3A_1136 = vector.broadcast %neg3A_1135 : f32 to vector<16xf32>
          %neg3A_1137 = arith.subf %neg3A_1136, %div3A_1131 : vector<16xf32>
          %select_n3A_1138 = arith.select %lt3A_1134, %neg3A_1137, %div3A_1131 : vector<16xi1>, vector<16xf32>
          %swap3A_1139 = arith.index_cast %add3A_1102 : i32 to index
          %swap3A_1140 = arith.constant 0 : index
          %swap3A_1141 = tpu.vector_load %arg22[%swap3A_1139, %swap3A_1140] {strides = array<i32>} : memref<224x16xf32, #tpu.memory_space<vmem>>, vector<16xf32>,
          tpu.vector_store %arg22[%swap3A_1139, %swap3A_1140], %select_n3A_1138 {strides = array<i32>} : memref<224x16xf32, #tpu.memory_space<vmem>>, vector<16xf32>,
          %mul3A_1142 = arith.constant 16 : i32
          %mul3A_1143 = arith.muli %scan3A_757, %mul3A_1142 : i32
          %add3A_1144 = arith.constant 9 : i32
          %add3A_1145 = arith.addi %mul3A_1143, %add3A_1144 : i32
          %broadcast_in_dim3A_1146 = arith.constant 9 : i32
          %broadcast_in_dim3A_1147 = vector.broadcast %broadcast_in_dim3A_1146 : i32 to vector<16xi32>
          %lt3A_1148 = arith.constant 0 : i32
          %lt3A_1149 = vector.broadcast %lt3A_1148 : i32 to vector<16xi32>
          %lt3A_1150 = arith.cmpi slt, %broadcast_in_dim3A_1147, %lt3A_1149 : vector<16xi32>
          %add3A_1151 = arith.constant 16 : i32
          %add3A_1152 = vector.broadcast %add3A_1151 : i32 to vector<16xi32>
          %add3A_1153 = arith.addi %broadcast_in_dim3A_1147, %add3A_1152 : vector<16xi32>
          %select_n3A_1154 = arith.select %lt3A_1150, %add3A_1153, %broadcast_in_dim3A_1147 : vector<16xi1>, vector<16xi32>
          %broadcast_in_dim3A_1155 = vector.shape_cast %select_n3A_1154 : vector<16xi32> to vector<16x1xi32>
          %gather3A_1156 = vector.shape_cast %broadcast_in_dim3A_1155 : vector<16x1xi32> to vector<16xi32>
          %gather3A_1157 = tpu.dynamic_gather %get3A_762[%gather3A_1156] in [0] : vector<16xf32>, vector<16xi32> -> vector<16xf32>
          %get3A_1158 = arith.index_cast %add3A_1145 : i32 to index
          %get3A_1159 = arith.constant 0 : index
          %get3A_1160 = tpu.vector_load %arg22[%get3A_1158, %get3A_1159] {strides = array<i32>} : memref<224x16xf32, #tpu.memory_space<vmem>>, vector<16xf32>,
          %mul3A_1161 = arith.mulf %get3A_1160, %gather3A : vector<16xf32>
          %add3A_1162 = arith.addf %mul3A_1161, %gather3A_1157 : vector<16xf32>
          %abs3A_1163 = math.absf %add3A_1162 : vector<16xf32>
          %mul3A_1164 = arith.constant -2.000000e+00 : f32
          %mul3A_1165 = vector.broadcast %mul3A_1164 : f32 to vector<16xf32>
          %mul3A_1166 = arith.mulf %mul3A_1165, %abs3A_1163 : vector<16xf32>
          %exp3A_1167 = math.exp %mul3A_1166 : vector<16xf32>
          %sub3A_1168 = arith.constant 1.000000e+00 : f32
          %sub3A_1169 = vector.broadcast %sub3A_1168 : f32 to vector<16xf32>
          %sub3A_1170 = arith.subf %sub3A_1169, %exp3A_1167 : vector<16xf32>
          %add3A_1171 = arith.constant 1.000000e+00 : f32
          %add3A_1172 = vector.broadcast %add3A_1171 : f32 to vector<16xf32>
          %add3A_1173 = arith.addf %add3A_1172, %exp3A_1167 : vector<16xf32>
          %div3A_1174 = arith.divf %sub3A_1170, %add3A_1173 : vector<16xf32>
          %lt3A_1175 = arith.constant 0.000000e+00 : f32
          %lt3A_1176 = vector.broadcast %lt3A_1175 : f32 to vector<16xf32>
          %lt3A_1177 = arith.cmpf olt, %add3A_1162, %lt3A_1176 : vector<16xf32>
          %neg3A_1178 = arith.constant 0.000000e+00 : f32
          %neg3A_1179 = vector.broadcast %neg3A_1178 : f32 to vector<16xf32>
          %neg3A_1180 = arith.subf %neg3A_1179, %div3A_1174 : vector<16xf32>
          %select_n3A_1181 = arith.select %lt3A_1177, %neg3A_1180, %div3A_1174 : vector<16xi1>, vector<16xf32>
          %swap3A_1182 = arith.index_cast %add3A_1145 : i32 to index
          %swap3A_1183 = arith.constant 0 : index
          %swap3A_1184 = tpu.vector_load %arg22[%swap3A_1182, %swap3A_1183] {strides = array<i32>} : memref<224x16xf32, #tpu.memory_space<vmem>>, vector<16xf32>,
          tpu.vector_store %arg22[%swap3A_1182, %swap3A_1183], %select_n3A_1181 {strides = array<i32>} : memref<224x16xf32, #tpu.memory_space<vmem>>, vector<16xf32>,
          %mul3A_1185 = arith.constant 16 : i32
          %mul3A_1186 = arith.muli %scan3A_757, %mul3A_1185 : i32
          %add3A_1187 = arith.constant 10 : i32
          %add3A_1188 = arith.addi %mul3A_1186, %add3A_1187 : i32
          %broadcast_in_dim3A_1189 = arith.constant 10 : i32
          %broadcast_in_dim3A_1190 = vector.broadcast %broadcast_in_dim3A_1189 : i32 to vector<16xi32>
          %lt3A_1191 = arith.constant 0 : i32
          %lt3A_1192 = vector.broadcast %lt3A_1191 : i32 to vector<16xi32>
          %lt3A_1193 = arith.cmpi slt, %broadcast_in_dim3A_1190, %lt3A_1192 : vector<16xi32>
          %add3A_1194 = arith.constant 16 : i32
          %add3A_1195 = vector.broadcast %add3A_1194 : i32 to vector<16xi32>
          %add3A_1196 = arith.addi %broadcast_in_dim3A_1190, %add3A_1195 : vector<16xi32>
          %select_n3A_1197 = arith.select %lt3A_1193, %add3A_1196, %broadcast_in_dim3A_1190 : vector<16xi1>, vector<16xi32>
          %broadcast_in_dim3A_1198 = vector.shape_cast %select_n3A_1197 : vector<16xi32> to vector<16x1xi32>
          %gather3A_1199 = vector.shape_cast %broadcast_in_dim3A_1198 : vector<16x1xi32> to vector<16xi32>
          %gather3A_1200 = tpu.dynamic_gather %get3A_762[%gather3A_1199] in [0] : vector<16xf32>, vector<16xi32> -> vector<16xf32>
          %get3A_1201 = arith.index_cast %add3A_1188 : i32 to index
          %get3A_1202 = arith.constant 0 : index
          %get3A_1203 = tpu.vector_load %arg22[%get3A_1201, %get3A_1202] {strides = array<i32>} : memref<224x16xf32, #tpu.memory_space<vmem>>, vector<16xf32>,
          %mul3A_1204 = arith.mulf %get3A_1203, %gather3A : vector<16xf32>
          %add3A_1205 = arith.addf %mul3A_1204, %gather3A_1200 : vector<16xf32>
          %abs3A_1206 = math.absf %add3A_1205 : vector<16xf32>
          %mul3A_1207 = arith.constant -2.000000e+00 : f32
          %mul3A_1208 = vector.broadcast %mul3A_1207 : f32 to vector<16xf32>
          %mul3A_1209 = arith.mulf %mul3A_1208, %abs3A_1206 : vector<16xf32>
          %exp3A_1210 = math.exp %mul3A_1209 : vector<16xf32>
          %sub3A_1211 = arith.constant 1.000000e+00 : f32
          %sub3A_1212 = vector.broadcast %sub3A_1211 : f32 to vector<16xf32>
          %sub3A_1213 = arith.subf %sub3A_1212, %exp3A_1210 : vector<16xf32>
          %add3A_1214 = arith.constant 1.000000e+00 : f32
          %add3A_1215 = vector.broadcast %add3A_1214 : f32 to vector<16xf32>
          %add3A_1216 = arith.addf %add3A_1215, %exp3A_1210 : vector<16xf32>
          %div3A_1217 = arith.divf %sub3A_1213, %add3A_1216 : vector<16xf32>
          %lt3A_1218 = arith.constant 0.000000e+00 : f32
          %lt3A_1219 = vector.broadcast %lt3A_1218 : f32 to vector<16xf32>
          %lt3A_1220 = arith.cmpf olt, %add3A_1205, %lt3A_1219 : vector<16xf32>
          %neg3A_1221 = arith.constant 0.000000e+00 : f32
          %neg3A_1222 = vector.broadcast %neg3A_1221 : f32 to vector<16xf32>
          %neg3A_1223 = arith.subf %neg3A_1222, %div3A_1217 : vector<16xf32>
          %select_n3A_1224 = arith.select %lt3A_1220, %neg3A_1223, %div3A_1217 : vector<16xi1>, vector<16xf32>
          %swap3A_1225 = arith.index_cast %add3A_1188 : i32 to index
          %swap3A_1226 = arith.constant 0 : index
          %swap3A_1227 = tpu.vector_load %arg22[%swap3A_1225, %swap3A_1226] {strides = array<i32>} : memref<224x16xf32, #tpu.memory_space<vmem>>, vector<16xf32>,
          tpu.vector_store %arg22[%swap3A_1225, %swap3A_1226], %select_n3A_1224 {strides = array<i32>} : memref<224x16xf32, #tpu.memory_space<vmem>>, vector<16xf32>,
          %mul3A_1228 = arith.constant 16 : i32
          %mul3A_1229 = arith.muli %scan3A_757, %mul3A_1228 : i32
          %add3A_1230 = arith.constant 11 : i32
          %add3A_1231 = arith.addi %mul3A_1229, %add3A_1230 : i32
          %broadcast_in_dim3A_1232 = arith.constant 11 : i32
          %broadcast_in_dim3A_1233 = vector.broadcast %broadcast_in_dim3A_1232 : i32 to vector<16xi32>
          %lt3A_1234 = arith.constant 0 : i32
          %lt3A_1235 = vector.broadcast %lt3A_1234 : i32 to vector<16xi32>
          %lt3A_1236 = arith.cmpi slt, %broadcast_in_dim3A_1233, %lt3A_1235 : vector<16xi32>
          %add3A_1237 = arith.constant 16 : i32
          %add3A_1238 = vector.broadcast %add3A_1237 : i32 to vector<16xi32>
          %add3A_1239 = arith.addi %broadcast_in_dim3A_1233, %add3A_1238 : vector<16xi32>
          %select_n3A_1240 = arith.select %lt3A_1236, %add3A_1239, %broadcast_in_dim3A_1233 : vector<16xi1>, vector<16xi32>
          %broadcast_in_dim3A_1241 = vector.shape_cast %select_n3A_1240 : vector<16xi32> to vector<16x1xi32>
          %gather3A_1242 = vector.shape_cast %broadcast_in_dim3A_1241 : vector<16x1xi32> to vector<16xi32>
          %gather3A_1243 = tpu.dynamic_gather %get3A_762[%gather3A_1242] in [0] : vector<16xf32>, vector<16xi32> -> vector<16xf32>
          %get3A_1244 = arith.index_cast %add3A_1231 : i32 to index
          %get3A_1245 = arith.constant 0 : index
          %get3A_1246 = tpu.vector_load %arg22[%get3A_1244, %get3A_1245] {strides = array<i32>} : memref<224x16xf32, #tpu.memory_space<vmem>>, vector<16xf32>,
          %mul3A_1247 = arith.mulf %get3A_1246, %gather3A : vector<16xf32>
          %add3A_1248 = arith.addf %mul3A_1247, %gather3A_1243 : vector<16xf32>
          %abs3A_1249 = math.absf %add3A_1248 : vector<16xf32>
          %mul3A_1250 = arith.constant -2.000000e+00 : f32
          %mul3A_1251 = vector.broadcast %mul3A_1250 : f32 to vector<16xf32>
          %mul3A_1252 = arith.mulf %mul3A_1251, %abs3A_1249 : vector<16xf32>
          %exp3A_1253 = math.exp %mul3A_1252 : vector<16xf32>
          %sub3A_1254 = arith.constant 1.000000e+00 : f32
          %sub3A_1255 = vector.broadcast %sub3A_1254 : f32 to vector<16xf32>
          %sub3A_1256 = arith.subf %sub3A_1255, %exp3A_1253 : vector<16xf32>
          %add3A_1257 = arith.constant 1.000000e+00 : f32
          %add3A_1258 = vector.broadcast %add3A_1257 : f32 to vector<16xf32>
          %add3A_1259 = arith.addf %add3A_1258, %exp3A_1253 : vector<16xf32>
          %div3A_1260 = arith.divf %sub3A_1256, %add3A_1259 : vector<16xf32>
          %lt3A_1261 = arith.constant 0.000000e+00 : f32
          %lt3A_1262 = vector.broadcast %lt3A_1261 : f32 to vector<16xf32>
          %lt3A_1263 = arith.cmpf olt, %add3A_1248, %lt3A_1262 : vector<16xf32>
          %neg3A_1264 = arith.constant 0.000000e+00 : f32
          %neg3A_1265 = vector.broadcast %neg3A_1264 : f32 to vector<16xf32>
          %neg3A_1266 = arith.subf %neg3A_1265, %div3A_1260 : vector<16xf32>
          %select_n3A_1267 = arith.select %lt3A_1263, %neg3A_1266, %div3A_1260 : vector<16xi1>, vector<16xf32>
          %swap3A_1268 = arith.index_cast %add3A_1231 : i32 to index
          %swap3A_1269 = arith.constant 0 : index
          %swap3A_1270 = tpu.vector_load %arg22[%swap3A_1268, %swap3A_1269] {strides = array<i32>} : memref<224x16xf32, #tpu.memory_space<vmem>>, vector<16xf32>,
          tpu.vector_store %arg22[%swap3A_1268, %swap3A_1269], %select_n3A_1267 {strides = array<i32>} : memref<224x16xf32, #tpu.memory_space<vmem>>, vector<16xf32>,
          %mul3A_1271 = arith.constant 16 : i32
          %mul3A_1272 = arith.muli %scan3A_757, %mul3A_1271 : i32
          %add3A_1273 = arith.constant 12 : i32
          %add3A_1274 = arith.addi %mul3A_1272, %add3A_1273 : i32
          %broadcast_in_dim3A_1275 = arith.constant 12 : i32
          %broadcast_in_dim3A_1276 = vector.broadcast %broadcast_in_dim3A_1275 : i32 to vector<16xi32>
          %lt3A_1277 = arith.constant 0 : i32
          %lt3A_1278 = vector.broadcast %lt3A_1277 : i32 to vector<16xi32>
          %lt3A_1279 = arith.cmpi slt, %broadcast_in_dim3A_1276, %lt3A_1278 : vector<16xi32>
          %add3A_1280 = arith.constant 16 : i32
          %add3A_1281 = vector.broadcast %add3A_1280 : i32 to vector<16xi32>
          %add3A_1282 = arith.addi %broadcast_in_dim3A_1276, %add3A_1281 : vector<16xi32>
          %select_n3A_1283 = arith.select %lt3A_1279, %add3A_1282, %broadcast_in_dim3A_1276 : vector<16xi1>, vector<16xi32>
          %broadcast_in_dim3A_1284 = vector.shape_cast %select_n3A_1283 : vector<16xi32> to vector<16x1xi32>
          %gather3A_1285 = vector.shape_cast %broadcast_in_dim3A_1284 : vector<16x1xi32> to vector<16xi32>
          %gather3A_1286 = tpu.dynamic_gather %get3A_762[%gather3A_1285] in [0] : vector<16xf32>, vector<16xi32> -> vector<16xf32>
          %get3A_1287 = arith.index_cast %add3A_1274 : i32 to index
          %get3A_1288 = arith.constant 0 : index
          %get3A_1289 = tpu.vector_load %arg22[%get3A_1287, %get3A_1288] {strides = array<i32>} : memref<224x16xf32, #tpu.memory_space<vmem>>, vector<16xf32>,
          %mul3A_1290 = arith.mulf %get3A_1289, %gather3A : vector<16xf32>
          %add3A_1291 = arith.addf %mul3A_1290, %gather3A_1286 : vector<16xf32>
          %abs3A_1292 = math.absf %add3A_1291 : vector<16xf32>
          %mul3A_1293 = arith.constant -2.000000e+00 : f32
          %mul3A_1294 = vector.broadcast %mul3A_1293 : f32 to vector<16xf32>
          %mul3A_1295 = arith.mulf %mul3A_1294, %abs3A_1292 : vector<16xf32>
          %exp3A_1296 = math.exp %mul3A_1295 : vector<16xf32>
          %sub3A_1297 = arith.constant 1.000000e+00 : f32
          %sub3A_1298 = vector.broadcast %sub3A_1297 : f32 to vector<16xf32>
          %sub3A_1299 = arith.subf %sub3A_1298, %exp3A_1296 : vector<16xf32>
          %add3A_1300 = arith.constant 1.000000e+00 : f32
          %add3A_1301 = vector.broadcast %add3A_1300 : f32 to vector<16xf32>
          %add3A_1302 = arith.addf %add3A_1301, %exp3A_1296 : vector<16xf32>
          %div3A_1303 = arith.divf %sub3A_1299, %add3A_1302 : vector<16xf32>
          %lt3A_1304 = arith.constant 0.000000e+00 : f32
          %lt3A_1305 = vector.broadcast %lt3A_1304 : f32 to vector<16xf32>
          %lt3A_1306 = arith.cmpf olt, %add3A_1291, %lt3A_1305 : vector<16xf32>
          %neg3A_1307 = arith.constant 0.000000e+00 : f32
          %neg3A_1308 = vector.broadcast %neg3A_1307 : f32 to vector<16xf32>
          %neg3A_1309 = arith.subf %neg3A_1308, %div3A_1303 : vector<16xf32>
          %select_n3A_1310 = arith.select %lt3A_1306, %neg3A_1309, %div3A_1303 : vector<16xi1>, vector<16xf32>
          %swap3A_1311 = arith.index_cast %add3A_1274 : i32 to index
          %swap3A_1312 = arith.constant 0 : index
          %swap3A_1313 = tpu.vector_load %arg22[%swap3A_1311, %swap3A_1312] {strides = array<i32>} : memref<224x16xf32, #tpu.memory_space<vmem>>, vector<16xf32>,
          tpu.vector_store %arg22[%swap3A_1311, %swap3A_1312], %select_n3A_1310 {strides = array<i32>} : memref<224x16xf32, #tpu.memory_space<vmem>>, vector<16xf32>,
          %mul3A_1314 = arith.constant 16 : i32
          %mul3A_1315 = arith.muli %scan3A_757, %mul3A_1314 : i32
          %add3A_1316 = arith.constant 13 : i32
          %add3A_1317 = arith.addi %mul3A_1315, %add3A_1316 : i32
          %broadcast_in_dim3A_1318 = arith.constant 13 : i32
          %broadcast_in_dim3A_1319 = vector.broadcast %broadcast_in_dim3A_1318 : i32 to vector<16xi32>
          %lt3A_1320 = arith.constant 0 : i32
          %lt3A_1321 = vector.broadcast %lt3A_1320 : i32 to vector<16xi32>
          %lt3A_1322 = arith.cmpi slt, %broadcast_in_dim3A_1319, %lt3A_1321 : vector<16xi32>
          %add3A_1323 = arith.constant 16 : i32
          %add3A_1324 = vector.broadcast %add3A_1323 : i32 to vector<16xi32>
          %add3A_1325 = arith.addi %broadcast_in_dim3A_1319, %add3A_1324 : vector<16xi32>
          %select_n3A_1326 = arith.select %lt3A_1322, %add3A_1325, %broadcast_in_dim3A_1319 : vector<16xi1>, vector<16xi32>
          %broadcast_in_dim3A_1327 = vector.shape_cast %select_n3A_1326 : vector<16xi32> to vector<16x1xi32>
          %gather3A_1328 = vector.shape_cast %broadcast_in_dim3A_1327 : vector<16x1xi32> to vector<16xi32>
          %gather3A_1329 = tpu.dynamic_gather %get3A_762[%gather3A_1328] in [0] : vector<16xf32>, vector<16xi32> -> vector<16xf32>
          %get3A_1330 = arith.index_cast %add3A_1317 : i32 to index
          %get3A_1331 = arith.constant 0 : index
          %get3A_1332 = tpu.vector_load %arg22[%get3A_1330, %get3A_1331] {strides = array<i32>} : memref<224x16xf32, #tpu.memory_space<vmem>>, vector<16xf32>,
          %mul3A_1333 = arith.mulf %get3A_1332, %gather3A : vector<16xf32>
          %add3A_1334 = arith.addf %mul3A_1333, %gather3A_1329 : vector<16xf32>
          %abs3A_1335 = math.absf %add3A_1334 : vector<16xf32>
          %mul3A_1336 = arith.constant -2.000000e+00 : f32
          %mul3A_1337 = vector.broadcast %mul3A_1336 : f32 to vector<16xf32>
          %mul3A_1338 = arith.mulf %mul3A_1337, %abs3A_1335 : vector<16xf32>
          %exp3A_1339 = math.exp %mul3A_1338 : vector<16xf32>
          %sub3A_1340 = arith.constant 1.000000e+00 : f32
          %sub3A_1341 = vector.broadcast %sub3A_1340 : f32 to vector<16xf32>
          %sub3A_1342 = arith.subf %sub3A_1341, %exp3A_1339 : vector<16xf32>
          %add3A_1343 = arith.constant 1.000000e+00 : f32
          %add3A_1344 = vector.broadcast %add3A_1343 : f32 to vector<16xf32>
          %add3A_1345 = arith.addf %add3A_1344, %exp3A_1339 : vector<16xf32>
          %div3A_1346 = arith.divf %sub3A_1342, %add3A_1345 : vector<16xf32>
          %lt3A_1347 = arith.constant 0.000000e+00 : f32
          %lt3A_1348 = vector.broadcast %lt3A_1347 : f32 to vector<16xf32>
          %lt3A_1349 = arith.cmpf olt, %add3A_1334, %lt3A_1348 : vector<16xf32>
          %neg3A_1350 = arith.constant 0.000000e+00 : f32
          %neg3A_1351 = vector.broadcast %neg3A_1350 : f32 to vector<16xf32>
          %neg3A_1352 = arith.subf %neg3A_1351, %div3A_1346 : vector<16xf32>
          %select_n3A_1353 = arith.select %lt3A_1349, %neg3A_1352, %div3A_1346 : vector<16xi1>, vector<16xf32>
          %swap3A_1354 = arith.index_cast %add3A_1317 : i32 to index
          %swap3A_1355 = arith.constant 0 : index
          %swap3A_1356 = tpu.vector_load %arg22[%swap3A_1354, %swap3A_1355] {strides = array<i32>} : memref<224x16xf32, #tpu.memory_space<vmem>>, vector<16xf32>,
          tpu.vector_store %arg22[%swap3A_1354, %swap3A_1355], %select_n3A_1353 {strides = array<i32>} : memref<224x16xf32, #tpu.memory_space<vmem>>, vector<16xf32>,
          %mul3A_1357 = arith.constant 16 : i32
          %mul3A_1358 = arith.muli %scan3A_757, %mul3A_1357 : i32
          %add3A_1359 = arith.constant 14 : i32
          %add3A_1360 = arith.addi %mul3A_1358, %add3A_1359 : i32
          %broadcast_in_dim3A_1361 = arith.constant 14 : i32
          %broadcast_in_dim3A_1362 = vector.broadcast %broadcast_in_dim3A_1361 : i32 to vector<16xi32>
          %lt3A_1363 = arith.constant 0 : i32
          %lt3A_1364 = vector.broadcast %lt3A_1363 : i32 to vector<16xi32>
          %lt3A_1365 = arith.cmpi slt, %broadcast_in_dim3A_1362, %lt3A_1364 : vector<16xi32>
          %add3A_1366 = arith.constant 16 : i32
          %add3A_1367 = vector.broadcast %add3A_1366 : i32 to vector<16xi32>
          %add3A_1368 = arith.addi %broadcast_in_dim3A_1362, %add3A_1367 : vector<16xi32>
          %select_n3A_1369 = arith.select %lt3A_1365, %add3A_1368, %broadcast_in_dim3A_1362 : vector<16xi1>, vector<16xi32>
          %broadcast_in_dim3A_1370 = vector.shape_cast %select_n3A_1369 : vector<16xi32> to vector<16x1xi32>
          %gather3A_1371 = vector.shape_cast %broadcast_in_dim3A_1370 : vector<16x1xi32> to vector<16xi32>
          %gather3A_1372 = tpu.dynamic_gather %get3A_762[%gather3A_1371] in [0] : vector<16xf32>, vector<16xi32> -> vector<16xf32>
          %get3A_1373 = arith.index_cast %add3A_1360 : i32 to index
          %get3A_1374 = arith.constant 0 : index
          %get3A_1375 = tpu.vector_load %arg22[%get3A_1373, %get3A_1374] {strides = array<i32>} : memref<224x16xf32, #tpu.memory_space<vmem>>, vector<16xf32>,
          %mul3A_1376 = arith.mulf %get3A_1375, %gather3A : vector<16xf32>
          %add3A_1377 = arith.addf %mul3A_1376, %gather3A_1372 : vector<16xf32>
          %abs3A_1378 = math.absf %add3A_1377 : vector<16xf32>
          %mul3A_1379 = arith.constant -2.000000e+00 : f32
          %mul3A_1380 = vector.broadcast %mul3A_1379 : f32 to vector<16xf32>
          %mul3A_1381 = arith.mulf %mul3A_1380, %abs3A_1378 : vector<16xf32>
          %exp3A_1382 = math.exp %mul3A_1381 : vector<16xf32>
          %sub3A_1383 = arith.constant 1.000000e+00 : f32
          %sub3A_1384 = vector.broadcast %sub3A_1383 : f32 to vector<16xf32>
          %sub3A_1385 = arith.subf %sub3A_1384, %exp3A_1382 : vector<16xf32>
          %add3A_1386 = arith.constant 1.000000e+00 : f32
          %add3A_1387 = vector.broadcast %add3A_1386 : f32 to vector<16xf32>
          %add3A_1388 = arith.addf %add3A_1387, %exp3A_1382 : vector<16xf32>
          %div3A_1389 = arith.divf %sub3A_1385, %add3A_1388 : vector<16xf32>
          %lt3A_1390 = arith.constant 0.000000e+00 : f32
          %lt3A_1391 = vector.broadcast %lt3A_1390 : f32 to vector<16xf32>
          %lt3A_1392 = arith.cmpf olt, %add3A_1377, %lt3A_1391 : vector<16xf32>
          %neg3A_1393 = arith.constant 0.000000e+00 : f32
          %neg3A_1394 = vector.broadcast %neg3A_1393 : f32 to vector<16xf32>
          %neg3A_1395 = arith.subf %neg3A_1394, %div3A_1389 : vector<16xf32>
          %select_n3A_1396 = arith.select %lt3A_1392, %neg3A_1395, %div3A_1389 : vector<16xi1>, vector<16xf32>
          %swap3A_1397 = arith.index_cast %add3A_1360 : i32 to index
          %swap3A_1398 = arith.constant 0 : index
          %swap3A_1399 = tpu.vector_load %arg22[%swap3A_1397, %swap3A_1398] {strides = array<i32>} : memref<224x16xf32, #tpu.memory_space<vmem>>, vector<16xf32>,
          tpu.vector_store %arg22[%swap3A_1397, %swap3A_1398], %select_n3A_1396 {strides = array<i32>} : memref<224x16xf32, #tpu.memory_space<vmem>>, vector<16xf32>,
          %mul3A_1400 = arith.constant 16 : i32
          %mul3A_1401 = arith.muli %scan3A_757, %mul3A_1400 : i32
          %add3A_1402 = arith.constant 15 : i32
          %add3A_1403 = arith.addi %mul3A_1401, %add3A_1402 : i32
          %broadcast_in_dim3A_1404 = arith.constant 15 : i32
          %broadcast_in_dim3A_1405 = vector.broadcast %broadcast_in_dim3A_1404 : i32 to vector<16xi32>
          %lt3A_1406 = arith.constant 0 : i32
          %lt3A_1407 = vector.broadcast %lt3A_1406 : i32 to vector<16xi32>
          %lt3A_1408 = arith.cmpi slt, %broadcast_in_dim3A_1405, %lt3A_1407 : vector<16xi32>
          %add3A_1409 = arith.constant 16 : i32
          %add3A_1410 = vector.broadcast %add3A_1409 : i32 to vector<16xi32>
          %add3A_1411 = arith.addi %broadcast_in_dim3A_1405, %add3A_1410 : vector<16xi32>
          %select_n3A_1412 = arith.select %lt3A_1408, %add3A_1411, %broadcast_in_dim3A_1405 : vector<16xi1>, vector<16xi32>
          %broadcast_in_dim3A_1413 = vector.shape_cast %select_n3A_1412 : vector<16xi32> to vector<16x1xi32>
          %gather3A_1414 = vector.shape_cast %broadcast_in_dim3A_1413 : vector<16x1xi32> to vector<16xi32>
          %gather3A_1415 = tpu.dynamic_gather %get3A_762[%gather3A_1414] in [0] : vector<16xf32>, vector<16xi32> -> vector<16xf32>
          %get3A_1416 = arith.index_cast %add3A_1403 : i32 to index
          %get3A_1417 = arith.constant 0 : index
          %get3A_1418 = tpu.vector_load %arg22[%get3A_1416, %get3A_1417] {strides = array<i32>} : memref<224x16xf32, #tpu.memory_space<vmem>>, vector<16xf32>,
          %mul3A_1419 = arith.mulf %get3A_1418, %gather3A : vector<16xf32>
          %add3A_1420 = arith.addf %mul3A_1419, %gather3A_1415 : vector<16xf32>
          %abs3A_1421 = math.absf %add3A_1420 : vector<16xf32>
          %mul3A_1422 = arith.constant -2.000000e+00 : f32
          %mul3A_1423 = vector.broadcast %mul3A_1422 : f32 to vector<16xf32>
          %mul3A_1424 = arith.mulf %mul3A_1423, %abs3A_1421 : vector<16xf32>
          %exp3A_1425 = math.exp %mul3A_1424 : vector<16xf32>
          %sub3A_1426 = arith.constant 1.000000e+00 : f32
          %sub3A_1427 = vector.broadcast %sub3A_1426 : f32 to vector<16xf32>
          %sub3A_1428 = arith.subf %sub3A_1427, %exp3A_1425 : vector<16xf32>
          %add3A_1429 = arith.constant 1.000000e+00 : f32
          %add3A_1430 = vector.broadcast %add3A_1429 : f32 to vector<16xf32>
          %add3A_1431 = arith.addf %add3A_1430, %exp3A_1425 : vector<16xf32>
          %div3A_1432 = arith.divf %sub3A_1428, %add3A_1431 : vector<16xf32>
          %lt3A_1433 = arith.constant 0.000000e+00 : f32
          %lt3A_1434 = vector.broadcast %lt3A_1433 : f32 to vector<16xf32>
          %lt3A_1435 = arith.cmpf olt, %add3A_1420, %lt3A_1434 : vector<16xf32>
          %neg3A_1436 = arith.constant 0.000000e+00 : f32
          %neg3A_1437 = vector.broadcast %neg3A_1436 : f32 to vector<16xf32>
          %neg3A_1438 = arith.subf %neg3A_1437, %div3A_1432 : vector<16xf32>
          %select_n3A_1439 = arith.select %lt3A_1435, %neg3A_1438, %div3A_1432 : vector<16xi1>, vector<16xf32>
          %swap3A_1440 = arith.index_cast %add3A_1403 : i32 to index
          %swap3A_1441 = arith.constant 0 : index
          %swap3A_1442 = tpu.vector_load %arg22[%swap3A_1440, %swap3A_1441] {strides = array<i32>} : memref<224x16xf32, #tpu.memory_space<vmem>>, vector<16xf32>,
          tpu.vector_store %arg22[%swap3A_1440, %swap3A_1441], %select_n3A_1439 {strides = array<i32>} : memref<224x16xf32, #tpu.memory_space<vmem>>, vector<16xf32>,
        }
        %scan3A_656 = arith.constant 14 : i32
        %mul3A_657 = arith.constant 1568 : i32
        %mul3A_658 = arith.muli %arg1, %mul3A_657 : i32
        %add3A_659 = arith.constant 0 : i32
        %add3A_660 = arith.addi %mul3A_658, %add3A_659 : i32
        %dma_start3A_661 = arith.constant 0 : i32
        %dma_start3A_662 = tpu.memref_slice %arg15[%add3A_660, %dma_start3A_661] : memref<25088x16xf32, #tpu.memory_space<vmem_shared>> -> memref<224x16xf32, #tpu.memory_space<vmem_shared>>
        %dma_start3A_663 = arith.constant 0 : i32
        %dma_start3A_664 = tpu.memref_slice %arg15[%add3A_660, %dma_start3A_663] : memref<25088x16xf32, #tpu.memory_space<vmem_shared>> -> memref<224x16xf32, #tpu.memory_space<vmem_shared>>
        tpu.enqueue_dma source(%arg19 : memref<224x16xf32, #tpu.memory_space<vmem>>) target(%dma_start3A_664 : memref<224x16xf32, #tpu.memory_space<vmem_shared>>) target_semaphore(%arg39 : memref<!tpu.dma_semaphore, #tpu.memory_space<semaphore_mem>>)
        %dma_start3A_665 = arith.constant 0 : i32
        %dma_start3A_666 = arith.constant 0 : i32
        %dma_start3A_667 = tpu.memref_slice %arg20[%dma_start3A_665, %dma_start3A_666] : memref<7x224xi32, #tpu.memory_space<vmem>> -> memref<1x224xi32, #tpu.memory_space<vmem>>
        %dma_start3A_668 = tpu.memref_squeeze %dma_start3A_667 : memref<1x224xi32, #tpu.memory_space<vmem>> -> memref<224xi32, #tpu.memory_space<vmem>>
        %dma_start3A_669 = arith.constant 0 : i32
        %dma_start3A_670 = arith.constant 0 : i32
        %dma_start3A_671 = tpu.memref_slice %arg14[%dma_start3A_669, %dma_start3A_670] : memref<50176x16xf32, #tpu.memory_space<vmem_shared>> -> memref<50176x16xf32, #tpu.memory_space<vmem_shared>>
        tpu.enqueue_indirect_dma source(%arg22 : memref<224x16xf32, #tpu.memory_space<vmem>>) target(%dma_start3A_671 : memref<50176x16xf32, #tpu.memory_space<vmem_shared>>) offsets(%dma_start3A_668 : memref<224xi32, #tpu.memory_space<vmem>>) semaphore(%arg34 : memref<!tpu.dma_semaphore, #tpu.memory_space<semaphore_mem>>)
        %dma_wait3A_672 = arith.constant 0 : i32
        %dma_wait3A_673 = arith.constant 0 : i32
        %dma_wait3A_674 = tpu.memref_slice %arg20[%dma_wait3A_672, %dma_wait3A_673] : memref<7x224xi32, #tpu.memory_space<vmem>> -> memref<1x224xi32, #tpu.memory_space<vmem>>
        %dma_wait3A_675 = tpu.memref_squeeze %dma_wait3A_674 : memref<1x224xi32, #tpu.memory_space<vmem>> -> memref<224xi32, #tpu.memory_space<vmem>>
        %dma_wait3A_676 = arith.constant 0 : i32
        %dma_wait3A_677 = arith.constant 0 : i32
        %dma_wait3A_678 = tpu.memref_slice %arg14[%dma_wait3A_676, %dma_wait3A_677] : memref<50176x16xf32, #tpu.memory_space<vmem_shared>> -> memref<50176x16xf32, #tpu.memory_space<vmem_shared>>
        tpu.wait_indirect_dma semaphore(%arg34 : memref<!tpu.dma_semaphore, #tpu.memory_space<semaphore_mem>>) src(%arg22 : memref<224x16xf32, #tpu.memory_space<vmem>>) dst(%dma_wait3A_678 : memref<50176x16xf32, #tpu.memory_space<vmem_shared>>)
        %mul3A_679 = arith.constant 1568 : i32
        %mul3A_680 = arith.muli %arg1, %mul3A_679 : i32
        %add3A_681 = arith.constant 224 : i32
        %add3A_682 = arith.addi %mul3A_680, %add3A_681 : i32
        %dma_start3A_683 = arith.constant 0 : i32
        %dma_start3A_684 = tpu.memref_slice %arg15[%add3A_682, %dma_start3A_683] : memref<25088x16xf32, #tpu.memory_space<vmem_shared>> -> memref<224x16xf32, #tpu.memory_space<vmem_shared>>
        %dma_start3A_685 = arith.constant 0 : i32
        %dma_start3A_686 = tpu.memref_slice %arg15[%add3A_682, %dma_start3A_685] : memref<25088x16xf32, #tpu.memory_space<vmem_shared>> -> memref<224x16xf32, #tpu.memory_space<vmem_shared>>
        tpu.enqueue_dma source(%dma_start3A_686 : memref<224x16xf32, #tpu.memory_space<vmem_shared>>) target(%arg22 : memref<224x16xf32, #tpu.memory_space<vmem>>) target_semaphore(%arg30 : memref<!tpu.dma_semaphore, #tpu.memory_space<semaphore_mem>>)
        %mul3A_687 = arith.constant 1568 : i32
        %mul3A_688 = arith.muli %arg1, %mul3A_687 : i32
        %add3A_689 = arith.constant 448 : i32
        %add3A_690 = arith.addi %mul3A_688, %add3A_689 : i32
        %dma_start3A_691 = arith.constant 0 : i32
        %dma_start3A_692 = tpu.memref_slice %arg15[%add3A_690, %dma_start3A_691] : memref<25088x16xf32, #tpu.memory_space<vmem_shared>> -> memref<224x16xf32, #tpu.memory_space<vmem_shared>>
        %dma_start3A_693 = arith.constant 0 : i32
        %dma_start3A_694 = tpu.memref_slice %arg15[%add3A_690, %dma_start3A_693] : memref<25088x16xf32, #tpu.memory_space<vmem_shared>> -> memref<224x16xf32, #tpu.memory_space<vmem_shared>>
        tpu.enqueue_dma source(%dma_start3A_694 : memref<224x16xf32, #tpu.memory_space<vmem_shared>>) target(%arg23 : memref<224x16xf32, #tpu.memory_space<vmem>>) target_semaphore(%arg31 : memref<!tpu.dma_semaphore, #tpu.memory_space<semaphore_mem>>)
        %scan3A_695 = arith.constant 0 : i32
        %scan3A_696 = arith.constant 3 : i32
        %scan3A_697 = arith.addi %scan3A_695, %scan3A_696 : i32
        %scan3A_698 = arith.constant 1 : i32
        scf.for %scan3A_757 = %scan3A_695 to %scan3A_697 step %scan3A_698  : i32 {
          %mul3A_758 = arith.constant 2 : i32
          %mul3A_759 = arith.muli %mul3A_758, %scan3A_757 : i32
          %add3A_760 = arith.constant 1 : i32
          %add3A_761 = arith.addi %mul3A_759, %add3A_760 : i32
          %mul3A_762 = arith.constant 2 : i32
          %mul3A_763 = arith.muli %mul3A_762, %scan3A_757 : i32
          %add3A_764 = arith.constant 2 : i32
          %add3A_765 = arith.addi %mul3A_763, %add3A_764 : i32
          %mul3A_766 = arith.constant 1568 : i32
          %mul3A_767 = arith.muli %arg1, %mul3A_766 : i32
          %mul3A_768 = arith.constant 224 : i32
          %mul3A_769 = arith.muli %add3A_761, %mul3A_768 : i32
          %add3A_770 = arith.addi %mul3A_767, %mul3A_769 : i32
          %dma_wait3A_771 = arith.constant 0 : i32
          %dma_wait3A_772 = tpu.memref_slice %arg15[%add3A_770, %dma_wait3A_771] : memref<25088x16xf32, #tpu.memory_space<vmem_shared>> -> memref<224x16xf32, #tpu.memory_space<vmem_shared>>
          %dma_wait3A_773 = arith.constant 0 : i32
          %dma_wait3A_774 = tpu.memref_slice %arg15[%add3A_770, %dma_wait3A_773] : memref<25088x16xf32, #tpu.memory_space<vmem_shared>> -> memref<224x16xf32, #tpu.memory_space<vmem_shared>>
          tpu.wait_dma2 semaphore(%arg30 : memref<!tpu.dma_semaphore, #tpu.memory_space<semaphore_mem>>) src(%dma_wait3A_774 : memref<224x16xf32, #tpu.memory_space<vmem_shared>>) dst(%arg22 : memref<224x16xf32, #tpu.memory_space<vmem>>)
          %scan3A_775 = arith.constant 0 : i32
          %scan3A_776 = arith.constant 14 : i32
          %scan3A_777 = arith.addi %scan3A_775, %scan3A_776 : i32
          %scan3A_778 = arith.constant 1 : i32
          scf.for %scan3A_845 = %scan3A_775 to %scan3A_777 step %scan3A_778  : i32 {
            %mul3A_846 = arith.constant 224 : i32
            %mul3A_847 = arith.muli %add3A_761, %mul3A_846 : i32
            %mul3A_848 = arith.constant 16 : i32
            %mul3A_849 = arith.muli %scan3A_845, %mul3A_848 : i32
            %add3A_850 = arith.addi %mul3A_847, %mul3A_849 : i32
            %get3A = arith.index_cast %add3A_850 : i32 to index
            %get3A_851 = tpu.vector_load %arg21[%get3A] {strides = array<i32>} : memref<1568xf32, #tpu.memory_space<vmem>>, vector<16xf32>,
            %mul3A_852 = arith.constant 16 : i32
            %mul3A_853 = arith.muli %scan3A_845, %mul3A_852 : i32
            %add3A_854 = arith.constant 0 : i32
            %add3A_855 = arith.addi %mul3A_853, %add3A_854 : i32
            %broadcast_in_dim3A_856 = arith.constant 0 : i32
            %broadcast_in_dim3A_857 = vector.broadcast %broadcast_in_dim3A_856 : i32 to vector<16xi32>
            %lt3A_858 = arith.constant 0 : i32
            %lt3A_859 = vector.broadcast %lt3A_858 : i32 to vector<16xi32>
            %lt3A_860 = arith.cmpi slt, %broadcast_in_dim3A_857, %lt3A_859 : vector<16xi32>
            %add3A_861 = arith.constant 16 : i32
            %add3A_862 = vector.broadcast %add3A_861 : i32 to vector<16xi32>
            %add3A_863 = arith.addi %broadcast_in_dim3A_857, %add3A_862 : vector<16xi32>
            %select_n3A = arith.select %lt3A_860, %add3A_863, %broadcast_in_dim3A_857 : vector<16xi1>, vector<16xi32>
            %broadcast_in_dim3A_864 = vector.shape_cast %select_n3A : vector<16xi32> to vector<16x1xi32>
            %gather3A_865 = vector.shape_cast %broadcast_in_dim3A_864 : vector<16x1xi32> to vector<16xi32>
            %gather3A_866 = tpu.dynamic_gather %get3A_851[%gather3A_865] in [0] : vector<16xf32>, vector<16xi32> -> vector<16xf32>
            %get3A_867 = arith.index_cast %add3A_855 : i32 to index
            %get3A_868 = arith.constant 0 : index
            %get3A_869 = tpu.vector_load %arg22[%get3A_867, %get3A_868] {strides = array<i32>} : memref<224x16xf32, #tpu.memory_space<vmem>>, vector<16xf32>,
            %mul3A_870 = arith.mulf %get3A_869, %gather3A : vector<16xf32>
            %add3A_871 = arith.addf %mul3A_870, %gather3A_866 : vector<16xf32>
            %abs3A = math.absf %add3A_871 : vector<16xf32>
            %mul3A_872 = arith.constant -2.000000e+00 : f32
            %mul3A_873 = vector.broadcast %mul3A_872 : f32 to vector<16xf32>
            %mul3A_874 = arith.mulf %mul3A_873, %abs3A : vector<16xf32>
            %exp3A = math.exp %mul3A_874 : vector<16xf32>
            %sub3A = arith.constant 1.000000e+00 : f32
            %sub3A_875 = vector.broadcast %sub3A : f32 to vector<16xf32>
            %sub3A_876 = arith.subf %sub3A_875, %exp3A : vector<16xf32>
            %add3A_877 = arith.constant 1.000000e+00 : f32
            %add3A_878 = vector.broadcast %add3A_877 : f32 to vector<16xf32>
            %add3A_879 = arith.addf %add3A_878, %exp3A : vector<16xf32>
            %div3A = arith.divf %sub3A_876, %add3A_879 : vector<16xf32>
            %lt3A_880 = arith.constant 0.000000e+00 : f32
            %lt3A_881 = vector.broadcast %lt3A_880 : f32 to vector<16xf32>
            %lt3A_882 = arith.cmpf olt, %add3A_871, %lt3A_881 : vector<16xf32>
            %neg3A = arith.constant 0.000000e+00 : f32
            %neg3A_883 = vector.broadcast %neg3A : f32 to vector<16xf32>
            %neg3A_884 = arith.subf %neg3A_883, %div3A : vector<16xf32>
            %select_n3A_885 = arith.select %lt3A_882, %neg3A_884, %div3A : vector<16xi1>, vector<16xf32>
            %swap3A = arith.index_cast %add3A_855 : i32 to index
            %swap3A_886 = arith.constant 0 : index
            %swap3A_887 = tpu.vector_load %arg22[%swap3A, %swap3A_886] {strides = array<i32>} : memref<224x16xf32, #tpu.memory_space<vmem>>, vector<16xf32>,
            tpu.vector_store %arg22[%swap3A, %swap3A_886], %select_n3A_885 {strides = array<i32>} : memref<224x16xf32, #tpu.memory_space<vmem>>, vector<16xf32>,
            %mul3A_888 = arith.constant 16 : i32
            %mul3A_889 = arith.muli %scan3A_845, %mul3A_888 : i32
            %add3A_890 = arith.constant 1 : i32
            %add3A_891 = arith.addi %mul3A_889, %add3A_890 : i32
            %broadcast_in_dim3A_892 = arith.constant 1 : i32
            %broadcast_in_dim3A_893 = vector.broadcast %broadcast_in_dim3A_892 : i32 to vector<16xi32>
            %lt3A_894 = arith.constant 0 : i32
            %lt3A_895 = vector.broadcast %lt3A_894 : i32 to vector<16xi32>
            %lt3A_896 = arith.cmpi slt, %broadcast_in_dim3A_893, %lt3A_895 : vector<16xi32>
            %add3A_897 = arith.constant 16 : i32
            %add3A_898 = vector.broadcast %add3A_897 : i32 to vector<16xi32>
            %add3A_899 = arith.addi %broadcast_in_dim3A_893, %add3A_898 : vector<16xi32>
            %select_n3A_900 = arith.select %lt3A_896, %add3A_899, %broadcast_in_dim3A_893 : vector<16xi1>, vector<16xi32>
            %broadcast_in_dim3A_901 = vector.shape_cast %select_n3A_900 : vector<16xi32> to vector<16x1xi32>
            %gather3A_902 = vector.shape_cast %broadcast_in_dim3A_901 : vector<16x1xi32> to vector<16xi32>
            %gather3A_903 = tpu.dynamic_gather %get3A_851[%gather3A_902] in [0] : vector<16xf32>, vector<16xi32> -> vector<16xf32>
            %get3A_904 = arith.index_cast %add3A_891 : i32 to index
            %get3A_905 = arith.constant 0 : index
            %get3A_906 = tpu.vector_load %arg22[%get3A_904, %get3A_905] {strides = array<i32>} : memref<224x16xf32, #tpu.memory_space<vmem>>, vector<16xf32>,
            %mul3A_907 = arith.mulf %get3A_906, %gather3A : vector<16xf32>
            %add3A_908 = arith.addf %mul3A_907, %gather3A_903 : vector<16xf32>
            %abs3A_909 = math.absf %add3A_908 : vector<16xf32>
            %mul3A_910 = arith.constant -2.000000e+00 : f32
            %mul3A_911 = vector.broadcast %mul3A_910 : f32 to vector<16xf32>
            %mul3A_912 = arith.mulf %mul3A_911, %abs3A_909 : vector<16xf32>
            %exp3A_913 = math.exp %mul3A_912 : vector<16xf32>
            %sub3A_914 = arith.constant 1.000000e+00 : f32
            %sub3A_915 = vector.broadcast %sub3A_914 : f32 to vector<16xf32>
            %sub3A_916 = arith.subf %sub3A_915, %exp3A_913 : vector<16xf32>
            %add3A_917 = arith.constant 1.000000e+00 : f32
            %add3A_918 = vector.broadcast %add3A_917 : f32 to vector<16xf32>
            %add3A_919 = arith.addf %add3A_918, %exp3A_913 : vector<16xf32>
            %div3A_920 = arith.divf %sub3A_916, %add3A_919 : vector<16xf32>
            %lt3A_921 = arith.constant 0.000000e+00 : f32
            %lt3A_922 = vector.broadcast %lt3A_921 : f32 to vector<16xf32>
            %lt3A_923 = arith.cmpf olt, %add3A_908, %lt3A_922 : vector<16xf32>
            %neg3A_924 = arith.constant 0.000000e+00 : f32
            %neg3A_925 = vector.broadcast %neg3A_924 : f32 to vector<16xf32>
            %neg3A_926 = arith.subf %neg3A_925, %div3A_920 : vector<16xf32>
            %select_n3A_927 = arith.select %lt3A_923, %neg3A_926, %div3A_920 : vector<16xi1>, vector<16xf32>
            %swap3A_928 = arith.index_cast %add3A_891 : i32 to index
            %swap3A_929 = arith.constant 0 : index
            %swap3A_930 = tpu.vector_load %arg22[%swap3A_928, %swap3A_929] {strides = array<i32>} : memref<224x16xf32, #tpu.memory_space<vmem>>, vector<16xf32>,
            tpu.vector_store %arg22[%swap3A_928, %swap3A_929], %select_n3A_927 {strides = array<i32>} : memref<224x16xf32, #tpu.memory_space<vmem>>, vector<16xf32>,
            %mul3A_931 = arith.constant 16 : i32
            %mul3A_932 = arith.muli %scan3A_845, %mul3A_931 : i32
            %add3A_933 = arith.constant 2 : i32
            %add3A_934 = arith.addi %mul3A_932, %add3A_933 : i32
            %broadcast_in_dim3A_935 = arith.constant 2 : i32
            %broadcast_in_dim3A_936 = vector.broadcast %broadcast_in_dim3A_935 : i32 to vector<16xi32>
            %lt3A_937 = arith.constant 0 : i32
            %lt3A_938 = vector.broadcast %lt3A_937 : i32 to vector<16xi32>
            %lt3A_939 = arith.cmpi slt, %broadcast_in_dim3A_936, %lt3A_938 : vector<16xi32>
            %add3A_940 = arith.constant 16 : i32
            %add3A_941 = vector.broadcast %add3A_940 : i32 to vector<16xi32>
            %add3A_942 = arith.addi %broadcast_in_dim3A_936, %add3A_941 : vector<16xi32>
            %select_n3A_943 = arith.select %lt3A_939, %add3A_942, %broadcast_in_dim3A_936 : vector<16xi1>, vector<16xi32>
            %broadcast_in_dim3A_944 = vector.shape_cast %select_n3A_943 : vector<16xi32> to vector<16x1xi32>
            %gather3A_945 = vector.shape_cast %broadcast_in_dim3A_944 : vector<16x1xi32> to vector<16xi32>
            %gather3A_946 = tpu.dynamic_gather %get3A_851[%gather3A_945] in [0] : vector<16xf32>, vector<16xi32> -> vector<16xf32>
            %get3A_947 = arith.index_cast %add3A_934 : i32 to index
            %get3A_948 = arith.constant 0 : index
            %get3A_949 = tpu.vector_load %arg22[%get3A_947, %get3A_948] {strides = array<i32>} : memref<224x16xf32, #tpu.memory_space<vmem>>, vector<16xf32>,
            %mul3A_950 = arith.mulf %get3A_949, %gather3A : vector<16xf32>
            %add3A_951 = arith.addf %mul3A_950, %gather3A_946 : vector<16xf32>
            %abs3A_952 = math.absf %add3A_951 : vector<16xf32>
            %mul3A_953 = arith.constant -2.000000e+00 : f32
            %mul3A_954 = vector.broadcast %mul3A_953 : f32 to vector<16xf32>
            %mul3A_955 = arith.mulf %mul3A_954, %abs3A_952 : vector<16xf32>
            %exp3A_956 = math.exp %mul3A_955 : vector<16xf32>
            %sub3A_957 = arith.constant 1.000000e+00 : f32
            %sub3A_958 = vector.broadcast %sub3A_957 : f32 to vector<16xf32>
            %sub3A_959 = arith.subf %sub3A_958, %exp3A_956 : vector<16xf32>
            %add3A_960 = arith.constant 1.000000e+00 : f32
            %add3A_961 = vector.broadcast %add3A_960 : f32 to vector<16xf32>
            %add3A_962 = arith.addf %add3A_961, %exp3A_956 : vector<16xf32>
            %div3A_963 = arith.divf %sub3A_959, %add3A_962 : vector<16xf32>
            %lt3A_964 = arith.constant 0.000000e+00 : f32
            %lt3A_965 = vector.broadcast %lt3A_964 : f32 to vector<16xf32>
            %lt3A_966 = arith.cmpf olt, %add3A_951, %lt3A_965 : vector<16xf32>
            %neg3A_967 = arith.constant 0.000000e+00 : f32
            %neg3A_968 = vector.broadcast %neg3A_967 : f32 to vector<16xf32>
            %neg3A_969 = arith.subf %neg3A_968, %div3A_963 : vector<16xf32>
            %select_n3A_970 = arith.select %lt3A_966, %neg3A_969, %div3A_963 : vector<16xi1>, vector<16xf32>
            %swap3A_971 = arith.index_cast %add3A_934 : i32 to index
            %swap3A_972 = arith.constant 0 : index
            %swap3A_973 = tpu.vector_load %arg22[%swap3A_971, %swap3A_972] {strides = array<i32>} : memref<224x16xf32, #tpu.memory_space<vmem>>, vector<16xf32>,
            tpu.vector_store %arg22[%swap3A_971, %swap3A_972], %select_n3A_970 {strides = array<i32>} : memref<224x16xf32, #tpu.memory_space<vmem>>, vector<16xf32>,
            %mul3A_974 = arith.constant 16 : i32
            %mul3A_975 = arith.muli %scan3A_845, %mul3A_974 : i32
            %add3A_976 = arith.constant 3 : i32
            %add3A_977 = arith.addi %mul3A_975, %add3A_976 : i32
            %broadcast_in_dim3A_978 = arith.constant 3 : i32
            %broadcast_in_dim3A_979 = vector.broadcast %broadcast_in_dim3A_978 : i32 to vector<16xi32>
            %lt3A_980 = arith.constant 0 : i32
            %lt3A_981 = vector.broadcast %lt3A_980 : i32 to vector<16xi32>
            %lt3A_982 = arith.cmpi slt, %broadcast_in_dim3A_979, %lt3A_981 : vector<16xi32>
            %add3A_983 = arith.constant 16 : i32
            %add3A_984 = vector.broadcast %add3A_983 : i32 to vector<16xi32>
            %add3A_985 = arith.addi %broadcast_in_dim3A_979, %add3A_984 : vector<16xi32>
            %select_n3A_986 = arith.select %lt3A_982, %add3A_985, %broadcast_in_dim3A_979 : vector<16xi1>, vector<16xi32>
            %broadcast_in_dim3A_987 = vector.shape_cast %select_n3A_986 : vector<16xi32> to vector<16x1xi32>
            %gather3A_988 = vector.shape_cast %broadcast_in_dim3A_987 : vector<16x1xi32> to vector<16xi32>
            %gather3A_989 = tpu.dynamic_gather %get3A_851[%gather3A_988] in [0] : vector<16xf32>, vector<16xi32> -> vector<16xf32>
            %get3A_990 = arith.index_cast %add3A_977 : i32 to index
            %get3A_991 = arith.constant 0 : index
            %get3A_992 = tpu.vector_load %arg22[%get3A_990, %get3A_991] {strides = array<i32>} : memref<224x16xf32, #tpu.memory_space<vmem>>, vector<16xf32>,
            %mul3A_993 = arith.mulf %get3A_992, %gather3A : vector<16xf32>
            %add3A_994 = arith.addf %mul3A_993, %gather3A_989 : vector<16xf32>
            %abs3A_995 = math.absf %add3A_994 : vector<16xf32>
            %mul3A_996 = arith.constant -2.000000e+00 : f32
            %mul3A_997 = vector.broadcast %mul3A_996 : f32 to vector<16xf32>
            %mul3A_998 = arith.mulf %mul3A_997, %abs3A_995 : vector<16xf32>
            %exp3A_999 = math.exp %mul3A_998 : vector<16xf32>
            %sub3A_1000 = arith.constant 1.000000e+00 : f32
            %sub3A_1001 = vector.broadcast %sub3A_1000 : f32 to vector<16xf32>
            %sub3A_1002 = arith.subf %sub3A_1001, %exp3A_999 : vector<16xf32>
            %add3A_1003 = arith.constant 1.000000e+00 : f32
            %add3A_1004 = vector.broadcast %add3A_1003 : f32 to vector<16xf32>
            %add3A_1005 = arith.addf %add3A_1004, %exp3A_999 : vector<16xf32>
            %div3A_1006 = arith.divf %sub3A_1002, %add3A_1005 : vector<16xf32>
            %lt3A_1007 = arith.constant 0.000000e+00 : f32
            %lt3A_1008 = vector.broadcast %lt3A_1007 : f32 to vector<16xf32>
            %lt3A_1009 = arith.cmpf olt, %add3A_994, %lt3A_1008 : vector<16xf32>
            %neg3A_1010 = arith.constant 0.000000e+00 : f32
            %neg3A_1011 = vector.broadcast %neg3A_1010 : f32 to vector<16xf32>
            %neg3A_1012 = arith.subf %neg3A_1011, %div3A_1006 : vector<16xf32>
            %select_n3A_1013 = arith.select %lt3A_1009, %neg3A_1012, %div3A_1006 : vector<16xi1>, vector<16xf32>
            %swap3A_1014 = arith.index_cast %add3A_977 : i32 to index
            %swap3A_1015 = arith.constant 0 : index
            %swap3A_1016 = tpu.vector_load %arg22[%swap3A_1014, %swap3A_1015] {strides = array<i32>} : memref<224x16xf32, #tpu.memory_space<vmem>>, vector<16xf32>,
            tpu.vector_store %arg22[%swap3A_1014, %swap3A_1015], %select_n3A_1013 {strides = array<i32>} : memref<224x16xf32, #tpu.memory_space<vmem>>, vector<16xf32>,
            %mul3A_1017 = arith.constant 16 : i32
            %mul3A_1018 = arith.muli %scan3A_845, %mul3A_1017 : i32
            %add3A_1019 = arith.constant 4 : i32
            %add3A_1020 = arith.addi %mul3A_1018, %add3A_1019 : i32
            %broadcast_in_dim3A_1021 = arith.constant 4 : i32
            %broadcast_in_dim3A_1022 = vector.broadcast %broadcast_in_dim3A_1021 : i32 to vector<16xi32>
            %lt3A_1023 = arith.constant 0 : i32
            %lt3A_1024 = vector.broadcast %lt3A_1023 : i32 to vector<16xi32>
            %lt3A_1025 = arith.cmpi slt, %broadcast_in_dim3A_1022, %lt3A_1024 : vector<16xi32>
            %add3A_1026 = arith.constant 16 : i32
            %add3A_1027 = vector.broadcast %add3A_1026 : i32 to vector<16xi32>
            %add3A_1028 = arith.addi %broadcast_in_dim3A_1022, %add3A_1027 : vector<16xi32>
            %select_n3A_1029 = arith.select %lt3A_1025, %add3A_1028, %broadcast_in_dim3A_1022 : vector<16xi1>, vector<16xi32>
            %broadcast_in_dim3A_1030 = vector.shape_cast %select_n3A_1029 : vector<16xi32> to vector<16x1xi32>
            %gather3A_1031 = vector.shape_cast %broadcast_in_dim3A_1030 : vector<16x1xi32> to vector<16xi32>
            %gather3A_1032 = tpu.dynamic_gather %get3A_851[%gather3A_1031] in [0] : vector<16xf32>, vector<16xi32> -> vector<16xf32>
            %get3A_1033 = arith.index_cast %add3A_1020 : i32 to index
            %get3A_1034 = arith.constant 0 : index
            %get3A_1035 = tpu.vector_load %arg22[%get3A_1033, %get3A_1034] {strides = array<i32>} : memref<224x16xf32, #tpu.memory_space<vmem>>, vector<16xf32>,
            %mul3A_1036 = arith.mulf %get3A_1035, %gather3A : vector<16xf32>
            %add3A_1037 = arith.addf %mul3A_1036, %gather3A_1032 : vector<16xf32>
            %abs3A_1038 = math.absf %add3A_1037 : vector<16xf32>
            %mul3A_1039 = arith.constant -2.000000e+00 : f32
            %mul3A_1040 = vector.broadcast %mul3A_1039 : f32 to vector<16xf32>
            %mul3A_1041 = arith.mulf %mul3A_1040, %abs3A_1038 : vector<16xf32>
            %exp3A_1042 = math.exp %mul3A_1041 : vector<16xf32>
            %sub3A_1043 = arith.constant 1.000000e+00 : f32
            %sub3A_1044 = vector.broadcast %sub3A_1043 : f32 to vector<16xf32>
            %sub3A_1045 = arith.subf %sub3A_1044, %exp3A_1042 : vector<16xf32>
            %add3A_1046 = arith.constant 1.000000e+00 : f32
            %add3A_1047 = vector.broadcast %add3A_1046 : f32 to vector<16xf32>
            %add3A_1048 = arith.addf %add3A_1047, %exp3A_1042 : vector<16xf32>
            %div3A_1049 = arith.divf %sub3A_1045, %add3A_1048 : vector<16xf32>
            %lt3A_1050 = arith.constant 0.000000e+00 : f32
            %lt3A_1051 = vector.broadcast %lt3A_1050 : f32 to vector<16xf32>
            %lt3A_1052 = arith.cmpf olt, %add3A_1037, %lt3A_1051 : vector<16xf32>
            %neg3A_1053 = arith.constant 0.000000e+00 : f32
            %neg3A_1054 = vector.broadcast %neg3A_1053 : f32 to vector<16xf32>
            %neg3A_1055 = arith.subf %neg3A_1054, %div3A_1049 : vector<16xf32>
            %select_n3A_1056 = arith.select %lt3A_1052, %neg3A_1055, %div3A_1049 : vector<16xi1>, vector<16xf32>
            %swap3A_1057 = arith.index_cast %add3A_1020 : i32 to index
            %swap3A_1058 = arith.constant 0 : index
            %swap3A_1059 = tpu.vector_load %arg22[%swap3A_1057, %swap3A_1058] {strides = array<i32>} : memref<224x16xf32, #tpu.memory_space<vmem>>, vector<16xf32>,
            tpu.vector_store %arg22[%swap3A_1057, %swap3A_1058], %select_n3A_1056 {strides = array<i32>} : memref<224x16xf32, #tpu.memory_space<vmem>>, vector<16xf32>,
            %mul3A_1060 = arith.constant 16 : i32
            %mul3A_1061 = arith.muli %scan3A_845, %mul3A_1060 : i32
            %add3A_1062 = arith.constant 5 : i32
            %add3A_1063 = arith.addi %mul3A_1061, %add3A_1062 : i32
            %broadcast_in_dim3A_1064 = arith.constant 5 : i32
            %broadcast_in_dim3A_1065 = vector.broadcast %broadcast_in_dim3A_1064 : i32 to vector<16xi32>
            %lt3A_1066 = arith.constant 0 : i32
            %lt3A_1067 = vector.broadcast %lt3A_1066 : i32 to vector<16xi32>
            %lt3A_1068 = arith.cmpi slt, %broadcast_in_dim3A_1065, %lt3A_1067 : vector<16xi32>
            %add3A_1069 = arith.constant 16 : i32
            %add3A_1070 = vector.broadcast %add3A_1069 : i32 to vector<16xi32>
            %add3A_1071 = arith.addi %broadcast_in_dim3A_1065, %add3A_1070 : vector<16xi32>
            %select_n3A_1072 = arith.select %lt3A_1068, %add3A_1071, %broadcast_in_dim3A_1065 : vector<16xi1>, vector<16xi32>
            %broadcast_in_dim3A_1073 = vector.shape_cast %select_n3A_1072 : vector<16xi32> to vector<16x1xi32>
            %gather3A_1074 = vector.shape_cast %broadcast_in_dim3A_1073 : vector<16x1xi32> to vector<16xi32>
            %gather3A_1075 = tpu.dynamic_gather %get3A_851[%gather3A_1074] in [0] : vector<16xf32>, vector<16xi32> -> vector<16xf32>
            %get3A_1076 = arith.index_cast %add3A_1063 : i32 to index
            %get3A_1077 = arith.constant 0 : index
            %get3A_1078 = tpu.vector_load %arg22[%get3A_1076, %get3A_1077] {strides = array<i32>} : memref<224x16xf32, #tpu.memory_space<vmem>>, vector<16xf32>,
            %mul3A_1079 = arith.mulf %get3A_1078, %gather3A : vector<16xf32>
            %add3A_1080 = arith.addf %mul3A_1079, %gather3A_1075 : vector<16xf32>
            %abs3A_1081 = math.absf %add3A_1080 : vector<16xf32>
            %mul3A_1082 = arith.constant -2.000000e+00 : f32
            %mul3A_1083 = vector.broadcast %mul3A_1082 : f32 to vector<16xf32>
            %mul3A_1084 = arith.mulf %mul3A_1083, %abs3A_1081 : vector<16xf32>
            %exp3A_1085 = math.exp %mul3A_1084 : vector<16xf32>
            %sub3A_1086 = arith.constant 1.000000e+00 : f32
            %sub3A_1087 = vector.broadcast %sub3A_1086 : f32 to vector<16xf32>
            %sub3A_1088 = arith.subf %sub3A_1087, %exp3A_1085 : vector<16xf32>
            %add3A_1089 = arith.constant 1.000000e+00 : f32
            %add3A_1090 = vector.broadcast %add3A_1089 : f32 to vector<16xf32>
            %add3A_1091 = arith.addf %add3A_1090, %exp3A_1085 : vector<16xf32>
            %div3A_1092 = arith.divf %sub3A_1088, %add3A_1091 : vector<16xf32>
            %lt3A_1093 = arith.constant 0.000000e+00 : f32
            %lt3A_1094 = vector.broadcast %lt3A_1093 : f32 to vector<16xf32>
            %lt3A_1095 = arith.cmpf olt, %add3A_1080, %lt3A_1094 : vector<16xf32>
            %neg3A_1096 = arith.constant 0.000000e+00 : f32
            %neg3A_1097 = vector.broadcast %neg3A_1096 : f32 to vector<16xf32>
            %neg3A_1098 = arith.subf %neg3A_1097, %div3A_1092 : vector<16xf32>
            %select_n3A_1099 = arith.select %lt3A_1095, %neg3A_1098, %div3A_1092 : vector<16xi1>, vector<16xf32>
            %swap3A_1100 = arith.index_cast %add3A_1063 : i32 to index
            %swap3A_1101 = arith.constant 0 : index
            %swap3A_1102 = tpu.vector_load %arg22[%swap3A_1100, %swap3A_1101] {strides = array<i32>} : memref<224x16xf32, #tpu.memory_space<vmem>>, vector<16xf32>,
            tpu.vector_store %arg22[%swap3A_1100, %swap3A_1101], %select_n3A_1099 {strides = array<i32>} : memref<224x16xf32, #tpu.memory_space<vmem>>, vector<16xf32>,
            %mul3A_1103 = arith.constant 16 : i32
            %mul3A_1104 = arith.muli %scan3A_845, %mul3A_1103 : i32
            %add3A_1105 = arith.constant 6 : i32
            %add3A_1106 = arith.addi %mul3A_1104, %add3A_1105 : i32
            %broadcast_in_dim3A_1107 = arith.constant 6 : i32
            %broadcast_in_dim3A_1108 = vector.broadcast %broadcast_in_dim3A_1107 : i32 to vector<16xi32>
            %lt3A_1109 = arith.constant 0 : i32
            %lt3A_1110 = vector.broadcast %lt3A_1109 : i32 to vector<16xi32>
            %lt3A_1111 = arith.cmpi slt, %broadcast_in_dim3A_1108, %lt3A_1110 : vector<16xi32>
            %add3A_1112 = arith.constant 16 : i32
            %add3A_1113 = vector.broadcast %add3A_1112 : i32 to vector<16xi32>
            %add3A_1114 = arith.addi %broadcast_in_dim3A_1108, %add3A_1113 : vector<16xi32>
            %select_n3A_1115 = arith.select %lt3A_1111, %add3A_1114, %broadcast_in_dim3A_1108 : vector<16xi1>, vector<16xi32>
            %broadcast_in_dim3A_1116 = vector.shape_cast %select_n3A_1115 : vector<16xi32> to vector<16x1xi32>
            %gather3A_1117 = vector.shape_cast %broadcast_in_dim3A_1116 : vector<16x1xi32> to vector<16xi32>
            %gather3A_1118 = tpu.dynamic_gather %get3A_851[%gather3A_1117] in [0] : vector<16xf32>, vector<16xi32> -> vector<16xf32>
            %get3A_1119 = arith.index_cast %add3A_1106 : i32 to index
            %get3A_1120 = arith.constant 0 : index
            %get3A_1121 = tpu.vector_load %arg22[%get3A_1119, %get3A_1120] {strides = array<i32>} : memref<224x16xf32, #tpu.memory_space<vmem>>, vector<16xf32>,
            %mul3A_1122 = arith.mulf %get3A_1121, %gather3A : vector<16xf32>
            %add3A_1123 = arith.addf %mul3A_1122, %gather3A_1118 : vector<16xf32>
            %abs3A_1124 = math.absf %add3A_1123 : vector<16xf32>
            %mul3A_1125 = arith.constant -2.000000e+00 : f32
            %mul3A_1126 = vector.broadcast %mul3A_1125 : f32 to vector<16xf32>
            %mul3A_1127 = arith.mulf %mul3A_1126, %abs3A_1124 : vector<16xf32>
            %exp3A_1128 = math.exp %mul3A_1127 : vector<16xf32>
            %sub3A_1129 = arith.constant 1.000000e+00 : f32
            %sub3A_1130 = vector.broadcast %sub3A_1129 : f32 to vector<16xf32>
            %sub3A_1131 = arith.subf %sub3A_1130, %exp3A_1128 : vector<16xf32>
            %add3A_1132 = arith.constant 1.000000e+00 : f32
            %add3A_1133 = vector.broadcast %add3A_1132 : f32 to vector<16xf32>
            %add3A_1134 = arith.addf %add3A_1133, %exp3A_1128 : vector<16xf32>
            %div3A_1135 = arith.divf %sub3A_1131, %add3A_1134 : vector<16xf32>
            %lt3A_1136 = arith.constant 0.000000e+00 : f32
            %lt3A_1137 = vector.broadcast %lt3A_1136 : f32 to vector<16xf32>
            %lt3A_1138 = arith.cmpf olt, %add3A_1123, %lt3A_1137 : vector<16xf32>
            %neg3A_1139 = arith.constant 0.000000e+00 : f32
            %neg3A_1140 = vector.broadcast %neg3A_1139 : f32 to vector<16xf32>
            %neg3A_1141 = arith.subf %neg3A_1140, %div3A_1135 : vector<16xf32>
            %select_n3A_1142 = arith.select %lt3A_1138, %neg3A_1141, %div3A_1135 : vector<16xi1>, vector<16xf32>
            %swap3A_1143 = arith.index_cast %add3A_1106 : i32 to index
            %swap3A_1144 = arith.constant 0 : index
            %swap3A_1145 = tpu.vector_load %arg22[%swap3A_1143, %swap3A_1144] {strides = array<i32>} : memref<224x16xf32, #tpu.memory_space<vmem>>, vector<16xf32>,
            tpu.vector_store %arg22[%swap3A_1143, %swap3A_1144], %select_n3A_1142 {strides = array<i32>} : memref<224x16xf32, #tpu.memory_space<vmem>>, vector<16xf32>,
            %mul3A_1146 = arith.constant 16 : i32
            %mul3A_1147 = arith.muli %scan3A_845, %mul3A_1146 : i32
            %add3A_1148 = arith.constant 7 : i32
            %add3A_1149 = arith.addi %mul3A_1147, %add3A_1148 : i32
            %broadcast_in_dim3A_1150 = arith.constant 7 : i32
            %broadcast_in_dim3A_1151 = vector.broadcast %broadcast_in_dim3A_1150 : i32 to vector<16xi32>
            %lt3A_1152 = arith.constant 0 : i32
            %lt3A_1153 = vector.broadcast %lt3A_1152 : i32 to vector<16xi32>
            %lt3A_1154 = arith.cmpi slt, %broadcast_in_dim3A_1151, %lt3A_1153 : vector<16xi32>
            %add3A_1155 = arith.constant 16 : i32
            %add3A_1156 = vector.broadcast %add3A_1155 : i32 to vector<16xi32>
            %add3A_1157 = arith.addi %broadcast_in_dim3A_1151, %add3A_1156 : vector<16xi32>
            %select_n3A_1158 = arith.select %lt3A_1154, %add3A_1157, %broadcast_in_dim3A_1151 : vector<16xi1>, vector<16xi32>
            %broadcast_in_dim3A_1159 = vector.shape_cast %select_n3A_1158 : vector<16xi32> to vector<16x1xi32>
            %gather3A_1160 = vector.shape_cast %broadcast_in_dim3A_1159 : vector<16x1xi32> to vector<16xi32>
            %gather3A_1161 = tpu.dynamic_gather %get3A_851[%gather3A_1160] in [0] : vector<16xf32>, vector<16xi32> -> vector<16xf32>
            %get3A_1162 = arith.index_cast %add3A_1149 : i32 to index
            %get3A_1163 = arith.constant 0 : index
            %get3A_1164 = tpu.vector_load %arg22[%get3A_1162, %get3A_1163] {strides = array<i32>} : memref<224x16xf32, #tpu.memory_space<vmem>>, vector<16xf32>,
            %mul3A_1165 = arith.mulf %get3A_1164, %gather3A : vector<16xf32>
            %add3A_1166 = arith.addf %mul3A_1165, %gather3A_1161 : vector<16xf32>
            %abs3A_1167 = math.absf %add3A_1166 : vector<16xf32>
            %mul3A_1168 = arith.constant -2.000000e+00 : f32
            %mul3A_1169 = vector.broadcast %mul3A_1168 : f32 to vector<16xf32>
            %mul3A_1170 = arith.mulf %mul3A_1169, %abs3A_1167 : vector<16xf32>
            %exp3A_1171 = math.exp %mul3A_1170 : vector<16xf32>
            %sub3A_1172 = arith.constant 1.000000e+00 : f32
            %sub3A_1173 = vector.broadcast %sub3A_1172 : f32 to vector<16xf32>
            %sub3A_1174 = arith.subf %sub3A_1173, %exp3A_1171 : vector<16xf32>
            %add3A_1175 = arith.constant 1.000000e+00 : f32
            %add3A_1176 = vector.broadcast %add3A_1175 : f32 to vector<16xf32>
            %add3A_1177 = arith.addf %add3A_1176, %exp3A_1171 : vector<16xf32>
            %div3A_1178 = arith.divf %sub3A_1174, %add3A_1177 : vector<16xf32>
            %lt3A_1179 = arith.constant 0.000000e+00 : f32
            %lt3A_1180 = vector.broadcast %lt3A_1179 : f32 to vector<16xf32>
            %lt3A_1181 = arith.cmpf olt, %add3A_1166, %lt3A_1180 : vector<16xf32>
            %neg3A_1182 = arith.constant 0.000000e+00 : f32
            %neg3A_1183 = vector.broadcast %neg3A_1182 : f32 to vector<16xf32>
            %neg3A_1184 = arith.subf %neg3A_1183, %div3A_1178 : vector<16xf32>
            %select_n3A_1185 = arith.select %lt3A_1181, %neg3A_1184, %div3A_1178 : vector<16xi1>, vector<16xf32>
            %swap3A_1186 = arith.index_cast %add3A_1149 : i32 to index
            %swap3A_1187 = arith.constant 0 : index
            %swap3A_1188 = tpu.vector_load %arg22[%swap3A_1186, %swap3A_1187] {strides = array<i32>} : memref<224x16xf32, #tpu.memory_space<vmem>>, vector<16xf32>,
            tpu.vector_store %arg22[%swap3A_1186, %swap3A_1187], %select_n3A_1185 {strides = array<i32>} : memref<224x16xf32, #tpu.memory_space<vmem>>, vector<16xf32>,
            %mul3A_1189 = arith.constant 16 : i32
            %mul3A_1190 = arith.muli %scan3A_845, %mul3A_1189 : i32
            %add3A_1191 = arith.constant 8 : i32
            %add3A_1192 = arith.addi %mul3A_1190, %add3A_1191 : i32
            %broadcast_in_dim3A_1193 = arith.constant 8 : i32
            %broadcast_in_dim3A_1194 = vector.broadcast %broadcast_in_dim3A_1193 : i32 to vector<16xi32>
            %lt3A_1195 = arith.constant 0 : i32
            %lt3A_1196 = vector.broadcast %lt3A_1195 : i32 to vector<16xi32>
            %lt3A_1197 = arith.cmpi slt, %broadcast_in_dim3A_1194, %lt3A_1196 : vector<16xi32>
            %add3A_1198 = arith.constant 16 : i32
            %add3A_1199 = vector.broadcast %add3A_1198 : i32 to vector<16xi32>
            %add3A_1200 = arith.addi %broadcast_in_dim3A_1194, %add3A_1199 : vector<16xi32>
            %select_n3A_1201 = arith.select %lt3A_1197, %add3A_1200, %broadcast_in_dim3A_1194 : vector<16xi1>, vector<16xi32>
            %broadcast_in_dim3A_1202 = vector.shape_cast %select_n3A_1201 : vector<16xi32> to vector<16x1xi32>
            %gather3A_1203 = vector.shape_cast %broadcast_in_dim3A_1202 : vector<16x1xi32> to vector<16xi32>
            %gather3A_1204 = tpu.dynamic_gather %get3A_851[%gather3A_1203] in [0] : vector<16xf32>, vector<16xi32> -> vector<16xf32>
            %get3A_1205 = arith.index_cast %add3A_1192 : i32 to index
            %get3A_1206 = arith.constant 0 : index
            %get3A_1207 = tpu.vector_load %arg22[%get3A_1205, %get3A_1206] {strides = array<i32>} : memref<224x16xf32, #tpu.memory_space<vmem>>, vector<16xf32>,
            %mul3A_1208 = arith.mulf %get3A_1207, %gather3A : vector<16xf32>
            %add3A_1209 = arith.addf %mul3A_1208, %gather3A_1204 : vector<16xf32>
            %abs3A_1210 = math.absf %add3A_1209 : vector<16xf32>
            %mul3A_1211 = arith.constant -2.000000e+00 : f32
            %mul3A_1212 = vector.broadcast %mul3A_1211 : f32 to vector<16xf32>
            %mul3A_1213 = arith.mulf %mul3A_1212, %abs3A_1210 : vector<16xf32>
            %exp3A_1214 = math.exp %mul3A_1213 : vector<16xf32>
            %sub3A_1215 = arith.constant 1.000000e+00 : f32
            %sub3A_1216 = vector.broadcast %sub3A_1215 : f32 to vector<16xf32>
            %sub3A_1217 = arith.subf %sub3A_1216, %exp3A_1214 : vector<16xf32>
            %add3A_1218 = arith.constant 1.000000e+00 : f32
            %add3A_1219 = vector.broadcast %add3A_1218 : f32 to vector<16xf32>
            %add3A_1220 = arith.addf %add3A_1219, %exp3A_1214 : vector<16xf32>
            %div3A_1221 = arith.divf %sub3A_1217, %add3A_1220 : vector<16xf32>
            %lt3A_1222 = arith.constant 0.000000e+00 : f32
            %lt3A_1223 = vector.broadcast %lt3A_1222 : f32 to vector<16xf32>
            %lt3A_1224 = arith.cmpf olt, %add3A_1209, %lt3A_1223 : vector<16xf32>
            %neg3A_1225 = arith.constant 0.000000e+00 : f32
            %neg3A_1226 = vector.broadcast %neg3A_1225 : f32 to vector<16xf32>
            %neg3A_1227 = arith.subf %neg3A_1226, %div3A_1221 : vector<16xf32>
            %select_n3A_1228 = arith.select %lt3A_1224, %neg3A_1227, %div3A_1221 : vector<16xi1>, vector<16xf32>
            %swap3A_1229 = arith.index_cast %add3A_1192 : i32 to index
            %swap3A_1230 = arith.constant 0 : index
            %swap3A_1231 = tpu.vector_load %arg22[%swap3A_1229, %swap3A_1230] {strides = array<i32>} : memref<224x16xf32, #tpu.memory_space<vmem>>, vector<16xf32>,
            tpu.vector_store %arg22[%swap3A_1229, %swap3A_1230], %select_n3A_1228 {strides = array<i32>} : memref<224x16xf32, #tpu.memory_space<vmem>>, vector<16xf32>,
            %mul3A_1232 = arith.constant 16 : i32
            %mul3A_1233 = arith.muli %scan3A_845, %mul3A_1232 : i32
            %add3A_1234 = arith.constant 9 : i32
            %add3A_1235 = arith.addi %mul3A_1233, %add3A_1234 : i32
            %broadcast_in_dim3A_1236 = arith.constant 9 : i32
            %broadcast_in_dim3A_1237 = vector.broadcast %broadcast_in_dim3A_1236 : i32 to vector<16xi32>
            %lt3A_1238 = arith.constant 0 : i32
            %lt3A_1239 = vector.broadcast %lt3A_1238 : i32 to vector<16xi32>
            %lt3A_1240 = arith.cmpi slt, %broadcast_in_dim3A_1237, %lt3A_1239 : vector<16xi32>
            %add3A_1241 = arith.constant 16 : i32
            %add3A_1242 = vector.broadcast %add3A_1241 : i32 to vector<16xi32>
            %add3A_1243 = arith.addi %broadcast_in_dim3A_1237, %add3A_1242 : vector<16xi32>
            %select_n3A_1244 = arith.select %lt3A_1240, %add3A_1243, %broadcast_in_dim3A_1237 : vector<16xi1>, vector<16xi32>
            %broadcast_in_dim3A_1245 = vector.shape_cast %select_n3A_1244 : vector<16xi32> to vector<16x1xi32>
            %gather3A_1246 = vector.shape_cast %broadcast_in_dim3A_1245 : vector<16x1xi32> to vector<16xi32>
            %gather3A_1247 = tpu.dynamic_gather %get3A_851[%gather3A_1246] in [0] : vector<16xf32>, vector<16xi32> -> vector<16xf32>
            %get3A_1248 = arith.index_cast %add3A_1235 : i32 to index
            %get3A_1249 = arith.constant 0 : index
            %get3A_1250 = tpu.vector_load %arg22[%get3A_1248, %get3A_1249] {strides = array<i32>} : memref<224x16xf32, #tpu.memory_space<vmem>>, vector<16xf32>,
            %mul3A_1251 = arith.mulf %get3A_1250, %gather3A : vector<16xf32>
            %add3A_1252 = arith.addf %mul3A_1251, %gather3A_1247 : vector<16xf32>
            %abs3A_1253 = math.absf %add3A_1252 : vector<16xf32>
            %mul3A_1254 = arith.constant -2.000000e+00 : f32
            %mul3A_1255 = vector.broadcast %mul3A_1254 : f32 to vector<16xf32>
            %mul3A_1256 = arith.mulf %mul3A_1255, %abs3A_1253 : vector<16xf32>
            %exp3A_1257 = math.exp %mul3A_1256 : vector<16xf32>
            %sub3A_1258 = arith.constant 1.000000e+00 : f32
            %sub3A_1259 = vector.broadcast %sub3A_1258 : f32 to vector<16xf32>
            %sub3A_1260 = arith.subf %sub3A_1259, %exp3A_1257 : vector<16xf32>
            %add3A_1261 = arith.constant 1.000000e+00 : f32
            %add3A_1262 = vector.broadcast %add3A_1261 : f32 to vector<16xf32>
            %add3A_1263 = arith.addf %add3A_1262, %exp3A_1257 : vector<16xf32>
            %div3A_1264 = arith.divf %sub3A_1260, %add3A_1263 : vector<16xf32>
            %lt3A_1265 = arith.constant 0.000000e+00 : f32
            %lt3A_1266 = vector.broadcast %lt3A_1265 : f32 to vector<16xf32>
            %lt3A_1267 = arith.cmpf olt, %add3A_1252, %lt3A_1266 : vector<16xf32>
            %neg3A_1268 = arith.constant 0.000000e+00 : f32
            %neg3A_1269 = vector.broadcast %neg3A_1268 : f32 to vector<16xf32>
            %neg3A_1270 = arith.subf %neg3A_1269, %div3A_1264 : vector<16xf32>
            %select_n3A_1271 = arith.select %lt3A_1267, %neg3A_1270, %div3A_1264 : vector<16xi1>, vector<16xf32>
            %swap3A_1272 = arith.index_cast %add3A_1235 : i32 to index
            %swap3A_1273 = arith.constant 0 : index
            %swap3A_1274 = tpu.vector_load %arg22[%swap3A_1272, %swap3A_1273] {strides = array<i32>} : memref<224x16xf32, #tpu.memory_space<vmem>>, vector<16xf32>,
            tpu.vector_store %arg22[%swap3A_1272, %swap3A_1273], %select_n3A_1271 {strides = array<i32>} : memref<224x16xf32, #tpu.memory_space<vmem>>, vector<16xf32>,
            %mul3A_1275 = arith.constant 16 : i32
            %mul3A_1276 = arith.muli %scan3A_845, %mul3A_1275 : i32
            %add3A_1277 = arith.constant 10 : i32
            %add3A_1278 = arith.addi %mul3A_1276, %add3A_1277 : i32
            %broadcast_in_dim3A_1279 = arith.constant 10 : i32
            %broadcast_in_dim3A_1280 = vector.broadcast %broadcast_in_dim3A_1279 : i32 to vector<16xi32>
            %lt3A_1281 = arith.constant 0 : i32
            %lt3A_1282 = vector.broadcast %lt3A_1281 : i32 to vector<16xi32>
            %lt3A_1283 = arith.cmpi slt, %broadcast_in_dim3A_1280, %lt3A_1282 : vector<16xi32>
            %add3A_1284 = arith.constant 16 : i32
            %add3A_1285 = vector.broadcast %add3A_1284 : i32 to vector<16xi32>
            %add3A_1286 = arith.addi %broadcast_in_dim3A_1280, %add3A_1285 : vector<16xi32>
            %select_n3A_1287 = arith.select %lt3A_1283, %add3A_1286, %broadcast_in_dim3A_1280 : vector<16xi1>, vector<16xi32>
            %broadcast_in_dim3A_1288 = vector.shape_cast %select_n3A_1287 : vector<16xi32> to vector<16x1xi32>
            %gather3A_1289 = vector.shape_cast %broadcast_in_dim3A_1288 : vector<16x1xi32> to vector<16xi32>
            %gather3A_1290 = tpu.dynamic_gather %get3A_851[%gather3A_1289] in [0] : vector<16xf32>, vector<16xi32> -> vector<16xf32>
            %get3A_1291 = arith.index_cast %add3A_1278 : i32 to index
            %get3A_1292 = arith.constant 0 : index
            %get3A_1293 = tpu.vector_load %arg22[%get3A_1291, %get3A_1292] {strides = array<i32>} : memref<224x16xf32, #tpu.memory_space<vmem>>, vector<16xf32>,
            %mul3A_1294 = arith.mulf %get3A_1293, %gather3A : vector<16xf32>
            %add3A_1295 = arith.addf %mul3A_1294, %gather3A_1290 : vector<16xf32>
            %abs3A_1296 = math.absf %add3A_1295 : vector<16xf32>
            %mul3A_1297 = arith.constant -2.000000e+00 : f32
            %mul3A_1298 = vector.broadcast %mul3A_1297 : f32 to vector<16xf32>
            %mul3A_1299 = arith.mulf %mul3A_1298, %abs3A_1296 : vector<16xf32>
            %exp3A_1300 = math.exp %mul3A_1299 : vector<16xf32>
            %sub3A_1301 = arith.constant 1.000000e+00 : f32
            %sub3A_1302 = vector.broadcast %sub3A_1301 : f32 to vector<16xf32>
            %sub3A_1303 = arith.subf %sub3A_1302, %exp3A_1300 : vector<16xf32>
            %add3A_1304 = arith.constant 1.000000e+00 : f32
            %add3A_1305 = vector.broadcast %add3A_1304 : f32 to vector<16xf32>
            %add3A_1306 = arith.addf %add3A_1305, %exp3A_1300 : vector<16xf32>
            %div3A_1307 = arith.divf %sub3A_1303, %add3A_1306 : vector<16xf32>
            %lt3A_1308 = arith.constant 0.000000e+00 : f32
            %lt3A_1309 = vector.broadcast %lt3A_1308 : f32 to vector<16xf32>
            %lt3A_1310 = arith.cmpf olt, %add3A_1295, %lt3A_1309 : vector<16xf32>
            %neg3A_1311 = arith.constant 0.000000e+00 : f32
            %neg3A_1312 = vector.broadcast %neg3A_1311 : f32 to vector<16xf32>
            %neg3A_1313 = arith.subf %neg3A_1312, %div3A_1307 : vector<16xf32>
            %select_n3A_1314 = arith.select %lt3A_1310, %neg3A_1313, %div3A_1307 : vector<16xi1>, vector<16xf32>
            %swap3A_1315 = arith.index_cast %add3A_1278 : i32 to index
            %swap3A_1316 = arith.constant 0 : index
            %swap3A_1317 = tpu.vector_load %arg22[%swap3A_1315, %swap3A_1316] {strides = array<i32>} : memref<224x16xf32, #tpu.memory_space<vmem>>, vector<16xf32>,
            tpu.vector_store %arg22[%swap3A_1315, %swap3A_1316], %select_n3A_1314 {strides = array<i32>} : memref<224x16xf32, #tpu.memory_space<vmem>>, vector<16xf32>,
            %mul3A_1318 = arith.constant 16 : i32
            %mul3A_1319 = arith.muli %scan3A_845, %mul3A_1318 : i32
            %add3A_1320 = arith.constant 11 : i32
            %add3A_1321 = arith.addi %mul3A_1319, %add3A_1320 : i32
            %broadcast_in_dim3A_1322 = arith.constant 11 : i32
            %broadcast_in_dim3A_1323 = vector.broadcast %broadcast_in_dim3A_1322 : i32 to vector<16xi32>
            %lt3A_1324 = arith.constant 0 : i32
            %lt3A_1325 = vector.broadcast %lt3A_1324 : i32 to vector<16xi32>
            %lt3A_1326 = arith.cmpi slt, %broadcast_in_dim3A_1323, %lt3A_1325 : vector<16xi32>
            %add3A_1327 = arith.constant 16 : i32
            %add3A_1328 = vector.broadcast %add3A_1327 : i32 to vector<16xi32>
            %add3A_1329 = arith.addi %broadcast_in_dim3A_1323, %add3A_1328 : vector<16xi32>
            %select_n3A_1330 = arith.select %lt3A_1326, %add3A_1329, %broadcast_in_dim3A_1323 : vector<16xi1>, vector<16xi32>
            %broadcast_in_dim3A_1331 = vector.shape_cast %select_n3A_1330 : vector<16xi32> to vector<16x1xi32>
            %gather3A_1332 = vector.shape_cast %broadcast_in_dim3A_1331 : vector<16x1xi32> to vector<16xi32>
            %gather3A_1333 = tpu.dynamic_gather %get3A_851[%gather3A_1332] in [0] : vector<16xf32>, vector<16xi32> -> vector<16xf32>
            %get3A_1334 = arith.index_cast %add3A_1321 : i32 to index
            %get3A_1335 = arith.constant 0 : index
            %get3A_1336 = tpu.vector_load %arg22[%get3A_1334, %get3A_1335] {strides = array<i32>} : memref<224x16xf32, #tpu.memory_space<vmem>>, vector<16xf32>,
            %mul3A_1337 = arith.mulf %get3A_1336, %gather3A : vector<16xf32>
            %add3A_1338 = arith.addf %mul3A_1337, %gather3A_1333 : vector<16xf32>
            %abs3A_1339 = math.absf %add3A_1338 : vector<16xf32>
            %mul3A_1340 = arith.constant -2.000000e+00 : f32
            %mul3A_1341 = vector.broadcast %mul3A_1340 : f32 to vector<16xf32>
            %mul3A_1342 = arith.mulf %mul3A_1341, %abs3A_1339 : vector<16xf32>
            %exp3A_1343 = math.exp %mul3A_1342 : vector<16xf32>
            %sub3A_1344 = arith.constant 1.000000e+00 : f32
            %sub3A_1345 = vector.broadcast %sub3A_1344 : f32 to vector<16xf32>
            %sub3A_1346 = arith.subf %sub3A_1345, %exp3A_1343 : vector<16xf32>
            %add3A_1347 = arith.constant 1.000000e+00 : f32
            %add3A_1348 = vector.broadcast %add3A_1347 : f32 to vector<16xf32>
            %add3A_1349 = arith.addf %add3A_1348, %exp3A_1343 : vector<16xf32>
            %div3A_1350 = arith.divf %sub3A_1346, %add3A_1349 : vector<16xf32>
            %lt3A_1351 = arith.constant 0.000000e+00 : f32
            %lt3A_1352 = vector.broadcast %lt3A_1351 : f32 to vector<16xf32>
            %lt3A_1353 = arith.cmpf olt, %add3A_1338, %lt3A_1352 : vector<16xf32>
            %neg3A_1354 = arith.constant 0.000000e+00 : f32
            %neg3A_1355 = vector.broadcast %neg3A_1354 : f32 to vector<16xf32>
            %neg3A_1356 = arith.subf %neg3A_1355, %div3A_1350 : vector<16xf32>
            %select_n3A_1357 = arith.select %lt3A_1353, %neg3A_1356, %div3A_1350 : vector<16xi1>, vector<16xf32>
            %swap3A_1358 = arith.index_cast %add3A_1321 : i32 to index
            %swap3A_1359 = arith.constant 0 : index
            %swap3A_1360 = tpu.vector_load %arg22[%swap3A_1358, %swap3A_1359] {strides = array<i32>} : memref<224x16xf32, #tpu.memory_space<vmem>>, vector<16xf32>,
            tpu.vector_store %arg22[%swap3A_1358, %swap3A_1359], %select_n3A_1357 {strides = array<i32>} : memref<224x16xf32, #tpu.memory_space<vmem>>, vector<16xf32>,
            %mul3A_1361 = arith.constant 16 : i32
            %mul3A_1362 = arith.muli %scan3A_845, %mul3A_1361 : i32
            %add3A_1363 = arith.constant 12 : i32
            %add3A_1364 = arith.addi %mul3A_1362, %add3A_1363 : i32
            %broadcast_in_dim3A_1365 = arith.constant 12 : i32
            %broadcast_in_dim3A_1366 = vector.broadcast %broadcast_in_dim3A_1365 : i32 to vector<16xi32>
            %lt3A_1367 = arith.constant 0 : i32
            %lt3A_1368 = vector.broadcast %lt3A_1367 : i32 to vector<16xi32>
            %lt3A_1369 = arith.cmpi slt, %broadcast_in_dim3A_1366, %lt3A_1368 : vector<16xi32>
            %add3A_1370 = arith.constant 16 : i32
            %add3A_1371 = vector.broadcast %add3A_1370 : i32 to vector<16xi32>
            %add3A_1372 = arith.addi %broadcast_in_dim3A_1366, %add3A_1371 : vector<16xi32>
            %select_n3A_1373 = arith.select %lt3A_1369, %add3A_1372, %broadcast_in_dim3A_1366 : vector<16xi1>, vector<16xi32>
            %broadcast_in_dim3A_1374 = vector.shape_cast %select_n3A_1373 : vector<16xi32> to vector<16x1xi32>
            %gather3A_1375 = vector.shape_cast %broadcast_in_dim3A_1374 : vector<16x1xi32> to vector<16xi32>
            %gather3A_1376 = tpu.dynamic_gather %get3A_851[%gather3A_1375] in [0] : vector<16xf32>, vector<16xi32> -> vector<16xf32>
            %get3A_1377 = arith.index_cast %add3A_1364 : i32 to index
            %get3A_1378 = arith.constant 0 : index
            %get3A_1379 = tpu.vector_load %arg22[%get3A_1377, %get3A_1378] {strides = array<i32>} : memref<224x16xf32, #tpu.memory_space<vmem>>, vector<16xf32>,
            %mul3A_1380 = arith.mulf %get3A_1379, %gather3A : vector<16xf32>
            %add3A_1381 = arith.addf %mul3A_1380, %gather3A_1376 : vector<16xf32>
            %abs3A_1382 = math.absf %add3A_1381 : vector<16xf32>
            %mul3A_1383 = arith.constant -2.000000e+00 : f32
            %mul3A_1384 = vector.broadcast %mul3A_1383 : f32 to vector<16xf32>
            %mul3A_1385 = arith.mulf %mul3A_1384, %abs3A_1382 : vector<16xf32>
            %exp3A_1386 = math.exp %mul3A_1385 : vector<16xf32>
            %sub3A_1387 = arith.constant 1.000000e+00 : f32
            %sub3A_1388 = vector.broadcast %sub3A_1387 : f32 to vector<16xf32>
            %sub3A_1389 = arith.subf %sub3A_1388, %exp3A_1386 : vector<16xf32>
            %add3A_1390 = arith.constant 1.000000e+00 : f32
            %add3A_1391 = vector.broadcast %add3A_1390 : f32 to vector<16xf32>
            %add3A_1392 = arith.addf %add3A_1391, %exp3A_1386 : vector<16xf32>
            %div3A_1393 = arith.divf %sub3A_1389, %add3A_1392 : vector<16xf32>
            %lt3A_1394 = arith.constant 0.000000e+00 : f32
            %lt3A_1395 = vector.broadcast %lt3A_1394 : f32 to vector<16xf32>
            %lt3A_1396 = arith.cmpf olt, %add3A_1381, %lt3A_1395 : vector<16xf32>
            %neg3A_1397 = arith.constant 0.000000e+00 : f32
            %neg3A_1398 = vector.broadcast %neg3A_1397 : f32 to vector<16xf32>
            %neg3A_1399 = arith.subf %neg3A_1398, %div3A_1393 : vector<16xf32>
            %select_n3A_1400 = arith.select %lt3A_1396, %neg3A_1399, %div3A_1393 : vector<16xi1>, vector<16xf32>
            %swap3A_1401 = arith.index_cast %add3A_1364 : i32 to index
            %swap3A_1402 = arith.constant 0 : index
            %swap3A_1403 = tpu.vector_load %arg22[%swap3A_1401, %swap3A_1402] {strides = array<i32>} : memref<224x16xf32, #tpu.memory_space<vmem>>, vector<16xf32>,
            tpu.vector_store %arg22[%swap3A_1401, %swap3A_1402], %select_n3A_1400 {strides = array<i32>} : memref<224x16xf32, #tpu.memory_space<vmem>>, vector<16xf32>,
            %mul3A_1404 = arith.constant 16 : i32
            %mul3A_1405 = arith.muli %scan3A_845, %mul3A_1404 : i32
            %add3A_1406 = arith.constant 13 : i32
            %add3A_1407 = arith.addi %mul3A_1405, %add3A_1406 : i32
            %broadcast_in_dim3A_1408 = arith.constant 13 : i32
            %broadcast_in_dim3A_1409 = vector.broadcast %broadcast_in_dim3A_1408 : i32 to vector<16xi32>
            %lt3A_1410 = arith.constant 0 : i32
            %lt3A_1411 = vector.broadcast %lt3A_1410 : i32 to vector<16xi32>
            %lt3A_1412 = arith.cmpi slt, %broadcast_in_dim3A_1409, %lt3A_1411 : vector<16xi32>
            %add3A_1413 = arith.constant 16 : i32
            %add3A_1414 = vector.broadcast %add3A_1413 : i32 to vector<16xi32>
            %add3A_1415 = arith.addi %broadcast_in_dim3A_1409, %add3A_1414 : vector<16xi32>
            %select_n3A_1416 = arith.select %lt3A_1412, %add3A_1415, %broadcast_in_dim3A_1409 : vector<16xi1>, vector<16xi32>
            %broadcast_in_dim3A_1417 = vector.shape_cast %select_n3A_1416 : vector<16xi32> to vector<16x1xi32>
            %gather3A_1418 = vector.shape_cast %broadcast_in_dim3A_1417 : vector<16x1xi32> to vector<16xi32>
            %gather3A_1419 = tpu.dynamic_gather %get3A_851[%gather3A_1418] in [0] : vector<16xf32>, vector<16xi32> -> vector<16xf32>
            %get3A_1420 = arith.index_cast %add3A_1407 : i32 to index
            %get3A_1421 = arith.constant 0 : index
            %get3A_1422 = tpu.vector_load %arg22[%get3A_1420, %get3A_1421] {strides = array<i32>} : memref<224x16xf32, #tpu.memory_space<vmem>>, vector<16xf32>,
            %mul3A_1423 = arith.mulf %get3A_1422, %gather3A : vector<16xf32>
            %add3A_1424 = arith.addf %mul3A_1423, %gather3A_1419 : vector<16xf32>
            %abs3A_1425 = math.absf %add3A_1424 : vector<16xf32>
            %mul3A_1426 = arith.constant -2.000000e+00 : f32
            %mul3A_1427 = vector.broadcast %mul3A_1426 : f32 to vector<16xf32>
            %mul3A_1428 = arith.mulf %mul3A_1427, %abs3A_1425 : vector<16xf32>
            %exp3A_1429 = math.exp %mul3A_1428 : vector<16xf32>
            %sub3A_1430 = arith.constant 1.000000e+00 : f32
            %sub3A_1431 = vector.broadcast %sub3A_1430 : f32 to vector<16xf32>
            %sub3A_1432 = arith.subf %sub3A_1431, %exp3A_1429 : vector<16xf32>
            %add3A_1433 = arith.constant 1.000000e+00 : f32
            %add3A_1434 = vector.broadcast %add3A_1433 : f32 to vector<16xf32>
            %add3A_1435 = arith.addf %add3A_1434, %exp3A_1429 : vector<16xf32>
            %div3A_1436 = arith.divf %sub3A_1432, %add3A_1435 : vector<16xf32>
            %lt3A_1437 = arith.constant 0.000000e+00 : f32
            %lt3A_1438 = vector.broadcast %lt3A_1437 : f32 to vector<16xf32>
            %lt3A_1439 = arith.cmpf olt, %add3A_1424, %lt3A_1438 : vector<16xf32>
            %neg3A_1440 = arith.constant 0.000000e+00 : f32
            %neg3A_1441 = vector.broadcast %neg3A_1440 : f32 to vector<16xf32>
            %neg3A_1442 = arith.subf %neg3A_1441, %div3A_1436 : vector<16xf32>
            %select_n3A_1443 = arith.select %lt3A_1439, %neg3A_1442, %div3A_1436 : vector<16xi1>, vector<16xf32>
            %swap3A_1444 = arith.index_cast %add3A_1407 : i32 to index
            %swap3A_1445 = arith.constant 0 : index
            %swap3A_1446 = tpu.vector_load %arg22[%swap3A_1444, %swap3A_1445] {strides = array<i32>} : memref<224x16xf32, #tpu.memory_space<vmem>>, vector<16xf32>,
            tpu.vector_store %arg22[%swap3A_1444, %swap3A_1445], %select_n3A_1443 {strides = array<i32>} : memref<224x16xf32, #tpu.memory_space<vmem>>, vector<16xf32>,
            %mul3A_1447 = arith.constant 16 : i32
            %mul3A_1448 = arith.muli %scan3A_845, %mul3A_1447 : i32
            %add3A_1449 = arith.constant 14 : i32
            %add3A_1450 = arith.addi %mul3A_1448, %add3A_1449 : i32
            %broadcast_in_dim3A_1451 = arith.constant 14 : i32
            %broadcast_in_dim3A_1452 = vector.broadcast %broadcast_in_dim3A_1451 : i32 to vector<16xi32>
            %lt3A_1453 = arith.constant 0 : i32
            %lt3A_1454 = vector.broadcast %lt3A_1453 : i32 to vector<16xi32>
            %lt3A_1455 = arith.cmpi slt, %broadcast_in_dim3A_1452, %lt3A_1454 : vector<16xi32>
            %add3A_1456 = arith.constant 16 : i32
            %add3A_1457 = vector.broadcast %add3A_1456 : i32 to vector<16xi32>
            %add3A_1458 = arith.addi %broadcast_in_dim3A_1452, %add3A_1457 : vector<16xi32>
            %select_n3A_1459 = arith.select %lt3A_1455, %add3A_1458, %broadcast_in_dim3A_1452 : vector<16xi1>, vector<16xi32>
            %broadcast_in_dim3A_1460 = vector.shape_cast %select_n3A_1459 : vector<16xi32> to vector<16x1xi32>
            %gather3A_1461 = vector.shape_cast %broadcast_in_dim3A_1460 : vector<16x1xi32> to vector<16xi32>
            %gather3A_1462 = tpu.dynamic_gather %get3A_851[%gather3A_1461] in [0] : vector<16xf32>, vector<16xi32> -> vector<16xf32>
            %get3A_1463 = arith.index_cast %add3A_1450 : i32 to index
            %get3A_1464 = arith.constant 0 : index
            %get3A_1465 = tpu.vector_load %arg22[%get3A_1463, %get3A_1464] {strides = array<i32>} : memref<224x16xf32, #tpu.memory_space<vmem>>, vector<16xf32>,
            %mul3A_1466 = arith.mulf %get3A_1465, %gather3A : vector<16xf32>
            %add3A_1467 = arith.addf %mul3A_1466, %gather3A_1462 : vector<16xf32>
            %abs3A_1468 = math.absf %add3A_1467 : vector<16xf32>
            %mul3A_1469 = arith.constant -2.000000e+00 : f32
            %mul3A_1470 = vector.broadcast %mul3A_1469 : f32 to vector<16xf32>
            %mul3A_1471 = arith.mulf %mul3A_1470, %abs3A_1468 : vector<16xf32>
            %exp3A_1472 = math.exp %mul3A_1471 : vector<16xf32>
            %sub3A_1473 = arith.constant 1.000000e+00 : f32
            %sub3A_1474 = vector.broadcast %sub3A_1473 : f32 to vector<16xf32>
            %sub3A_1475 = arith.subf %sub3A_1474, %exp3A_1472 : vector<16xf32>
            %add3A_1476 = arith.constant 1.000000e+00 : f32
            %add3A_1477 = vector.broadcast %add3A_1476 : f32 to vector<16xf32>
            %add3A_1478 = arith.addf %add3A_1477, %exp3A_1472 : vector<16xf32>
            %div3A_1479 = arith.divf %sub3A_1475, %add3A_1478 : vector<16xf32>
            %lt3A_1480 = arith.constant 0.000000e+00 : f32
            %lt3A_1481 = vector.broadcast %lt3A_1480 : f32 to vector<16xf32>
            %lt3A_1482 = arith.cmpf olt, %add3A_1467, %lt3A_1481 : vector<16xf32>
            %neg3A_1483 = arith.constant 0.000000e+00 : f32
            %neg3A_1484 = vector.broadcast %neg3A_1483 : f32 to vector<16xf32>
            %neg3A_1485 = arith.subf %neg3A_1484, %div3A_1479 : vector<16xf32>
            %select_n3A_1486 = arith.select %lt3A_1482, %neg3A_1485, %div3A_1479 : vector<16xi1>, vector<16xf32>
            %swap3A_1487 = arith.index_cast %add3A_1450 : i32 to index
            %swap3A_1488 = arith.constant 0 : index
            %swap3A_1489 = tpu.vector_load %arg22[%swap3A_1487, %swap3A_1488] {strides = array<i32>} : memref<224x16xf32, #tpu.memory_space<vmem>>, vector<16xf32>,
            tpu.vector_store %arg22[%swap3A_1487, %swap3A_1488], %select_n3A_1486 {strides = array<i32>} : memref<224x16xf32, #tpu.memory_space<vmem>>, vector<16xf32>,
            %mul3A_1490 = arith.constant 16 : i32
            %mul3A_1491 = arith.muli %scan3A_845, %mul3A_1490 : i32
            %add3A_1492 = arith.constant 15 : i32
            %add3A_1493 = arith.addi %mul3A_1491, %add3A_1492 : i32
            %broadcast_in_dim3A_1494 = arith.constant 15 : i32
            %broadcast_in_dim3A_1495 = vector.broadcast %broadcast_in_dim3A_1494 : i32 to vector<16xi32>
            %lt3A_1496 = arith.constant 0 : i32
            %lt3A_1497 = vector.broadcast %lt3A_1496 : i32 to vector<16xi32>
            %lt3A_1498 = arith.cmpi slt, %broadcast_in_dim3A_1495, %lt3A_1497 : vector<16xi32>
            %add3A_1499 = arith.constant 16 : i32
            %add3A_1500 = vector.broadcast %add3A_1499 : i32 to vector<16xi32>
            %add3A_1501 = arith.addi %broadcast_in_dim3A_1495, %add3A_1500 : vector<16xi32>
            %select_n3A_1502 = arith.select %lt3A_1498, %add3A_1501, %broadcast_in_dim3A_1495 : vector<16xi1>, vector<16xi32>
            %broadcast_in_dim3A_1503 = vector.shape_cast %select_n3A_1502 : vector<16xi32> to vector<16x1xi32>
            %gather3A_1504 = vector.shape_cast %broadcast_in_dim3A_1503 : vector<16x1xi32> to vector<16xi32>
            %gather3A_1505 = tpu.dynamic_gather %get3A_851[%gather3A_1504] in [0] : vector<16xf32>, vector<16xi32> -> vector<16xf32>
            %get3A_1506 = arith.index_cast %add3A_1493 : i32 to index
            %get3A_1507 = arith.constant 0 : index
            %get3A_1508 = tpu.vector_load %arg22[%get3A_1506, %get3A_1507] {strides = array<i32>} : memref<224x16xf32, #tpu.memory_space<vmem>>, vector<16xf32>,
            %mul3A_1509 = arith.mulf %get3A_1508, %gather3A : vector<16xf32>
            %add3A_1510 = arith.addf %mul3A_1509, %gather3A_1505 : vector<16xf32>
            %abs3A_1511 = math.absf %add3A_1510 : vector<16xf32>
            %mul3A_1512 = arith.constant -2.000000e+00 : f32
            %mul3A_1513 = vector.broadcast %mul3A_1512 : f32 to vector<16xf32>
            %mul3A_1514 = arith.mulf %mul3A_1513, %abs3A_1511 : vector<16xf32>
            %exp3A_1515 = math.exp %mul3A_1514 : vector<16xf32>
            %sub3A_1516 = arith.constant 1.000000e+00 : f32
            %sub3A_1517 = vector.broadcast %sub3A_1516 : f32 to vector<16xf32>
            %sub3A_1518 = arith.subf %sub3A_1517, %exp3A_1515 : vector<16xf32>
            %add3A_1519 = arith.constant 1.000000e+00 : f32
            %add3A_1520 = vector.broadcast %add3A_1519 : f32 to vector<16xf32>
            %add3A_1521 = arith.addf %add3A_1520, %exp3A_1515 : vector<16xf32>
            %div3A_1522 = arith.divf %sub3A_1518, %add3A_1521 : vector<16xf32>
            %lt3A_1523 = arith.constant 0.000000e+00 : f32
            %lt3A_1524 = vector.broadcast %lt3A_1523 : f32 to vector<16xf32>
            %lt3A_1525 = arith.cmpf olt, %add3A_1510, %lt3A_1524 : vector<16xf32>
            %neg3A_1526 = arith.constant 0.000000e+00 : f32
            %neg3A_1527 = vector.broadcast %neg3A_1526 : f32 to vector<16xf32>
            %neg3A_1528 = arith.subf %neg3A_1527, %div3A_1522 : vector<16xf32>
            %select_n3A_1529 = arith.select %lt3A_1525, %neg3A_1528, %div3A_1522 : vector<16xi1>, vector<16xf32>
            %swap3A_1530 = arith.index_cast %add3A_1493 : i32 to index
            %swap3A_1531 = arith.constant 0 : index
            %swap3A_1532 = tpu.vector_load %arg22[%swap3A_1530, %swap3A_1531] {strides = array<i32>} : memref<224x16xf32, #tpu.memory_space<vmem>>, vector<16xf32>,
            tpu.vector_store %arg22[%swap3A_1530, %swap3A_1531], %select_n3A_1529 {strides = array<i32>} : memref<224x16xf32, #tpu.memory_space<vmem>>, vector<16xf32>,
          }
          %scan3A_779 = arith.constant 14 : i32
          %mul3A_780 = arith.constant 1568 : i32
          %mul3A_781 = arith.muli %arg1, %mul3A_780 : i32
          %mul3A_782 = arith.constant 224 : i32
          %mul3A_783 = arith.muli %add3A_761, %mul3A_782 : i32
          %add3A_784 = arith.addi %mul3A_781, %mul3A_783 : i32
          %dma_start3A_785 = arith.constant 0 : i32
          %dma_start3A_786 = tpu.memref_slice %arg15[%add3A_784, %dma_start3A_785] : memref<25088x16xf32, #tpu.memory_space<vmem_shared>> -> memref<224x16xf32, #tpu.memory_space<vmem_shared>>
          %dma_start3A_787 = arith.constant 0 : i32
          %dma_start3A_788 = tpu.memref_slice %arg15[%add3A_784, %dma_start3A_787] : memref<25088x16xf32, #tpu.memory_space<vmem_shared>> -> memref<224x16xf32, #tpu.memory_space<vmem_shared>>
          tpu.enqueue_dma source(%arg19 : memref<224x16xf32, #tpu.memory_space<vmem>>) target(%dma_start3A_788 : memref<224x16xf32, #tpu.memory_space<vmem_shared>>) target_semaphore(%arg39 : memref<!tpu.dma_semaphore, #tpu.memory_space<semaphore_mem>>)
          %dma_start3A_789 = arith.constant 0 : i32
          %dma_start3A_790 = tpu.memref_slice %arg20[%add3A_761, %dma_start3A_789] : memref<7x224xi32, #tpu.memory_space<vmem>> -> memref<1x224xi32, #tpu.memory_space<vmem>>
          %dma_start3A_791 = tpu.memref_squeeze %dma_start3A_790 : memref<1x224xi32, #tpu.memory_space<vmem>> -> memref<224xi32, #tpu.memory_space<vmem>>
          %dma_start3A_792 = arith.constant 0 : i32
          %dma_start3A_793 = arith.constant 0 : i32
          %dma_start3A_794 = tpu.memref_slice %arg14[%dma_start3A_792, %dma_start3A_793] : memref<50176x16xf32, #tpu.memory_space<vmem_shared>> -> memref<50176x16xf32, #tpu.memory_space<vmem_shared>>
          tpu.enqueue_indirect_dma source(%arg22 : memref<224x16xf32, #tpu.memory_space<vmem>>) target(%dma_start3A_794 : memref<50176x16xf32, #tpu.memory_space<vmem_shared>>) offsets(%dma_start3A_791 : memref<224xi32, #tpu.memory_space<vmem>>) semaphore(%arg34 : memref<!tpu.dma_semaphore, #tpu.memory_space<semaphore_mem>>)
          %mul3A_795 = arith.constant 1568 : i32
          %mul3A_796 = arith.muli %arg1, %mul3A_795 : i32
          %mul3A_797 = arith.constant 224 : i32
          %mul3A_798 = arith.muli %add3A_765, %mul3A_797 : i32
          %add3A_799 = arith.addi %mul3A_796, %mul3A_798 : i32
          %dma_wait3A_800 = arith.constant 0 : i32
          %dma_wait3A_801 = tpu.memref_slice %arg15[%add3A_799, %dma_wait3A_800] : memref<25088x16xf32, #tpu.memory_space<vmem_shared>> -> memref<224x16xf32, #tpu.memory_space<vmem_shared>>
          %dma_wait3A_802 = arith.constant 0 : i32
          %dma_wait3A_803 = tpu.memref_slice %arg15[%add3A_799, %dma_wait3A_802] : memref<25088x16xf32, #tpu.memory_space<vmem_shared>> -> memref<224x16xf32, #tpu.memory_space<vmem_shared>>
          tpu.wait_dma2 semaphore(%arg31 : memref<!tpu.dma_semaphore, #tpu.memory_space<semaphore_mem>>) src(%dma_wait3A_803 : memref<224x16xf32, #tpu.memory_space<vmem_shared>>) dst(%arg23 : memref<224x16xf32, #tpu.memory_space<vmem>>)
          %scan3A_804 = arith.constant 0 : i32
          %scan3A_805 = arith.constant 14 : i32
          %scan3A_806 = arith.addi %scan3A_804, %scan3A_805 : i32
          %scan3A_807 = arith.constant 1 : i32
          scf.for %scan3A_845 = %scan3A_804 to %scan3A_806 step %scan3A_807  : i32 {
            %mul3A_846 = arith.constant 224 : i32
            %mul3A_847 = arith.muli %add3A_765, %mul3A_846 : i32
            %mul3A_848 = arith.constant 16 : i32
            %mul3A_849 = arith.muli %scan3A_845, %mul3A_848 : i32
            %add3A_850 = arith.addi %mul3A_847, %mul3A_849 : i32
            %get3A = arith.index_cast %add3A_850 : i32 to index
            %get3A_851 = tpu.vector_load %arg21[%get3A] {strides = array<i32>} : memref<1568xf32, #tpu.memory_space<vmem>>, vector<16xf32>,
            %mul3A_852 = arith.constant 16 : i32
            %mul3A_853 = arith.muli %scan3A_845, %mul3A_852 : i32
            %add3A_854 = arith.constant 0 : i32
            %add3A_855 = arith.addi %mul3A_853, %add3A_854 : i32
            %broadcast_in_dim3A_856 = arith.constant 0 : i32
            %broadcast_in_dim3A_857 = vector.broadcast %broadcast_in_dim3A_856 : i32 to vector<16xi32>
            %lt3A_858 = arith.constant 0 : i32
            %lt3A_859 = vector.broadcast %lt3A_858 : i32 to vector<16xi32>
            %lt3A_860 = arith.cmpi slt, %broadcast_in_dim3A_857, %lt3A_859 : vector<16xi32>
            %add3A_861 = arith.constant 16 : i32
            %add3A_862 = vector.broadcast %add3A_861 : i32 to vector<16xi32>
            %add3A_863 = arith.addi %broadcast_in_dim3A_857, %add3A_862 : vector<16xi32>
            %select_n3A = arith.select %lt3A_860, %add3A_863, %broadcast_in_dim3A_857 : vector<16xi1>, vector<16xi32>
            %broadcast_in_dim3A_864 = vector.shape_cast %select_n3A : vector<16xi32> to vector<16x1xi32>
            %gather3A_865 = vector.shape_cast %broadcast_in_dim3A_864 : vector<16x1xi32> to vector<16xi32>
            %gather3A_866 = tpu.dynamic_gather %get3A_851[%gather3A_865] in [0] : vector<16xf32>, vector<16xi32> -> vector<16xf32>
            %get3A_867 = arith.index_cast %add3A_855 : i32 to index
            %get3A_868 = arith.constant 0 : index
            %get3A_869 = tpu.vector_load %arg23[%get3A_867, %get3A_868] {strides = array<i32>} : memref<224x16xf32, #tpu.memory_space<vmem>>, vector<16xf32>,
            %mul3A_870 = arith.mulf %get3A_869, %gather3A : vector<16xf32>
            %add3A_871 = arith.addf %mul3A_870, %gather3A_866 : vector<16xf32>
            %abs3A = math.absf %add3A_871 : vector<16xf32>
            %mul3A_872 = arith.constant -2.000000e+00 : f32
            %mul3A_873 = vector.broadcast %mul3A_872 : f32 to vector<16xf32>
            %mul3A_874 = arith.mulf %mul3A_873, %abs3A : vector<16xf32>
            %exp3A = math.exp %mul3A_874 : vector<16xf32>
            %sub3A = arith.constant 1.000000e+00 : f32
            %sub3A_875 = vector.broadcast %sub3A : f32 to vector<16xf32>
            %sub3A_876 = arith.subf %sub3A_875, %exp3A : vector<16xf32>
            %add3A_877 = arith.constant 1.000000e+00 : f32
            %add3A_878 = vector.broadcast %add3A_877 : f32 to vector<16xf32>
            %add3A_879 = arith.addf %add3A_878, %exp3A : vector<16xf32>
            %div3A = arith.divf %sub3A_876, %add3A_879 : vector<16xf32>
            %lt3A_880 = arith.constant 0.000000e+00 : f32
            %lt3A_881 = vector.broadcast %lt3A_880 : f32 to vector<16xf32>
            %lt3A_882 = arith.cmpf olt, %add3A_871, %lt3A_881 : vector<16xf32>
            %neg3A = arith.constant 0.000000e+00 : f32
            %neg3A_883 = vector.broadcast %neg3A : f32 to vector<16xf32>
            %neg3A_884 = arith.subf %neg3A_883, %div3A : vector<16xf32>
            %select_n3A_885 = arith.select %lt3A_882, %neg3A_884, %div3A : vector<16xi1>, vector<16xf32>
            %swap3A = arith.index_cast %add3A_855 : i32 to index
            %swap3A_886 = arith.constant 0 : index
            %swap3A_887 = tpu.vector_load %arg23[%swap3A, %swap3A_886] {strides = array<i32>} : memref<224x16xf32, #tpu.memory_space<vmem>>, vector<16xf32>,
            tpu.vector_store %arg23[%swap3A, %swap3A_886], %select_n3A_885 {strides = array<i32>} : memref<224x16xf32, #tpu.memory_space<vmem>>, vector<16xf32>,
            %mul3A_888 = arith.constant 16 : i32
            %mul3A_889 = arith.muli %scan3A_845, %mul3A_888 : i32
            %add3A_890 = arith.constant 1 : i32
            %add3A_891 = arith.addi %mul3A_889, %add3A_890 : i32
            %broadcast_in_dim3A_892 = arith.constant 1 : i32
            %broadcast_in_dim3A_893 = vector.broadcast %broadcast_in_dim3A_892 : i32 to vector<16xi32>
            %lt3A_894 = arith.constant 0 : i32
            %lt3A_895 = vector.broadcast %lt3A_894 : i32 to vector<16xi32>
            %lt3A_896 = arith.cmpi slt, %broadcast_in_dim3A_893, %lt3A_895 : vector<16xi32>
            %add3A_897 = arith.constant 16 : i32
            %add3A_898 = vector.broadcast %add3A_897 : i32 to vector<16xi32>
            %add3A_899 = arith.addi %broadcast_in_dim3A_893, %add3A_898 : vector<16xi32>
            %select_n3A_900 = arith.select %lt3A_896, %add3A_899, %broadcast_in_dim3A_893 : vector<16xi1>, vector<16xi32>
            %broadcast_in_dim3A_901 = vector.shape_cast %select_n3A_900 : vector<16xi32> to vector<16x1xi32>
            %gather3A_902 = vector.shape_cast %broadcast_in_dim3A_901 : vector<16x1xi32> to vector<16xi32>
            %gather3A_903 = tpu.dynamic_gather %get3A_851[%gather3A_902] in [0] : vector<16xf32>, vector<16xi32> -> vector<16xf32>
            %get3A_904 = arith.index_cast %add3A_891 : i32 to index
            %get3A_905 = arith.constant 0 : index
            %get3A_906 = tpu.vector_load %arg23[%get3A_904, %get3A_905] {strides = array<i32>} : memref<224x16xf32, #tpu.memory_space<vmem>>, vector<16xf32>,
            %mul3A_907 = arith.mulf %get3A_906, %gather3A : vector<16xf32>
            %add3A_908 = arith.addf %mul3A_907, %gather3A_903 : vector<16xf32>
            %abs3A_909 = math.absf %add3A_908 : vector<16xf32>
            %mul3A_910 = arith.constant -2.000000e+00 : f32
            %mul3A_911 = vector.broadcast %mul3A_910 : f32 to vector<16xf32>
            %mul3A_912 = arith.mulf %mul3A_911, %abs3A_909 : vector<16xf32>
            %exp3A_913 = math.exp %mul3A_912 : vector<16xf32>
            %sub3A_914 = arith.constant 1.000000e+00 : f32
            %sub3A_915 = vector.broadcast %sub3A_914 : f32 to vector<16xf32>
            %sub3A_916 = arith.subf %sub3A_915, %exp3A_913 : vector<16xf32>
            %add3A_917 = arith.constant 1.000000e+00 : f32
            %add3A_918 = vector.broadcast %add3A_917 : f32 to vector<16xf32>
            %add3A_919 = arith.addf %add3A_918, %exp3A_913 : vector<16xf32>
            %div3A_920 = arith.divf %sub3A_916, %add3A_919 : vector<16xf32>
            %lt3A_921 = arith.constant 0.000000e+00 : f32
            %lt3A_922 = vector.broadcast %lt3A_921 : f32 to vector<16xf32>
            %lt3A_923 = arith.cmpf olt, %add3A_908, %lt3A_922 : vector<16xf32>
            %neg3A_924 = arith.constant 0.000000e+00 : f32
            %neg3A_925 = vector.broadcast %neg3A_924 : f32 to vector<16xf32>
            %neg3A_926 = arith.subf %neg3A_925, %div3A_920 : vector<16xf32>
            %select_n3A_927 = arith.select %lt3A_923, %neg3A_926, %div3A_920 : vector<16xi1>, vector<16xf32>
            %swap3A_928 = arith.index_cast %add3A_891 : i32 to index
            %swap3A_929 = arith.constant 0 : index
            %swap3A_930 = tpu.vector_load %arg23[%swap3A_928, %swap3A_929] {strides = array<i32>} : memref<224x16xf32, #tpu.memory_space<vmem>>, vector<16xf32>,
            tpu.vector_store %arg23[%swap3A_928, %swap3A_929], %select_n3A_927 {strides = array<i32>} : memref<224x16xf32, #tpu.memory_space<vmem>>, vector<16xf32>,
            %mul3A_931 = arith.constant 16 : i32
            %mul3A_932 = arith.muli %scan3A_845, %mul3A_931 : i32
            %add3A_933 = arith.constant 2 : i32
            %add3A_934 = arith.addi %mul3A_932, %add3A_933 : i32
            %broadcast_in_dim3A_935 = arith.constant 2 : i32
            %broadcast_in_dim3A_936 = vector.broadcast %broadcast_in_dim3A_935 : i32 to vector<16xi32>
            %lt3A_937 = arith.constant 0 : i32
            %lt3A_938 = vector.broadcast %lt3A_937 : i32 to vector<16xi32>
            %lt3A_939 = arith.cmpi slt, %broadcast_in_dim3A_936, %lt3A_938 : vector<16xi32>
            %add3A_940 = arith.constant 16 : i32
            %add3A_941 = vector.broadcast %add3A_940 : i32 to vector<16xi32>
            %add3A_942 = arith.addi %broadcast_in_dim3A_936, %add3A_941 : vector<16xi32>
            %select_n3A_943 = arith.select %lt3A_939, %add3A_942, %broadcast_in_dim3A_936 : vector<16xi1>, vector<16xi32>
            %broadcast_in_dim3A_944 = vector.shape_cast %select_n3A_943 : vector<16xi32> to vector<16x1xi32>
            %gather3A_945 = vector.shape_cast %broadcast_in_dim3A_944 : vector<16x1xi32> to vector<16xi32>
            %gather3A_946 = tpu.dynamic_gather %get3A_851[%gather3A_945] in [0] : vector<16xf32>, vector<16xi32> -> vector<16xf32>
            %get3A_947 = arith.index_cast %add3A_934 : i32 to index
            %get3A_948 = arith.constant 0 : index
            %get3A_949 = tpu.vector_load %arg23[%get3A_947, %get3A_948] {strides = array<i32>} : memref<224x16xf32, #tpu.memory_space<vmem>>, vector<16xf32>,
            %mul3A_950 = arith.mulf %get3A_949, %gather3A : vector<16xf32>
            %add3A_951 = arith.addf %mul3A_950, %gather3A_946 : vector<16xf32>
            %abs3A_952 = math.absf %add3A_951 : vector<16xf32>
            %mul3A_953 = arith.constant -2.000000e+00 : f32
            %mul3A_954 = vector.broadcast %mul3A_953 : f32 to vector<16xf32>
            %mul3A_955 = arith.mulf %mul3A_954, %abs3A_952 : vector<16xf32>
            %exp3A_956 = math.exp %mul3A_955 : vector<16xf32>
            %sub3A_957 = arith.constant 1.000000e+00 : f32
            %sub3A_958 = vector.broadcast %sub3A_957 : f32 to vector<16xf32>
            %sub3A_959 = arith.subf %sub3A_958, %exp3A_956 : vector<16xf32>
            %add3A_960 = arith.constant 1.000000e+00 : f32
            %add3A_961 = vector.broadcast %add3A_960 : f32 to vector<16xf32>
            %add3A_962 = arith.addf %add3A_961, %exp3A_956 : vector<16xf32>
            %div3A_963 = arith.divf %sub3A_959, %add3A_962 : vector<16xf32>
            %lt3A_964 = arith.constant 0.000000e+00 : f32
            %lt3A_965 = vector.broadcast %lt3A_964 : f32 to vector<16xf32>
            %lt3A_966 = arith.cmpf olt, %add3A_951, %lt3A_965 : vector<16xf32>
            %neg3A_967 = arith.constant 0.000000e+00 : f32
            %neg3A_968 = vector.broadcast %neg3A_967 : f32 to vector<16xf32>
            %neg3A_969 = arith.subf %neg3A_968, %div3A_963 : vector<16xf32>
            %select_n3A_970 = arith.select %lt3A_966, %neg3A_969, %div3A_963 : vector<16xi1>, vector<16xf32>
            %swap3A_971 = arith.index_cast %add3A_934 : i32 to index
            %swap3A_972 = arith.constant 0 : index
            %swap3A_973 = tpu.vector_load %arg23[%swap3A_971, %swap3A_972] {strides = array<i32>} : memref<224x16xf32, #tpu.memory_space<vmem>>, vector<16xf32>,
            tpu.vector_store %arg23[%swap3A_971, %swap3A_972], %select_n3A_970 {strides = array<i32>} : memref<224x16xf32, #tpu.memory_space<vmem>>, vector<16xf32>,
            %mul3A_974 = arith.constant 16 : i32
            %mul3A_975 = arith.muli %scan3A_845, %mul3A_974 : i32
            %add3A_976 = arith.constant 3 : i32
            %add3A_977 = arith.addi %mul3A_975, %add3A_976 : i32
            %broadcast_in_dim3A_978 = arith.constant 3 : i32
            %broadcast_in_dim3A_979 = vector.broadcast %broadcast_in_dim3A_978 : i32 to vector<16xi32>
            %lt3A_980 = arith.constant 0 : i32
            %lt3A_981 = vector.broadcast %lt3A_980 : i32 to vector<16xi32>
            %lt3A_982 = arith.cmpi slt, %broadcast_in_dim3A_979, %lt3A_981 : vector<16xi32>
            %add3A_983 = arith.constant 16 : i32
            %add3A_984 = vector.broadcast %add3A_983 : i32 to vector<16xi32>
            %add3A_985 = arith.addi %broadcast_in_dim3A_979, %add3A_984 : vector<16xi32>
            %select_n3A_986 = arith.select %lt3A_982, %add3A_985, %broadcast_in_dim3A_979 : vector<16xi1>, vector<16xi32>
            %broadcast_in_dim3A_987 = vector.shape_cast %select_n3A_986 : vector<16xi32> to vector<16x1xi32>
            %gather3A_988 = vector.shape_cast %broadcast_in_dim3A_987 : vector<16x1xi32> to vector<16xi32>
            %gather3A_989 = tpu.dynamic_gather %get3A_851[%gather3A_988] in [0] : vector<16xf32>, vector<16xi32> -> vector<16xf32>
            %get3A_990 = arith.index_cast %add3A_977 : i32 to index
            %get3A_991 = arith.constant 0 : index
            %get3A_992 = tpu.vector_load %arg23[%get3A_990, %get3A_991] {strides = array<i32>} : memref<224x16xf32, #tpu.memory_space<vmem>>, vector<16xf32>,
            %mul3A_993 = arith.mulf %get3A_992, %gather3A : vector<16xf32>
            %add3A_994 = arith.addf %mul3A_993, %gather3A_989 : vector<16xf32>
            %abs3A_995 = math.absf %add3A_994 : vector<16xf32>
            %mul3A_996 = arith.constant -2.000000e+00 : f32
            %mul3A_997 = vector.broadcast %mul3A_996 : f32 to vector<16xf32>
            %mul3A_998 = arith.mulf %mul3A_997, %abs3A_995 : vector<16xf32>
            %exp3A_999 = math.exp %mul3A_998 : vector<16xf32>
            %sub3A_1000 = arith.constant 1.000000e+00 : f32
            %sub3A_1001 = vector.broadcast %sub3A_1000 : f32 to vector<16xf32>
            %sub3A_1002 = arith.subf %sub3A_1001, %exp3A_999 : vector<16xf32>
            %add3A_1003 = arith.constant 1.000000e+00 : f32
            %add3A_1004 = vector.broadcast %add3A_1003 : f32 to vector<16xf32>
            %add3A_1005 = arith.addf %add3A_1004, %exp3A_999 : vector<16xf32>
            %div3A_1006 = arith.divf %sub3A_1002, %add3A_1005 : vector<16xf32>
            %lt3A_1007 = arith.constant 0.000000e+00 : f32
            %lt3A_1008 = vector.broadcast %lt3A_1007 : f32 to vector<16xf32>
            %lt3A_1009 = arith.cmpf olt, %add3A_994, %lt3A_1008 : vector<16xf32>
            %neg3A_1010 = arith.constant 0.000000e+00 : f32
            %neg3A_1011 = vector.broadcast %neg3A_1010 : f32 to vector<16xf32>
            %neg3A_1012 = arith.subf %neg3A_1011, %div3A_1006 : vector<16xf32>
            %select_n3A_1013 = arith.select %lt3A_1009, %neg3A_1012, %div3A_1006 : vector<16xi1>, vector<16xf32>
            %swap3A_1014 = arith.index_cast %add3A_977 : i32 to index
            %swap3A_1015 = arith.constant 0 : index
            %swap3A_1016 = tpu.vector_load %arg23[%swap3A_1014, %swap3A_1015] {strides = array<i32>} : memref<224x16xf32, #tpu.memory_space<vmem>>, vector<16xf32>,
            tpu.vector_store %arg23[%swap3A_1014, %swap3A_1015], %select_n3A_1013 {strides = array<i32>} : memref<224x16xf32, #tpu.memory_space<vmem>>, vector<16xf32>,
            %mul3A_1017 = arith.constant 16 : i32
            %mul3A_1018 = arith.muli %scan3A_845, %mul3A_1017 : i32
            %add3A_1019 = arith.constant 4 : i32
            %add3A_1020 = arith.addi %mul3A_1018, %add3A_1019 : i32
            %broadcast_in_dim3A_1021 = arith.constant 4 : i32
            %broadcast_in_dim3A_1022 = vector.broadcast %broadcast_in_dim3A_1021 : i32 to vector<16xi32>
            %lt3A_1023 = arith.constant 0 : i32
            %lt3A_1024 = vector.broadcast %lt3A_1023 : i32 to vector<16xi32>
            %lt3A_1025 = arith.cmpi slt, %broadcast_in_dim3A_1022, %lt3A_1024 : vector<16xi32>
            %add3A_1026 = arith.constant 16 : i32
            %add3A_1027 = vector.broadcast %add3A_1026 : i32 to vector<16xi32>
            %add3A_1028 = arith.addi %broadcast_in_dim3A_1022, %add3A_1027 : vector<16xi32>
            %select_n3A_1029 = arith.select %lt3A_1025, %add3A_1028, %broadcast_in_dim3A_1022 : vector<16xi1>, vector<16xi32>
            %broadcast_in_dim3A_1030 = vector.shape_cast %select_n3A_1029 : vector<16xi32> to vector<16x1xi32>
            %gather3A_1031 = vector.shape_cast %broadcast_in_dim3A_1030 : vector<16x1xi32> to vector<16xi32>
            %gather3A_1032 = tpu.dynamic_gather %get3A_851[%gather3A_1031] in [0] : vector<16xf32>, vector<16xi32> -> vector<16xf32>
            %get3A_1033 = arith.index_cast %add3A_1020 : i32 to index
            %get3A_1034 = arith.constant 0 : index
            %get3A_1035 = tpu.vector_load %arg23[%get3A_1033, %get3A_1034] {strides = array<i32>} : memref<224x16xf32, #tpu.memory_space<vmem>>, vector<16xf32>,
            %mul3A_1036 = arith.mulf %get3A_1035, %gather3A : vector<16xf32>
            %add3A_1037 = arith.addf %mul3A_1036, %gather3A_1032 : vector<16xf32>
            %abs3A_1038 = math.absf %add3A_1037 : vector<16xf32>
            %mul3A_1039 = arith.constant -2.000000e+00 : f32
            %mul3A_1040 = vector.broadcast %mul3A_1039 : f32 to vector<16xf32>
            %mul3A_1041 = arith.mulf %mul3A_1040, %abs3A_1038 : vector<16xf32>
            %exp3A_1042 = math.exp %mul3A_1041 : vector<16xf32>
            %sub3A_1043 = arith.constant 1.000000e+00 : f32
            %sub3A_1044 = vector.broadcast %sub3A_1043 : f32 to vector<16xf32>
            %sub3A_1045 = arith.subf %sub3A_1044, %exp3A_1042 : vector<16xf32>
            %add3A_1046 = arith.constant 1.000000e+00 : f32
            %add3A_1047 = vector.broadcast %add3A_1046 : f32 to vector<16xf32>
            %add3A_1048 = arith.addf %add3A_1047, %exp3A_1042 : vector<16xf32>
            %div3A_1049 = arith.divf %sub3A_1045, %add3A_1048 : vector<16xf32>
            %lt3A_1050 = arith.constant 0.000000e+00 : f32
            %lt3A_1051 = vector.broadcast %lt3A_1050 : f32 to vector<16xf32>
            %lt3A_1052 = arith.cmpf olt, %add3A_1037, %lt3A_1051 : vector<16xf32>
            %neg3A_1053 = arith.constant 0.000000e+00 : f32
            %neg3A_1054 = vector.broadcast %neg3A_1053 : f32 to vector<16xf32>
            %neg3A_1055 = arith.subf %neg3A_1054, %div3A_1049 : vector<16xf32>
            %select_n3A_1056 = arith.select %lt3A_1052, %neg3A_1055, %div3A_1049 : vector<16xi1>, vector<16xf32>
            %swap3A_1057 = arith.index_cast %add3A_1020 : i32 to index
            %swap3A_1058 = arith.constant 0 : index
            %swap3A_1059 = tpu.vector_load %arg23[%swap3A_1057, %swap3A_1058] {strides = array<i32>} : memref<224x16xf32, #tpu.memory_space<vmem>>, vector<16xf32>,
            tpu.vector_store %arg23[%swap3A_1057, %swap3A_1058], %select_n3A_1056 {strides = array<i32>} : memref<224x16xf32, #tpu.memory_space<vmem>>, vector<16xf32>,
            %mul3A_1060 = arith.constant 16 : i32
            %mul3A_1061 = arith.muli %scan3A_845, %mul3A_1060 : i32
            %add3A_1062 = arith.constant 5 : i32
            %add3A_1063 = arith.addi %mul3A_1061, %add3A_1062 : i32
            %broadcast_in_dim3A_1064 = arith.constant 5 : i32
            %broadcast_in_dim3A_1065 = vector.broadcast %broadcast_in_dim3A_1064 : i32 to vector<16xi32>
            %lt3A_1066 = arith.constant 0 : i32
            %lt3A_1067 = vector.broadcast %lt3A_1066 : i32 to vector<16xi32>
            %lt3A_1068 = arith.cmpi slt, %broadcast_in_dim3A_1065, %lt3A_1067 : vector<16xi32>
            %add3A_1069 = arith.constant 16 : i32
            %add3A_1070 = vector.broadcast %add3A_1069 : i32 to vector<16xi32>
            %add3A_1071 = arith.addi %broadcast_in_dim3A_1065, %add3A_1070 : vector<16xi32>
            %select_n3A_1072 = arith.select %lt3A_1068, %add3A_1071, %broadcast_in_dim3A_1065 : vector<16xi1>, vector<16xi32>
            %broadcast_in_dim3A_1073 = vector.shape_cast %select_n3A_1072 : vector<16xi32> to vector<16x1xi32>
            %gather3A_1074 = vector.shape_cast %broadcast_in_dim3A_1073 : vector<16x1xi32> to vector<16xi32>
            %gather3A_1075 = tpu.dynamic_gather %get3A_851[%gather3A_1074] in [0] : vector<16xf32>, vector<16xi32> -> vector<16xf32>
            %get3A_1076 = arith.index_cast %add3A_1063 : i32 to index
            %get3A_1077 = arith.constant 0 : index
            %get3A_1078 = tpu.vector_load %arg23[%get3A_1076, %get3A_1077] {strides = array<i32>} : memref<224x16xf32, #tpu.memory_space<vmem>>, vector<16xf32>,
            %mul3A_1079 = arith.mulf %get3A_1078, %gather3A : vector<16xf32>
            %add3A_1080 = arith.addf %mul3A_1079, %gather3A_1075 : vector<16xf32>
            %abs3A_1081 = math.absf %add3A_1080 : vector<16xf32>
            %mul3A_1082 = arith.constant -2.000000e+00 : f32
            %mul3A_1083 = vector.broadcast %mul3A_1082 : f32 to vector<16xf32>
            %mul3A_1084 = arith.mulf %mul3A_1083, %abs3A_1081 : vector<16xf32>
            %exp3A_1085 = math.exp %mul3A_1084 : vector<16xf32>
            %sub3A_1086 = arith.constant 1.000000e+00 : f32
            %sub3A_1087 = vector.broadcast %sub3A_1086 : f32 to vector<16xf32>
            %sub3A_1088 = arith.subf %sub3A_1087, %exp3A_1085 : vector<16xf32>
            %add3A_1089 = arith.constant 1.000000e+00 : f32
            %add3A_1090 = vector.broadcast %add3A_1089 : f32 to vector<16xf32>
            %add3A_1091 = arith.addf %add3A_1090, %exp3A_1085 : vector<16xf32>
            %div3A_1092 = arith.divf %sub3A_1088, %add3A_1091 : vector<16xf32>
            %lt3A_1093 = arith.constant 0.000000e+00 : f32
            %lt3A_1094 = vector.broadcast %lt3A_1093 : f32 to vector<16xf32>
            %lt3A_1095 = arith.cmpf olt, %add3A_1080, %lt3A_1094 : vector<16xf32>
            %neg3A_1096 = arith.constant 0.000000e+00 : f32
            %neg3A_1097 = vector.broadcast %neg3A_1096 : f32 to vector<16xf32>
            %neg3A_1098 = arith.subf %neg3A_1097, %div3A_1092 : vector<16xf32>
            %select_n3A_1099 = arith.select %lt3A_1095, %neg3A_1098, %div3A_1092 : vector<16xi1>, vector<16xf32>
            %swap3A_1100 = arith.index_cast %add3A_1063 : i32 to index
            %swap3A_1101 = arith.constant 0 : index
            %swap3A_1102 = tpu.vector_load %arg23[%swap3A_1100, %swap3A_1101] {strides = array<i32>} : memref<224x16xf32, #tpu.memory_space<vmem>>, vector<16xf32>,
            tpu.vector_store %arg23[%swap3A_1100, %swap3A_1101], %select_n3A_1099 {strides = array<i32>} : memref<224x16xf32, #tpu.memory_space<vmem>>, vector<16xf32>,
            %mul3A_1103 = arith.constant 16 : i32
            %mul3A_1104 = arith.muli %scan3A_845, %mul3A_1103 : i32
            %add3A_1105 = arith.constant 6 : i32
            %add3A_1106 = arith.addi %mul3A_1104, %add3A_1105 : i32
            %broadcast_in_dim3A_1107 = arith.constant 6 : i32
            %broadcast_in_dim3A_1108 = vector.broadcast %broadcast_in_dim3A_1107 : i32 to vector<16xi32>
            %lt3A_1109 = arith.constant 0 : i32
            %lt3A_1110 = vector.broadcast %lt3A_1109 : i32 to vector<16xi32>
            %lt3A_1111 = arith.cmpi slt, %broadcast_in_dim3A_1108, %lt3A_1110 : vector<16xi32>
            %add3A_1112 = arith.constant 16 : i32
            %add3A_1113 = vector.broadcast %add3A_1112 : i32 to vector<16xi32>
            %add3A_1114 = arith.addi %broadcast_in_dim3A_1108, %add3A_1113 : vector<16xi32>
            %select_n3A_1115 = arith.select %lt3A_1111, %add3A_1114, %broadcast_in_dim3A_1108 : vector<16xi1>, vector<16xi32>
            %broadcast_in_dim3A_1116 = vector.shape_cast %select_n3A_1115 : vector<16xi32> to vector<16x1xi32>
            %gather3A_1117 = vector.shape_cast %broadcast_in_dim3A_1116 : vector<16x1xi32> to vector<16xi32>
            %gather3A_1118 = tpu.dynamic_gather %get3A_851[%gather3A_1117] in [0] : vector<16xf32>, vector<16xi32> -> vector<16xf32>
            %get3A_1119 = arith.index_cast %add3A_1106 : i32 to index
            %get3A_1120 = arith.constant 0 : index
            %get3A_1121 = tpu.vector_load %arg23[%get3A_1119, %get3A_1120] {strides = array<i32>} : memref<224x16xf32, #tpu.memory_space<vmem>>, vector<16xf32>,
            %mul3A_1122 = arith.mulf %get3A_1121, %gather3A : vector<16xf32>
            %add3A_1123 = arith.addf %mul3A_1122, %gather3A_1118 : vector<16xf32>
            %abs3A_1124 = math.absf %add3A_1123 : vector<16xf32>
            %mul3A_1125 = arith.constant -2.000000e+00 : f32
            %mul3A_1126 = vector.broadcast %mul3A_1125 : f32 to vector<16xf32>
            %mul3A_1127 = arith.mulf %mul3A_1126, %abs3A_1124 : vector<16xf32>
            %exp3A_1128 = math.exp %mul3A_1127 : vector<16xf32>
            %sub3A_1129 = arith.constant 1.000000e+00 : f32
            %sub3A_1130 = vector.broadcast %sub3A_1129 : f32 to vector<16xf32>
            %sub3A_1131 = arith.subf %sub3A_1130, %exp3A_1128 : vector<16xf32>
            %add3A_1132 = arith.constant 1.000000e+00 : f32
            %add3A_1133 = vector.broadcast %add3A_1132 : f32 to vector<16xf32>
            %add3A_1134 = arith.addf %add3A_1133, %exp3A_1128 : vector<16xf32>
            %div3A_1135 = arith.divf %sub3A_1131, %add3A_1134 : vector<16xf32>
            %lt3A_1136 = arith.constant 0.000000e+00 : f32
            %lt3A_1137 = vector.broadcast %lt3A_1136 : f32 to vector<16xf32>
            %lt3A_1138 = arith.cmpf olt, %add3A_1123, %lt3A_1137 : vector<16xf32>
            %neg3A_1139 = arith.constant 0.000000e+00 : f32
            %neg3A_1140 = vector.broadcast %neg3A_1139 : f32 to vector<16xf32>
            %neg3A_1141 = arith.subf %neg3A_1140, %div3A_1135 : vector<16xf32>
            %select_n3A_1142 = arith.select %lt3A_1138, %neg3A_1141, %div3A_1135 : vector<16xi1>, vector<16xf32>
            %swap3A_1143 = arith.index_cast %add3A_1106 : i32 to index
            %swap3A_1144 = arith.constant 0 : index
            %swap3A_1145 = tpu.vector_load %arg23[%swap3A_1143, %swap3A_1144] {strides = array<i32>} : memref<224x16xf32, #tpu.memory_space<vmem>>, vector<16xf32>,
            tpu.vector_store %arg23[%swap3A_1143, %swap3A_1144], %select_n3A_1142 {strides = array<i32>} : memref<224x16xf32, #tpu.memory_space<vmem>>, vector<16xf32>,
            %mul3A_1146 = arith.constant 16 : i32
            %mul3A_1147 = arith.muli %scan3A_845, %mul3A_1146 : i32
            %add3A_1148 = arith.constant 7 : i32
            %add3A_1149 = arith.addi %mul3A_1147, %add3A_1148 : i32
            %broadcast_in_dim3A_1150 = arith.constant 7 : i32
            %broadcast_in_dim3A_1151 = vector.broadcast %broadcast_in_dim3A_1150 : i32 to vector<16xi32>
            %lt3A_1152 = arith.constant 0 : i32
            %lt3A_1153 = vector.broadcast %lt3A_1152 : i32 to vector<16xi32>
            %lt3A_1154 = arith.cmpi slt, %broadcast_in_dim3A_1151, %lt3A_1153 : vector<16xi32>
            %add3A_1155 = arith.constant 16 : i32
            %add3A_1156 = vector.broadcast %add3A_1155 : i32 to vector<16xi32>
            %add3A_1157 = arith.addi %broadcast_in_dim3A_1151, %add3A_1156 : vector<16xi32>
            %select_n3A_1158 = arith.select %lt3A_1154, %add3A_1157, %broadcast_in_dim3A_1151 : vector<16xi1>, vector<16xi32>
            %broadcast_in_dim3A_1159 = vector.shape_cast %select_n3A_1158 : vector<16xi32> to vector<16x1xi32>
            %gather3A_1160 = vector.shape_cast %broadcast_in_dim3A_1159 : vector<16x1xi32> to vector<16xi32>
            %gather3A_1161 = tpu.dynamic_gather %get3A_851[%gather3A_1160] in [0] : vector<16xf32>, vector<16xi32> -> vector<16xf32>
            %get3A_1162 = arith.index_cast %add3A_1149 : i32 to index
            %get3A_1163 = arith.constant 0 : index
            %get3A_1164 = tpu.vector_load %arg23[%get3A_1162, %get3A_1163] {strides = array<i32>} : memref<224x16xf32, #tpu.memory_space<vmem>>, vector<16xf32>,
            %mul3A_1165 = arith.mulf %get3A_1164, %gather3A : vector<16xf32>
            %add3A_1166 = arith.addf %mul3A_1165, %gather3A_1161 : vector<16xf32>
            %abs3A_1167 = math.absf %add3A_1166 : vector<16xf32>
            %mul3A_1168 = arith.constant -2.000000e+00 : f32
            %mul3A_1169 = vector.broadcast %mul3A_1168 : f32 to vector<16xf32>
            %mul3A_1170 = arith.mulf %mul3A_1169, %abs3A_1167 : vector<16xf32>
            %exp3A_1171 = math.exp %mul3A_1170 : vector<16xf32>
            %sub3A_1172 = arith.constant 1.000000e+00 : f32
            %sub3A_1173 = vector.broadcast %sub3A_1172 : f32 to vector<16xf32>
            %sub3A_1174 = arith.subf %sub3A_1173, %exp3A_1171 : vector<16xf32>
            %add3A_1175 = arith.constant 1.000000e+00 : f32
            %add3A_1176 = vector.broadcast %add3A_1175 : f32 to vector<16xf32>
            %add3A_1177 = arith.addf %add3A_1176, %exp3A_1171 : vector<16xf32>
            %div3A_1178 = arith.divf %sub3A_1174, %add3A_1177 : vector<16xf32>
            %lt3A_1179 = arith.constant 0.000000e+00 : f32
            %lt3A_1180 = vector.broadcast %lt3A_1179 : f32 to vector<16xf32>
            %lt3A_1181 = arith.cmpf olt, %add3A_1166, %lt3A_1180 : vector<16xf32>
            %neg3A_1182 = arith.constant 0.000000e+00 : f32
            %neg3A_1183 = vector.broadcast %neg3A_1182 : f32 to vector<16xf32>
            %neg3A_1184 = arith.subf %neg3A_1183, %div3A_1178 : vector<16xf32>
            %select_n3A_1185 = arith.select %lt3A_1181, %neg3A_1184, %div3A_1178 : vector<16xi1>, vector<16xf32>
            %swap3A_1186 = arith.index_cast %add3A_1149 : i32 to index
            %swap3A_1187 = arith.constant 0 : index
            %swap3A_1188 = tpu.vector_load %arg23[%swap3A_1186, %swap3A_1187] {strides = array<i32>} : memref<224x16xf32, #tpu.memory_space<vmem>>, vector<16xf32>,
            tpu.vector_store %arg23[%swap3A_1186, %swap3A_1187], %select_n3A_1185 {strides = array<i32>} : memref<224x16xf32, #tpu.memory_space<vmem>>, vector<16xf32>,
            %mul3A_1189 = arith.constant 16 : i32
            %mul3A_1190 = arith.muli %scan3A_845, %mul3A_1189 : i32
            %add3A_1191 = arith.constant 8 : i32
            %add3A_1192 = arith.addi %mul3A_1190, %add3A_1191 : i32
            %broadcast_in_dim3A_1193 = arith.constant 8 : i32
            %broadcast_in_dim3A_1194 = vector.broadcast %broadcast_in_dim3A_1193 : i32 to vector<16xi32>
            %lt3A_1195 = arith.constant 0 : i32
            %lt3A_1196 = vector.broadcast %lt3A_1195 : i32 to vector<16xi32>
            %lt3A_1197 = arith.cmpi slt, %broadcast_in_dim3A_1194, %lt3A_1196 : vector<16xi32>
            %add3A_1198 = arith.constant 16 : i32
            %add3A_1199 = vector.broadcast %add3A_1198 : i32 to vector<16xi32>
            %add3A_1200 = arith.addi %broadcast_in_dim3A_1194, %add3A_1199 : vector<16xi32>
            %select_n3A_1201 = arith.select %lt3A_1197, %add3A_1200, %broadcast_in_dim3A_1194 : vector<16xi1>, vector<16xi32>
            %broadcast_in_dim3A_1202 = vector.shape_cast %select_n3A_1201 : vector<16xi32> to vector<16x1xi32>
            %gather3A_1203 = vector.shape_cast %broadcast_in_dim3A_1202 : vector<16x1xi32> to vector<16xi32>
            %gather3A_1204 = tpu.dynamic_gather %get3A_851[%gather3A_1203] in [0] : vector<16xf32>, vector<16xi32> -> vector<16xf32>
            %get3A_1205 = arith.index_cast %add3A_1192 : i32 to index
            %get3A_1206 = arith.constant 0 : index
            %get3A_1207 = tpu.vector_load %arg23[%get3A_1205, %get3A_1206] {strides = array<i32>} : memref<224x16xf32, #tpu.memory_space<vmem>>, vector<16xf32>,
            %mul3A_1208 = arith.mulf %get3A_1207, %gather3A : vector<16xf32>
            %add3A_1209 = arith.addf %mul3A_1208, %gather3A_1204 : vector<16xf32>
            %abs3A_1210 = math.absf %add3A_1209 : vector<16xf32>
            %mul3A_1211 = arith.constant -2.000000e+00 : f32
            %mul3A_1212 = vector.broadcast %mul3A_1211 : f32 to vector<16xf32>
            %mul3A_1213 = arith.mulf %mul3A_1212, %abs3A_1210 : vector<16xf32>
            %exp3A_1214 = math.exp %mul3A_1213 : vector<16xf32>
            %sub3A_1215 = arith.constant 1.000000e+00 : f32
            %sub3A_1216 = vector.broadcast %sub3A_1215 : f32 to vector<16xf32>
            %sub3A_1217 = arith.subf %sub3A_1216, %exp3A_1214 : vector<16xf32>
            %add3A_1218 = arith.constant 1.000000e+00 : f32
            %add3A_1219 = vector.broadcast %add3A_1218 : f32 to vector<16xf32>
            %add3A_1220 = arith.addf %add3A_1219, %exp3A_1214 : vector<16xf32>
            %div3A_1221 = arith.divf %sub3A_1217, %add3A_1220 : vector<16xf32>
            %lt3A_1222 = arith.constant 0.000000e+00 : f32
            %lt3A_1223 = vector.broadcast %lt3A_1222 : f32 to vector<16xf32>
            %lt3A_1224 = arith.cmpf olt, %add3A_1209, %lt3A_1223 : vector<16xf32>
            %neg3A_1225 = arith.constant 0.000000e+00 : f32
            %neg3A_1226 = vector.broadcast %neg3A_1225 : f32 to vector<16xf32>
            %neg3A_1227 = arith.subf %neg3A_1226, %div3A_1221 : vector<16xf32>
            %select_n3A_1228 = arith.select %lt3A_1224, %neg3A_1227, %div3A_1221 : vector<16xi1>, vector<16xf32>
            %swap3A_1229 = arith.index_cast %add3A_1192 : i32 to index
            %swap3A_1230 = arith.constant 0 : index
            %swap3A_1231 = tpu.vector_load %arg23[%swap3A_1229, %swap3A_1230] {strides = array<i32>} : memref<224x16xf32, #tpu.memory_space<vmem>>, vector<16xf32>,
            tpu.vector_store %arg23[%swap3A_1229, %swap3A_1230], %select_n3A_1228 {strides = array<i32>} : memref<224x16xf32, #tpu.memory_space<vmem>>, vector<16xf32>,
            %mul3A_1232 = arith.constant 16 : i32
            %mul3A_1233 = arith.muli %scan3A_845, %mul3A_1232 : i32
            %add3A_1234 = arith.constant 9 : i32
            %add3A_1235 = arith.addi %mul3A_1233, %add3A_1234 : i32
            %broadcast_in_dim3A_1236 = arith.constant 9 : i32
            %broadcast_in_dim3A_1237 = vector.broadcast %broadcast_in_dim3A_1236 : i32 to vector<16xi32>
            %lt3A_1238 = arith.constant 0 : i32
            %lt3A_1239 = vector.broadcast %lt3A_1238 : i32 to vector<16xi32>
            %lt3A_1240 = arith.cmpi slt, %broadcast_in_dim3A_1237, %lt3A_1239 : vector<16xi32>
            %add3A_1241 = arith.constant 16 : i32
            %add3A_1242 = vector.broadcast %add3A_1241 : i32 to vector<16xi32>
            %add3A_1243 = arith.addi %broadcast_in_dim3A_1237, %add3A_1242 : vector<16xi32>
            %select_n3A_1244 = arith.select %lt3A_1240, %add3A_1243, %broadcast_in_dim3A_1237 : vector<16xi1>, vector<16xi32>
            %broadcast_in_dim3A_1245 = vector.shape_cast %select_n3A_1244 : vector<16xi32> to vector<16x1xi32>
            %gather3A_1246 = vector.shape_cast %broadcast_in_dim3A_1245 : vector<16x1xi32> to vector<16xi32>
            %gather3A_1247 = tpu.dynamic_gather %get3A_851[%gather3A_1246] in [0] : vector<16xf32>, vector<16xi32> -> vector<16xf32>
            %get3A_1248 = arith.index_cast %add3A_1235 : i32 to index
            %get3A_1249 = arith.constant 0 : index
            %get3A_1250 = tpu.vector_load %arg23[%get3A_1248, %get3A_1249] {strides = array<i32>} : memref<224x16xf32, #tpu.memory_space<vmem>>, vector<16xf32>,
            %mul3A_1251 = arith.mulf %get3A_1250, %gather3A : vector<16xf32>
            %add3A_1252 = arith.addf %mul3A_1251, %gather3A_1247 : vector<16xf32>
            %abs3A_1253 = math.absf %add3A_1252 : vector<16xf32>
            %mul3A_1254 = arith.constant -2.000000e+00 : f32
            %mul3A_1255 = vector.broadcast %mul3A_1254 : f32 to vector<16xf32>
            %mul3A_1256 = arith.mulf %mul3A_1255, %abs3A_1253 : vector<16xf32>
            %exp3A_1257 = math.exp %mul3A_1256 : vector<16xf32>
            %sub3A_1258 = arith.constant 1.000000e+00 : f32
            %sub3A_1259 = vector.broadcast %sub3A_1258 : f32 to vector<16xf32>
            %sub3A_1260 = arith.subf %sub3A_1259, %exp3A_1257 : vector<16xf32>
            %add3A_1261 = arith.constant 1.000000e+00 : f32
            %add3A_1262 = vector.broadcast %add3A_1261 : f32 to vector<16xf32>
            %add3A_1263 = arith.addf %add3A_1262, %exp3A_1257 : vector<16xf32>
            %div3A_1264 = arith.divf %sub3A_1260, %add3A_1263 : vector<16xf32>
            %lt3A_1265 = arith.constant 0.000000e+00 : f32
            %lt3A_1266 = vector.broadcast %lt3A_1265 : f32 to vector<16xf32>
            %lt3A_1267 = arith.cmpf olt, %add3A_1252, %lt3A_1266 : vector<16xf32>
            %neg3A_1268 = arith.constant 0.000000e+00 : f32
            %neg3A_1269 = vector.broadcast %neg3A_1268 : f32 to vector<16xf32>
            %neg3A_1270 = arith.subf %neg3A_1269, %div3A_1264 : vector<16xf32>
            %select_n3A_1271 = arith.select %lt3A_1267, %neg3A_1270, %div3A_1264 : vector<16xi1>, vector<16xf32>
            %swap3A_1272 = arith.index_cast %add3A_1235 : i32 to index
            %swap3A_1273 = arith.constant 0 : index
            %swap3A_1274 = tpu.vector_load %arg23[%swap3A_1272, %swap3A_1273] {strides = array<i32>} : memref<224x16xf32, #tpu.memory_space<vmem>>, vector<16xf32>,
            tpu.vector_store %arg23[%swap3A_1272, %swap3A_1273], %select_n3A_1271 {strides = array<i32>} : memref<224x16xf32, #tpu.memory_space<vmem>>, vector<16xf32>,
            %mul3A_1275 = arith.constant 16 : i32
            %mul3A_1276 = arith.muli %scan3A_845, %mul3A_1275 : i32
            %add3A_1277 = arith.constant 10 : i32
            %add3A_1278 = arith.addi %mul3A_1276, %add3A_1277 : i32
            %broadcast_in_dim3A_1279 = arith.constant 10 : i32
            %broadcast_in_dim3A_1280 = vector.broadcast %broadcast_in_dim3A_1279 : i32 to vector<16xi32>
            %lt3A_1281 = arith.constant 0 : i32
            %lt3A_1282 = vector.broadcast %lt3A_1281 : i32 to vector<16xi32>
            %lt3A_1283 = arith.cmpi slt, %broadcast_in_dim3A_1280, %lt3A_1282 : vector<16xi32>
            %add3A_1284 = arith.constant 16 : i32
            %add3A_1285 = vector.broadcast %add3A_1284 : i32 to vector<16xi32>
            %add3A_1286 = arith.addi %broadcast_in_dim3A_1280, %add3A_1285 : vector<16xi32>
            %select_n3A_1287 = arith.select %lt3A_1283, %add3A_1286, %broadcast_in_dim3A_1280 : vector<16xi1>, vector<16xi32>
            %broadcast_in_dim3A_1288 = vector.shape_cast %select_n3A_1287 : vector<16xi32> to vector<16x1xi32>
            %gather3A_1289 = vector.shape_cast %broadcast_in_dim3A_1288 : vector<16x1xi32> to vector<16xi32>
            %gather3A_1290 = tpu.dynamic_gather %get3A_851[%gather3A_1289] in [0] : vector<16xf32>, vector<16xi32> -> vector<16xf32>
            %get3A_1291 = arith.index_cast %add3A_1278 : i32 to index
            %get3A_1292 = arith.constant 0 : index
            %get3A_1293 = tpu.vector_load %arg23[%get3A_1291, %get3A_1292] {strides = array<i32>} : memref<224x16xf32, #tpu.memory_space<vmem>>, vector<16xf32>,
            %mul3A_1294 = arith.mulf %get3A_1293, %gather3A : vector<16xf32>
            %add3A_1295 = arith.addf %mul3A_1294, %gather3A_1290 : vector<16xf32>
            %abs3A_1296 = math.absf %add3A_1295 : vector<16xf32>
            %mul3A_1297 = arith.constant -2.000000e+00 : f32
            %mul3A_1298 = vector.broadcast %mul3A_1297 : f32 to vector<16xf32>
            %mul3A_1299 = arith.mulf %mul3A_1298, %abs3A_1296 : vector<16xf32>
            %exp3A_1300 = math.exp %mul3A_1299 : vector<16xf32>
            %sub3A_1301 = arith.constant 1.000000e+00 : f32
            %sub3A_1302 = vector.broadcast %sub3A_1301 : f32 to vector<16xf32>
            %sub3A_1303 = arith.subf %sub3A_1302, %exp3A_1300 : vector<16xf32>
            %add3A_1304 = arith.constant 1.000000e+00 : f32
            %add3A_1305 = vector.broadcast %add3A_1304 : f32 to vector<16xf32>
            %add3A_1306 = arith.addf %add3A_1305, %exp3A_1300 : vector<16xf32>
            %div3A_1307 = arith.divf %sub3A_1303, %add3A_1306 : vector<16xf32>
            %lt3A_1308 = arith.constant 0.000000e+00 : f32
            %lt3A_1309 = vector.broadcast %lt3A_1308 : f32 to vector<16xf32>
            %lt3A_1310 = arith.cmpf olt, %add3A_1295, %lt3A_1309 : vector<16xf32>
            %neg3A_1311 = arith.constant 0.000000e+00 : f32
            %neg3A_1312 = vector.broadcast %neg3A_1311 : f32 to vector<16xf32>
            %neg3A_1313 = arith.subf %neg3A_1312, %div3A_1307 : vector<16xf32>
            %select_n3A_1314 = arith.select %lt3A_1310, %neg3A_1313, %div3A_1307 : vector<16xi1>, vector<16xf32>
            %swap3A_1315 = arith.index_cast %add3A_1278 : i32 to index
            %swap3A_1316 = arith.constant 0 : index
            %swap3A_1317 = tpu.vector_load %arg23[%swap3A_1315, %swap3A_1316] {strides = array<i32>} : memref<224x16xf32, #tpu.memory_space<vmem>>, vector<16xf32>,
            tpu.vector_store %arg23[%swap3A_1315, %swap3A_1316], %select_n3A_1314 {strides = array<i32>} : memref<224x16xf32, #tpu.memory_space<vmem>>, vector<16xf32>,
            %mul3A_1318 = arith.constant 16 : i32
            %mul3A_1319 = arith.muli %scan3A_845, %mul3A_1318 : i32
            %add3A_1320 = arith.constant 11 : i32
            %add3A_1321 = arith.addi %mul3A_1319, %add3A_1320 : i32
            %broadcast_in_dim3A_1322 = arith.constant 11 : i32
            %broadcast_in_dim3A_1323 = vector.broadcast %broadcast_in_dim3A_1322 : i32 to vector<16xi32>
            %lt3A_1324 = arith.constant 0 : i32
            %lt3A_1325 = vector.broadcast %lt3A_1324 : i32 to vector<16xi32>
            %lt3A_1326 = arith.cmpi slt, %broadcast_in_dim3A_1323, %lt3A_1325 : vector<16xi32>
            %add3A_1327 = arith.constant 16 : i32
            %add3A_1328 = vector.broadcast %add3A_1327 : i32 to vector<16xi32>
            %add3A_1329 = arith.addi %broadcast_in_dim3A_1323, %add3A_1328 : vector<16xi32>
            %select_n3A_1330 = arith.select %lt3A_1326, %add3A_1329, %broadcast_in_dim3A_1323 : vector<16xi1>, vector<16xi32>
            %broadcast_in_dim3A_1331 = vector.shape_cast %select_n3A_1330 : vector<16xi32> to vector<16x1xi32>
            %gather3A_1332 = vector.shape_cast %broadcast_in_dim3A_1331 : vector<16x1xi32> to vector<16xi32>
            %gather3A_1333 = tpu.dynamic_gather %get3A_851[%gather3A_1332] in [0] : vector<16xf32>, vector<16xi32> -> vector<16xf32>
            %get3A_1334 = arith.index_cast %add3A_1321 : i32 to index
            %get3A_1335 = arith.constant 0 : index
            %get3A_1336 = tpu.vector_load %arg23[%get3A_1334, %get3A_1335] {strides = array<i32>} : memref<224x16xf32, #tpu.memory_space<vmem>>, vector<16xf32>,
            %mul3A_1337 = arith.mulf %get3A_1336, %gather3A : vector<16xf32>
            %add3A_1338 = arith.addf %mul3A_1337, %gather3A_1333 : vector<16xf32>
            %abs3A_1339 = math.absf %add3A_1338 : vector<16xf32>
            %mul3A_1340 = arith.constant -2.000000e+00 : f32
            %mul3A_1341 = vector.broadcast %mul3A_1340 : f32 to vector<16xf32>
            %mul3A_1342 = arith.mulf %mul3A_1341, %abs3A_1339 : vector<16xf32>
            %exp3A_1343 = math.exp %mul3A_1342 : vector<16xf32>
            %sub3A_1344 = arith.constant 1.000000e+00 : f32
            %sub3A_1345 = vector.broadcast %sub3A_1344 : f32 to vector<16xf32>
            %sub3A_1346 = arith.subf %sub3A_1345, %exp3A_1343 : vector<16xf32>
            %add3A_1347 = arith.constant 1.000000e+00 : f32
            %add3A_1348 = vector.broadcast %add3A_1347 : f32 to vector<16xf32>
            %add3A_1349 = arith.addf %add3A_1348, %exp3A_1343 : vector<16xf32>
            %div3A_1350 = arith.divf %sub3A_1346, %add3A_1349 : vector<16xf32>
            %lt3A_1351 = arith.constant 0.000000e+00 : f32
            %lt3A_1352 = vector.broadcast %lt3A_1351 : f32 to vector<16xf32>
            %lt3A_1353 = arith.cmpf olt, %add3A_1338, %lt3A_1352 : vector<16xf32>
            %neg3A_1354 = arith.constant 0.000000e+00 : f32
            %neg3A_1355 = vector.broadcast %neg3A_1354 : f32 to vector<16xf32>
            %neg3A_1356 = arith.subf %neg3A_1355, %div3A_1350 : vector<16xf32>
            %select_n3A_1357 = arith.select %lt3A_1353, %neg3A_1356, %div3A_1350 : vector<16xi1>, vector<16xf32>
            %swap3A_1358 = arith.index_cast %add3A_1321 : i32 to index
            %swap3A_1359 = arith.constant 0 : index
            %swap3A_1360 = tpu.vector_load %arg23[%swap3A_1358, %swap3A_1359] {strides = array<i32>} : memref<224x16xf32, #tpu.memory_space<vmem>>, vector<16xf32>,
            tpu.vector_store %arg23[%swap3A_1358, %swap3A_1359], %select_n3A_1357 {strides = array<i32>} : memref<224x16xf32, #tpu.memory_space<vmem>>, vector<16xf32>,
            %mul3A_1361 = arith.constant 16 : i32
            %mul3A_1362 = arith.muli %scan3A_845, %mul3A_1361 : i32
            %add3A_1363 = arith.constant 12 : i32
            %add3A_1364 = arith.addi %mul3A_1362, %add3A_1363 : i32
            %broadcast_in_dim3A_1365 = arith.constant 12 : i32
            %broadcast_in_dim3A_1366 = vector.broadcast %broadcast_in_dim3A_1365 : i32 to vector<16xi32>
            %lt3A_1367 = arith.constant 0 : i32
            %lt3A_1368 = vector.broadcast %lt3A_1367 : i32 to vector<16xi32>
            %lt3A_1369 = arith.cmpi slt, %broadcast_in_dim3A_1366, %lt3A_1368 : vector<16xi32>
            %add3A_1370 = arith.constant 16 : i32
            %add3A_1371 = vector.broadcast %add3A_1370 : i32 to vector<16xi32>
            %add3A_1372 = arith.addi %broadcast_in_dim3A_1366, %add3A_1371 : vector<16xi32>
            %select_n3A_1373 = arith.select %lt3A_1369, %add3A_1372, %broadcast_in_dim3A_1366 : vector<16xi1>, vector<16xi32>
            %broadcast_in_dim3A_1374 = vector.shape_cast %select_n3A_1373 : vector<16xi32> to vector<16x1xi32>
            %gather3A_1375 = vector.shape_cast %broadcast_in_dim3A_1374 : vector<16x1xi32> to vector<16xi32>
            %gather3A_1376 = tpu.dynamic_gather %get3A_851[%gather3A_1375] in [0] : vector<16xf32>, vector<16xi32> -> vector<16xf32>
            %get3A_1377 = arith.index_cast %add3A_1364 : i32 to index
            %get3A_1378 = arith.constant 0 : index
            %get3A_1379 = tpu.vector_load %arg23[%get3A_1377, %get3A_1378] {strides = array<i32>} : memref<224x16xf32, #tpu.memory_space<vmem>>, vector<16xf32>,
            %mul3A_1380 = arith.mulf %get3A_1379, %gather3A : vector<16xf32>
            %add3A_1381 = arith.addf %mul3A_1380, %gather3A_1376 : vector<16xf32>
            %abs3A_1382 = math.absf %add3A_1381 : vector<16xf32>
            %mul3A_1383 = arith.constant -2.000000e+00 : f32
            %mul3A_1384 = vector.broadcast %mul3A_1383 : f32 to vector<16xf32>
            %mul3A_1385 = arith.mulf %mul3A_1384, %abs3A_1382 : vector<16xf32>
            %exp3A_1386 = math.exp %mul3A_1385 : vector<16xf32>
            %sub3A_1387 = arith.constant 1.000000e+00 : f32
            %sub3A_1388 = vector.broadcast %sub3A_1387 : f32 to vector<16xf32>
            %sub3A_1389 = arith.subf %sub3A_1388, %exp3A_1386 : vector<16xf32>
            %add3A_1390 = arith.constant 1.000000e+00 : f32
            %add3A_1391 = vector.broadcast %add3A_1390 : f32 to vector<16xf32>
            %add3A_1392 = arith.addf %add3A_1391, %exp3A_1386 : vector<16xf32>
            %div3A_1393 = arith.divf %sub3A_1389, %add3A_1392 : vector<16xf32>
            %lt3A_1394 = arith.constant 0.000000e+00 : f32
            %lt3A_1395 = vector.broadcast %lt3A_1394 : f32 to vector<16xf32>
            %lt3A_1396 = arith.cmpf olt, %add3A_1381, %lt3A_1395 : vector<16xf32>
            %neg3A_1397 = arith.constant 0.000000e+00 : f32
            %neg3A_1398 = vector.broadcast %neg3A_1397 : f32 to vector<16xf32>
            %neg3A_1399 = arith.subf %neg3A_1398, %div3A_1393 : vector<16xf32>
            %select_n3A_1400 = arith.select %lt3A_1396, %neg3A_1399, %div3A_1393 : vector<16xi1>, vector<16xf32>
            %swap3A_1401 = arith.index_cast %add3A_1364 : i32 to index
            %swap3A_1402 = arith.constant 0 : index
            %swap3A_1403 = tpu.vector_load %arg23[%swap3A_1401, %swap3A_1402] {strides = array<i32>} : memref<224x16xf32, #tpu.memory_space<vmem>>, vector<16xf32>,
            tpu.vector_store %arg23[%swap3A_1401, %swap3A_1402], %select_n3A_1400 {strides = array<i32>} : memref<224x16xf32, #tpu.memory_space<vmem>>, vector<16xf32>,
            %mul3A_1404 = arith.constant 16 : i32
            %mul3A_1405 = arith.muli %scan3A_845, %mul3A_1404 : i32
            %add3A_1406 = arith.constant 13 : i32
            %add3A_1407 = arith.addi %mul3A_1405, %add3A_1406 : i32
            %broadcast_in_dim3A_1408 = arith.constant 13 : i32
            %broadcast_in_dim3A_1409 = vector.broadcast %broadcast_in_dim3A_1408 : i32 to vector<16xi32>
            %lt3A_1410 = arith.constant 0 : i32
            %lt3A_1411 = vector.broadcast %lt3A_1410 : i32 to vector<16xi32>
            %lt3A_1412 = arith.cmpi slt, %broadcast_in_dim3A_1409, %lt3A_1411 : vector<16xi32>
            %add3A_1413 = arith.constant 16 : i32
            %add3A_1414 = vector.broadcast %add3A_1413 : i32 to vector<16xi32>
            %add3A_1415 = arith.addi %broadcast_in_dim3A_1409, %add3A_1414 : vector<16xi32>
            %select_n3A_1416 = arith.select %lt3A_1412, %add3A_1415, %broadcast_in_dim3A_1409 : vector<16xi1>, vector<16xi32>
            %broadcast_in_dim3A_1417 = vector.shape_cast %select_n3A_1416 : vector<16xi32> to vector<16x1xi32>
            %gather3A_1418 = vector.shape_cast %broadcast_in_dim3A_1417 : vector<16x1xi32> to vector<16xi32>
            %gather3A_1419 = tpu.dynamic_gather %get3A_851[%gather3A_1418] in [0] : vector<16xf32>, vector<16xi32> -> vector<16xf32>
            %get3A_1420 = arith.index_cast %add3A_1407 : i32 to index
            %get3A_1421 = arith.constant 0 : index
            %get3A_1422 = tpu.vector_load %arg23[%get3A_1420, %get3A_1421] {strides = array<i32>} : memref<224x16xf32, #tpu.memory_space<vmem>>, vector<16xf32>,
            %mul3A_1423 = arith.mulf %get3A_1422, %gather3A : vector<16xf32>
            %add3A_1424 = arith.addf %mul3A_1423, %gather3A_1419 : vector<16xf32>
            %abs3A_1425 = math.absf %add3A_1424 : vector<16xf32>
            %mul3A_1426 = arith.constant -2.000000e+00 : f32
            %mul3A_1427 = vector.broadcast %mul3A_1426 : f32 to vector<16xf32>
            %mul3A_1428 = arith.mulf %mul3A_1427, %abs3A_1425 : vector<16xf32>
            %exp3A_1429 = math.exp %mul3A_1428 : vector<16xf32>
            %sub3A_1430 = arith.constant 1.000000e+00 : f32
            %sub3A_1431 = vector.broadcast %sub3A_1430 : f32 to vector<16xf32>
            %sub3A_1432 = arith.subf %sub3A_1431, %exp3A_1429 : vector<16xf32>
            %add3A_1433 = arith.constant 1.000000e+00 : f32
            %add3A_1434 = vector.broadcast %add3A_1433 : f32 to vector<16xf32>
            %add3A_1435 = arith.addf %add3A_1434, %exp3A_1429 : vector<16xf32>
            %div3A_1436 = arith.divf %sub3A_1432, %add3A_1435 : vector<16xf32>
            %lt3A_1437 = arith.constant 0.000000e+00 : f32
            %lt3A_1438 = vector.broadcast %lt3A_1437 : f32 to vector<16xf32>
            %lt3A_1439 = arith.cmpf olt, %add3A_1424, %lt3A_1438 : vector<16xf32>
            %neg3A_1440 = arith.constant 0.000000e+00 : f32
            %neg3A_1441 = vector.broadcast %neg3A_1440 : f32 to vector<16xf32>
            %neg3A_1442 = arith.subf %neg3A_1441, %div3A_1436 : vector<16xf32>
            %select_n3A_1443 = arith.select %lt3A_1439, %neg3A_1442, %div3A_1436 : vector<16xi1>, vector<16xf32>
            %swap3A_1444 = arith.index_cast %add3A_1407 : i32 to index
            %swap3A_1445 = arith.constant 0 : index
            %swap3A_1446 = tpu.vector_load %arg23[%swap3A_1444, %swap3A_1445] {strides = array<i32>} : memref<224x16xf32, #tpu.memory_space<vmem>>, vector<16xf32>,
            tpu.vector_store %arg23[%swap3A_1444, %swap3A_1445], %select_n3A_1443 {strides = array<i32>} : memref<224x16xf32, #tpu.memory_space<vmem>>, vector<16xf32>,
            %mul3A_1447 = arith.constant 16 : i32
            %mul3A_1448 = arith.muli %scan3A_845, %mul3A_1447 : i32
            %add3A_1449 = arith.constant 14 : i32
            %add3A_1450 = arith.addi %mul3A_1448, %add3A_1449 : i32
            %broadcast_in_dim3A_1451 = arith.constant 14 : i32
            %broadcast_in_dim3A_1452 = vector.broadcast %broadcast_in_dim3A_1451 : i32 to vector<16xi32>
            %lt3A_1453 = arith.constant 0 : i32
            %lt3A_1454 = vector.broadcast %lt3A_1453 : i32 to vector<16xi32>
            %lt3A_1455 = arith.cmpi slt, %broadcast_in_dim3A_1452, %lt3A_1454 : vector<16xi32>
            %add3A_1456 = arith.constant 16 : i32
            %add3A_1457 = vector.broadcast %add3A_1456 : i32 to vector<16xi32>
            %add3A_1458 = arith.addi %broadcast_in_dim3A_1452, %add3A_1457 : vector<16xi32>
            %select_n3A_1459 = arith.select %lt3A_1455, %add3A_1458, %broadcast_in_dim3A_1452 : vector<16xi1>, vector<16xi32>
            %broadcast_in_dim3A_1460 = vector.shape_cast %select_n3A_1459 : vector<16xi32> to vector<16x1xi32>
            %gather3A_1461 = vector.shape_cast %broadcast_in_dim3A_1460 : vector<16x1xi32> to vector<16xi32>
            %gather3A_1462 = tpu.dynamic_gather %get3A_851[%gather3A_1461] in [0] : vector<16xf32>, vector<16xi32> -> vector<16xf32>
            %get3A_1463 = arith.index_cast %add3A_1450 : i32 to index
            %get3A_1464 = arith.constant 0 : index
            %get3A_1465 = tpu.vector_load %arg23[%get3A_1463, %get3A_1464] {strides = array<i32>} : memref<224x16xf32, #tpu.memory_space<vmem>>, vector<16xf32>,
            %mul3A_1466 = arith.mulf %get3A_1465, %gather3A : vector<16xf32>
            %add3A_1467 = arith.addf %mul3A_1466, %gather3A_1462 : vector<16xf32>
            %abs3A_1468 = math.absf %add3A_1467 : vector<16xf32>
            %mul3A_1469 = arith.constant -2.000000e+00 : f32
            %mul3A_1470 = vector.broadcast %mul3A_1469 : f32 to vector<16xf32>
            %mul3A_1471 = arith.mulf %mul3A_1470, %abs3A_1468 : vector<16xf32>
            %exp3A_1472 = math.exp %mul3A_1471 : vector<16xf32>
            %sub3A_1473 = arith.constant 1.000000e+00 : f32
            %sub3A_1474 = vector.broadcast %sub3A_1473 : f32 to vector<16xf32>
            %sub3A_1475 = arith.subf %sub3A_1474, %exp3A_1472 : vector<16xf32>
            %add3A_1476 = arith.constant 1.000000e+00 : f32
            %add3A_1477 = vector.broadcast %add3A_1476 : f32 to vector<16xf32>
            %add3A_1478 = arith.addf %add3A_1477, %exp3A_1472 : vector<16xf32>
            %div3A_1479 = arith.divf %sub3A_1475, %add3A_1478 : vector<16xf32>
            %lt3A_1480 = arith.constant 0.000000e+00 : f32
            %lt3A_1481 = vector.broadcast %lt3A_1480 : f32 to vector<16xf32>
            %lt3A_1482 = arith.cmpf olt, %add3A_1467, %lt3A_1481 : vector<16xf32>
            %neg3A_1483 = arith.constant 0.000000e+00 : f32
            %neg3A_1484 = vector.broadcast %neg3A_1483 : f32 to vector<16xf32>
            %neg3A_1485 = arith.subf %neg3A_1484, %div3A_1479 : vector<16xf32>
            %select_n3A_1486 = arith.select %lt3A_1482, %neg3A_1485, %div3A_1479 : vector<16xi1>, vector<16xf32>
            %swap3A_1487 = arith.index_cast %add3A_1450 : i32 to index
            %swap3A_1488 = arith.constant 0 : index
            %swap3A_1489 = tpu.vector_load %arg23[%swap3A_1487, %swap3A_1488] {strides = array<i32>} : memref<224x16xf32, #tpu.memory_space<vmem>>, vector<16xf32>,
            tpu.vector_store %arg23[%swap3A_1487, %swap3A_1488], %select_n3A_1486 {strides = array<i32>} : memref<224x16xf32, #tpu.memory_space<vmem>>, vector<16xf32>,
            %mul3A_1490 = arith.constant 16 : i32
            %mul3A_1491 = arith.muli %scan3A_845, %mul3A_1490 : i32
            %add3A_1492 = arith.constant 15 : i32
            %add3A_1493 = arith.addi %mul3A_1491, %add3A_1492 : i32
            %broadcast_in_dim3A_1494 = arith.constant 15 : i32
            %broadcast_in_dim3A_1495 = vector.broadcast %broadcast_in_dim3A_1494 : i32 to vector<16xi32>
            %lt3A_1496 = arith.constant 0 : i32
            %lt3A_1497 = vector.broadcast %lt3A_1496 : i32 to vector<16xi32>
            %lt3A_1498 = arith.cmpi slt, %broadcast_in_dim3A_1495, %lt3A_1497 : vector<16xi32>
            %add3A_1499 = arith.constant 16 : i32
            %add3A_1500 = vector.broadcast %add3A_1499 : i32 to vector<16xi32>
            %add3A_1501 = arith.addi %broadcast_in_dim3A_1495, %add3A_1500 : vector<16xi32>
            %select_n3A_1502 = arith.select %lt3A_1498, %add3A_1501, %broadcast_in_dim3A_1495 : vector<16xi1>, vector<16xi32>
            %broadcast_in_dim3A_1503 = vector.shape_cast %select_n3A_1502 : vector<16xi32> to vector<16x1xi32>
            %gather3A_1504 = vector.shape_cast %broadcast_in_dim3A_1503 : vector<16x1xi32> to vector<16xi32>
            %gather3A_1505 = tpu.dynamic_gather %get3A_851[%gather3A_1504] in [0] : vector<16xf32>, vector<16xi32> -> vector<16xf32>
            %get3A_1506 = arith.index_cast %add3A_1493 : i32 to index
            %get3A_1507 = arith.constant 0 : index
            %get3A_1508 = tpu.vector_load %arg23[%get3A_1506, %get3A_1507] {strides = array<i32>} : memref<224x16xf32, #tpu.memory_space<vmem>>, vector<16xf32>,
            %mul3A_1509 = arith.mulf %get3A_1508, %gather3A : vector<16xf32>
            %add3A_1510 = arith.addf %mul3A_1509, %gather3A_1505 : vector<16xf32>
            %abs3A_1511 = math.absf %add3A_1510 : vector<16xf32>
            %mul3A_1512 = arith.constant -2.000000e+00 : f32
            %mul3A_1513 = vector.broadcast %mul3A_1512 : f32 to vector<16xf32>
            %mul3A_1514 = arith.mulf %mul3A_1513, %abs3A_1511 : vector<16xf32>
            %exp3A_1515 = math.exp %mul3A_1514 : vector<16xf32>
            %sub3A_1516 = arith.constant 1.000000e+00 : f32
            %sub3A_1517 = vector.broadcast %sub3A_1516 : f32 to vector<16xf32>
            %sub3A_1518 = arith.subf %sub3A_1517, %exp3A_1515 : vector<16xf32>
            %add3A_1519 = arith.constant 1.000000e+00 : f32
            %add3A_1520 = vector.broadcast %add3A_1519 : f32 to vector<16xf32>
            %add3A_1521 = arith.addf %add3A_1520, %exp3A_1515 : vector<16xf32>
            %div3A_1522 = arith.divf %sub3A_1518, %add3A_1521 : vector<16xf32>
            %lt3A_1523 = arith.constant 0.000000e+00 : f32
            %lt3A_1524 = vector.broadcast %lt3A_1523 : f32 to vector<16xf32>
            %lt3A_1525 = arith.cmpf olt, %add3A_1510, %lt3A_1524 : vector<16xf32>
            %neg3A_1526 = arith.constant 0.000000e+00 : f32
            %neg3A_1527 = vector.broadcast %neg3A_1526 : f32 to vector<16xf32>
            %neg3A_1528 = arith.subf %neg3A_1527, %div3A_1522 : vector<16xf32>
            %select_n3A_1529 = arith.select %lt3A_1525, %neg3A_1528, %div3A_1522 : vector<16xi1>, vector<16xf32>
            %swap3A_1530 = arith.index_cast %add3A_1493 : i32 to index
            %swap3A_1531 = arith.constant 0 : index
            %swap3A_1532 = tpu.vector_load %arg23[%swap3A_1530, %swap3A_1531] {strides = array<i32>} : memref<224x16xf32, #tpu.memory_space<vmem>>, vector<16xf32>,
            tpu.vector_store %arg23[%swap3A_1530, %swap3A_1531], %select_n3A_1529 {strides = array<i32>} : memref<224x16xf32, #tpu.memory_space<vmem>>, vector<16xf32>,
          }
          %scan3A_808 = arith.constant 14 : i32
          %mul3A_809 = arith.constant 1568 : i32
          %mul3A_810 = arith.muli %arg1, %mul3A_809 : i32
          %mul3A_811 = arith.constant 224 : i32
          %mul3A_812 = arith.muli %add3A_765, %mul3A_811 : i32
          %add3A_813 = arith.addi %mul3A_810, %mul3A_812 : i32
          %dma_start3A_814 = arith.constant 0 : i32
          %dma_start3A_815 = tpu.memref_slice %arg15[%add3A_813, %dma_start3A_814] : memref<25088x16xf32, #tpu.memory_space<vmem_shared>> -> memref<224x16xf32, #tpu.memory_space<vmem_shared>>
          %dma_start3A_816 = arith.constant 0 : i32
          %dma_start3A_817 = tpu.memref_slice %arg15[%add3A_813, %dma_start3A_816] : memref<25088x16xf32, #tpu.memory_space<vmem_shared>> -> memref<224x16xf32, #tpu.memory_space<vmem_shared>>
          tpu.enqueue_dma source(%arg19 : memref<224x16xf32, #tpu.memory_space<vmem>>) target(%dma_start3A_817 : memref<224x16xf32, #tpu.memory_space<vmem_shared>>) target_semaphore(%arg39 : memref<!tpu.dma_semaphore, #tpu.memory_space<semaphore_mem>>)
          %dma_start3A_818 = arith.constant 0 : i32
          %dma_start3A_819 = tpu.memref_slice %arg20[%add3A_765, %dma_start3A_818] : memref<7x224xi32, #tpu.memory_space<vmem>> -> memref<1x224xi32, #tpu.memory_space<vmem>>
          %dma_start3A_820 = tpu.memref_squeeze %dma_start3A_819 : memref<1x224xi32, #tpu.memory_space<vmem>> -> memref<224xi32, #tpu.memory_space<vmem>>
          %dma_start3A_821 = arith.constant 0 : i32
          %dma_start3A_822 = arith.constant 0 : i32
          %dma_start3A_823 = tpu.memref_slice %arg14[%dma_start3A_821, %dma_start3A_822] : memref<50176x16xf32, #tpu.memory_space<vmem_shared>> -> memref<50176x16xf32, #tpu.memory_space<vmem_shared>>
          tpu.enqueue_indirect_dma source(%arg23 : memref<224x16xf32, #tpu.memory_space<vmem>>) target(%dma_start3A_823 : memref<50176x16xf32, #tpu.memory_space<vmem_shared>>) offsets(%dma_start3A_820 : memref<224xi32, #tpu.memory_space<vmem>>) semaphore(%arg35 : memref<!tpu.dma_semaphore, #tpu.memory_space<semaphore_mem>>)
          %dma_wait3A_824 = arith.constant 0 : i32
          %dma_wait3A_825 = tpu.memref_slice %arg20[%add3A_761, %dma_wait3A_824] : memref<7x224xi32, #tpu.memory_space<vmem>> -> memref<1x224xi32, #tpu.memory_space<vmem>>
          %dma_wait3A_826 = tpu.memref_squeeze %dma_wait3A_825 : memref<1x224xi32, #tpu.memory_space<vmem>> -> memref<224xi32, #tpu.memory_space<vmem>>
          %dma_wait3A_827 = arith.constant 0 : i32
          %dma_wait3A_828 = arith.constant 0 : i32
          %dma_wait3A_829 = tpu.memref_slice %arg14[%dma_wait3A_827, %dma_wait3A_828] : memref<50176x16xf32, #tpu.memory_space<vmem_shared>> -> memref<50176x16xf32, #tpu.memory_space<vmem_shared>>
          tpu.wait_indirect_dma semaphore(%arg34 : memref<!tpu.dma_semaphore, #tpu.memory_space<semaphore_mem>>) src(%arg22 : memref<224x16xf32, #tpu.memory_space<vmem>>) dst(%dma_wait3A_829 : memref<50176x16xf32, #tpu.memory_space<vmem_shared>>)
          %lt3A = arith.constant 2 : i32
          %lt3A_830 = arith.cmpi slt, %scan3A_757, %lt3A : i32
          %convert_element_type3A_831 = arith.extui %lt3A_830 : i1 to i32
          %cond3A_832 = arith.constant 0 : i32
          %cond3A_833 = arith.cmpi ne, %convert_element_type3A_831, %cond3A_832 : i32
          scf.if %cond3A_833 {
            %add3A_845 = arith.constant 2 : i32
            %add3A_846 = arith.addi %add3A_761, %add3A_845 : i32
            %mul3A_847 = arith.constant 1568 : i32
            %mul3A_848 = arith.muli %arg1, %mul3A_847 : i32
            %mul3A_849 = arith.constant 224 : i32
            %mul3A_850 = arith.muli %add3A_846, %mul3A_849 : i32
            %add3A_851 = arith.addi %mul3A_848, %mul3A_850 : i32
            %dma_start3A_852 = arith.constant 0 : i32
            %dma_start3A_853 = tpu.memref_slice %arg15[%add3A_851, %dma_start3A_852] : memref<25088x16xf32, #tpu.memory_space<vmem_shared>> -> memref<224x16xf32, #tpu.memory_space<vmem_shared>>
            %dma_start3A_854 = arith.constant 0 : i32
            %dma_start3A_855 = tpu.memref_slice %arg15[%add3A_851, %dma_start3A_854] : memref<25088x16xf32, #tpu.memory_space<vmem_shared>> -> memref<224x16xf32, #tpu.memory_space<vmem_shared>>
            tpu.enqueue_dma source(%dma_start3A_855 : memref<224x16xf32, #tpu.memory_space<vmem_shared>>) target(%arg22 : memref<224x16xf32, #tpu.memory_space<vmem>>) target_semaphore(%arg30 : memref<!tpu.dma_semaphore, #tpu.memory_space<semaphore_mem>>)
          } else {
          }
          %dma_wait3A_834 = arith.constant 0 : i32
          %dma_wait3A_835 = tpu.memref_slice %arg20[%add3A_765, %dma_wait3A_834] : memref<7x224xi32, #tpu.memory_space<vmem>> -> memref<1x224xi32, #tpu.memory_space<vmem>>
          %dma_wait3A_836 = tpu.memref_squeeze %dma_wait3A_835 : memref<1x224xi32, #tpu.memory_space<vmem>> -> memref<224xi32, #tpu.memory_space<vmem>>
          %dma_wait3A_837 = arith.constant 0 : i32
          %dma_wait3A_838 = arith.constant 0 : i32
          %dma_wait3A_839 = tpu.memref_slice %arg14[%dma_wait3A_837, %dma_wait3A_838] : memref<50176x16xf32, #tpu.memory_space<vmem_shared>> -> memref<50176x16xf32, #tpu.memory_space<vmem_shared>>
          tpu.wait_indirect_dma semaphore(%arg35 : memref<!tpu.dma_semaphore, #tpu.memory_space<semaphore_mem>>) src(%arg23 : memref<224x16xf32, #tpu.memory_space<vmem>>) dst(%dma_wait3A_839 : memref<50176x16xf32, #tpu.memory_space<vmem_shared>>)
          %lt3A_840 = arith.constant 2 : i32
          %lt3A_841 = arith.cmpi slt, %scan3A_757, %lt3A_840 : i32
          %convert_element_type3A_842 = arith.extui %lt3A_841 : i1 to i32
          %cond3A_843 = arith.constant 0 : i32
          %cond3A_844 = arith.cmpi ne, %convert_element_type3A_842, %cond3A_843 : i32
          scf.if %cond3A_844 {
            %add3A_845 = arith.constant 2 : i32
            %add3A_846 = arith.addi %add3A_765, %add3A_845 : i32
            %mul3A_847 = arith.constant 1568 : i32
            %mul3A_848 = arith.muli %arg1, %mul3A_847 : i32
            %mul3A_849 = arith.constant 224 : i32
            %mul3A_850 = arith.muli %add3A_846, %mul3A_849 : i32
            %add3A_851 = arith.addi %mul3A_848, %mul3A_850 : i32
            %dma_start3A_852 = arith.constant 0 : i32
            %dma_start3A_853 = tpu.memref_slice %arg15[%add3A_851, %dma_start3A_852] : memref<25088x16xf32, #tpu.memory_space<vmem_shared>> -> memref<224x16xf32, #tpu.memory_space<vmem_shared>>
            %dma_start3A_854 = arith.constant 0 : i32
            %dma_start3A_855 = tpu.memref_slice %arg15[%add3A_851, %dma_start3A_854] : memref<25088x16xf32, #tpu.memory_space<vmem_shared>> -> memref<224x16xf32, #tpu.memory_space<vmem_shared>>
            tpu.enqueue_dma source(%dma_start3A_855 : memref<224x16xf32, #tpu.memory_space<vmem_shared>>) target(%arg23 : memref<224x16xf32, #tpu.memory_space<vmem>>) target_semaphore(%arg31 : memref<!tpu.dma_semaphore, #tpu.memory_space<semaphore_mem>>)
          } else {
          }
        }
        %scan3A_699 = arith.constant 3 : i32
        %mul3A_700 = arith.constant 1568 : i32
        %mul3A_701 = arith.muli %arg1, %mul3A_700 : i32
        %add3A_702 = arith.constant 0 : i32
        %add3A_703 = arith.addi %mul3A_701, %add3A_702 : i32
        %dma_wait3A_704 = arith.constant 0 : i32
        %dma_wait3A_705 = tpu.memref_slice %arg15[%add3A_703, %dma_wait3A_704] : memref<25088x16xf32, #tpu.memory_space<vmem_shared>> -> memref<224x16xf32, #tpu.memory_space<vmem_shared>>
        %dma_wait3A_706 = arith.constant 0 : i32
        %dma_wait3A_707 = tpu.memref_slice %arg15[%add3A_703, %dma_wait3A_706] : memref<25088x16xf32, #tpu.memory_space<vmem_shared>> -> memref<224x16xf32, #tpu.memory_space<vmem_shared>>
        tpu.wait_dma2 semaphore(%arg39 : memref<!tpu.dma_semaphore, #tpu.memory_space<semaphore_mem>>) src(%arg19 : memref<224x16xf32, #tpu.memory_space<vmem>>) dst(%dma_wait3A_707 : memref<224x16xf32, #tpu.memory_space<vmem_shared>>)
        %mul3A_708 = arith.constant 1568 : i32
        %mul3A_709 = arith.muli %arg1, %mul3A_708 : i32
        %add3A_710 = arith.constant 224 : i32
        %add3A_711 = arith.addi %mul3A_709, %add3A_710 : i32
        %dma_wait3A_712 = arith.constant 0 : i32
        %dma_wait3A_713 = tpu.memref_slice %arg15[%add3A_711, %dma_wait3A_712] : memref<25088x16xf32, #tpu.memory_space<vmem_shared>> -> memref<224x16xf32, #tpu.memory_space<vmem_shared>>
        %dma_wait3A_714 = arith.constant 0 : i32
        %dma_wait3A_715 = tpu.memref_slice %arg15[%add3A_711, %dma_wait3A_714] : memref<25088x16xf32, #tpu.memory_space<vmem_shared>> -> memref<224x16xf32, #tpu.memory_space<vmem_shared>>
        tpu.wait_dma2 semaphore(%arg39 : memref<!tpu.dma_semaphore, #tpu.memory_space<semaphore_mem>>) src(%arg19 : memref<224x16xf32, #tpu.memory_space<vmem>>) dst(%dma_wait3A_715 : memref<224x16xf32, #tpu.memory_space<vmem_shared>>)
        %mul3A_716 = arith.constant 1568 : i32
        %mul3A_717 = arith.muli %arg1, %mul3A_716 : i32
        %add3A_718 = arith.constant 448 : i32
        %add3A_719 = arith.addi %mul3A_717, %add3A_718 : i32
        %dma_wait3A_720 = arith.constant 0 : i32
        %dma_wait3A_721 = tpu.memref_slice %arg15[%add3A_719, %dma_wait3A_720] : memref<25088x16xf32, #tpu.memory_space<vmem_shared>> -> memref<224x16xf32, #tpu.memory_space<vmem_shared>>
        %dma_wait3A_722 = arith.constant 0 : i32
        %dma_wait3A_723 = tpu.memref_slice %arg15[%add3A_719, %dma_wait3A_722] : memref<25088x16xf32, #tpu.memory_space<vmem_shared>> -> memref<224x16xf32, #tpu.memory_space<vmem_shared>>
        tpu.wait_dma2 semaphore(%arg39 : memref<!tpu.dma_semaphore, #tpu.memory_space<semaphore_mem>>) src(%arg19 : memref<224x16xf32, #tpu.memory_space<vmem>>) dst(%dma_wait3A_723 : memref<224x16xf32, #tpu.memory_space<vmem_shared>>)
        %mul3A_724 = arith.constant 1568 : i32
        %mul3A_725 = arith.muli %arg1, %mul3A_724 : i32
        %add3A_726 = arith.constant 672 : i32
        %add3A_727 = arith.addi %mul3A_725, %add3A_726 : i32
        %dma_wait3A_728 = arith.constant 0 : i32
        %dma_wait3A_729 = tpu.memref_slice %arg15[%add3A_727, %dma_wait3A_728] : memref<25088x16xf32, #tpu.memory_space<vmem_shared>> -> memref<224x16xf32, #tpu.memory_space<vmem_shared>>
        %dma_wait3A_730 = arith.constant 0 : i32
        %dma_wait3A_731 = tpu.memref_slice %arg15[%add3A_727, %dma_wait3A_730] : memref<25088x16xf32, #tpu.memory_space<vmem_shared>> -> memref<224x16xf32, #tpu.memory_space<vmem_shared>>
        tpu.wait_dma2 semaphore(%arg39 : memref<!tpu.dma_semaphore, #tpu.memory_space<semaphore_mem>>) src(%arg19 : memref<224x16xf32, #tpu.memory_space<vmem>>) dst(%dma_wait3A_731 : memref<224x16xf32, #tpu.memory_space<vmem_shared>>)
        %mul3A_732 = arith.constant 1568 : i32
        %mul3A_733 = arith.muli %arg1, %mul3A_732 : i32
        %add3A_734 = arith.constant 896 : i32
        %add3A_735 = arith.addi %mul3A_733, %add3A_734 : i32
        %dma_wait3A_736 = arith.constant 0 : i32
        %dma_wait3A_737 = tpu.memref_slice %arg15[%add3A_735, %dma_wait3A_736] : memref<25088x16xf32, #tpu.memory_space<vmem_shared>> -> memref<224x16xf32, #tpu.memory_space<vmem_shared>>
        %dma_wait3A_738 = arith.constant 0 : i32
        %dma_wait3A_739 = tpu.memref_slice %arg15[%add3A_735, %dma_wait3A_738] : memref<25088x16xf32, #tpu.memory_space<vmem_shared>> -> memref<224x16xf32, #tpu.memory_space<vmem_shared>>
        tpu.wait_dma2 semaphore(%arg39 : memref<!tpu.dma_semaphore, #tpu.memory_space<semaphore_mem>>) src(%arg19 : memref<224x16xf32, #tpu.memory_space<vmem>>) dst(%dma_wait3A_739 : memref<224x16xf32, #tpu.memory_space<vmem_shared>>)
        %mul3A_740 = arith.constant 1568 : i32
        %mul3A_741 = arith.muli %arg1, %mul3A_740 : i32
        %add3A_742 = arith.constant 1120 : i32
        %add3A_743 = arith.addi %mul3A_741, %add3A_742 : i32
        %dma_wait3A_744 = arith.constant 0 : i32
        %dma_wait3A_745 = tpu.memref_slice %arg15[%add3A_743, %dma_wait3A_744] : memref<25088x16xf32, #tpu.memory_space<vmem_shared>> -> memref<224x16xf32, #tpu.memory_space<vmem_shared>>
        %dma_wait3A_746 = arith.constant 0 : i32
        %dma_wait3A_747 = tpu.memref_slice %arg15[%add3A_743, %dma_wait3A_746] : memref<25088x16xf32, #tpu.memory_space<vmem_shared>> -> memref<224x16xf32, #tpu.memory_space<vmem_shared>>
        tpu.wait_dma2 semaphore(%arg39 : memref<!tpu.dma_semaphore, #tpu.memory_space<semaphore_mem>>) src(%arg19 : memref<224x16xf32, #tpu.memory_space<vmem>>) dst(%dma_wait3A_747 : memref<224x16xf32, #tpu.memory_space<vmem_shared>>)
        %mul3A_748 = arith.constant 1568 : i32
        %mul3A_749 = arith.muli %arg1, %mul3A_748 : i32
        %add3A_750 = arith.constant 1344 : i32
        %add3A_751 = arith.addi %mul3A_749, %add3A_750 : i32
        %dma_wait3A_752 = arith.constant 0 : i32
        %dma_wait3A_753 = tpu.memref_slice %arg15[%add3A_751, %dma_wait3A_752] : memref<25088x16xf32, #tpu.memory_space<vmem_shared>> -> memref<224x16xf32, #tpu.memory_space<vmem_shared>>
        %dma_wait3A_754 = arith.constant 0 : i32
        %dma_wait3A_755 = tpu.memref_slice %arg15[%add3A_751, %dma_wait3A_754] : memref<25088x16xf32, #tpu.memory_space<vmem_shared>> -> memref<224x16xf32, #tpu.memory_space<vmem_shared>>
        tpu.wait_dma2 semaphore(%arg39 : memref<!tpu.dma_semaphore, #tpu.memory_space<semaphore_mem>>) src(%arg19 : memref<224x16xf32, #tpu.memory_space<vmem>>) dst(%dma_wait3A_755 : memref<224x16xf32, #tpu.memory_space<vmem_shared>>)
        %barrier3A_756 = arith.constant 0 : index
        tpu.barrier barrier_id(%barrier3A_756)
      }
      %scan3A_465 = arith.constant 8 : i32
      %eq3A = arith.constant 0 : i32
      %eq3A_466 = arith.cmpi eq, %arg1, %eq3A : i32
      %convert_element_type3A = arith.extui %eq3A_466 : i1 to i32
      %cond3A = arith.constant 0 : i32
      %cond3A_467 = arith.cmpi ne, %convert_element_type3A, %cond3A : i32
      scf.if %cond3A_467 {
        "tpu.region"() ({
          %run_scoped3A_489 = tpu.sem_alloc : memref<!tpu.dma_semaphore, #tpu.memory_space<semaphore_mem>>
          %dma_start3A_490 = arith.constant 0 : i32
          %dma_start3A_491 = arith.constant 0 : i32
          %dma_start3A_492 = tpu.memref_slice %arg14[%dma_start3A_490, %dma_start3A_491] : memref<50176x16xf32, #tpu.memory_space<vmem_shared>> -> memref<50176x16xf32, #tpu.memory_space<vmem_shared>>
          tpu.enqueue_indirect_dma source(%dma_start3A_492 : memref<50176x16xf32, #tpu.memory_space<vmem_shared>>) target(%arg24 : memref<128x16xf32, #tpu.memory_space<vmem>>) offsets(%arg28 : memref<128xi32, #tpu.memory_space<vmem>>) semaphore(%run_scoped3A_489 : memref<!tpu.dma_semaphore, #tpu.memory_space<semaphore_mem>>)
          %dma_wait3A_493 = arith.constant 0 : i32
          %dma_wait3A_494 = arith.constant 0 : i32
          %dma_wait3A_495 = tpu.memref_slice %arg14[%dma_wait3A_493, %dma_wait3A_494] : memref<50176x16xf32, #tpu.memory_space<vmem_shared>> -> memref<50176x16xf32, #tpu.memory_space<vmem_shared>>
          tpu.wait_indirect_dma semaphore(%run_scoped3A_489 : memref<!tpu.dma_semaphore, #tpu.memory_space<semaphore_mem>>) src(%dma_wait3A_495 : memref<50176x16xf32, #tpu.memory_space<vmem_shared>>) dst(%arg24 : memref<128x16xf32, #tpu.memory_space<vmem>>)
          tpu.yield
        }) : () -> ()
        %broadcast_in_dim3A = arith.constant 0.000000e+00 : f32
        %broadcast_in_dim3A_469 = vector.broadcast %broadcast_in_dim3A : f32 to vector<16xf32>
        %broadcast_in_dim3A_470 = arith.constant 0.000000e+00 : f32
        %broadcast_in_dim3A_471 = vector.broadcast %broadcast_in_dim3A_470 : f32 to vector<16xf32>
        %scan3A_472 = arith.constant 0 : i32
        %scan3A_473 = arith.constant 128 : i32
        %scan3A_474 = arith.addi %scan3A_472, %scan3A_473 : i32
        %scan3A_475 = arith.constant 1 : i32
        %scan3A_476:2 = scf.for %scan3A_489 = %scan3A_472 to %scan3A_474 step %scan3A_475 iter_args(%scan3A_490 = %broadcast_in_dim3A_469, %scan3A_491 = %broadcast_in_dim3A_471) -> (vector<16xf32>, vector<16xf32>)  : i32 {
          %get3A = arith.index_cast %scan3A_489 : i32 to index
          %get3A_492 = arith.constant 0 : index
          %get3A_493 = tpu.vector_load %arg24[%get3A, %get3A_492] {strides = array<i32>} : memref<128x16xf32, #tpu.memory_space<vmem>>, vector<16xf32>,
          %mul3A_494 = arith.constant 2 : i32
          %mul3A_495 = arith.muli %mul3A_494, %scan3A_489 : i32
          %broadcast_in_dim3A_496 = vector.broadcast %mul3A_495 : i32 to vector<16xi32>
          %gather3A_497 = tpu.vector_load_idx %arg26[%broadcast_in_dim3A_496] : memref<256xf32, #tpu.memory_space<vmem>>[vector<16xi32>], vector<16xf32>,
          %mul3A_498 = arith.constant 2 : i32
          %mul3A_499 = arith.muli %mul3A_498, %scan3A_489 : i32
          %add3A_500 = arith.constant 1 : i32
          %add3A_501 = arith.addi %mul3A_499, %add3A_500 : i32
          %broadcast_in_dim3A_502 = vector.broadcast %add3A_501 : i32 to vector<16xi32>
          %gather3A_503 = tpu.vector_load_idx %arg26[%broadcast_in_dim3A_502] : memref<256xf32, #tpu.memory_space<vmem>>[vector<16xi32>], vector<16xf32>,
          %mul3A_504 = arith.mulf %get3A_493, %gather3A_497 : vector<16xf32>
          %add3A_505 = arith.addf %scan3A_490, %mul3A_504 : vector<16xf32>
          %mul3A_506 = arith.mulf %get3A_493, %gather3A_503 : vector<16xf32>
          %add3A_507 = arith.addf %scan3A_491, %mul3A_506 : vector<16xf32>
          scf.yield %add3A_505, %add3A_507 : vector<16xf32>, vector<16xf32>
        }
        %scan3A_477 = arith.constant 128 : i32
        %broadcast_in_dim3A_478 = arith.constant 0 : i32
        %broadcast_in_dim3A_479 = vector.broadcast %broadcast_in_dim3A_478 : i32 to vector<16xi32>
        %gather3A = tpu.vector_load_idx %arg27[%broadcast_in_dim3A_479] : memref<16xf32, #tpu.memory_space<vmem>>[vector<16xi32>], vector<16xf32>,
        %broadcast_in_dim3A_480 = arith.constant 1 : i32
        %broadcast_in_dim3A_481 = vector.broadcast %broadcast_in_dim3A_480 : i32 to vector<16xi32>
        %gather3A_482 = tpu.vector_load_idx %arg27[%broadcast_in_dim3A_481] : memref<16xf32, #tpu.memory_space<vmem>>[vector<16xi32>], vector<16xf32>,
        %add3A_483 = arith.addf %scan3A_476#0, %gather3A : vector<16xf32>
        %swap3A = arith.constant 0 : index
        %swap3A_484 = tpu.vector_load %arg29[%swap3A] {strides = array<i32>} : memref<16xf32, #tpu.memory_space<vmem>>, vector<16xf32>,
        tpu.vector_store %arg29[%swap3A], %add3A_483 {strides = array<i32>} : memref<16xf32, #tpu.memory_space<vmem>>, vector<16xf32>,
        %run_scoped3A = arith.constant 0 : i32
        "tpu.region"() ({
          %run_scoped3A_489 = tpu.sem_alloc : memref<!tpu.dma_semaphore, #tpu.memory_space<semaphore_mem>>
          %dma_start3A_490 = arith.constant 0 : i32
          %dma_start3A_491 = tpu.memref_slice %arg13[%add3A, %run_scoped3A, %dma_start3A_490] : memref<4x2x16xf32, #tpu.memory_space<hbm>> -> memref<1x1x16xf32, #tpu.memory_space<hbm>>
          %dma_start3A_492 = tpu.memref_squeeze %dma_start3A_491 : memref<1x1x16xf32, #tpu.memory_space<hbm>> -> memref<16xf32, #tpu.memory_space<hbm>>
          %dma_start3A_493 = arith.constant 0 : i32
          %dma_start3A_494 = tpu.memref_slice %arg13[%add3A, %run_scoped3A, %dma_start3A_493] : memref<4x2x16xf32, #tpu.memory_space<hbm>> -> memref<1x1x16xf32, #tpu.memory_space<hbm>>
          %dma_start3A_495 = tpu.memref_squeeze %dma_start3A_494 : memref<1x1x16xf32, #tpu.memory_space<hbm>> -> memref<16xf32, #tpu.memory_space<hbm>>
          tpu.enqueue_dma source(%arg29 : memref<16xf32, #tpu.memory_space<vmem>>) target(%dma_start3A_495 : memref<16xf32, #tpu.memory_space<hbm>>) target_semaphore(%run_scoped3A_489 : memref<!tpu.dma_semaphore, #tpu.memory_space<semaphore_mem>>)
          %dma_wait3A_496 = arith.constant 0 : i32
          %dma_wait3A_497 = tpu.memref_slice %arg13[%add3A, %run_scoped3A, %dma_wait3A_496] : memref<4x2x16xf32, #tpu.memory_space<hbm>> -> memref<1x1x16xf32, #tpu.memory_space<hbm>>
          %dma_wait3A_498 = tpu.memref_squeeze %dma_wait3A_497 : memref<1x1x16xf32, #tpu.memory_space<hbm>> -> memref<16xf32, #tpu.memory_space<hbm>>
          %dma_wait3A_499 = arith.constant 0 : i32
          %dma_wait3A_500 = tpu.memref_slice %arg13[%add3A, %run_scoped3A, %dma_wait3A_499] : memref<4x2x16xf32, #tpu.memory_space<hbm>> -> memref<1x1x16xf32, #tpu.memory_space<hbm>>
          %dma_wait3A_501 = tpu.memref_squeeze %dma_wait3A_500 : memref<1x1x16xf32, #tpu.memory_space<hbm>> -> memref<16xf32, #tpu.memory_space<hbm>>
          tpu.wait_dma2 semaphore(%run_scoped3A_489 : memref<!tpu.dma_semaphore, #tpu.memory_space<semaphore_mem>>) src(%arg29 : memref<16xf32, #tpu.memory_space<vmem>>) dst(%dma_wait3A_501 : memref<16xf32, #tpu.memory_space<hbm>>)
          tpu.yield
        }) : () -> ()
        %add3A_485 = arith.addf %scan3A_476#1, %gather3A_482 : vector<16xf32>
        %swap3A_486 = arith.constant 0 : index
        %swap3A_487 = tpu.vector_load %arg29[%swap3A_486] {strides = array<i32>} : memref<16xf32, #tpu.memory_space<vmem>>, vector<16xf32>,
        tpu.vector_store %arg29[%swap3A_486], %add3A_485 {strides = array<i32>} : memref<16xf32, #tpu.memory_space<vmem>>, vector<16xf32>,
        %run_scoped3A_488 = arith.constant 1 : i32
        "tpu.region"() ({
          %run_scoped3A_489 = tpu.sem_alloc : memref<!tpu.dma_semaphore, #tpu.memory_space<semaphore_mem>>
          %dma_start3A_490 = arith.constant 0 : i32
          %dma_start3A_491 = tpu.memref_slice %arg13[%add3A, %run_scoped3A_488, %dma_start3A_490] : memref<4x2x16xf32, #tpu.memory_space<hbm>> -> memref<1x1x16xf32, #tpu.memory_space<hbm>>
          %dma_start3A_492 = tpu.memref_squeeze %dma_start3A_491 : memref<1x1x16xf32, #tpu.memory_space<hbm>> -> memref<16xf32, #tpu.memory_space<hbm>>
          %dma_start3A_493 = arith.constant 0 : i32
          %dma_start3A_494 = tpu.memref_slice %arg13[%add3A, %run_scoped3A_488, %dma_start3A_493] : memref<4x2x16xf32, #tpu.memory_space<hbm>> -> memref<1x1x16xf32, #tpu.memory_space<hbm>>
          %dma_start3A_495 = tpu.memref_squeeze %dma_start3A_494 : memref<1x1x16xf32, #tpu.memory_space<hbm>> -> memref<16xf32, #tpu.memory_space<hbm>>
          tpu.enqueue_dma source(%arg29 : memref<16xf32, #tpu.memory_space<vmem>>) target(%dma_start3A_495 : memref<16xf32, #tpu.memory_space<hbm>>) target_semaphore(%run_scoped3A_489 : memref<!tpu.dma_semaphore, #tpu.memory_space<semaphore_mem>>)
          %dma_wait3A_496 = arith.constant 0 : i32
          %dma_wait3A_497 = tpu.memref_slice %arg13[%add3A, %run_scoped3A_488, %dma_wait3A_496] : memref<4x2x16xf32, #tpu.memory_space<hbm>> -> memref<1x1x16xf32, #tpu.memory_space<hbm>>
          %dma_wait3A_498 = tpu.memref_squeeze %dma_wait3A_497 : memref<1x1x16xf32, #tpu.memory_space<hbm>> -> memref<16xf32, #tpu.memory_space<hbm>>
          %dma_wait3A_499 = arith.constant 0 : i32
          %dma_wait3A_500 = tpu.memref_slice %arg13[%add3A, %run_scoped3A_488, %dma_wait3A_499] : memref<4x2x16xf32, #tpu.memory_space<hbm>> -> memref<1x1x16xf32, #tpu.memory_space<hbm>>
          %dma_wait3A_501 = tpu.memref_squeeze %dma_wait3A_500 : memref<1x1x16xf32, #tpu.memory_space<hbm>> -> memref<16xf32, #tpu.memory_space<hbm>>
          tpu.wait_dma2 semaphore(%run_scoped3A_489 : memref<!tpu.dma_semaphore, #tpu.memory_space<semaphore_mem>>) src(%arg29 : memref<16xf32, #tpu.memory_space<vmem>>) dst(%dma_wait3A_501 : memref<16xf32, #tpu.memory_space<hbm>>)
          tpu.yield
        }) : () -> ()
      } else {
      }
      %barrier3A_468 = arith.constant 0 : index
      tpu.barrier barrier_id(%barrier3A_468)
    }
    %scan3A_3 = arith.constant 2 : i32
    return
  }
}

</mosaic_0001>

<sc_bundles>
// kernel: kernel.3.cloned.1.call-start
scs
__scs_entry_jumppad:
0x0: {  	(pc) =	sbr.rel $0x88, $3  }
0x1: {  	(tag) =	ssettag $0x0;
	lr =	simm.s32 $0x1  }
0x2: {  	[smem:$0x3F97] =	sst lr;
	_ =	strace $0xD0000000  }
0x3: {  	_ = 	snop  }
0x4: {  	_ = 	snop  }
0x5: {  	_ = 	snop  }
0x6: {  	_ = 	snop  }
0x7: {  	_ = 	snop  }
__scs_overlays_trampoline_lowered:
0x8: {  	[smem:$0x3FA6] =	sst s0  }
0x9: {  	[smem:$0x3FA7] =	sst s1  }
0xa: {  	[smem:$0x3FA8] =	sst s2  }
0xb: {  	[smem:$0x3FA9] =	sst s3  }
0xc: {  	[smem:$0x3FAA] =	sst s4  }
0xd: {  	[smem:$0x3FAB] =	sst s5  }
0xe: {  	[smem:$0x3FAC] =	sst s6  }
0xf: {  	[smem:$0x3FAD] =	sst s7  }
0x10: {  	[smem:$0x3FAE] =	sst s8  }
0x11: {  	[smem:$0x3FAF] =	sst s9;
	s0 =	simm.s32 @!p0 $0x0  }
0x12: {  	s1 =	sld [smem:$0x3F95];
	s0 =	simm.s32 @p0 $0x1  }
0x13: {  	[smem:$0x3FB0] =	sst s0;
	s0 =	simm.s32 @!p1 $0x0  }
0x14: {  	s2 =	sld [smem:$0x3F94];
	s0 =	simm.s32 @p1 $0x1  }
0x15: {  	[smem:$0x3FB1] =	sst s0;
	s0 =	simm.s32 @!p2 $0x0  }
0x16: {  	s3 =	sld [smem:$0x3FDB];
	s0 =	simm.s32 @p2 $0x1  }
0x17: {  	s4 =	simm.s32 $0x1BF5;
	[smem:$0x3FB3] =	sst s0  }
0x18: {  	s0 =	sld [smem:$0x3F96];
	_ =	swait.ge [sflag:s4], $0x0  }
0x19: {  	s7 =	sld [smem:$0x3F97]  }
0x1a: {  	s8 =	sadd.s32 $0xFFFFE003, lr  }
0x1b: {  	s9 =	sadd.s32 $0xFFFFFEF7, lr;
	s5 =	simm.s32 $0xFFFFFFFF;
	p2 =	slt.u32 s8, $0xFFFFF086  }
0x1c: {  	p1 =	slt.u32 s9, $0xF7A;
	s5 =	simm.s32 @!p2 $0x0  }
0x1d: {  	s5 =	simm.s32 @p1 $0x1;
	p0 =	seq.s32 s7, s2  }
0x1e: {  	s7 =	smul.u32 @!p0 $0xF7A, s2;
	p2 =	seq.s32 @!p0 s5, $0x0  }
0x1f: {  	s9 =	smul.u32 $0xF7A, s1;
	s8 =	simm.s32 @!p0 $0x1BF5;
	p2 =	por !p2, p0  }
0x20: {  	[sflag:s8] =	ssyncset.s32 @!p0 $0xFFFFF086;
	s6 =	sadd.s32 @!p0 s3, s7;
	s7 =	simm.s32 @!p0 $0x108  }
0x21: {  	s3 =	sadd.s32 s3, s9;
	s6 =	sadd.s32 @!p0 $0x88, s6;
	s7 =	simm.s32 @p2 $0x1082  }
0x22: {  	[simem:s7], [sflag:s8] =	dma.local @!p0 [hbm:s6], $0xF7A  }
0x23: {  	s9 =	sor.u32 $0xD0000000, s2;
	s6 =	simm.s32 $0x108;
	_ =	swait.ge @!p0 [sflag:s8], $0x0  }
0x24: {  	s3 =	sadd.s32 $0x88, s3;
	s6 =	simm.s32 @!p1 $0x1082;
	[sflag:s4] =	ssyncset.s32 $0xFFFFF086  }
0x25: {  	[simem:s6], [sflag:s4] =	dma.local [hbm:s3], $0xF7A  }
0x26: {  	[smem:$0x3F97] =	sst s1;
	(tag) =	ssettag s2;
	_ =	strace s9  }
0x27: {  	s1 =	sld [smem:$0x3FA7]  }
0x28: {  	s2 =	sld [smem:$0x3FA8]  }
0x29: {  	s4 =	sld [smem:$0x3FAA]  }
0x2a: {  	p0 =	seq.s32 s5, $0x0;
	s5 =	sld [smem:$0x3FAB]  }
0x2b: {  	s6 =	sld [smem:$0x3FAC]  }
0x2c: {  	s7 =	sld [smem:$0x3FAD]  }
0x2d: {  	s3 =	simm.s32 $0x108;
	s8 =	sld [smem:$0x3FAE]  }
0x2e: {  	s3 =	simm.s32 @!p0 $0x1082;
	s9 =	sld [smem:$0x3FAF]  }
0x2f: {  	lr =	sadd.s32 s0, s3;
	s0 =	sld [smem:$0x3FA6]  }
0x30: {  	s3 =	sld [smem:$0x3FA9]  }
0x31: {  	[smem:$0x3FB2] =	sst s10  }
0x32: {  	s10 =	sld [smem:$0x3FB0];
	_ =	sdelay $0x3  }
0x33: {  	p0 =	seq.s32 s10, $0x1;
	s10 =	sld [smem:$0x3FB2];
	_ =	sdelay $0x3  }
0x34: {  	[smem:$0x3FB2] =	sst s10  }
0x35: {  	s10 =	sld [smem:$0x3FB1];
	_ =	sdelay $0x3  }
0x36: {  	p1 =	seq.s32 s10, $0x1;
	s10 =	sld [smem:$0x3FB2];
	_ =	sdelay $0x3  }
0x37: {  	[smem:$0x3FB2] =	sst s10  }
0x38: {  	s10 =	sld [smem:$0x3FB3]  }
0x39: {  	_ = 	snop;
	(pc) =	sbr.ind lr, $3  }
0x3a: {  	_ = 	snop  }
0x3b: {  	_ = 	snop  }
0x3c: {  	p2 =	seq.s32 s10, $0x1;
	s10 =	sld [smem:$0x3FB2]  }
0x3d: {  	_ =	shalt  }
0x3e: {  	_ =	shalt  }
0x3f: {  	_ =	shalt  }
0x40: {  	_ =	shalt  }
0x41: {  	_ =	shalt  }
0x42: {  	_ =	shalt  }
0x43: {  	_ =	shalt  }
0x44: {  	_ =	shalt  }
0x45: {  	_ =	shalt  }
0x46: {  	_ =	shalt  }
0x47: {  	_ =	shalt  }
0x48: {  	_ =	shalt  }
0x49: {  	_ =	shalt  }
0x4a: {  	_ =	shalt  }
0x4b: {  	_ =	shalt  }
0x4c: {  	_ =	shalt  }
0x4d: {  	_ =	shalt  }
0x4e: {  	_ =	shalt  }
0x4f: {  	_ =	shalt  }
0x50: {  	_ =	shalt  }
0x51: {  	_ =	shalt  }
0x52: {  	_ =	shalt  }
0x53: {  	_ =	shalt  }
0x54: {  	_ =	shalt  }
0x55: {  	_ =	shalt  }
0x56: {  	_ =	shalt  }
0x57: {  	_ =	shalt  }
0x58: {  	_ =	shalt  }
0x59: {  	_ =	shalt  }
0x5a: {  	_ =	shalt  }
0x5b: {  	_ =	shalt  }
0x5c: {  	_ =	shalt  }
0x5d: {  	_ =	shalt  }
0x5e: {  	_ =	shalt  }
0x5f: {  	_ =	shalt  }
0x60: {  	_ =	shalt  }
0x61: {  	_ =	shalt  }
0x62: {  	_ =	shalt  }
0x63: {  	_ =	shalt  }
0x64: {  	_ =	shalt  }
0x65: {  	_ =	shalt  }
0x66: {  	_ =	shalt  }
0x67: {  	_ =	shalt  }
0x68: {  	_ =	shalt  }
0x69: {  	_ =	shalt  }
0x6a: {  	_ =	shalt  }
0x6b: {  	_ =	shalt  }
0x6c: {  	_ =	shalt  }
0x6d: {  	_ =	shalt  }
0x6e: {  	_ =	shalt  }
0x6f: {  	_ =	shalt  }
0x70: {  	_ =	shalt  }
0x71: {  	_ =	shalt  }
0x72: {  	_ =	shalt  }
0x73: {  	_ =	shalt  }
0x74: {  	_ =	shalt  }
0x75: {  	_ =	shalt  }
0x76: {  	_ =	shalt  }
0x77: {  	_ =	shalt  }
0x78: {  	_ =	shalt  }
0x79: {  	_ =	shalt  }
0x7a: {  	_ =	shalt  }
0x7b: {  	_ =	shalt  }
0x7c: {  	_ =	shalt  }
0x7d: {  	_ =	shalt  }
0x7e: {  	_ =	shalt  }
0x7f: {  	_ =	shalt  }
0x80: {  	_ =	shalt  }
0x81: {  	_ =	shalt  }
0x82: {  	_ =	shalt  }
0x83: {  	_ =	shalt  }
0x84: {  	_ =	shalt  }
0x85: {  	_ =	shalt  }
0x86: {  	_ =	shalt  }
0x87: {  	_ =	shalt  }
.Lfunc_end0:
.L_simem_size_0:
called_computation_lowered:
.L_overlay_start_0:
0x88: {  	s2 =	sld [smem:$0x3FD9]  }
0x89: {  	s3 =	sld [smem:$0x3FFE];
	_ =	sdelay $0x1  }
0x8a: {  	s1 =	srdreg.scid  }
0x8b: {  	s0 =	sand.u32 $0x1, s1  }
0x8c: {  	s17 =	sshll.u32 s0, $0xA;
	s2 =	sadd.s32 s3, s2  }
0x8d: {  	s2 =	sadd.s32 s2, s17  }
0x8e: {  	[smem:$0x3FBE] =	sst s2  }
0x8f: {  	_ = 	snop  }
0x90: {  	s2 =	sld [smem:$0x3FC0]  }
0x91: {  	s18 =	sld [smem:$0x3FD0];
	(tm) =	ssettm $0x1  }
0x92: {  	s4 =	sld [smem:$0x3FFB];
	_ =	sdelay $0x3  }
0x93: {  	_ =	strace s4  }
0x94: {  	s4 =	sld [smem:$0x3FFC];
	_ =	sdelay $0x3  }
0x95: {  	_ =	strace s4  }
0x96: {  	s4 =	sld [smem:$0x3FFD];
	_ =	sdelay $0x3  }
0x97: {  	_ =	strace s4  }
0x98: {  	_ =	strace $0x8FFFFFFF  }
0x99: {  	s19 =	sld [smem:$0x3FDB];
	_ =	sdelay $0x1  }
0x9a: {  	s5 =	simm.s32 $_scs_section_size  }
0x9b: {  	s6 =	simm.s32 $_size__tile_overlayer_lowered;
	s7 =	simm.s32 $_tile_overlayer_lowered  }
0x9c: {  	s22 =	simm.s32 $0x1BFF;
	s21 =	sshll.u32 s7, $0x1;
	s4 =	sadd.s32 s5, s19  }
0x9d: {  	s8 =	simm.s32 $0x0;
	s20 =	sshll.u32 s6, $0x1;
	s6 =	sadd.s32 s21, s4  }
0x9e: {  	[timem:s8], [sflag:s22] =	dma.local [hbm:s6], s20  }
0x9f: {  	_ =	swait.ge [sflag:s22], s20  }
0xa0: {  	s5 =	ssub.s32 $0x0, s20;
	[sflag:s22] =	ssyncset.done $0x0  }
0xa1: {  	[sflag:s22] =	ssyncadd.s32 s5;
	_ =	sdelay $0x1  }
0xa2: {  	s23 =	simm.s32 $0x1B8B  }
0xa3: {  	_ =	swait.ge [sflag:s23], $0x1  }
0xa4: {  	[sflag:s23] =	ssyncset.done $0x0  }
0xa5: {  	s25 =	simm.s32 $0x1B8E;
	s24 =	sld [smem:$0x3FFE];
	[sflag:s23] =	ssyncadd.s32 $0xFFFFFFFF  }
0xa6: {  	s26 =	simm.s32 $execute0_lowered;
	[smem:$0x3FD2] =	sst s25  }
0xa7: {  	s6 =	sshll.u32 s26, $0x1;
	_ =	strace $0x80000046;
	[dreg:$0x1] =	wrdreg $0xFFFFFFFF  }
0xa8: {  	s28 =	simm.s32 $_size_execute0_lowered;
	s4 =	sadd.s32 s4, s6;
	[dreg:$0x0] =	wrdreg $0x0  }
0xa9: {  	s6 =	sshll.u32 s28, $0x1;
	[dreg:$0x2] =	wrdreg s4  }
0xaa: {  	[dreg:$0x3] =	wrdreg s6  }
0xab: {  	[dreg:$0x4] =	wrdreg $0xC0  }
0xac: {  	_ =	task [dreg:s8], $0x5FFFF  }
0xad: {  	[dreg:$0x1] =	wrdreg $0xFFFFFFFF  }
0xae: {  	[dreg:$0x0] =	wrdreg $0x60  }
0xaf: {  	[dreg:$0x2] =	wrdreg s24  }
0xb0: {  	[dreg:$0x3] =	wrdreg s18  }
0xb1: {  	[dreg:$0x4] =	wrdreg s2  }
0xb2: {  	[dreg:$0x5] =	wrdreg $0x0  }
0xb3: {  	[dreg:$0x6] =	wrdreg $0xC4000  }
0xb4: {  	[dreg:$0x7] =	wrdreg $0x9  }
0xb5: {  	_ =	task.clear_ibuf [dreg:s8], $0x8FFFF;
	_ =	strace $0x90000046  }
0xb6: {  	s29 =	simm.s32 $0x9;
	_ =	strace $0x80000048  }
0xb7: {  	_ =	swait.ge [sflag:s29], $0x1  }
0xb8: {  	[sflag:s29] =	ssyncadd.s32 $0xFFFFFFFF  }
0xb9: {  	_ =	strace $0x90000048  }
0xba: {  	_ =	sfence  }
0xbb: {  	s30 =	sld [smem:$0x0];
	_ =	sdelay $0x2  }
0xbc: {  	s31 =	sshll.u32 s1, $0xD;
	s1 =	sshrl.u32 s1, $0x2  }
0xbd: {  	s3 =	sand.u32 $0x4000, s31;
	s1 =	sadd.s32 s1, s30  }
0xbe: {  	s0 =	sor.u32 s3, s0;
	s1 =	sshll.u32 s1, $0x11  }
0xbf: {  	s0 =	sor.u32 s1, s0  }
0xc0: {  	s0 =	sadd.s32 $0x8F2B, s0  }
0xc1: {  	[sflag:s0] =	ssyncadd.remote.s32 $0x1  }
0xc2: {  	_ =	sfence.sel $0xFFFF  }
0xc3: {  	[dreg:$0x0] =	wrdreg $0xFFFFFFFF;
	(pc) =	sbr.abs _section_cstart, $3  }
0xc4: {  	[dreg:$0x1] =	wrdreg $0xFFFFFFFF  }
0xc5: {  	_ =	task.clear_ibuf [dreg:s8], $0x2FFFF;
	_ =	strace $0x9FFFFFFF  }
0xc6: {  	(tm) =	ssettm $0x7FFFFFFF  }
0xc7: {  	_ =	shalt  }
tec
execute0_lowered:
.L_overlay_start_1:
0x0: {  	(tag) =	ssettag $0x1  }
0x1: {  	s0 =	rddreg [dreg:$0x0]  }
0x2: {  	s3 =	rddreg [dreg:$0x3]  }
0x3: {  	s4 =	rddreg [dreg:$0x4];
	s2 =	simm.s32 $0x0  }
0x4: {  	[smem:$0x7FF] =	sst s2;
	s5 =	sadd.s32 $0x141400, s0  }
0x5: {  	s15 =	sadd.s32 $0x3BA00, s0;
	_ =	strace $0x80000047;
	[dreg:$0x6] =	wrdreg s5  }
0x6: {  	s16 =	sadd.s32 $0x3BC00, s0;
	[dreg:$0x7] =	wrdreg s15  }
0x7: {  	s1 =	stileid.u32;
	s17 =	sadd.s32 $0x1A400, s0;
	[dreg:$0x8] =	wrdreg s16  }
0x8: {  	s19 =	srdreg.scid;
	s18 =	sadd.s32 $0x1400, s0;
	[dreg:$0x9] =	wrdreg s17  }
0x9: {  	s14 =	smul.u32 $0xA0, s1;
	s6 =	sadd.s32 $0x33400, s0;
	[dreg:$0xa] =	wrdreg s18  }
0xa: {  	s21 =	smul.u32 $0x31000, s1;
	s7 =	sadd.s32 $0x39600, s0;
	[dreg:$0xb] =	wrdreg s6  }
0xb: {  	s22 =	sadd.s32 $0x3BE00, s0;
	s8 =	smul.u32 $0x18800, s1;
	[dreg:$0xd] =	wrdreg s7  }
0xc: {  	s20 =	sand.u32 $0x1, s19;
	s30 =	smul.u32 $0x5000, s1;
	[dreg:$0xe] =	wrdreg s22  }
0xd: {  	s9 =	sadd.s32 $0x3C000, s0;
	[dreg:$0xc] =	wrdreg s20;
	s18 =	smul.u32 $0x620, s1  }
0xe: {  	p0 =	sne.s32 s1, $0x0;
	[dreg:$0xf] =	wrdreg s9;
	s1 =	smul.u32 $0x1900, s1  }
0xf: {  	[dreg:$0x14] =	wrdreg s30  }
0x10: {  	s2 =	sadd.s32 s14, s0;
	s0 =	sadd.s32 $0x3C002, s0;
	[dreg:$0x16] =	wrdreg s1  }
0x11: {  	s5 =	sshrl.u32 s21, $0x2;
	s2 =	sadd.s32 $0x3B000, s2;
	[dreg:$0x17] =	wrdreg s0  }
0x12: {  	s25 =	sshrl.u32 s8, $0x2;
	s24 =	sadd.s32 s5, s3;
	[dreg:$0x15] =	wrdreg s2  }
0x13: {  	s14 =	sadd.s32 s25, s4;
	s25 =	sadd.s32 $0x1400, s30;
	[dreg:$0x10] =	wrdreg s24  }
0x14: {  	s6 =	ssub.s32 $0x2, s20;
	[smem:$0x7FB] =	sst s25  }
0x15: {  	s23 =	sshrl.u32 s6, $0x1;
	s5 =	sadd.s32 $0xE00, s24;
	[dreg:$0x13] =	wrdreg s14  }
0x16: {  	s6 =	ssub.s32 s6, s23;
	s26 =	sadd.s32 $0x1C00, s24;
	[dreg:$0x11] =	wrdreg s5  }
0x17: {  	s1 =	smax.u32 s6, $0x1;
	[dreg:$0x12] =	wrdreg s26  }
0x18: {  	s2 =	sadd.s32 $0x2A00, s24;
	[dreg:$0x18] =	wrdreg s1  }
0x19: {  	s6 =	sadd.s32 $0x3800, s24;
	[dreg:$0x19] =	wrdreg s2  }
0x1a: {  	s8 =	sadd.s32 $0x4600, s24;
	[dreg:$0x1a] =	wrdreg s6  }
0x1b: {  	s9 =	sadd.s32 $0x5400, s24;
	[dreg:$0x1b] =	wrdreg s8  }
0x1c: {  	s10 =	sadd.s32 $0x6200, s24;
	[dreg:$0x1c] =	wrdreg s9  }
0x1d: {  	s11 =	sadd.s32 $0x7000, s24;
	[dreg:$0x1d] =	wrdreg s10  }
0x1e: {  	s12 =	sadd.s32 $0x7E00, s24;
	[dreg:$0x1e] =	wrdreg s11  }
0x1f: {  	s13 =	sadd.s32 $0x8C00, s24;
	[dreg:$0x1f] =	wrdreg s12  }
0x20: {  	s15 =	sadd.s32 $0x9A00, s24;
	[smem:$0x7F1] =	sst s13  }
0x21: {  	s16 =	sadd.s32 $0xA800, s24;
	[smem:$0x7F2] =	sst s15  }
0x22: {  	s17 =	sadd.s32 $0xB600, s24;
	[smem:$0x7F3] =	sst s16  }
0x23: {  	s19 =	sadd.s32 $0xE00, s14;
	[smem:$0x7F4] =	sst s17  }
0x24: {  	s31 =	simm.s32 $0x1E650;
	s20 =	sadd.s32 $0x1C00, s14;
	[smem:$0x7F5] =	sst s19  }
0x25: {  	s29 =	simm.s32 $0x5;
	s21 =	sadd.s32 $0x2A00, s14;
	[smem:$0x7F6] =	sst s20  }
0x26: {  	s7 =	simm.s32 $0x0;
	s22 =	sadd.s32 $0x3800, s14;
	[smem:$0x7F7] =	sst s21  }
0x27: {  	s28 =	sadd.s32 $0x2A0, s18;
	s23 =	sadd.s32 $0x4600, s14;
	[smem:$0x7F8] =	sst s22  }
0x28: {  	s0 =	simm.s32 $0x1A800;
	s24 =	sadd.s32 $0x5400, s14;
	[smem:$0x7F9] =	sst s23  }
0x29: {  	s25 =	simm.s32 $0x1D040;
	[smem:$0x7FA] =	sst s24;
	s26 =	sadd.s32 $0x2800, s30  }
0x2a: {  	v0 =	vimm.s32 $0x0;
	s30 =	sadd.s32 $0x3C00, s30;
	s21 =	sadd.s32 $0x380, s18;
	s1 =	simm.s32 $0xA  }
.Ltmp0:
0x2b: {  	v1 =	vimm.s32 $0x1;
	v2 =	vimm.s32 $0x2;
	v3 =	vimm.s32 $0x3;
	s5 =	simm.s32 $0x1;
	s12 =	simm.s32 $0x140;
	(pc) =	sbr.rel .LBB2_1-.Ltmp0, $4  }
0x2c: {  	v4 =	vimm.s32 $0x4;
	v5 =	vimm.s32 $0x5;
	v6 =	vimm.s32 $0x6;
	s17 =	simm.s32 $0x2;
	s22 =	simm.s32 $0x3;
	s16 =	simm.s32 $0x4  }
0x2d: {  	v7 =	vimm.s32 $0x7;
	v8 =	vimm.s32 $0x8;
	v9 =	vimm.s32 $0x9;
	s19 =	simm.s32 $0x6;
	s6 =	simm.s32 $0x8;
	s24 =	simm.s32 $0x1B600  }
0x2e: {  	v10 =	vimm.s32 $0xA;
	v11 =	vimm.s32 $0xB;
	v12 =	vimm.s32 $0xC;
	s11 =	simm.s32 $0xE0;
	s23 =	simm.s32 $0x9;
	[smem:$0x7FC] =	sst s26  }
0x2f: {  	v13 =	vimm.s32 $0xD;
	v14 =	vimm.s32 $0xE;
	v15 =	vimm.s32 $0xF;
	s9 =	simm.s32 $0x1C240;
	[smem:$0x7FD] =	sst s30;
	s26 =	simm.s32 $0x7  }
.LBB2_18:
0x30: {  	s7 =	sld [smem:$0x7F0];
	_ =	sdelay $0x2  }
0x31: {  	s2 =	rddreg [dreg:$0x18];
	s7 =	sadd.s32 $0x1, s7  }
0x32: {  	p1 =	sne.s32 s7, s2  }
.Ltmp1:
0x33: {  	_ = 	snop;
	(pc) =	sbr.rel @!p1 .LBB2_19-.Ltmp1, $1  }
0x34: {  	_ =	sdelay $0x3  }
.LBB2_1:
0x35: {  	[smem:$0x7F0] =	sst s7  }
0x36: {  	s7 =	simm.s32 $0x0;
	s2 =	rddreg [dreg:$0x7];
	s8 =	simm.s32 $0x1E640  }
0x37: {  	[tilespmem:s8], [sflag:$0xB] =	stream.linear.gather [hbm4b:s2+s7], $0x10, $0x38;
	[tilespmem:$0x1E7F0] =	vst v63  }
0x38: {  	s8 =	simm.s32 $0xB  }
0x39: {  	_ =	swait.ge [sflag:s8], $0x10  }
0x3a: {  	[sflag:s8] =	ssyncset.done $0x0  }
0x3b: {  	[sflag:s8] =	ssyncadd.s32 $0xFFFFFFF0  }
0x3c: {  	s10 =	rddreg [dreg:$0x1]  }
0x3d: {  	[tilespmem:s31], [sflag:$0xB] =	stream.linear.gather [hbm4b:s10+s7], $0x100, $0x38;
	[tilespmem:$0x1E7F0] =	vst v63  }
0x3e: {  	_ =	swait.ge [sflag:s8], $0x100  }
0x3f: {  	[sflag:s8] =	ssyncset.done $0x0  }
0x40: {  	s10 =	simm.s32 $0x1E750;
	s13 =	rddreg [dreg:$0x8];
	[sflag:s8] =	ssyncadd.s32 $0xFFFFFF00  }
0x41: {  	[tilespmem:s10], [sflag:$0xB] =	stream.linear.gather [hbm4b:s13+s7], $0x10, $0x38;
	[tilespmem:$0x1E7F0] =	vst v63  }
0x42: {  	_ =	swait.ge [sflag:s8], $0x10  }
0x43: {  	[sflag:s8] =	ssyncset.done $0x0  }
0x44: {  	[sflag:s8] =	ssyncadd.s32 $0xFFFFFFF0  }
0x45: {  	s20 =	simm.s32 $0x1E760;
	s15 =	rddreg [dreg:$0x2]  }
0x46: {  	[tilespmem:s20], [sflag:$0xB] =	stream.linear.gather [hbm4b:s15+s7], $0x80, $0x38;
	[tilespmem:$0x1E7F0] =	vst v63  }
0x47: {  	_ =	swait.ge [sflag:s8], $0x80  }
0x48: {  	[sflag:s8] =	ssyncset.done $0x0  }
.Ltmp2:
0x49: {  	s30 =	rddreg [dreg:$0xe];
	[sflag:s8] =	ssyncadd.s32 $0xFFFFFF80;
	(pc) =	sbr.rel .LBB2_2-.Ltmp2, $4  }
0x4a: {  	[tilespmem:s0], [sflag:$0xB] =	stream.linear.gather [hbm4b:s30+s7], $0xE00, $0x38;
	[tilespmem:$0x1E7F0] =	vst v63  }
0x4b: {  	_ =	swait.ge [sflag:s8], $0xE00  }
0x4c: {  	[sflag:s8] =	ssyncset.done $0x0  }
0x4d: {  	p2 =	por $0x1, $0x1;
	s2 =	simm.s32 $0x0;
	[sflag:s8] =	ssyncadd.s32 $0xFFFFF200  }
.LBB2_13:
.Ltmp3:
0x4e: {  	(pc) =	sbr.rel @!p0 .LBB2_14-.Ltmp3, $1  }
0x4f: {  	_ =	sdelay $0x3  }
.LBB2_17:
.Ltmp4:
0x50: {  	(pc) =	sbr.rel @!p1 .LBB2_18-.Ltmp4, $3  }
0x51: {  	_ =	sdelay $0x1  }
0x52: {  	[bflag:$0x0] =	sbarrier.arrive $0xFFFF  }
0x53: {  	s2 =	simm.s32 $0x2;
	p2 =	por $0x0, $0x0  }
.LBB2_2:
0x54: {  	s7 =	rddreg [dreg:$0x10]  }
0x55: {  	s20 =	rddreg [dreg:$0x11]  }
0x56: {  	[spmem:s7] =	stream.linear.scatter [tilespmem:s0], [sflag:$0xA], $0xE00, $0x38;
	[tilespmem:$0x1E7F0] =	vst v63  }
0x57: {  	s30 =	rddreg [dreg:$0x12]  }
0x58: {  	[spmem:s20] =	stream.linear.scatter [tilespmem:s0], [sflag:$0xA], $0xE00, $0x38;
	[tilespmem:$0x1E7F0] =	vst v63  }
0x59: {  	s8 =	rddreg [dreg:$0x19]  }
0x5a: {  	[spmem:s30] =	stream.linear.scatter [tilespmem:s0], [sflag:$0xA], $0xE00, $0x38;
	[tilespmem:$0x1E7F0] =	vst v63  }
0x5b: {  	s10 =	rddreg [dreg:$0x1a]  }
0x5c: {  	[spmem:s8] =	stream.linear.scatter [tilespmem:s0], [sflag:$0xA], $0xE00, $0x38;
	[tilespmem:$0x1E7F0] =	vst v63  }
0x5d: {  	s13 =	rddreg [dreg:$0x1b]  }
0x5e: {  	[spmem:s10] =	stream.linear.scatter [tilespmem:s0], [sflag:$0xA], $0xE00, $0x38;
	[tilespmem:$0x1E7F0] =	vst v63  }
0x5f: {  	s15 =	rddreg [dreg:$0x1c]  }
0x60: {  	[spmem:s13] =	stream.linear.scatter [tilespmem:s0], [sflag:$0xA], $0xE00, $0x38;
	[tilespmem:$0x1E7F0] =	vst v63  }
0x61: {  	s20 =	rddreg [dreg:$0x1d]  }
0x62: {  	[spmem:s15] =	stream.linear.scatter [tilespmem:s0], [sflag:$0xA], $0xE00, $0x38;
	[tilespmem:$0x1E7F0] =	vst v63  }
0x63: {  	s30 =	rddreg [dreg:$0x1e]  }
0x64: {  	[spmem:s20] =	stream.linear.scatter [tilespmem:s0], [sflag:$0xA], $0xE00, $0x38;
	[tilespmem:$0x1E7F0] =	vst v63  }
0x65: {  	s8 =	rddreg [dreg:$0x1f]  }
0x66: {  	[spmem:s30] =	stream.linear.scatter [tilespmem:s0], [sflag:$0xA], $0xE00, $0x38;
	[tilespmem:$0x1E7F0] =	vst v63  }
0x67: {  	s10 =	sld [smem:$0x7F1]  }
0x68: {  	[spmem:s8] =	stream.linear.scatter [tilespmem:s0], [sflag:$0xA], $0xE00, $0x38;
	[tilespmem:$0x1E7F0] =	vst v63  }
0x69: {  	s13 =	sld [smem:$0x7F2]  }
0x6a: {  	[spmem:s10] =	stream.linear.scatter [tilespmem:s0], [sflag:$0xA], $0xE00, $0x38;
	[tilespmem:$0x1E7F0] =	vst v63  }
0x6b: {  	s15 =	sld [smem:$0x7F3]  }
0x6c: {  	[spmem:s13] =	stream.linear.scatter [tilespmem:s0], [sflag:$0xA], $0xE00, $0x38;
	[tilespmem:$0x1E7F0] =	vst v63  }
0x6d: {  	s20 =	sld [smem:$0x7F4]  }
0x6e: {  	[spmem:s15] =	stream.linear.scatter [tilespmem:s0], [sflag:$0xA], $0xE00, $0x38;
	[tilespmem:$0x1E7F0] =	vst v63  }
0x6f: {  	_ = 	snop  }
0x70: {  	[spmem:s20] =	stream.linear.scatter [tilespmem:s0], [sflag:$0xA], $0xE00, $0x38;
	[tilespmem:$0x1E7F0] =	vst v63  }
0x71: {  	s30 =	sld [smem:$0x7F5]  }
0x72: {  	[spmem:s14] =	stream.linear.scatter [tilespmem:s0], [sflag:$0xA], $0xE00, $0x38;
	[tilespmem:$0x1E7F0] =	vst v63  }
0x73: {  	s8 =	sld [smem:$0x7F6]  }
0x74: {  	[spmem:s30] =	stream.linear.scatter [tilespmem:s0], [sflag:$0xA], $0xE00, $0x38;
	[tilespmem:$0x1E7F0] =	vst v63  }
0x75: {  	s10 =	sld [smem:$0x7F7]  }
0x76: {  	[spmem:s8] =	stream.linear.scatter [tilespmem:s0], [sflag:$0xA], $0xE00, $0x38;
	[tilespmem:$0x1E7F0] =	vst v63  }
0x77: {  	s13 =	sld [smem:$0x7F8]  }
0x78: {  	[spmem:s10] =	stream.linear.scatter [tilespmem:s0], [sflag:$0xA], $0xE00, $0x38;
	[tilespmem:$0x1E7F0] =	vst v63  }
0x79: {  	s15 =	sld [smem:$0x7F9]  }
0x7a: {  	[spmem:s13] =	stream.linear.scatter [tilespmem:s0], [sflag:$0xA], $0xE00, $0x38;
	[tilespmem:$0x1E7F0] =	vst v63  }
0x7b: {  	s20 =	sld [smem:$0x7FA]  }
0x7c: {  	[spmem:s15] =	stream.linear.scatter [tilespmem:s0], [sflag:$0xA], $0xE00, $0x38;
	[tilespmem:$0x1E7F0] =	vst v63  }
0x7d: {  	_ = 	snop  }
0x7e: {  	[spmem:s20] =	stream.linear.scatter [tilespmem:s0], [sflag:$0xA], $0xE00, $0x38;
	[tilespmem:$0x1E7F0] =	vst v63  }
0x7f: {  	_ =	swait.ge [sflag:s1], $0xE00  }
0x80: {  	[sflag:s1] =	ssyncset.done $0x0  }
0x81: {  	[sflag:s1] =	ssyncadd.s32 $0xFFFFF200  }
0x82: {  	_ =	swait.ge [sflag:s1], $0xE00  }
0x83: {  	[sflag:s1] =	ssyncset.done $0x0  }
0x84: {  	[sflag:s1] =	ssyncadd.s32 $0xFFFFF200  }
0x85: {  	_ =	swait.ge [sflag:s1], $0xE00  }
0x86: {  	[sflag:s1] =	ssyncset.done $0x0  }
0x87: {  	[sflag:s1] =	ssyncadd.s32 $0xFFFFF200  }
0x88: {  	_ =	swait.ge [sflag:s1], $0xE00  }
0x89: {  	[sflag:s1] =	ssyncset.done $0x0  }
0x8a: {  	[sflag:s1] =	ssyncadd.s32 $0xFFFFF200  }
0x8b: {  	_ =	swait.ge [sflag:s1], $0xE00  }
0x8c: {  	[sflag:s1] =	ssyncset.done $0x0  }
0x8d: {  	[sflag:s1] =	ssyncadd.s32 $0xFFFFF200  }
0x8e: {  	_ =	swait.ge [sflag:s1], $0xE00  }
0x8f: {  	[sflag:s1] =	ssyncset.done $0x0  }
0x90: {  	[sflag:s1] =	ssyncadd.s32 $0xFFFFF200  }
0x91: {  	_ =	swait.ge [sflag:s1], $0xE00  }
0x92: {  	[sflag:s1] =	ssyncset.done $0x0  }
0x93: {  	[sflag:s1] =	ssyncadd.s32 $0xFFFFF200  }
0x94: {  	_ =	swait.ge [sflag:s1], $0xE00  }
0x95: {  	[sflag:s1] =	ssyncset.done $0x0  }
0x96: {  	[sflag:s1] =	ssyncadd.s32 $0xFFFFF200  }
0x97: {  	_ =	swait.ge [sflag:s1], $0xE00  }
0x98: {  	[sflag:s1] =	ssyncset.done $0x0  }
0x99: {  	[sflag:s1] =	ssyncadd.s32 $0xFFFFF200  }
0x9a: {  	_ =	swait.ge [sflag:s1], $0xE00  }
0x9b: {  	[sflag:s1] =	ssyncset.done $0x0  }
0x9c: {  	[sflag:s1] =	ssyncadd.s32 $0xFFFFF200  }
0x9d: {  	_ =	swait.ge [sflag:s1], $0xE00  }
0x9e: {  	[sflag:s1] =	ssyncset.done $0x0  }
0x9f: {  	[sflag:s1] =	ssyncadd.s32 $0xFFFFF200  }
0xa0: {  	_ =	swait.ge [sflag:s1], $0xE00  }
0xa1: {  	[sflag:s1] =	ssyncset.done $0x0  }
0xa2: {  	[sflag:s1] =	ssyncadd.s32 $0xFFFFF200  }
0xa3: {  	_ =	swait.ge [sflag:s1], $0xE00  }
0xa4: {  	[sflag:s1] =	ssyncset.done $0x0  }
0xa5: {  	[sflag:s1] =	ssyncadd.s32 $0xFFFFF200  }
0xa6: {  	_ =	swait.ge [sflag:s1], $0xE00  }
0xa7: {  	[sflag:s1] =	ssyncset.done $0x0  }
0xa8: {  	[sflag:s1] =	ssyncadd.s32 $0xFFFFF200  }
0xa9: {  	_ =	swait.ge [sflag:s1], $0xE00  }
0xaa: {  	[sflag:s1] =	ssyncset.done $0x0  }
0xab: {  	[sflag:s1] =	ssyncadd.s32 $0xFFFFF200  }
0xac: {  	_ =	swait.ge [sflag:s1], $0xE00  }
0xad: {  	[sflag:s1] =	ssyncset.done $0x0  }
0xae: {  	[sflag:s1] =	ssyncadd.s32 $0xFFFFF200  }
0xaf: {  	_ =	swait.ge [sflag:s1], $0xE00  }
0xb0: {  	[sflag:s1] =	ssyncset.done $0x0  }
0xb1: {  	[sflag:s1] =	ssyncadd.s32 $0xFFFFF200  }
0xb2: {  	_ =	swait.ge [sflag:s1], $0xE00  }
0xb3: {  	[sflag:s1] =	ssyncset.done $0x0  }
0xb4: {  	[sflag:s1] =	ssyncadd.s32 $0xFFFFF200  }
0xb5: {  	_ =	swait.ge [sflag:s1], $0xE00  }
0xb6: {  	[sflag:s1] =	ssyncset.done $0x0  }
0xb7: {  	[sflag:s1] =	ssyncadd.s32 $0xFFFFF200  }
0xb8: {  	_ =	swait.ge [sflag:s1], $0xE00  }
0xb9: {  	[sflag:s1] =	ssyncset.done $0x0  }
0xba: {  	[sflag:s1] =	ssyncadd.s32 $0xFFFFF200  }
0xbb: {  	_ =	swait.ge [sflag:s1], $0xE00  }
0xbc: {  	[sflag:s1] =	ssyncset.done $0x0  }
0xbd: {  	[sflag:s1] =	ssyncadd.s32 $0xFFFFF200  }
0xbe: {  	s10 =	simm.s32 $0x12600;
	s30 =	rddreg [dreg:$0xc];
	[bflag:$0x0] =	sbarrier.arrive $0xFFFF  }
0xbf: {  	s2 =	sor.u32 s30, s2;
	s30 =	simm.s32 $0x0;
	s8 =	rddreg [dreg:$0x15]  }
0xc0: {  	[tilespmem:s10], [sflag:$0xB] =	stream.linear.gather [hbm4b:s8+s30], $0x500, $0x38;
	[tilespmem:$0x1E7F0] =	vst v63  }
0xc1: {  	[smem:$0x7EF] =	sst s2;
	s8 =	simm.s32 $0xB  }
0xc2: {  	s2 =	smul.u32 $0x50000, s2;
	_ =	swait.ge [sflag:s8], $0x500  }
0xc3: {  	s13 =	rddreg [dreg:$0x14]  }
0xc4: {  	[sflag:s8] =	ssyncset.done $0x0;
	s15 =	sld [smem:$0x7FB];
	s7 =	sadd.s32 s13, s2  }
0xc5: {  	[sflag:s8] =	ssyncadd.s32 $0xFFFFFB00;
	s8 =	rddreg [dreg:$0x6];
	s7 =	sshrl.u32 s7, $0x3  }
0xc6: {  	s13 =	simm.s32 $0x15800;
	s7 =	sadd.s32 s8, s7  }
0xc7: {  	[tilespmem:s13], [sflag:$0x1] =	stream.linear.gather [hbm4b:s7+s30], $0x1400, $0x38;
	[tilespmem:$0x1E7F0] =	vst v63  }
0xc8: {  	s7 =	sadd.s32 s15, s2  }
0xc9: {  	s20 =	sld [smem:$0x7FC];
	s7 =	sshrl.u32 s7, $0x3  }
0xca: {  	s15 =	simm.s32 $0x16C00;
	s7 =	sadd.s32 s8, s7  }
0xcb: {  	[tilespmem:s15], [sflag:$0x2] =	stream.linear.gather [hbm4b:s7+s30], $0x1400, $0x38;
	[tilespmem:$0x1E7F0] =	vst v63  }
0xcc: {  	s7 =	sadd.s32 s20, s2  }
0xcd: {  	s7 =	sshrl.u32 s7, $0x3  }
0xce: {  	s20 =	simm.s32 $0x18000;
	s7 =	sadd.s32 s8, s7  }
0xcf: {  	[tilespmem:s20], [sflag:$0x3] =	stream.linear.gather [hbm4b:s7+s30], $0x1400, $0x38;
	[tilespmem:$0x1E7F0] =	vst v63  }
0xd0: {  	s7 =	sld [smem:$0x7FD];
	_ =	sdelay $0x2  }
0xd1: {  	s2 =	sadd.s32 s7, s2  }
0xd2: {  	s2 =	sshrl.u32 s2, $0x3  }
0xd3: {  	s2 =	sadd.s32 s8, s2;
	s8 =	simm.s32 $0x19400  }
0xd4: {  	[tilespmem:s8], [sflag:$0x4] =	stream.linear.gather [hbm4b:s2+s30], $0x1400, $0x38;
	[tilespmem:$0x1E7F0] =	vst v63  }
0xd5: {  	_ =	swait.ge [sflag:s5], $0x1400  }
0xd6: {  	[sflag:s5] =	ssyncset.done $0x0  }
0xd7: {  	[sflag:s5] =	ssyncadd.s32 $0xFFFFEC00  }
0xd8: {  	[spmem:s3] =	stream.indirect.scatter [tilespmem:s13], [sflag:$0x5], $0x10, s10, s12, $0xb8;
	[tilespmem:$0x1E7F0] =	vst v63  }
0xd9: {  	_ =	swait.ge [sflag:s17], $0x1400  }
0xda: {  	[sflag:s17] =	ssyncset.done $0x0  }
0xdb: {  	s13 =	simm.s32 $0x12740;
	[sflag:s17] =	ssyncadd.s32 $0xFFFFEC00  }
0xdc: {  	[spmem:s3] =	stream.indirect.scatter [tilespmem:s15], [sflag:$0x6], $0x10, s13, s12, $0xb8;
	[tilespmem:$0x1E7F0] =	vst v63  }
0xdd: {  	_ =	swait.ge [sflag:s22], $0x1400  }
0xde: {  	[sflag:s22] =	ssyncset.done $0x0  }
0xdf: {  	s15 =	simm.s32 $0x12880;
	[sflag:s22] =	ssyncadd.s32 $0xFFFFEC00  }
0xe0: {  	[spmem:s3] =	stream.indirect.scatter [tilespmem:s20], [sflag:$0x7], $0x10, s15, s12, $0xb8;
	[tilespmem:$0x1E7F0] =	vst v63  }
0xe1: {  	_ =	swait.ge [sflag:s16], $0x1400  }
0xe2: {  	[sflag:s16] =	ssyncset.done $0x0  }
0xe3: {  	s30 =	simm.s32 $0x129C0;
	[sflag:s16] =	ssyncadd.s32 $0xFFFFEC00  }
0xe4: {  	[spmem:s3] =	stream.indirect.scatter [tilespmem:s8], [sflag:$0x8], $0x10, s30, s12, $0xb8;
	[tilespmem:$0x1E7F0] =	vst v63  }
0xe5: {  	_ =	swait.ge [sflag:s29], $0x1400  }
0xe6: {  	[sflag:s29] =	ssyncset.done $0x0  }
0xe7: {  	[sflag:s29] =	ssyncadd.s32 $0xFFFFEC00  }
0xe8: {  	_ =	swait.ge [sflag:s19], $0x1400  }
0xe9: {  	[sflag:s19] =	ssyncset.done $0x0  }
0xea: {  	[sflag:s19] =	ssyncadd.s32 $0xFFFFEC00  }
0xeb: {  	_ =	swait.ge [sflag:s26], $0x1400  }
0xec: {  	[sflag:s26] =	ssyncset.done $0x0  }
0xed: {  	[sflag:s26] =	ssyncadd.s32 $0xFFFFEC00  }
.Ltmp5:
0xee: {  	_ =	swait.ge [sflag:s6], $0x1400;
	(pc) =	sbr.rel .LBB2_3-.Ltmp5, $4  }
0xef: {  	[sflag:s6] =	ssyncset.done $0x0  }
0xf0: {  	[sflag:s6] =	ssyncadd.s32 $0xFFFFEC00  }
0xf1: {  	[bflag:$0x0] =	sbarrier.arrive $0xFFFF  }
0xf2: {  	p1 =	por p2, p2;
	s2 =	simm.s32 $0x0  }
.LBB2_12:
0xf3: {  	_ =	swait.ge [sflag:s19], $0xE00  }
0xf4: {  	[sflag:s19] =	ssyncset.done $0x0  }
0xf5: {  	[sflag:s19] =	ssyncadd.s32 $0xFFFFF200  }
0xf6: {  	_ =	swait.ge [sflag:s1], $0xE00  }
0xf7: {  	[sflag:s1] =	ssyncset.done $0x0  }
0xf8: {  	[sflag:s1] =	ssyncadd.s32 $0xFFFFF200  }
0xf9: {  	_ =	swait.ge [sflag:s1], $0xE00  }
0xfa: {  	[sflag:s1] =	ssyncset.done $0x0  }
0xfb: {  	[sflag:s1] =	ssyncadd.s32 $0xFFFFF200  }
0xfc: {  	_ =	swait.ge [sflag:s1], $0xE00  }
0xfd: {  	[sflag:s1] =	ssyncset.done $0x0  }
0xfe: {  	[sflag:s1] =	ssyncadd.s32 $0xFFFFF200  }
0xff: {  	_ =	swait.ge [sflag:s1], $0xE00  }
0x100: {  	[sflag:s1] =	ssyncset.done $0x0  }
0x101: {  	[sflag:s1] =	ssyncadd.s32 $0xFFFFF200  }
0x102: {  	_ =	swait.ge [sflag:s1], $0xE00  }
0x103: {  	[sflag:s1] =	ssyncset.done $0x0  }
0x104: {  	[sflag:s1] =	ssyncadd.s32 $0xFFFFF200  }
0x105: {  	_ =	swait.ge [sflag:s1], $0xE00  }
0x106: {  	s2 =	sadd.s32 $0x1, s2;
	[sflag:s1] =	ssyncset.done $0x0  }
0x107: {  	p2 =	sne.s32 s2, $0x8;
	[sflag:s1] =	ssyncadd.s32 $0xFFFFF200  }
.Ltmp6:
0x108: {  	_ =	swait.ge [sflag:s1], $0xE00;
	(pc) =	sbr.rel @!p2 .LBB2_13-.Ltmp6, $4  }
0x109: {  	[sflag:s1] =	ssyncset.done $0x0  }
0x10a: {  	[sflag:s1] =	ssyncadd.s32 $0xFFFFF200  }
0x10b: {  	[bflag:$0x0] =	sbarrier.arrive $0xFFFF  }
0x10c: {  	s24 =	simm.s32 $0x1B600;
	s14 =	rddreg [dreg:$0x13]  }
.LBB2_3:
0x10d: {  	s7 =	smul.u32 $0x19000, s2  }
0x10e: {  	s8 =	rddreg [dreg:$0x16]  }
0x10f: {  	s7 =	sadd.s32 s8, s7  }
0x110: {  	s15 =	rddreg [dreg:$0x9];
	s13 =	simm.s32 $0x12600;
	s7 =	sshrl.u32 s7, $0x3  }
0x111: {  	s10 =	simm.s32 $0xB;
	s8 =	sadd.s32 s15, s7;
	s15 =	simm.s32 $0x0  }
0x112: {  	[tilespmem:s13], [sflag:$0xB] =	stream.linear.gather [hbm4b:s8+s15], $0x1900, $0x38;
	[tilespmem:$0x1E7F0] =	vst v63  }
0x113: {  	_ =	swait.ge [sflag:s10], $0x1900  }
0x114: {  	s30 =	smul.u32 $0x6200, s2;
	[sflag:s10] =	ssyncset.done $0x0;
	s20 =	rddreg [dreg:$0xa]  }
0x115: {  	[sflag:s10] =	ssyncadd.s32 $0xFFFFE700;
	s7 =	sadd.s32 s20, s7;
	s20 =	simm.s32 $0x13F00  }
0x116: {  	[tilespmem:s20], [sflag:$0xB] =	stream.linear.gather [hbm4b:s7+s15], $0x1900, $0x38;
	[tilespmem:$0x1E7F0] =	vst v63  }
0x117: {  	s8 =	sadd.s32 s18, s30;
	_ =	swait.ge [sflag:s10], $0x1900  }
0x118: {  	s7 =	sshrl.u32 s8, $0x3;
	[sflag:s10] =	ssyncset.done $0x0;
	s30 =	rddreg [dreg:$0xb]  }
0x119: {  	[sflag:s10] =	ssyncadd.s32 $0xFFFFE700;
	s7 =	sadd.s32 s30, s7  }
0x11a: {  	[tilespmem:s24], [sflag:$0xB] =	stream.linear.gather [hbm4b:s7+s15], $0x620, $0x38;
	[tilespmem:$0x1E7F0] =	vst v63  }
0x11b: {  	_ =	swait.ge [sflag:s10], $0x620  }
0x11c: {  	[sflag:s10] =	ssyncset.done $0x0  }
0x11d: {  	s7 =	rddreg [dreg:$0xd];
	[sflag:s10] =	ssyncadd.s32 $0xFFFFF9E0;
	s10 =	simm.s32 $0x1BC20  }
0x11e: {  	[tilespmem:s10], [sflag:$0x9] =	stream.indirect.gather [hbm4b:s7+s11], $0x1, s24, s11, $0xb8;
	[tilespmem:$0x1E7F0] =	vst v63  }
0x11f: {  	s30 =	simm.s32 $0x1BD00;
	s15 =	simm.s32 $0x1B6E0  }
0x120: {  	[tilespmem:s30], [sflag:$0x9] =	stream.indirect.gather [hbm4b:s7+s11], $0x1, s15, s11, $0xb8;
	[tilespmem:$0x1E7F0] =	vst v63  }
0x121: {  	s15 =	simm.s32 $0x1B7C0;
	s30 =	simm.s32 $0x1BDE0  }
0x122: {  	[tilespmem:s30], [sflag:$0x9] =	stream.indirect.gather [hbm4b:s7+s11], $0x1, s15, s11, $0xb8;
	[tilespmem:$0x1E7F0] =	vst v63  }
0x123: {  	s15 =	simm.s32 $0x1B8A0;
	s30 =	simm.s32 $0x1BEC0  }
0x124: {  	[tilespmem:s30], [sflag:$0x9] =	stream.indirect.gather [hbm4b:s7+s11], $0x1, s15, s11, $0xb8;
	[tilespmem:$0x1E7F0] =	vst v63  }
0x125: {  	s15 =	simm.s32 $0x1B980;
	s30 =	simm.s32 $0x1BFA0  }
0x126: {  	[tilespmem:s30], [sflag:$0x9] =	stream.indirect.gather [hbm4b:s7+s11], $0x1, s15, s11, $0xb8;
	[tilespmem:$0x1E7F0] =	vst v63  }
0x127: {  	s15 =	simm.s32 $0x1BA60;
	s30 =	simm.s32 $0x1C080  }
0x128: {  	[tilespmem:s30], [sflag:$0x9] =	stream.indirect.gather [hbm4b:s7+s11], $0x1, s15, s11, $0xb8;
	[tilespmem:$0x1E7F0] =	vst v63  }
0x129: {  	s15 =	simm.s32 $0x1BB40;
	s30 =	simm.s32 $0x1C160  }
0x12a: {  	[tilespmem:s30], [sflag:$0x9] =	stream.indirect.gather [hbm4b:s7+s11], $0x1, s15, s11, $0xb8;
	[tilespmem:$0x1E7F0] =	vst v63  }
0x12b: {  	s7 =	simm.s32 $0x15800  }
0x12c: {  	[tilespmem:s7], [sflag:$0x1] =	stream.indirect.gather [spmem:s3], $0x10, s13, s12, $0xb8;
	[tilespmem:$0x1E7F0] =	vst v63  }
0x12d: {  	s8 =	simm.s32 $0x16C00;
	s13 =	simm.s32 $0x12740  }
0x12e: {  	[tilespmem:s8], [sflag:$0x2] =	stream.indirect.gather [spmem:s3], $0x10, s13, s12, $0xb8;
	[tilespmem:$0x1E7F0] =	vst v63  }
0x12f: {  	s10 =	simm.s32 $0x18000;
	s15 =	simm.s32 $0x12880  }
0x130: {  	[tilespmem:s10], [sflag:$0x3] =	stream.indirect.gather [spmem:s3], $0x10, s15, s12, $0xb8;
	[tilespmem:$0x1E7F0] =	vst v63  }
0x131: {  	s30 =	simm.s32 $0x129C0;
	s13 =	simm.s32 $0x19400  }
0x132: {  	[tilespmem:s13], [sflag:$0x4] =	stream.indirect.gather [spmem:s3], $0x10, s30, s12, $0xb8;
	[tilespmem:$0x1E7F0] =	vst v63  }
0x133: {  	_ =	swait.ge [sflag:s5], $0x1400  }
0x134: {  	[sflag:s5] =	ssyncset.done $0x0  }
0x135: {  	[sflag:s5] =	ssyncadd.s32 $0xFFFFEC00  }
0x136: {  	[spmem:s4] =	stream.indirect.scatter.add.f32 [tilespmem:s7], [sflag:$0x5], $0x10, s20, s12, $0xb8;
	[tilespmem:$0x1E7F0] =	vst v63  }
0x137: {  	_ =	swait.ge [sflag:s17], $0x1400  }
0x138: {  	[sflag:s17] =	ssyncset.done $0x0  }
0x139: {  	s30 =	simm.s32 $0x14040;
	[sflag:s17] =	ssyncadd.s32 $0xFFFFEC00  }
0x13a: {  	[spmem:s4] =	stream.indirect.scatter.add.f32 [tilespmem:s8], [sflag:$0x6], $0x10, s30, s12, $0xb8;
	[tilespmem:$0x1E7F0] =	vst v63  }
0x13b: {  	_ =	swait.ge [sflag:s22], $0x1400  }
0x13c: {  	[sflag:s22] =	ssyncset.done $0x0  }
0x13d: {  	s20 =	simm.s32 $0x14180;
	[sflag:s22] =	ssyncadd.s32 $0xFFFFEC00  }
0x13e: {  	[spmem:s4] =	stream.indirect.scatter.add.f32 [tilespmem:s10], [sflag:$0x7], $0x10, s20, s12, $0xb8;
	[tilespmem:$0x1E7F0] =	vst v63  }
0x13f: {  	_ =	swait.ge [sflag:s16], $0x1400  }
0x140: {  	[sflag:s16] =	ssyncset.done $0x0  }
0x141: {  	s30 =	simm.s32 $0x142C0;
	[sflag:s16] =	ssyncadd.s32 $0xFFFFEC00  }
0x142: {  	[spmem:s4] =	stream.indirect.scatter.add.f32 [tilespmem:s13], [sflag:$0x8], $0x10, s30, s12, $0xb8;
	[tilespmem:$0x1E7F0] =	vst v63  }
0x143: {  	_ =	swait.ge [sflag:s29], $0x1400  }
0x144: {  	[sflag:s29] =	ssyncset.done $0x0  }
0x145: {  	s20 =	simm.s32 $0x12B00;
	[sflag:s29] =	ssyncadd.s32 $0xFFFFEC00  }
0x146: {  	[tilespmem:s7], [sflag:$0x1] =	stream.indirect.gather [spmem:s3], $0x10, s20, s12, $0xb8;
	[tilespmem:$0x1E7F0] =	vst v63  }
0x147: {  	_ =	swait.ge [sflag:s19], $0x1400  }
0x148: {  	[sflag:s19] =	ssyncset.done $0x0  }
0x149: {  	s30 =	simm.s32 $0x12C40;
	[sflag:s19] =	ssyncadd.s32 $0xFFFFEC00  }
0x14a: {  	[tilespmem:s8], [sflag:$0x2] =	stream.indirect.gather [spmem:s3], $0x10, s30, s12, $0xb8;
	[tilespmem:$0x1E7F0] =	vst v63  }
0x14b: {  	_ =	swait.ge [sflag:s26], $0x1400  }
0x14c: {  	[sflag:s26] =	ssyncset.done $0x0  }
0x14d: {  	s20 =	simm.s32 $0x12D80;
	[sflag:s26] =	ssyncadd.s32 $0xFFFFEC00  }
0x14e: {  	[tilespmem:s10], [sflag:$0x3] =	stream.indirect.gather [spmem:s3], $0x10, s20, s12, $0xb8;
	[tilespmem:$0x1E7F0] =	vst v63  }
0x14f: {  	_ =	swait.ge [sflag:s6], $0x1400  }
0x150: {  	[sflag:s6] =	ssyncset.done $0x0  }
0x151: {  	s30 =	simm.s32 $0x12EC0;
	[sflag:s6] =	ssyncadd.s32 $0xFFFFEC00  }
0x152: {  	[tilespmem:s13], [sflag:$0x4] =	stream.indirect.gather [spmem:s3], $0x10, s30, s12, $0xb8;
	[tilespmem:$0x1E7F0] =	vst v63  }
0x153: {  	_ =	swait.ge [sflag:s5], $0x1400  }
0x154: {  	[sflag:s5] =	ssyncset.done $0x0  }
0x155: {  	s20 =	simm.s32 $0x14400;
	[sflag:s5] =	ssyncadd.s32 $0xFFFFEC00  }
0x156: {  	[spmem:s4] =	stream.indirect.scatter.add.f32 [tilespmem:s7], [sflag:$0x5], $0x10, s20, s12, $0xb8;
	[tilespmem:$0x1E7F0] =	vst v63  }
0x157: {  	_ =	swait.ge [sflag:s17], $0x1400  }
0x158: {  	[sflag:s17] =	ssyncset.done $0x0  }
0x159: {  	s30 =	simm.s32 $0x14540;
	[sflag:s17] =	ssyncadd.s32 $0xFFFFEC00  }
0x15a: {  	[spmem:s4] =	stream.indirect.scatter.add.f32 [tilespmem:s8], [sflag:$0x6], $0x10, s30, s12, $0xb8;
	[tilespmem:$0x1E7F0] =	vst v63  }
0x15b: {  	_ =	swait.ge [sflag:s22], $0x1400  }
0x15c: {  	[sflag:s22] =	ssyncset.done $0x0  }
0x15d: {  	s20 =	simm.s32 $0x14680;
	[sflag:s22] =	ssyncadd.s32 $0xFFFFEC00  }
0x15e: {  	[spmem:s4] =	stream.indirect.scatter.add.f32 [tilespmem:s10], [sflag:$0x7], $0x10, s20, s12, $0xb8;
	[tilespmem:$0x1E7F0] =	vst v63  }
0x15f: {  	_ =	swait.ge [sflag:s16], $0x1400  }
0x160: {  	[sflag:s16] =	ssyncset.done $0x0  }
0x161: {  	s30 =	simm.s32 $0x147C0;
	[sflag:s16] =	ssyncadd.s32 $0xFFFFEC00  }
0x162: {  	[spmem:s4] =	stream.indirect.scatter.add.f32 [tilespmem:s13], [sflag:$0x8], $0x10, s30, s12, $0xb8;
	[tilespmem:$0x1E7F0] =	vst v63  }
0x163: {  	_ =	swait.ge [sflag:s29], $0x1400  }
0x164: {  	[sflag:s29] =	ssyncset.done $0x0  }
0x165: {  	s20 =	simm.s32 $0x13000;
	[sflag:s29] =	ssyncadd.s32 $0xFFFFEC00  }
0x166: {  	[tilespmem:s7], [sflag:$0x1] =	stream.indirect.gather [spmem:s3], $0x10, s20, s12, $0xb8;
	[tilespmem:$0x1E7F0] =	vst v63  }
0x167: {  	_ =	swait.ge [sflag:s19], $0x1400  }
0x168: {  	[sflag:s19] =	ssyncset.done $0x0  }
0x169: {  	s30 =	simm.s32 $0x13140;
	[sflag:s19] =	ssyncadd.s32 $0xFFFFEC00  }
0x16a: {  	[tilespmem:s8], [sflag:$0x2] =	stream.indirect.gather [spmem:s3], $0x10, s30, s12, $0xb8;
	[tilespmem:$0x1E7F0] =	vst v63  }
0x16b: {  	_ =	swait.ge [sflag:s26], $0x1400  }
0x16c: {  	[sflag:s26] =	ssyncset.done $0x0  }
0x16d: {  	s20 =	simm.s32 $0x13280;
	[sflag:s26] =	ssyncadd.s32 $0xFFFFEC00  }
0x16e: {  	[tilespmem:s10], [sflag:$0x3] =	stream.indirect.gather [spmem:s3], $0x10, s20, s12, $0xb8;
	[tilespmem:$0x1E7F0] =	vst v63  }
0x16f: {  	_ =	swait.ge [sflag:s6], $0x1400  }
0x170: {  	[sflag:s6] =	ssyncset.done $0x0  }
0x171: {  	s30 =	simm.s32 $0x133C0;
	[sflag:s6] =	ssyncadd.s32 $0xFFFFEC00  }
0x172: {  	[tilespmem:s13], [sflag:$0x4] =	stream.indirect.gather [spmem:s3], $0x10, s30, s12, $0xb8;
	[tilespmem:$0x1E7F0] =	vst v63  }
0x173: {  	_ =	swait.ge [sflag:s5], $0x1400  }
0x174: {  	[sflag:s5] =	ssyncset.done $0x0  }
0x175: {  	s20 =	simm.s32 $0x14900;
	[sflag:s5] =	ssyncadd.s32 $0xFFFFEC00  }
0x176: {  	[spmem:s4] =	stream.indirect.scatter.add.f32 [tilespmem:s7], [sflag:$0x5], $0x10, s20, s12, $0xb8;
	[tilespmem:$0x1E7F0] =	vst v63  }
0x177: {  	_ =	swait.ge [sflag:s17], $0x1400  }
0x178: {  	[sflag:s17] =	ssyncset.done $0x0  }
0x179: {  	s30 =	simm.s32 $0x14A40;
	[sflag:s17] =	ssyncadd.s32 $0xFFFFEC00  }
0x17a: {  	[spmem:s4] =	stream.indirect.scatter.add.f32 [tilespmem:s8], [sflag:$0x6], $0x10, s30, s12, $0xb8;
	[tilespmem:$0x1E7F0] =	vst v63  }
0x17b: {  	_ =	swait.ge [sflag:s22], $0x1400  }
0x17c: {  	[sflag:s22] =	ssyncset.done $0x0  }
0x17d: {  	s20 =	simm.s32 $0x14B80;
	[sflag:s22] =	ssyncadd.s32 $0xFFFFEC00  }
0x17e: {  	[spmem:s4] =	stream.indirect.scatter.add.f32 [tilespmem:s10], [sflag:$0x7], $0x10, s20, s12, $0xb8;
	[tilespmem:$0x1E7F0] =	vst v63  }
0x17f: {  	_ =	swait.ge [sflag:s16], $0x1400  }
0x180: {  	[sflag:s16] =	ssyncset.done $0x0  }
0x181: {  	s30 =	simm.s32 $0x14CC0;
	[sflag:s16] =	ssyncadd.s32 $0xFFFFEC00  }
0x182: {  	[spmem:s4] =	stream.indirect.scatter.add.f32 [tilespmem:s13], [sflag:$0x8], $0x10, s30, s12, $0xb8;
	[tilespmem:$0x1E7F0] =	vst v63  }
0x183: {  	_ =	swait.ge [sflag:s29], $0x1400  }
0x184: {  	[sflag:s29] =	ssyncset.done $0x0  }
0x185: {  	s20 =	simm.s32 $0x13500;
	[sflag:s29] =	ssyncadd.s32 $0xFFFFEC00  }
0x186: {  	[tilespmem:s7], [sflag:$0x1] =	stream.indirect.gather [spmem:s3], $0x10, s20, s12, $0xb8;
	[tilespmem:$0x1E7F0] =	vst v63  }
0x187: {  	_ =	swait.ge [sflag:s19], $0x1400  }
0x188: {  	[sflag:s19] =	ssyncset.done $0x0  }
0x189: {  	s30 =	simm.s32 $0x13640;
	[sflag:s19] =	ssyncadd.s32 $0xFFFFEC00  }
0x18a: {  	[tilespmem:s8], [sflag:$0x2] =	stream.indirect.gather [spmem:s3], $0x10, s30, s12, $0xb8;
	[tilespmem:$0x1E7F0] =	vst v63  }
0x18b: {  	_ =	swait.ge [sflag:s26], $0x1400  }
0x18c: {  	[sflag:s26] =	ssyncset.done $0x0  }
0x18d: {  	s20 =	simm.s32 $0x13780;
	[sflag:s26] =	ssyncadd.s32 $0xFFFFEC00  }
0x18e: {  	[tilespmem:s10], [sflag:$0x3] =	stream.indirect.gather [spmem:s3], $0x10, s20, s12, $0xb8;
	[tilespmem:$0x1E7F0] =	vst v63  }
0x18f: {  	_ =	swait.ge [sflag:s6], $0x1400  }
0x190: {  	[sflag:s6] =	ssyncset.done $0x0  }
0x191: {  	s30 =	simm.s32 $0x138C0;
	[sflag:s6] =	ssyncadd.s32 $0xFFFFEC00  }
0x192: {  	[tilespmem:s13], [sflag:$0x4] =	stream.indirect.gather [spmem:s3], $0x10, s30, s12, $0xb8;
	[tilespmem:$0x1E7F0] =	vst v63  }
0x193: {  	_ =	swait.ge [sflag:s5], $0x1400  }
0x194: {  	[sflag:s5] =	ssyncset.done $0x0  }
0x195: {  	s20 =	simm.s32 $0x14E00;
	[sflag:s5] =	ssyncadd.s32 $0xFFFFEC00  }
0x196: {  	[spmem:s4] =	stream.indirect.scatter.add.f32 [tilespmem:s7], [sflag:$0x5], $0x10, s20, s12, $0xb8;
	[tilespmem:$0x1E7F0] =	vst v63  }
0x197: {  	_ =	swait.ge [sflag:s17], $0x1400  }
0x198: {  	[sflag:s17] =	ssyncset.done $0x0  }
0x199: {  	s30 =	simm.s32 $0x14F40;
	[sflag:s17] =	ssyncadd.s32 $0xFFFFEC00  }
0x19a: {  	[spmem:s4] =	stream.indirect.scatter.add.f32 [tilespmem:s8], [sflag:$0x6], $0x10, s30, s12, $0xb8;
	[tilespmem:$0x1E7F0] =	vst v63  }
0x19b: {  	_ =	swait.ge [sflag:s22], $0x1400  }
0x19c: {  	[sflag:s22] =	ssyncset.done $0x0  }
0x19d: {  	s20 =	simm.s32 $0x15080;
	[sflag:s22] =	ssyncadd.s32 $0xFFFFEC00  }
0x19e: {  	[spmem:s4] =	stream.indirect.scatter.add.f32 [tilespmem:s10], [sflag:$0x7], $0x10, s20, s12, $0xb8;
	[tilespmem:$0x1E7F0] =	vst v63  }
0x19f: {  	_ =	swait.ge [sflag:s16], $0x1400  }
0x1a0: {  	[sflag:s16] =	ssyncset.done $0x0  }
0x1a1: {  	s30 =	simm.s32 $0x151C0;
	[sflag:s16] =	ssyncadd.s32 $0xFFFFEC00  }
0x1a2: {  	[spmem:s4] =	stream.indirect.scatter.add.f32 [tilespmem:s13], [sflag:$0x8], $0x10, s30, s12, $0xb8;
	[tilespmem:$0x1E7F0] =	vst v63  }
0x1a3: {  	_ =	swait.ge [sflag:s29], $0x1400  }
0x1a4: {  	[sflag:s29] =	ssyncset.done $0x0  }
0x1a5: {  	s20 =	simm.s32 $0x13A00;
	[sflag:s29] =	ssyncadd.s32 $0xFFFFEC00  }
0x1a6: {  	[tilespmem:s7], [sflag:$0x1] =	stream.indirect.gather [spmem:s3], $0x10, s20, s12, $0xb8;
	[tilespmem:$0x1E7F0] =	vst v63  }
0x1a7: {  	_ =	swait.ge [sflag:s19], $0x1400  }
0x1a8: {  	[sflag:s19] =	ssyncset.done $0x0  }
0x1a9: {  	s30 =	simm.s32 $0x13B40;
	[sflag:s19] =	ssyncadd.s32 $0xFFFFEC00  }
0x1aa: {  	[tilespmem:s8], [sflag:$0x2] =	stream.indirect.gather [spmem:s3], $0x10, s30, s12, $0xb8;
	[tilespmem:$0x1E7F0] =	vst v63  }
0x1ab: {  	_ =	swait.ge [sflag:s26], $0x1400  }
0x1ac: {  	[sflag:s26] =	ssyncset.done $0x0  }
0x1ad: {  	s20 =	simm.s32 $0x13C80;
	[sflag:s26] =	ssyncadd.s32 $0xFFFFEC00  }
0x1ae: {  	[tilespmem:s10], [sflag:$0x3] =	stream.indirect.gather [spmem:s3], $0x10, s20, s12, $0xb8;
	[tilespmem:$0x1E7F0] =	vst v63  }
0x1af: {  	_ =	swait.ge [sflag:s6], $0x1400  }
0x1b0: {  	[sflag:s6] =	ssyncset.done $0x0  }
0x1b1: {  	s30 =	simm.s32 $0x13DC0;
	[sflag:s6] =	ssyncadd.s32 $0xFFFFEC00  }
0x1b2: {  	[tilespmem:s13], [sflag:$0x4] =	stream.indirect.gather [spmem:s3], $0x10, s30, s12, $0xb8;
	[tilespmem:$0x1E7F0] =	vst v63  }
0x1b3: {  	_ =	swait.ge [sflag:s5], $0x1400  }
0x1b4: {  	[sflag:s5] =	ssyncset.done $0x0  }
0x1b5: {  	s20 =	simm.s32 $0x15300;
	[sflag:s5] =	ssyncadd.s32 $0xFFFFEC00  }
0x1b6: {  	[spmem:s4] =	stream.indirect.scatter.add.f32 [tilespmem:s7], [sflag:$0x5], $0x10, s20, s12, $0xb8;
	[tilespmem:$0x1E7F0] =	vst v63  }
0x1b7: {  	_ =	swait.ge [sflag:s17], $0x1400  }
0x1b8: {  	[sflag:s17] =	ssyncset.done $0x0  }
0x1b9: {  	s30 =	simm.s32 $0x15440;
	[sflag:s17] =	ssyncadd.s32 $0xFFFFEC00  }
0x1ba: {  	[spmem:s4] =	stream.indirect.scatter.add.f32 [tilespmem:s8], [sflag:$0x6], $0x10, s30, s12, $0xb8;
	[tilespmem:$0x1E7F0] =	vst v63  }
0x1bb: {  	_ =	swait.ge [sflag:s22], $0x1400  }
0x1bc: {  	[sflag:s22] =	ssyncset.done $0x0  }
0x1bd: {  	s8 =	simm.s32 $0x15580;
	[sflag:s22] =	ssyncadd.s32 $0xFFFFEC00  }
0x1be: {  	[spmem:s4] =	stream.indirect.scatter.add.f32 [tilespmem:s10], [sflag:$0x7], $0x10, s8, s12, $0xb8;
	[tilespmem:$0x1E7F0] =	vst v63  }
0x1bf: {  	_ =	swait.ge [sflag:s16], $0x1400  }
0x1c0: {  	[sflag:s16] =	ssyncset.done $0x0  }
0x1c1: {  	s15 =	simm.s32 $0x156C0;
	[sflag:s16] =	ssyncadd.s32 $0xFFFFEC00  }
0x1c2: {  	[spmem:s4] =	stream.indirect.scatter.add.f32 [tilespmem:s13], [sflag:$0x8], $0x10, s15, s12, $0xb8;
	[tilespmem:$0x1E7F0] =	vst v63  }
0x1c3: {  	_ =	swait.ge [sflag:s29], $0x1400  }
0x1c4: {  	[sflag:s29] =	ssyncset.done $0x0  }
0x1c5: {  	[sflag:s29] =	ssyncadd.s32 $0xFFFFEC00  }
0x1c6: {  	_ =	swait.ge [sflag:s19], $0x1400  }
0x1c7: {  	[sflag:s19] =	ssyncset.done $0x0  }
0x1c8: {  	[sflag:s19] =	ssyncadd.s32 $0xFFFFEC00  }
0x1c9: {  	_ =	swait.ge [sflag:s26], $0x1400  }
0x1ca: {  	[sflag:s26] =	ssyncset.done $0x0  }
0x1cb: {  	v16 =	vmov s2;
	[sflag:s26] =	ssyncadd.s32 $0xFFFFEC00  }
0x1cc: {  	_ =	swait.ge [sflag:s6], $0x1400  }
0x1cd: {  	[sflag:s6] =	ssyncset.done $0x0  }
0x1ce: {  	[sflag:s6] =	ssyncadd.s32 $0xFFFFEC00  }
0x1cf: {  	s20 =	simm.s32 $0x1E640;
	[bflag:$0x0] =	sbarrier.arrive $0xFFFF  }
0x1d0: {  	v16 =	vld.idx.msk [tilespmem:v16+s20+$0x0], $0xffff;
	_ =	swait.ge [sflag:s23], $0xE0  }
0x1d1: {  	[sflag:s23] =	ssyncset.done $0x0  }
0x1d2: {  	[sflag:s23] =	ssyncadd.s32 $0xFFFFFF20  }
0x1d3: {  	_ =	swait.ge [sflag:s23], $0xE0  }
0x1d4: {  	[sflag:s23] =	ssyncset.done $0x0  }
0x1d5: {  	[sflag:s23] =	ssyncadd.s32 $0xFFFFFF20  }
0x1d6: {  	_ =	swait.ge [sflag:s23], $0xE0  }
0x1d7: {  	[sflag:s23] =	ssyncset.done $0x0  }
0x1d8: {  	[sflag:s23] =	ssyncadd.s32 $0xFFFFFF20  }
0x1d9: {  	_ =	swait.ge [sflag:s23], $0xE0  }
0x1da: {  	[sflag:s23] =	ssyncset.done $0x0  }
0x1db: {  	[sflag:s23] =	ssyncadd.s32 $0xFFFFFF20  }
0x1dc: {  	_ =	swait.ge [sflag:s23], $0xE0  }
0x1dd: {  	[sflag:s23] =	ssyncset.done $0x0  }
0x1de: {  	[sflag:s23] =	ssyncadd.s32 $0xFFFFFF20  }
0x1df: {  	_ =	swait.ge [sflag:s23], $0xE0  }
0x1e0: {  	[sflag:s23] =	ssyncset.done $0x0  }
0x1e1: {  	[sflag:s23] =	ssyncadd.s32 $0xFFFFFF20  }
0x1e2: {  	_ =	swait.ge [sflag:s23], $0xE0  }
0x1e3: {  	[sflag:s23] =	ssyncset.done $0x0  }
0x1e4: {  	[sflag:s23] =	ssyncadd.s32 $0xFFFFFF20  }
0x1e5: {  	[tilespmem:s9], [sflag:$0x1] =	stream.linear.gather [spmem:s14], $0xE00, $0x38;
	[tilespmem:$0x1E7F0] =	vst v63  }
0x1e6: {  	_ =	swait.ge [sflag:s5], $0xE00  }
0x1e7: {  	[sflag:s5] =	ssyncset.done $0x0  }
0x1e8: {  	s7 =	simm.s32 $0x1C2C0;
	[sflag:s5] =	ssyncadd.s32 $0xFFFFF200  }
0x1e9: {  	v17 =	vld [tilespmem:s7+$0x30]  }
0x1ea: {  	v18 =	vld [tilespmem:s7+$0xFFFFFFF0]  }
0x1eb: {  	v19 =	vld [tilespmem:s7+$0x40]  }
0x1ec: {  	v20 =	vld [tilespmem:s7+$0xFFFFFFD0]  }
0x1ed: {  	v21 =	vld [tilespmem:s7+$0x20]  }
0x1ee: {  	v22 =	vld [tilespmem:s7+$0xFFFFFFC0]  }
0x1ef: {  	v23 =	vld [tilespmem:s7+$0xFFFFFFE0]  }
0x1f0: {  	v24 =	vld [tilespmem:s7+$0x10]  }
0x1f1: {  	v25 =	vld [tilespmem:s7+$0x50]  }
0x1f2: {  	v26 =	vld [tilespmem:s7+$0x0]  }
0x1f3: {  	s30 =	simm.s32 $0x0;
	v28 =	vld [tilespmem:s7+$0x70]  }
0x1f4: {  	v29 =	vld [tilespmem:s30+$0x1BC20];
	v17 =	vmul.f32 v17, v16;
	v19 =	vmul.f32 v19, v16  }
0x1f5: {  	v27 =	vld [tilespmem:s7+$0x60];
	v20 =	vmul.f32 v20, v16;
	v30 =	vmul.f32 v18, v16  }
0x1f6: {  	v22 =	vmul.f32 v22, v16;
	v21 =	vmul.f32 v21, v16  }
0x1f7: {  	v23 =	vmul.f32 v23, v16;
	v31 =	vmul.f32 v24, v16  }
0x1f8: {  	v32 =	vmul.f32 v26, v16;
	v33 =	vmul.f32 v25, v16  }
0x1f9: {  	v24 =	vld [tilespmem:s7+$0xFFFFFF90];
	v28 =	vmul.f32 v28, v16;
	v34 =	vperm.xlane v29, v14  }
0x1fa: {  	v26 =	vld [tilespmem:s7+$0xFFFFFFB0];
	v27 =	vmul.f32 v27, v16;
	v25 =	vperm.xlane v29, v4  }
0x1fb: {  	v18 =	vld [tilespmem:s7+$0xFFFFFFA0];
	v35 =	vperm.xlane v29, v1;
	v36 =	vperm.xlane v29, v2  }
0x1fc: {  	v37 =	vperm.xlane v29, v11;
	v38 =	vperm.xlane v29, v3  }
0x1fd: {  	v39 =	vperm.xlane v29, v12;
	v42 =	vperm.xlane v29, v6  }
0x1fe: {  	v62 =	vperm.xlane v29, v8;
	v54 =	vperm.xlane v29, v7  }
0x1ff: {  	v25 =	vadd.f32 v22, v25;
	v24 =	vmul.f32 v24, v16;
	v26 =	vmul.f32 v26, v16  }
0x200: {  	v22 =	vperm.xlane v29, v5;
	v37 =	vadd.f32 v17, v37;
	v18 =	vmul.f32 v18, v16  }
0x201: {  	v38 =	vadd.f32 v26, v38;
	v26 =	vadd.f32 v24, v35;
	v24 =	vperm.xlane v29, v10  }
0x202: {  	v17 =	vperm.xlane v29, v15;
	v40 =	vand.u32 $0x7FFFFFFF, v37;
	v36 =	vadd.f32 v18, v36  }
0x203: {  	v40 =	vmul.f32 $-2.000000000e+00, v40;
	v41 =	vand.u32 $0x7FFFFFFF, v38;
	v43 =	vadd.f32 v21, v24  }
0x204: {  	v59 =	vand.u32 $0x7FFFFFFF, v36;
	v21 =	vand.u32 $0x7FFFFFFF, v26;
	v41 =	vmul.f32 $-2.000000000e+00, v41  }
0x205: {  	v24 =	vmul.f32 $-2.000000000e+00, v59;
	v21 =	vmul.f32 $-2.000000000e+00, v21;
	v61 =	vand.u32 $0x7FFFFFFF, v43  }
0x206: {  	v42 =	vadd.f32 v23, v42;
	v60 =	vmul.f32 $1.442695020e+00, v41;
	v41 =	vmul.f32 $-2.000000000e+00, v61  }
0x207: {  	v17 =	vadd.f32 v28, v17;
	v24 =	vmul.f32 $1.442695020e+00, v24;
	v21 =	vmul.f32 $1.442695020e+00, v21  }
0x208: {  	v18 =	vand.u32 $0x7FFFFFFF, v25;
	(erf) = vpow2.f32 v60;
	v23 =	vmul.f32 $1.442695020e+00, v41  }
0x209: {  	(erf) = vpow2.f32 v24;
	v24 =	vadd.f32 v20, v22;
	v20 =	vperm.xlane v29, v9  }
0x20a: {  	v28 =	vand.u32 $0x7FFFFFFF, v17;
	v18 =	vmul.f32 $-2.000000000e+00, v18;
	v22 =	vld [tilespmem:s7+$0xFFFFFF80];
	(erf) = vpow2.f32 v21  }
0x20b: {  	v21 =	vmul.f32 $1.442695020e+00, v40;
	(erf) = vpow2.f32 v23;
	v20 =	vadd.f32 v31, v20  }
0x20c: {  	v49 =	vadd.f32 v19, v39;
	v28 =	vmul.f32 $-2.000000000e+00, v28;
	v63 =	vmul.f32 $1.442695020e+00, v18  }
0x20d: {  	v18 =	vadd.f32 v27, v34;
	(erf) = vpow2.f32 v21;
	v48 =	vand.u32 $0x7FFFFFFF, v20  }
0x20e: {  	v31 =	vand.u32 $0x7FFFFFFF, v42;
	v21 =	vperm.xlane v29, v0;
	v27 =	vmul.f32 $-2.000000000e+00, v48  }
0x20f: {  	v19 =	vmul.f32 v22, v16;
	v22 =	vmul.f32 $-2.000000000e+00, v31;
	v31 =	vand.u32 $0x7FFFFFFF, v18  }
0x210: {  	vm4 =	vlt.f32 v37, $0.0e+00;
	vm0 =	vlt.f32 v49, $0.0e+00;
	v31 =	vmul.f32 $-2.000000000e+00, v31  }
0x211: {  	v28 =	vmul.f32 $1.442695020e+00, v28;
	v27 =	vmul.f32 $1.442695020e+00, v27;
	v41 =	vadd.f32 v19, v21;
	v50 =	vpop (erf)  }
0x212: {  	vm1 =	vlt.f32 v36, $0.0e+00;
	v31 =	vmul.f32 $1.442695020e+00, v31;
	v21 =	vadd.f32 $1.000000000e+00, v50;
	v51 =	vpop (erf)  }
0x213: {  	(erf) = vpow2.f32 v27;
	v44 =	vand.u32 $0x7FFFFFFF, v41;
	v27 =	vadd.f32 $1.000000000e+00, v51;
	v52 =	vpop (erf)  }
0x214: {  	v44 =	vmul.f32 $-2.000000000e+00, v44;
	(erf) = vrcp.f32 v21;
	v21 =	vand.u32 $0x7FFFFFFF, v49;
	v45 =	vpop (erf)  }
0x215: {  	v21 =	vmul.f32 $-2.000000000e+00, v21;
	v46 =	vadd.f32 $1.000000000e+00, v45;
	(erf) = vrcp.f32 v27  }
0x216: {  	v23 =	vand.u32 $0x7FFFFFFF, v24;
	v44 =	vmul.f32 $1.442695020e+00, v44;
	(erf) = vpow2.f32 v31  }
0x217: {  	v23 =	vmul.f32 $-2.000000000e+00, v23;
	v19 =	vadd.f32 v32, v62;
	(erf) = vrcp.f32 v46  }
0x218: {  	vm2 =	vlt.f32 v38, $0.0e+00;
	v21 =	vmul.f32 $1.442695020e+00, v21;
	(erf) = vpow2.f32 v44  }
0x219: {  	v23 =	vmul.f32 $1.442695020e+00, v23;
	v22 =	vmul.f32 $1.442695020e+00, v22;
	v27 =	vand.u32 $0x7FFFFFFF, v19  }
0x21a: {  	vm3 =	vlt.f32 v26, $0.0e+00;
	v27 =	vmul.f32 $-2.000000000e+00, v27;
	(erf) = vpow2.f32 v21  }
0x21b: {  	vm5 =	vlt.f32 v41, $0.0e+00;
	v31 =	vpop (erf);
	v21 =	vperm.xlane v29, v13;
	(erf) = vpow2.f32 v23  }
0x21c: {  	v53 =	vadd.f32 $1.000000000e+00, v31;
	v23 =	vsub.f32 $1.000000000e+00, v50;
	v29 =	vpop (erf);
	(erf) = vpow2.f32 v22  }
0x21d: {  	v27 =	vmul.f32 $1.442695020e+00, v27;
	v22 =	vadd.f32 v33, v21;
	(erf) = vpow2.f32 v28;
	v55 =	vpop (erf)  }
0x21e: {  	v21 =	vadd.f32 v30, v54;
	v39 =	vsub.f32 $1.000000000e+00, v29;
	v23 =	vmul.f32 v55, v23;
	v56 =	vpop (erf)  }
0x21f: {  	v28 =	vadd.f32 $1.000000000e+00, v29;
	v29 =	vsub.f32 $1.000000000e+00, v51;
	v30 =	vand.u32 $0x7FFFFFFF, v22;
	v34 =	vpop (erf)  }
0x220: {  	(erf) = vpow2.f32 v63;
	v30 =	vmul.f32 $-2.000000000e+00, v30;
	v57 =	vsub.f32 $0.0e+00, v23;
	v59 =	vpop (erf)  }
0x221: {  	v58 =	vsub.f32 $1.000000000e+00, v45;
	(erf) = vrcp.f32 v53;
	v29 =	vmul.f32 v56, v29;
	v60 =	vpop (erf)  }
0x222: {  	v61 =	vadd.f32 $1.000000000e+00, v60;
	v33 =	vsel vm2, v57, v23;
	v23 =	vmul.f32 $1.442695020e+00, v30  }
0x223: {  	v37 =	vadd.f32 $1.000000000e+00, v52;
	(erf) = vpow2.f32 v27;
	v36 =	vmul.f32 v59, v58;
	v62 =	vpop (erf)  }
0x224: {  	v27 =	vand.u32 $0x7FFFFFFF, v21;
	v63 =	vadd.f32 $1.000000000e+00, v62;
	v48 =	vpop (erf);
	(erf) = vrcp.f32 v61  }
0x225: {  	v30 =	vsub.f32 $0.0e+00, v36;
	v49 =	vadd.f32 $1.000000000e+00, v48;
	v50 =	vpop (erf);
	(erf) = vpow2.f32 v23  }
0x226: {  	v27 =	vmul.f32 $-2.000000000e+00, v27;
	vm2 =	vlt.f32 v43, $0.0e+00;
	v23 =	vpop (erf);
	(erf) = vrcp.f32 v63  }
0x227: {  	v36 =	vsel vm2, v30, v36;
	v30 =	vadd.f32 $1.000000000e+00, v34;
	(erf) = vrcp.f32 v49  }
0x228: {  	v35 =	vsub.f32 $1.000000000e+00, v52;
	v27 =	vmul.f32 $1.442695020e+00, v27;
	(erf) = vrcp.f32 v37  }
0x229: {  	v51 =	vsub.f32 $0.0e+00, v29;
	v59 =	vsub.f32 $1.000000000e+00, v34;
	v52 =	vpop (erf);
	(erf) = vrcp.f32 v30  }
0x22a: {  	v53 =	vadd.f32 $1.000000000e+00, v52;
	v47 =	vpop (erf);
	v30 =	vadd.f32 $1.000000000e+00, v50;
	(erf) = vpow2.f32 v27  }
0x22b: {  	v54 =	vadd.f32 $1.000000000e+00, v23;
	(erf) = vrcp.f32 v28;
	v28 =	vsub.f32 $1.000000000e+00, v31  }
0x22c: {  	vm2 =	vlt.f32 v25, $0.0e+00;
	v25 =	vsub.f32 $1.000000000e+00, v60;
	v27 =	vpop (erf);
	(erf) = vrcp.f32 v53  }
0x22d: {  	v26 =	vadd.f32 $1.000000000e+00, v27;
	v31 =	vpop (erf);
	(erf) = vrcp.f32 v54;
	v55 =	vmul.f32 v47, v28  }
0x22e: {  	v28 =	vsub.f32 $1.000000000e+00, v62;
	v25 =	vmul.f32 v31, v25;
	(erf) = vrcp.f32 v30;
	v30 =	vpop (erf)  }
0x22f: {  	v44 =	vsel vm1, v51, v29;
	v31 =	vsub.f32 $1.000000000e+00, v48;
	v56 =	vadd.f32 $1.000000000e+00, v30;
	v57 =	vpop (erf)  }
0x230: {  	vm1 =	vlt.f32 v42, $0.0e+00;
	(erf) = vrcp.f32 v26;
	v58 =	vsub.f32 $0.0e+00, v25;
	v60 =	vpop (erf)  }
0x231: {  	v26 =	vpop (erf);
	(erf) = vrcp.f32 v56;
	v34 =	vmul.f32 v60, v31;
	v31 =	vsub.f32 $0.0e+00, v55  }
0x232: {  	[tilespmem:s7+$0xFFFFFFB0] =	vst v33;
	v29 =	vsub.f32 $1.000000000e+00, v50;
	v61 =	vsub.f32 $1.000000000e+00, v52;
	v40 =	vsel vm5, v58, v25;
	v25 =	vpop (erf)  }
0x233: {  	[tilespmem:s7+$0xFFFFFFA0] =	vst v44;
	v33 =	vmul.f32 v57, v28;
	v32 =	vmul.f32 v26, v35;
	v28 =	vpop (erf);
	v31 =	vsel vm4, v31, v55  }
0x234: {  	[tilespmem:s7+$0x20] =	vst v36;
	vm5 =	vlt.f32 v24, $0.0e+00;
	v25 =	vmul.f32 v25, v59;
	v62 =	vadd.f32 $1.000000000e+00, v28;
	v24 =	vpop (erf)  }
0x235: {  	v37 =	vsub.f32 $0.0e+00, v33;
	v36 =	vsub.f32 $0.0e+00, v34;
	[tilespmem:s7+$0xFFFFFF80] =	vst v40;
	v26 =	vmul.f32 v24, v39;
	v63 =	vpop (erf)  }
0x236: {  	s8 =	simm.s32 $0x40;
	s10 =	simm.s32 $0x1C3C0;
	[tilespmem:s7+$0x30] =	vst v31;
	v24 =	vsub.f32 $0.0e+00, v25;
	v35 =	vmul.f32 v63, v61;
	(erf) = vrcp.f32 v62;
	v31 =	vpop (erf)  }
.LBB2_4:
0x237: {  	s13 =	sshra.s32 s8, $0x2;
	v38 =	vld [tilespmem:s10+$0x30];
	p2 =	sne.s32 s8, $0x340;
	s8 =	sadd.s32 $0x40, s8;
	v39 =	vsub.f32 $0.0e+00, v32;
	v34 =	vsel vm5, v36, v34;
	vm4 =	vlt.f32 v20, $0.0e+00;
	v20 =	vpop (erf)  }
0x238: {  	v27 =	vsub.f32 $1.000000000e+00, v27;
	v36 =	vsub.f32 $0.0e+00, v35;
	[tilespmem:s7+$0xFFFFFFD0] =	vst v34;
	v20 =	vmul.f32 v20, v29  }
0x239: {  	v30 =	vsub.f32 $1.000000000e+00, v30;
	v37 =	vsel vm0, v37, v33;
	v29 =	vsel vm3, v39, v32;
	v33 =	vpop (erf)  }
0x23a: {  	v34 =	vld [tilespmem:s10+$0xFFFFFFF0];
	v35 =	vsel vm2, v36, v35;
	v36 =	vsub.f32 $0.0e+00, v20;
	v27 =	vmul.f32 v33, v27;
	[tilespmem:s7+$0x40] =	vst v37;
	v32 =	vpop (erf)  }
0x23b: {  	vm0 =	vlt.f32 v19, $0.0e+00;
	v19 =	vsub.f32 $0.0e+00, v26;
	v33 =	vld [tilespmem:s10+$0x40];
	[tilespmem:s7+$0xFFFFFFC0] =	vst v35;
	v30 =	vmul.f32 v32, v30  }
0x23c: {  	v23 =	vsub.f32 $1.000000000e+00, v23;
	v32 =	vld [tilespmem:s10+$0xFFFFFFD0];
	[tilespmem:s7+$0xFFFFFF90] =	vst v29;
	v20 =	vsel vm1, v36, v20;
	v29 =	vsub.f32 $0.0e+00, v27  }
0x23d: {  	v19 =	vsel vm4, v19, v26;
	v35 =	vld [tilespmem:s10+$0x20];
	[tilespmem:s7+$0xFFFFFFE0] =	vst v20;
	v20 =	vsub.f32 $1.000000000e+00, v28;
	v36 =	vsub.f32 $0.0e+00, v30  }
0x23e: {  	v28 =	vld [tilespmem:s10+$0xFFFFFFC0];
	v27 =	vsel vm0, v29, v27;
	vm0 =	vlt.f32 v22, $0.0e+00  }
0x23f: {  	v23 =	vmul.f32 v31, v23;
	v29 =	vmul.f32 v38, v16;
	v22 =	vld [tilespmem:s10+$0xFFFFFFE0];
	[tilespmem:s7+$0x10] =	vst v19;
	v19 =	vsel vm0, v36, v30;
	v26 =	vpop (erf)  }
0x240: {  	vm0 =	vlt.f32 v17, $0.0e+00;
	v30 =	vld [tilespmem:s10+$0x10];
	v31 =	vmul.f32 v33, v16;
	v20 =	vmul.f32 v26, v20;
	[tilespmem:s7+$0x50] =	vst v19  }
0x241: {  	vm1 =	vlt.f32 v18, $0.0e+00;
	v18 =	vsub.f32 $0.0e+00, v23;
	v19 =	vmul.f32 v32, v16;
	v17 =	vld [tilespmem:s10+$0x50];
	[tilespmem:s7+$0x0] =	vst v27  }
0x242: {  	vm2 =	vlt.f32 v21, $0.0e+00;
	v24 =	vsel vm1, v24, v25;
	v26 =	vld [tilespmem:s10+$0x0];
	v27 =	vsub.f32 $0.0e+00, v20  }
0x243: {  	v21 =	vmul.f32 v34, v16;
	v18 =	vsel vm0, v18, v23;
	[tilespmem:s7+$0x60] =	vst v24  }
0x244: {  	v24 =	vmul.f32 v28, v16;
	v28 =	vmul.f32 v35, v16;
	v25 =	vld [tilespmem:s10+$0x60];
	v20 =	vsel vm2, v27, v20;
	[tilespmem:s7+$0x70] =	vst v18  }
0x245: {  	v18 =	vmul.f32 v22, v16;
	v27 =	vld [tilespmem:s10+$0x70];
	[tilespmem:s7+$0xFFFFFFF0] =	vst v20;
	s7 =	smov.u32 s10  }
0x246: {  	v20 =	vmul.f32 v30, v16;
	v22 =	vld [tilespmem:s13+$0x1BC20]  }
0x247: {  	v30 =	vld [tilespmem:s10+$0xFFFFFFA0];
	v32 =	vmul.f32 v26, v16  }
0x248: {  	v26 =	vld [tilespmem:s10+$0xFFFFFF90];
	_ =	sdelay $0x1  }
0x249: {  	v23 =	vmul.f32 v17, v16;
	v17 =	vmul.f32 v27, v16  }
0x24a: {  	v34 =	vmul.f32 v25, v16;
	v27 =	vld [tilespmem:s10+$0xFFFFFFB0];
	v33 =	vperm.xlane v22, v14  }
0x24b: {  	v25 =	vperm.xlane v22, v4;
	v30 =	vmul.f32 v30, v16  }
0x24c: {  	v35 =	vperm.xlane v22, v1;
	v26 =	vmul.f32 v26, v16  }
0x24d: {  	v36 =	vperm.xlane v22, v2;
	v37 =	vperm.xlane v22, v5;
	v25 =	vadd.f32 v24, v25  }
0x24e: {  	v24 =	vadd.f32 v26, v35;
	v26 =	vperm.xlane v22, v3;
	v35 =	vperm.xlane v22, v11  }
0x24f: {  	v36 =	vadd.f32 v30, v36;
	v38 =	vand.u32 $0x7FFFFFFF, v25;
	v27 =	vmul.f32 v27, v16  }
0x250: {  	v39 =	vand.u32 $0x7FFFFFFF, v24;
	v35 =	vadd.f32 v29, v35;
	v29 =	vperm.xlane v22, v12  }
0x251: {  	v38 =	vmul.f32 $-2.000000000e+00, v38;
	v30 =	vadd.f32 v27, v26;
	v26 =	vperm.xlane v22, v15  }
0x252: {  	v40 =	vperm.xlane v22, v10;
	v27 =	vand.u32 $0x7FFFFFFF, v36;
	v41 =	vand.u32 $0x7FFFFFFF, v35  }
0x253: {  	v43 =	vperm.xlane v22, v6;
	v31 =	vadd.f32 v31, v29;
	v42 =	vand.u32 $0x7FFFFFFF, v30  }
0x254: {  	v29 =	vadd.f32 v28, v40;
	v28 =	vmul.f32 $-2.000000000e+00, v41;
	v42 =	vmul.f32 $-2.000000000e+00, v42  }
0x255: {  	v39 =	vmul.f32 $-2.000000000e+00, v39;
	v40 =	vmul.f32 $-2.000000000e+00, v27;
	v27 =	vadd.f32 v18, v43  }
0x256: {  	v18 =	vand.u32 $0x7FFFFFFF, v29;
	v28 =	vmul.f32 $1.442695020e+00, v28;
	v41 =	vmul.f32 $1.442695020e+00, v42  }
0x257: {  	v40 =	vmul.f32 $1.442695020e+00, v40;
	v43 =	vmul.f32 $-2.000000000e+00, v18;
	v42 =	vand.u32 $0x7FFFFFFF, v27  }
0x258: {  	v39 =	vmul.f32 $1.442695020e+00, v39;
	v18 =	vadd.f32 v34, v33;
	(erf) = vpow2.f32 v41  }
0x259: {  	v17 =	vadd.f32 v17, v26;
	v33 =	vmul.f32 $1.442695020e+00, v43;
	(erf) = vpow2.f32 v40  }
0x25a: {  	v26 =	vadd.f32 v19, v37;
	v19 =	vperm.xlane v22, v9;
	(erf) = vpow2.f32 v39  }
0x25b: {  	v37 =	vand.u32 $0x7FFFFFFF, v18;
	v39 =	vand.u32 $0x7FFFFFFF, v17;
	v34 =	vld [tilespmem:s10+$0xFFFFFF80];
	(erf) = vpow2.f32 v33  }
0x25c: {  	v20 =	vadd.f32 v20, v19;
	v40 =	vperm.xlane v22, v8;
	v33 =	vand.u32 $0x7FFFFFFF, v26  }
0x25d: {  	v39 =	vmul.f32 $-2.000000000e+00, v39;
	v33 =	vmul.f32 $-2.000000000e+00, v33  }
0x25e: {  	v38 =	vmul.f32 $1.442695020e+00, v38;
	v41 =	vand.u32 $0x7FFFFFFF, v20;
	(erf) = vpow2.f32 v28  }
0x25f: {  	v19 =	vadd.f32 v32, v40;
	v32 =	vmul.f32 $-2.000000000e+00, v41;
	v28 =	vperm.xlane v22, v0  }
0x260: {  	v40 =	vmul.f32 $-2.000000000e+00, v42;
	v34 =	vmul.f32 v34, v16  }
0x261: {  	v41 =	vand.u32 $0x7FFFFFFF, v31;
	v32 =	vmul.f32 $1.442695020e+00, v32;
	v39 =	vmul.f32 $1.442695020e+00, v39;
	v42 =	vpop (erf)  }
0x262: {  	v40 =	vmul.f32 $1.442695020e+00, v40;
	v28 =	vadd.f32 v34, v28;
	v46 =	vadd.f32 $1.000000000e+00, v42;
	v43 =	vpop (erf)  }
0x263: {  	v37 =	vmul.f32 $-2.000000000e+00, v37;
	v44 =	vadd.f32 $1.000000000e+00, v43;
	v45 =	vpop (erf);
	(erf) = vpow2.f32 v32  }
0x264: {  	v41 =	vmul.f32 $-2.000000000e+00, v41;
	v32 =	vand.u32 $0x7FFFFFFF, v28;
	(erf) = vrcp.f32 v46;
	v34 =	vpop (erf)  }
0x265: {  	v37 =	vmul.f32 $1.442695020e+00, v37;
	v32 =	vmul.f32 $-2.000000000e+00, v32;
	v46 =	vadd.f32 $1.000000000e+00, v34  }
0x266: {  	v47 =	vand.u32 $0x7FFFFFFF, v19;
	v41 =	vmul.f32 $1.442695020e+00, v41;
	(erf) = vrcp.f32 v44  }
0x267: {  	vm1 =	vlt.f32 v36, $0.0e+00;
	v32 =	vmul.f32 $1.442695020e+00, v32;
	v36 =	vpop (erf);
	(erf) = vpow2.f32 v37  }
0x268: {  	v37 =	vmul.f32 $-2.000000000e+00, v47;
	v44 =	vadd.f32 $1.000000000e+00, v36;
	(erf) = vrcp.f32 v46  }
0x269: {  	vm4 =	vlt.f32 v35, $0.0e+00;
	v33 =	vmul.f32 $1.442695020e+00, v33;
	(erf) = vpow2.f32 v32  }
0x26a: {  	v35 =	vperm.xlane v22, v7;
	v32 =	vadd.f32 $1.000000000e+00, v45;
	(erf) = vpow2.f32 v41  }
0x26b: {  	vm0 =	vlt.f32 v31, $0.0e+00;
	v22 =	vperm.xlane v22, v13;
	(erf) = vpow2.f32 v33  }
0x26c: {  	v31 =	vsub.f32 $1.000000000e+00, v45;
	v33 =	vsub.f32 $1.000000000e+00, v42;
	(erf) = vpow2.f32 v40;
	v40 =	vpop (erf)  }
0x26d: {  	v22 =	vadd.f32 v23, v22;
	v41 =	vsub.f32 $1.000000000e+00, v40;
	v23 =	vpop (erf);
	(erf) = vpow2.f32 v39  }
0x26e: {  	v23 =	vmul.f32 v23, v33;
	v33 =	vadd.f32 $1.000000000e+00, v40;
	(erf) = vpow2.f32 v38  }
0x26f: {  	v21 =	vadd.f32 v21, v35;
	v35 =	vand.u32 $0x7FFFFFFF, v22;
	v38 =	vsub.f32 $1.000000000e+00, v43;
	v39 =	vpop (erf)  }
0x270: {  	v34 =	vsub.f32 $1.000000000e+00, v34;
	v40 =	vsub.f32 $0.0e+00, v23;
	(erf) = vrcp.f32 v44;
	v42 =	vpop (erf)  }
0x271: {  	vm2 =	vlt.f32 v30, $0.0e+00;
	v35 =	vmul.f32 $-2.000000000e+00, v35;
	v30 =	vmul.f32 $1.442695020e+00, v37;
	v37 =	vpop (erf)  }
0x272: {  	v38 =	vmul.f32 v39, v38;
	v23 =	vsel vm2, v40, v23;
	v34 =	vmul.f32 v37, v34;
	v37 =	vpop (erf)  }
0x273: {  	v40 =	vand.u32 $0x7FFFFFFF, v21;
	v39 =	vadd.f32 $1.000000000e+00, v37;
	[tilespmem:s10+$0xFFFFFFB0] =	vst v23;
	(erf) = vpow2.f32 v30;
	v43 =	vpop (erf)  }
0x274: {  	v35 =	vmul.f32 $1.442695020e+00, v35;
	v46 =	vsub.f32 $0.0e+00, v34;
	v30 =	vadd.f32 $1.000000000e+00, v43;
	v44 =	vpop (erf)  }
0x275: {  	vm2 =	vlt.f32 v29, $0.0e+00;
	v45 =	vadd.f32 $1.000000000e+00, v44;
	(erf) = vrcp.f32 v39;
	v29 =	vpop (erf)  }
0x276: {  	v39 =	vadd.f32 $1.000000000e+00, v42;
	v46 =	vsel vm2, v46, v34;
	(erf) = vpow2.f32 v35;
	v23 =	vpop (erf)  }
0x277: {  	v40 =	vmul.f32 $-2.000000000e+00, v40;
	v35 =	vsub.f32 $0.0e+00, v38;
	[tilespmem:s10+$0x20] =	vst v46;
	v34 =	vpop (erf);
	(erf) = vrcp.f32 v30  }
0x278: {  	v46 =	vadd.f32 $1.000000000e+00, v23;
	v30 =	vadd.f32 $1.000000000e+00, v34;
	(erf) = vrcp.f32 v45  }
0x279: {  	v35 =	vsel vm1, v35, v38;
	v38 =	vmul.f32 $1.442695020e+00, v40;
	(erf) = vrcp.f32 v32;
	v32 =	vpop (erf)  }
0x27a: {  	[tilespmem:s10+$0xFFFFFFA0] =	vst v35;
	v35 =	vadd.f32 $1.000000000e+00, v29;
	(erf) = vrcp.f32 v39  }
0x27b: {  	vm2 =	vlt.f32 v25, $0.0e+00;
	(erf) = vpow2.f32 v38  }
0x27c: {  	vm3 =	vlt.f32 v24, $0.0e+00;
	vm1 =	vlt.f32 v27, $0.0e+00;
	v27 =	vpop (erf);
	(erf) = vrcp.f32 v33  }
0x27d: {  	v24 =	vsub.f32 $1.000000000e+00, v37;
	v25 =	vadd.f32 $1.000000000e+00, v27;
	(erf) = vrcp.f32 v30  }
0x27e: {  	v29 =	vsub.f32 $1.000000000e+00, v29;
	v33 =	vsub.f32 $1.000000000e+00, v36;
	v30 =	vpop (erf);
	(erf) = vrcp.f32 v46  }
0x27f: {  	v36 =	vsub.f32 $1.000000000e+00, v44;
	v24 =	vmul.f32 v30, v24;
	(erf) = vrcp.f32 v35;
	v30 =	vpop (erf)  }
0x280: {  	v35 =	vmul.f32 v32, v33;
	v32 =	vsub.f32 $1.000000000e+00, v43;
	v33 =	vadd.f32 $1.000000000e+00, v30;
	v37 =	vpop (erf)  }
0x281: {  	v39 =	vsub.f32 $1.000000000e+00, v42;
	v38 =	vsub.f32 $0.0e+00, v24;
	v40 =	vpop (erf);
	(erf) = vrcp.f32 v25  }
0x282: {  	vm5 =	vlt.f32 v28, $0.0e+00;
	v42 =	vsub.f32 $1.000000000e+00, v34;
	v25 =	vpop (erf);
	(erf) = vrcp.f32 v33  }
.Ltmp7:
0x283: {  	v34 =	vmul.f32 v40, v36;
	v33 =	vmul.f32 v37, v32;
	v24 =	vsel vm5, v38, v24;
	v28 =	vpop (erf);
	(pc) =	sbr.rel @p2 .LBB2_4-.Ltmp7, $4  }
0x284: {  	v32 =	vmul.f32 v25, v31;
	[tilespmem:s10+$0xFFFFFF80] =	vst v24;
	v24 =	vsub.f32 $0.0e+00, v35;
	v25 =	vmul.f32 v28, v39;
	v28 =	vpop (erf)  }
0x285: {  	vm5 =	vlt.f32 v26, $0.0e+00;
	v36 =	vsub.f32 $0.0e+00, v34;
	v38 =	vadd.f32 $1.000000000e+00, v28;
	v26 =	vpop (erf)  }
0x286: {  	v26 =	vmul.f32 v26, v41;
	v37 =	vsel vm4, v24, v35;
	v24 =	vsub.f32 $0.0e+00, v25;
	v35 =	vpop (erf)  }
0x287: {  	s10 =	sadd.s32 $0x100, s10;
	v35 =	vmul.f32 v35, v42;
	[tilespmem:s7+$0x30] =	vst v37;
	v37 =	vsub.f32 $0.0e+00, v33;
	(erf) = vrcp.f32 v38;
	v31 =	vpop (erf)  }
0x288: {  	_ = 	snop  }
0x289: {  	v34 =	vsel vm5, v36, v34;
	v27 =	vsub.f32 $1.000000000e+00, v27;
	v38 =	vsub.f32 $0.0e+00, v32  }
0x28a: {  	vm4 =	vlt.f32 v20, $0.0e+00;
	v50 =	vsub.f32 $1.000000000e+00, v30;
	v55 =	vsub.f32 $0.0e+00, v26  }
0x28b: {  	v48 =	vpop (erf);
	v23 =	vsub.f32 $1.000000000e+00, v23;
	v28 =	vsub.f32 $1.000000000e+00, v28;
	vm12 =	vlt.f32 v19, $0.0e+00  }
0x28c: {  	vm13 =	vlt.f32 v18, $0.0e+00;
	v20 =	vmul.f32 v48, v29;
	[tilespmem:s7+$0xFFFFFFD0] =	vst v34;
	v33 =	vsel vm0, v37, v33  }
0x28d: {  	v49 =	vsub.f32 $0.0e+00, v35;
	v51 =	vpop (erf);
	[tilespmem:s7+$0x40] =	vst v33;
	v56 =	vsel vm3, v38, v32;
	v60 =	vmul.f32 v31, v23  }
0x28e: {  	v59 =	vsel vm4, v55, v26;
	v27 =	vmul.f32 v51, v27;
	v53 =	vpop (erf);
	v54 =	vsub.f32 $0.0e+00, v20;
	[tilespmem:s7+$0xFFFFFF90] =	vst v56  }
0x28f: {  	v52 =	vsel vm2, v49, v35;
	[tilespmem:s7+$0x10] =	vst v59;
	v29 =	vmul.f32 v53, v50;
	v18 =	vsub.f32 $0.0e+00, v60  }
0x290: {  	vm14 =	vlt.f32 v17, $0.0e+00;
	[tilespmem:s7+$0xFFFFFFC0] =	vst v52;
	v57 =	vsub.f32 $0.0e+00, v27;
	v20 =	vsel vm1, v54, v20;
	v61 =	vpop (erf)  }
0x291: {  	v58 =	vsub.f32 $0.0e+00, v29;
	[tilespmem:s7+$0xFFFFFFE0] =	vst v20;
	v18 =	vsel vm14, v18, v60;
	v62 =	vmul.f32 v61, v28  }
0x292: {  	vm11 =	vlt.f32 v22, $0.0e+00;
	v63 =	vsel vm12, v57, v27;
	[tilespmem:s7+$0x70] =	vst v18  }
0x293: {  	v19 =	vsel vm11, v58, v29;
	[tilespmem:s7+$0x0] =	vst v63;
	v17 =	vsub.f32 $0.0e+00, v62  }
0x294: {  	vm15 =	vlt.f32 v21, $0.0e+00;
	[tilespmem:s7+$0x50] =	vst v19;
	v19 =	vsel vm13, v24, v25  }
0x295: {  	[tilespmem:s7+$0x60] =	vst v19;
	v17 =	vsel vm15, v17, v62  }
0x296: {  	[tilespmem:s7+$0xFFFFFFF0] =	vst v17  }
0x297: {  	[spmem:s14] =	stream.linear.scatter [tilespmem:s0], [sflag:$0xA], $0xE00, $0x38;
	[tilespmem:$0x1E7F0] =	vst v63  }
0x298: {  	_ = 	snop  }
0x299: {  	[spmem:s3] =	stream.indirect.scatter [tilespmem:s9], [sflag:$0x5], $0x10, s24, s11, $0xb8;
	[tilespmem:$0x1E7F0] =	vst v63  }
0x29a: {  	_ =	swait.ge [sflag:s29], $0xE00  }
0x29b: {  	s24 =	sld [smem:$0x7F5]  }
0x29c: {  	[sflag:s29] =	ssyncset.done $0x0  }
0x29d: {  	s30 =	sld [smem:$0x7F6];
	[sflag:s29] =	ssyncadd.s32 $0xFFFFF200  }
0x29e: {  	[tilespmem:s9], [sflag:$0x1] =	stream.linear.gather [spmem:s24], $0xE00, $0x38;
	[tilespmem:$0x1E7F0] =	vst v63  }
0x29f: {  	s10 =	simm.s32 $0x0;
	s15 =	simm.s32 $0x1BD00;
	s20 =	simm.s32 $0x1BDE0  }
0x2a0: {  	[tilespmem:s25], [sflag:$0x2] =	stream.linear.gather [spmem:s30], $0xE00, $0x38;
	[tilespmem:$0x1E7F0] =	vst v63  }
.LBB2_6:
0x2a1: {  	_ =	swait.ge [sflag:s5], $0xE00  }
0x2a2: {  	[sflag:s5] =	ssyncset.done $0x0  }
0x2a3: {  	s7 =	simm.s32 $0x1C2C0;
	[sflag:s5] =	ssyncadd.s32 $0xFFFFF200  }
0x2a4: {  	v18 =	vld [tilespmem:s7+$0xFFFFFFF0]  }
0x2a5: {  	v19 =	vld [tilespmem:s7+$0x30]  }
0x2a6: {  	v20 =	vld [tilespmem:s7+$0xFFFFFF80]  }
0x2a7: {  	v21 =	vld [tilespmem:s7+$0x70]  }
0x2a8: {  	v22 =	vld [tilespmem:s7+$0x50]  }
0x2a9: {  	v23 =	vld [tilespmem:s7+$0x60]  }
0x2aa: {  	v24 =	vld [tilespmem:s7+$0x0]  }
0x2ab: {  	v17 =	vmov s15;
	v25 =	vld [tilespmem:s7+$0x40]  }
0x2ac: {  	v26 =	vld [tilespmem:s7+$0xFFFFFFD0]  }
0x2ad: {  	v27 =	vld [tilespmem:s7+$0xFFFFFFE0]  }
0x2ae: {  	v28 =	vld [tilespmem:s7+$0xFFFFFFA0]  }
0x2af: {  	s8 =	simm.s32 $0x0;
	v59 =	vld [tilespmem:s7+$0xFFFFFFC0];
	v29 =	vmul.f32 v18, v16  }
0x2b0: {  	v30 =	vld.idx.msk [tilespmem:v17+s8+$0x0 ss:$0x1], $0xffff;
	v19 =	vmul.f32 v19, v16;
	v22 =	vmul.f32 v22, v16  }
0x2b1: {  	v23 =	vmul.f32 v23, v16;
	v21 =	vmul.f32 v21, v16  }
0x2b2: {  	v20 =	vmul.f32 v20, v16;
	v26 =	vmul.f32 v26, v16  }
0x2b3: {  	v25 =	vmul.f32 v25, v16;
	v24 =	vmul.f32 v24, v16  }
0x2b4: {  	v27 =	vmul.f32 v27, v16;
	v28 =	vmul.f32 v28, v16  }
0x2b5: {  	v48 =	vmul.f32 v59, v16;
	v33 =	vperm.xlane v30, v9  }
0x2b6: {  	v34 =	vperm.xlane v30, v15;
	v35 =	vperm.xlane v30, v11  }
0x2b7: {  	v31 =	vld [tilespmem:s7+$0xFFFFFFB0];
	v36 =	vperm.xlane v30, v12;
	v37 =	vperm.xlane v30, v2  }
0x2b8: {  	v38 =	vperm.xlane v30, v14;
	v55 =	vperm.xlane v30, v3  }
0x2b9: {  	v40 =	vperm.xlane v30, v0;
	v58 =	vperm.xlane v30, v4  }
0x2ba: {  	v61 =	vld [tilespmem:s7+$0x20];
	v42 =	vperm.xlane v30, v5;
	v44 =	vperm.xlane v30, v7  }
0x2bb: {  	v18 =	vld [tilespmem:s7+$0xFFFFFF90];
	v63 =	vperm.xlane v30, v8;
	v50 =	vperm.xlane v30, v10;
	v21 =	vadd.f32 v21, v34  }
0x2bc: {  	v34 =	vadd.f32 v19, v35;
	v19 =	vmul.f32 v31, v16;
	v25 =	vadd.f32 v25, v36  }
0x2bd: {  	v31 =	vperm.xlane v30, v6;
	v23 =	vadd.f32 v23, v38;
	v28 =	vadd.f32 v28, v37  }
0x2be: {  	v38 =	vperm.xlane v30, v1;
	v20 =	vadd.f32 v20, v40;
	v26 =	vadd.f32 v26, v42  }
0x2bf: {  	v29 =	vadd.f32 v29, v44;
	v30 =	vperm.xlane v30, v13;
	v42 =	vmul.f32 v61, v16  }
0x2c0: {  	v32 =	vmul.f32 v18, v16;
	v56 =	vand.u32 $0x7FFFFFFF, v34;
	v35 =	vadd.f32 v19, v55  }
0x2c1: {  	v39 =	vand.u32 $0x7FFFFFFF, v21;
	v27 =	vadd.f32 v27, v31;
	v31 =	vand.u32 $0x7FFFFFFF, v25  }
0x2c2: {  	vm0 =	vlt.f32 v28, $0.0e+00;
	v39 =	vmul.f32 $-2.000000000e+00, v39;
	v41 =	vand.u32 $0x7FFFFFFF, v35  }
0x2c3: {  	v43 =	vand.u32 $0x7FFFFFFF, v20;
	v28 =	vand.u32 $0x7FFFFFFF, v28;
	v57 =	vmul.f32 $-2.000000000e+00, v41  }
0x2c4: {  	v49 =	vand.u32 $0x7FFFFFFF, v26;
	v36 =	vmul.f32 $-2.000000000e+00, v56;
	v39 =	vmul.f32 $1.442695020e+00, v39  }
0x2c5: {  	v51 =	vand.u32 $0x7FFFFFFF, v29;
	v30 =	vadd.f32 v22, v30;
	v37 =	vmul.f32 $1.442695020e+00, v57  }
0x2c6: {  	v22 =	vadd.f32 v24, v63;
	v36 =	vmul.f32 $1.442695020e+00, v36;
	(erf) = vpow2.f32 v39  }
0x2c7: {  	vm4 =	vlt.f32 v25, $0.0e+00;
	v19 =	vmul.f32 $-2.000000000e+00, v31;
	(erf) = vpow2.f32 v37  }
0x2c8: {  	v18 =	vld [tilespmem:s7+$0x10];
	vm5 =	vlt.f32 v21, $0.0e+00;
	v60 =	vmul.f32 $-2.000000000e+00, v43;
	(erf) = vpow2.f32 v36  }
0x2c9: {  	v43 =	vmul.f32 $-2.000000000e+00, v51;
	v24 =	vmul.f32 $-2.000000000e+00, v28;
	v31 =	vand.u32 $0x7FFFFFFF, v27  }
0x2ca: {  	vm2 =	vlt.f32 v26, $0.0e+00;
	v19 =	vmul.f32 $1.442695020e+00, v19;
	v31 =	vmul.f32 $-2.000000000e+00, v31  }
0x2cb: {  	v56 =	vand.u32 $0x7FFFFFFF, v22;
	v62 =	vmul.f32 $1.442695020e+00, v60;
	v55 =	vmul.f32 $1.442695020e+00, v43  }
0x2cc: {  	v32 =	vadd.f32 v32, v38;
	v59 =	vmul.f32 $-2.000000000e+00, v56;
	v24 =	vmul.f32 $1.442695020e+00, v24  }
0x2cd: {  	v54 =	vand.u32 $0x7FFFFFFF, v30;
	v18 =	vmul.f32 v18, v16;
	v28 =	vmul.f32 $1.442695020e+00, v31  }
0x2ce: {  	vm1 =	vlt.f32 v27, $0.0e+00;
	v39 =	vmul.f32 $-2.000000000e+00, v54;
	(erf) = vpow2.f32 v62  }
0x2cf: {  	v38 =	vmul.f32 $1.442695020e+00, v59;
	v18 =	vadd.f32 v18, v33;
	v33 =	vadd.f32 v48, v58;
	v31 =	vpop (erf)  }
0x2d0: {  	v58 =	vand.u32 $0x7FFFFFFF, v23;
	v39 =	vmul.f32 $1.442695020e+00, v39;
	(erf) = vpow2.f32 v19;
	v57 =	vpop (erf)  }
0x2d1: {  	v27 =	vmul.f32 $-2.000000000e+00, v58;
	(erf) = vpow2.f32 v28;
	v28 =	vadd.f32 $1.000000000e+00, v57;
	v60 =	vpop (erf)  }
0x2d2: {  	v36 =	vmul.f32 $-2.000000000e+00, v49;
	(erf) = vpow2.f32 v55;
	v61 =	vadd.f32 $1.000000000e+00, v60  }
0x2d3: {  	v53 =	vand.u32 $0x7FFFFFFF, v33;
	v27 =	vmul.f32 $1.442695020e+00, v27;
	(erf) = vrcp.f32 v28  }
0x2d4: {  	v37 =	vmul.f32 $-2.000000000e+00, v53;
	v62 =	vand.u32 $0x7FFFFFFF, v32;
	(erf) = vrcp.f32 v61  }
0x2d5: {  	v52 =	vand.u32 $0x7FFFFFFF, v18;
	v40 =	vmul.f32 $-2.000000000e+00, v62;
	(erf) = vpow2.f32 v27  }
0x2d6: {  	vm10 =	vlt.f32 v23, $0.0e+00;
	v44 =	vmul.f32 $-2.000000000e+00, v52;
	(erf) = vpow2.f32 v24  }
0x2d7: {  	v19 =	vadd.f32 v42, v50;
	v21 =	vmul.f32 $1.442695020e+00, v40;
	v45 =	vpop (erf);
	(erf) = vpow2.f32 v38  }
0x2d8: {  	v37 =	vmul.f32 $1.442695020e+00, v37;
	v63 =	vadd.f32 $1.000000000e+00, v45;
	(erf) = vpow2.f32 v39  }
0x2d9: {  	v47 =	vmul.f32 $1.442695020e+00, v44;
	v28 =	vand.u32 $0x7FFFFFFF, v19;
	v25 =	vpop (erf);
	(erf) = vpow2.f32 v21  }
0x2da: {  	vm12 =	vlt.f32 v20, $0.0e+00;
	v27 =	vmul.f32 $-2.000000000e+00, v28;
	v26 =	vpop (erf);
	(erf) = vrcp.f32 v63  }
0x2db: {  	vm7 =	vlt.f32 v22, $0.0e+00;
	v28 =	vmul.f32 $1.442695020e+00, v36;
	v21 =	vpop (erf);
	(erf) = vpow2.f32 v37  }
0x2dc: {  	v48 =	vadd.f32 $1.000000000e+00, v31;
	v27 =	vmul.f32 $1.442695020e+00, v27;
	v50 =	vpop (erf);
	(erf) = vpow2.f32 v47  }
0x2dd: {  	v51 =	vsub.f32 $1.000000000e+00, v31;
	v24 =	vadd.f32 $1.000000000e+00, v26;
	v31 =	vpop (erf);
	(erf) = vpow2.f32 v28  }
0x2de: {  	v22 =	vsub.f32 $1.000000000e+00, v26;
	v26 =	vpop (erf);
	(erf) = vpow2.f32 v27;
	v27 =	vsub.f32 $1.000000000e+00, v60  }
0x2df: {  	vm8 =	vlt.f32 v30, $0.0e+00;
	v46 =	vsub.f32 $1.000000000e+00, v57;
	v28 =	vadd.f32 $1.000000000e+00, v26;
	v53 =	vpop (erf)  }
0x2e0: {  	v52 =	vsub.f32 $1.000000000e+00, v45;
	(erf) = vrcp.f32 v48;
	v54 =	vsub.f32 $1.000000000e+00, v26;
	v26 =	vpop (erf)  }
0x2e1: {  	v30 =	vadd.f32 $1.000000000e+00, v25;
	v49 =	vadd.f32 $1.000000000e+00, v21;
	(erf) = vrcp.f32 v28;
	v20 =	vpop (erf)  }
0x2e2: {  	v23 =	vsub.f32 $1.000000000e+00, v26;
	(erf) = vrcp.f32 v24;
	v24 =	vmul.f32 v31, v27;
	v27 =	vpop (erf)  }
0x2e3: {  	vm9 =	vlt.f32 v34, $0.0e+00;
	v28 =	vadd.f32 $1.000000000e+00, v20;
	v31 =	vadd.f32 $1.000000000e+00, v26;
	v26 =	vpop (erf)  }
0x2e4: {  	vm3 =	vlt.f32 v29, $0.0e+00;
	v29 =	vsub.f32 $1.000000000e+00, v20;
	v20 =	vsub.f32 $1.000000000e+00, v21;
	v21 =	vpop (erf)  }
0x2e5: {  	vm11 =	vlt.f32 v35, $0.0e+00;
	(erf) = vrcp.f32 v49;
	v56 =	vmul.f32 v26, v52;
	v26 =	vpop (erf)  }
0x2e6: {  	vm6 =	vlt.f32 v32, $0.0e+00;
	v36 =	vmul.f32 v50, v46;
	(erf) = vrcp.f32 v30;
	v30 =	vpop (erf)  }
0x2e7: {  	v55 =	vadd.f32 $1.000000000e+00, v27;
	(erf) = vrcp.f32 v28;
	v28 =	vadd.f32 $1.000000000e+00, v30  }
0x2e8: {  	v32 =	vsub.f32 $1.000000000e+00, v25;
	v40 =	vsub.f32 $0.0e+00, v36;
	(erf) = vrcp.f32 v31  }
0x2e9: {  	v25 =	vsub.f32 $1.000000000e+00, v53;
	v62 =	vadd.f32 $1.000000000e+00, v53;
	(erf) = vrcp.f32 v55;
	v31 =	vpop (erf)  }
0x2ea: {  	v63 =	vsel vm11, v40, v36;
	v57 =	vsub.f32 $0.0e+00, v24;
	v58 =	vadd.f32 $1.000000000e+00, v21;
	v61 =	vpop (erf)  }
0x2eb: {  	v59 =	vsub.f32 $0.0e+00, v56;
	v60 =	vadd.f32 $1.000000000e+00, v31;
	(erf) = vrcp.f32 v28;
	v28 =	vpop (erf)  }
0x2ec: {  	v24 =	vsel vm9, v57, v24;
	vm9 =	vlt.f32 v33, $0.0e+00;
	v33 =	vmul.f32 v28, v54  }
0x2ed: {  	s30 =	smul.u32 $0x1C0, s10;
	v37 =	vadd.f32 $1.000000000e+00, v26;
	[tilespmem:s7+$0x30] =	vst v24;
	v24 =	vmul.f32 v61, v51;
	(erf) = vrcp.f32 v60;
	v35 =	vpop (erf)  }
0x2ee: {  	[tilespmem:s7+$0xFFFFFFB0] =	vst v63;
	v34 =	vsel vm12, v59, v56;
	(erf) = vrcp.f32 v62;
	v28 =	vpop (erf);
	v36 =	vsub.f32 $0.0e+00, v33  }
0x2ef: {  	s14 =	simm.s32 $0x40;
	s24 =	simm.s32 $0x1C3C0;
	s8 =	sadd.s32 $0xE0, s30;
	v31 =	vsub.f32 $1.000000000e+00, v31;
	[tilespmem:s7+$0xFFFFFF80] =	vst v34;
	v34 =	vsub.f32 $0.0e+00, v24;
	(erf) = vrcp.f32 v58;
	v38 =	vpop (erf)  }
.LBB2_7:
0x2f0: {  	s13 =	sshra.s32 s14, $0x2;
	v39 =	vld [tilespmem:s24+$0xFFFFFFF0];
	p2 =	sne.s32 s14, $0x340;
	s14 =	sadd.s32 $0x40, s14;
	v22 =	vmul.f32 v35, v22;
	v32 =	vmul.f32 v38, v32;
	v36 =	vsel vm10, v36, v33;
	v35 =	vpop (erf)  }
0x2f1: {  	v27 =	vsub.f32 $1.000000000e+00, v27;
	v29 =	vmul.f32 v35, v29;
	[tilespmem:s7+$0x60] =	vst v36;
	v33 =	vpop (erf);
	(erf) = vrcp.f32 v37  }
0x2f2: {  	v35 =	vld [tilespmem:s24+$0x30];
	v36 =	vsub.f32 $0.0e+00, v22;
	v23 =	vmul.f32 v33, v23;
	v33 =	vsub.f32 $0.0e+00, v32;
	v37 =	vpop (erf)  }
0x2f3: {  	v30 =	vsub.f32 $1.000000000e+00, v30;
	v40 =	vsel vm5, v34, v24;
	v38 =	vsub.f32 $0.0e+00, v29  }
0x2f4: {  	v26 =	vsub.f32 $1.000000000e+00, v26;
	v27 =	vmul.f32 v37, v27;
	v34 =	vsub.f32 $0.0e+00, v23;
	[tilespmem:s7+$0x70] =	vst v40;
	v24 =	vpop (erf)  }
0x2f5: {  	v32 =	vsel vm4, v33, v32;
	v37 =	vld [tilespmem:s24+$0xFFFFFF80];
	v30 =	vmul.f32 v24, v30;
	v40 =	vsel vm8, v38, v29  }
0x2f6: {  	v24 =	vmul.f32 v39, v16;
	v38 =	vsub.f32 $0.0e+00, v27;
	v33 =	vld [tilespmem:s24+$0x70];
	v23 =	vsel vm7, v34, v23;
	[tilespmem:s7+$0x50] =	vst v40;
	v29 =	vpop (erf)  }
0x2f7: {  	v22 =	vsel vm1, v36, v22;
	v34 =	vld [tilespmem:s24+$0x50];
	v39 =	vsub.f32 $0.0e+00, v30;
	[tilespmem:s7+$0x0] =	vst v23;
	v23 =	vmul.f32 v29, v31;
	v29 =	vpop (erf)  }
0x2f8: {  	v21 =	vsub.f32 $1.000000000e+00, v21;
	v27 =	vsel vm6, v38, v27;
	v31 =	vld [tilespmem:s24+$0x60];
	v25 =	vmul.f32 v29, v25;
	[tilespmem:s7+$0x40] =	vst v32;
	v29 =	vpop (erf)  }
0x2f9: {  	v20 =	vmul.f32 v28, v20;
	v32 =	vld [tilespmem:s24+$0x0];
	v30 =	vsel vm2, v39, v30;
	[tilespmem:s7+$0xFFFFFFE0] =	vst v22;
	v22 =	vsub.f32 $0.0e+00, v23  }
0x2fa: {  	vm1 =	vlt.f32 v19, $0.0e+00;
	v28 =	vmul.f32 v35, v16;
	v35 =	vld [tilespmem:s24+$0x40];
	v36 =	vsub.f32 $0.0e+00, v25;
	[tilespmem:s7+$0xFFFFFFD0] =	vst v30;
	v19 =	vpop (erf)  }
0x2fb: {  	v30 =	vld [tilespmem:s24+$0xFFFFFFD0];
	[tilespmem:s7+$0xFFFFFF90] =	vst v27;
	v27 =	vsub.f32 $0.0e+00, v20;
	v19 =	vmul.f32 v19, v26;
	v22 =	vsel vm1, v22, v23  }
0x2fc: {  	v21 =	vmul.f32 v29, v21;
	v23 =	vsel vm0, v36, v25;
	vm0 =	vlt.f32 v18, $0.0e+00;
	[tilespmem:s7+$0x20] =	vst v22  }
0x2fd: {  	v25 =	vmul.f32 v34, v16;
	[tilespmem:s7+$0xFFFFFFA0] =	vst v23;
	v18 =	vsel vm3, v27, v20;
	v20 =	vsub.f32 $0.0e+00, v19  }
0x2fe: {  	v26 =	vmul.f32 v33, v16;
	v23 =	vmul.f32 v31, v16;
	v27 =	vsub.f32 $0.0e+00, v21;
	v22 =	vld [tilespmem:s24+$0xFFFFFFE0]  }
0x2ff: {  	v29 =	vmul.f32 v37, v16;
	v31 =	vld [tilespmem:s24+$0xFFFFFFA0];
	[tilespmem:s7+$0xFFFFFFF0] =	vst v18;
	v18 =	vsel vm0, v20, v19  }
0x300: {  	v19 =	vsel vm9, v27, v21;
	[tilespmem:s7+$0x10] =	vst v18  }
0x301: {  	v20 =	vmul.f32 v35, v16;
	v27 =	vmul.f32 v30, v16;
	v18 =	vld [tilespmem:s24+$0xFFFFFF90];
	[tilespmem:s7+$0xFFFFFFC0] =	vst v19;
	s7 =	smov.u32 s24  }
0x302: {  	v19 =	vld.idx.msk [tilespmem:v17+s13+$0x0 ss:$0x1], $0xffff  }
0x303: {  	v30 =	vmul.f32 v32, v16  }
0x304: {  	v21 =	vmul.f32 v22, v16  }
0x305: {  	v31 =	vmul.f32 v31, v16  }
0x306: {  	v22 =	vld [tilespmem:s24+$0xFFFFFFB0]  }
0x307: {  	v32 =	vmul.f32 v18, v16;
	v18 =	vld [tilespmem:s24+$0x10]  }
0x308: {  	v33 =	vperm.xlane v19, v9;
	v34 =	vperm.xlane v19, v15  }
0x309: {  	v35 =	vperm.xlane v19, v11;
	v36 =	vperm.xlane v19, v12  }
0x30a: {  	v37 =	vperm.xlane v19, v2;
	v38 =	vperm.xlane v19, v14;
	v26 =	vadd.f32 v26, v34  }
0x30b: {  	v34 =	vmul.f32 v22, v16;
	v22 =	vadd.f32 v28, v35  }
0x30c: {  	v28 =	vperm.xlane v19, v6;
	v35 =	vadd.f32 v20, v36;
	v18 =	vmul.f32 v18, v16  }
0x30d: {  	v36 =	vperm.xlane v19, v3;
	v40 =	vand.u32 $0x7FFFFFFF, v26;
	v39 =	vand.u32 $0x7FFFFFFF, v22  }
0x30e: {  	v20 =	vadd.f32 v23, v38;
	v28 =	vadd.f32 v21, v28;
	v21 =	vand.u32 $0x7FFFFFFF, v35  }
0x30f: {  	v38 =	vperm.xlane v19, v1;
	v23 =	vadd.f32 v34, v36;
	v21 =	vmul.f32 $-2.000000000e+00, v21  }
0x310: {  	v36 =	vmul.f32 $-2.000000000e+00, v39;
	v39 =	vmul.f32 $-2.000000000e+00, v40;
	v34 =	vand.u32 $0x7FFFFFFF, v28  }
0x311: {  	v40 =	vperm.xlane v19, v0;
	v41 =	vand.u32 $0x7FFFFFFF, v23;
	v42 =	vmul.f32 $1.442695020e+00, v21  }
0x312: {  	v31 =	vadd.f32 v31, v37;
	v37 =	vmul.f32 $-2.000000000e+00, v41;
	v36 =	vmul.f32 $1.442695020e+00, v36  }
0x313: {  	v21 =	vadd.f32 v29, v40;
	v29 =	vperm.xlane v19, v4;
	v39 =	vmul.f32 $1.442695020e+00, v39  }
0x314: {  	vm0 =	vlt.f32 v31, $0.0e+00;
	v41 =	vperm.xlane v19, v5;
	v37 =	vmul.f32 $1.442695020e+00, v37;
	v40 =	vld [tilespmem:s24+$0xFFFFFFC0]  }
0x315: {  	v44 =	vperm.xlane v19, v7;
	v43 =	vand.u32 $0x7FFFFFFF, v21;
	(erf) = vpow2.f32 v39  }
0x316: {  	v18 =	vadd.f32 v18, v33;
	v27 =	vadd.f32 v27, v41;
	v39 =	vmul.f32 $-2.000000000e+00, v43;
	v33 =	vld [tilespmem:s24+$0x20]  }
0x317: {  	v34 =	vmul.f32 $-2.000000000e+00, v34;
	v41 =	vadd.f32 v24, v44;
	(erf) = vpow2.f32 v37  }
0x318: {  	v31 =	vand.u32 $0x7FFFFFFF, v31;
	v24 =	vmul.f32 $1.442695020e+00, v39;
	v37 =	vperm.xlane v19, v8  }
0x319: {  	v39 =	vmul.f32 v40, v16;
	v40 =	vand.u32 $0x7FFFFFFF, v27;
	(erf) = vpow2.f32 v36  }
0x31a: {  	v43 =	vperm.xlane v19, v10;
	v19 =	vperm.xlane v19, v13;
	v36 =	vand.u32 $0x7FFFFFFF, v41  }
0x31b: {  	v44 =	vand.u32 $0x7FFFFFFF, v18;
	v40 =	vmul.f32 $-2.000000000e+00, v40;
	v45 =	vmul.f32 v33, v16  }
0x31c: {  	v30 =	vadd.f32 v30, v37;
	v36 =	vmul.f32 $-2.000000000e+00, v36;
	(erf) = vpow2.f32 v24  }
0x31d: {  	v25 =	vadd.f32 v25, v19;
	v24 =	vadd.f32 v39, v29;
	(erf) = vpow2.f32 v42  }
0x31e: {  	v29 =	vmul.f32 $-2.000000000e+00, v31;
	v31 =	vmul.f32 $1.442695020e+00, v34;
	v19 =	vadd.f32 v45, v43;
	v33 =	vpop (erf)  }
0x31f: {  	v37 =	vand.u32 $0x7FFFFFFF, v25;
	v36 =	vmul.f32 $1.442695020e+00, v36;
	v34 =	vand.u32 $0x7FFFFFFF, v24  }
0x320: {  	v37 =	vmul.f32 $-2.000000000e+00, v37;
	v45 =	vand.u32 $0x7FFFFFFF, v30;
	v42 =	vpop (erf);
	(erf) = vpow2.f32 v31  }
0x321: {  	v43 =	vand.u32 $0x7FFFFFFF, v20;
	v34 =	vmul.f32 $-2.000000000e+00, v34;
	v31 =	vadd.f32 $1.000000000e+00, v42  }
0x322: {  	v32 =	vadd.f32 v32, v38;
	v38 =	vmul.f32 $-2.000000000e+00, v45;
	v37 =	vmul.f32 $1.442695020e+00, v37;
	v39 =	vpop (erf)  }
0x323: {  	vm1 =	vlt.f32 v28, $0.0e+00;
	v28 =	vmul.f32 $-2.000000000e+00, v43;
	v34 =	vmul.f32 $1.442695020e+00, v34  }
0x324: {  	v38 =	vmul.f32 $1.442695020e+00, v38;
	v47 =	vadd.f32 $1.000000000e+00, v39;
	(erf) = vpow2.f32 v36  }
0x325: {  	v45 =	vand.u32 $0x7FFFFFFF, v19;
	v36 =	vand.u32 $0x7FFFFFFF, v32;
	v46 =	vpop (erf);
	(erf) = vrcp.f32 v31  }
0x326: {  	v48 =	vmul.f32 $1.442695020e+00, v28;
	v31 =	vadd.f32 $1.000000000e+00, v46;
	(erf) = vrcp.f32 v47;
	v43 =	vpop (erf)  }
0x327: {  	vm4 =	vlt.f32 v35, $0.0e+00;
	v44 =	vmul.f32 $-2.000000000e+00, v44;
	v36 =	vmul.f32 $-2.000000000e+00, v36  }
0x328: {  	vm5 =	vlt.f32 v26, $0.0e+00;
	v29 =	vmul.f32 $1.442695020e+00, v29;
	(erf) = vpow2.f32 v48  }
0x329: {  	vm2 =	vlt.f32 v27, $0.0e+00;
	v27 =	vmul.f32 $-2.000000000e+00, v45;
	v26 =	vmul.f32 $1.442695020e+00, v36;
	v28 =	vpop (erf)  }
0x32a: {  	v35 =	vmul.f32 $1.442695020e+00, v40;
	v36 =	vadd.f32 $1.000000000e+00, v28;
	(erf) = vpow2.f32 v29  }
0x32b: {  	v40 =	vsub.f32 $1.000000000e+00, v42;
	v27 =	vmul.f32 $1.442695020e+00, v27;
	(erf) = vpow2.f32 v38  }
0x32c: {  	v29 =	vmul.f32 $1.442695020e+00, v44;
	v38 =	vadd.f32 $1.000000000e+00, v33;
	(erf) = vpow2.f32 v37  }
0x32d: {  	vm9 =	vlt.f32 v22, $0.0e+00;
	vm7 =	vlt.f32 v30, $0.0e+00;
	(erf) = vpow2.f32 v26;
	v26 =	vpop (erf)  }
0x32e: {  	v30 =	vadd.f32 $1.000000000e+00, v26;
	(erf) = vrcp.f32 v31;
	v31 =	vpop (erf)  }
0x32f: {  	vm6 =	vlt.f32 v32, $0.0e+00;
	v37 =	vsub.f32 $1.000000000e+00, v33;
	(erf) = vpow2.f32 v34;
	v32 =	vpop (erf)  }
0x330: {  	vm11 =	vlt.f32 v23, $0.0e+00;
	v33 =	vsub.f32 $1.000000000e+00, v46;
	(erf) = vpow2.f32 v29  }
0x331: {  	vm8 =	vlt.f32 v25, $0.0e+00;
	v22 =	vsub.f32 $1.000000000e+00, v28;
	(erf) = vpow2.f32 v35;
	v23 =	vpop (erf)  }
0x332: {  	vm3 =	vlt.f32 v41, $0.0e+00;
	v25 =	vadd.f32 $1.000000000e+00, v23;
	(erf) = vpow2.f32 v27  }
0x333: {  	v28 =	vadd.f32 $1.000000000e+00, v43;
	v29 =	vsub.f32 $1.000000000e+00, v39;
	v34 =	vpop (erf);
	(erf) = vrcp.f32 v38  }
0x334: {  	vm10 =	vlt.f32 v20, $0.0e+00;
	v35 =	vsub.f32 $1.000000000e+00, v23;
	v20 =	vpop (erf);
	(erf) = vrcp.f32 v25  }
0x335: {  	vm12 =	vlt.f32 v21, $0.0e+00;
	v23 =	vsub.f32 $1.000000000e+00, v20;
	(erf) = vrcp.f32 v36;
	v21 =	vpop (erf)  }
0x336: {  	v25 =	vmul.f32 v32, v29;
	v32 =	vadd.f32 $1.000000000e+00, v21;
	v27 =	vpop (erf);
	(erf) = vrcp.f32 v30  }
0x337: {  	v36 =	vadd.f32 $1.000000000e+00, v20;
	v29 =	vsub.f32 $1.000000000e+00, v21;
	v30 =	vpop (erf);
	(erf) = vrcp.f32 v28  }
0x338: {  	v38 =	vmul.f32 v31, v40;
	v20 =	vsub.f32 $1.000000000e+00, v26;
	v41 =	vadd.f32 $1.000000000e+00, v27;
	v21 =	vpop (erf)  }
0x339: {  	v31 =	vmul.f32 v30, v33;
	v33 =	vsub.f32 $0.0e+00, v25;
	v26 =	vpop (erf);
	(erf) = vrcp.f32 v32  }
0x33a: {  	v39 =	vsub.f32 $0.0e+00, v38;
	v40 =	vadd.f32 $1.000000000e+00, v21;
	v30 =	vpop (erf);
	(erf) = vrcp.f32 v36  }
0x33b: {  	v32 =	vsub.f32 $1.000000000e+00, v43;
	v36 =	vadd.f32 $1.000000000e+00, v30;
	(erf) = vrcp.f32 v41;
	v28 =	vpop (erf)  }
0x33c: {  	v33 =	vsel vm9, v33, v25;
	v41 =	vsub.f32 $0.0e+00, v31;
	v42 =	vadd.f32 $1.000000000e+00, v28;
	v43 =	vpop (erf)  }
.Ltmp8:
0x33d: {  	v25 =	vsub.f32 $1.000000000e+00, v34;
	vm9 =	vlt.f32 v24, $0.0e+00;
	[tilespmem:s24+$0x30] =	vst v33;
	(erf) = vrcp.f32 v36;
	v24 =	vpop (erf);
	(pc) =	sbr.rel @p2 .LBB2_7-.Ltmp8, $4  }
0x33e: {  	v34 =	vadd.f32 $1.000000000e+00, v34;
	v31 =	vsel vm12, v41, v31;
	v33 =	vmul.f32 v24, v35;
	v35 =	vpop (erf)  }
0x33f: {  	v24 =	vmul.f32 v43, v37;
	[tilespmem:s24+$0xFFFFFF80] =	vst v31;
	v31 =	vsub.f32 $1.000000000e+00, v28;
	v28 =	vpop (erf);
	(erf) = vrcp.f32 v42  }
0x340: {  	v37 =	vsel vm11, v39, v38;
	v36 =	vsub.f32 $0.0e+00, v33;
	(erf) = vrcp.f32 v34;
	v38 =	vpop (erf)  }
0x341: {  	s24 =	sadd.s32 $0x100, s24;
	v34 =	vsub.f32 $0.0e+00, v24;
	[tilespmem:s7+$0xFFFFFFB0] =	vst v37;
	v37 =	vadd.f32 $1.000000000e+00, v26;
	(erf) = vrcp.f32 v40  }
0x342: {  	v41 =	vpop (erf)  }
0x343: {  	v17 =	vmul.f32 v35, v22;
	v29 =	vmul.f32 v41, v29  }
0x344: {  	v22 =	vmul.f32 v38, v32;
	(erf) = vrcp.f32 v37  }
0x345: {  	v42 =	vpop (erf);
	v45 =	vsub.f32 $0.0e+00, v29  }
0x346: {  	v27 =	vsub.f32 $1.000000000e+00, v27;
	v23 =	vmul.f32 v42, v23;
	v43 =	vsub.f32 $0.0e+00, v22  }
0x347: {  	v30 =	vsub.f32 $1.000000000e+00, v30;
	v24 =	vsel vm5, v34, v24;
	v44 =	vpop (erf);
	v29 =	vsel vm8, v45, v29  }
0x348: {  	v33 =	vsel vm10, v36, v33;
	[tilespmem:s7+$0x70] =	vst v24;
	v46 =	vsub.f32 $0.0e+00, v23;
	v47 =	vpop (erf);
	v22 =	vsel vm4, v43, v22  }
0x349: {  	v26 =	vsub.f32 $1.000000000e+00, v26;
	v35 =	vsub.f32 $0.0e+00, v17;
	v24 =	vmul.f32 v47, v30;
	[tilespmem:s7+$0x40] =	vst v22  }
0x34a: {  	v21 =	vsub.f32 $1.000000000e+00, v21;
	v27 =	vmul.f32 v44, v27;
	v23 =	vsel vm7, v46, v23;
	[tilespmem:s7+$0x50] =	vst v29;
	v29 =	vpop (erf)  }
0x34b: {  	v17 =	vsel vm1, v35, v17;
	v48 =	vsub.f32 $0.0e+00, v24;
	[tilespmem:s7+$0x0] =	vst v23;
	v23 =	vmul.f32 v29, v31;
	v29 =	vpop (erf)  }
0x34c: {  	vm1 =	vlt.f32 v19, $0.0e+00;
	v30 =	vsub.f32 $0.0e+00, v27;
	[tilespmem:s7+$0xFFFFFFE0] =	vst v17;
	v17 =	vmul.f32 v28, v20;
	v22 =	vpop (erf)  }
0x34d: {  	[tilespmem:s7+$0x60] =	vst v33;
	v24 =	vsel vm2, v48, v24;
	v25 =	vmul.f32 v29, v25;
	v20 =	vsub.f32 $0.0e+00, v23;
	v28 =	vpop (erf)  }
0x34e: {  	v27 =	vsel vm6, v30, v27;
	[tilespmem:s7+$0xFFFFFFD0] =	vst v24;
	v24 =	vsub.f32 $0.0e+00, v17;
	v19 =	vmul.f32 v28, v26  }
0x34f: {  	[tilespmem:s7+$0xFFFFFF90] =	vst v27;
	v21 =	vmul.f32 v22, v21;
	v29 =	vsub.f32 $0.0e+00, v25;
	v20 =	vsel vm1, v20, v23  }
0x350: {  	v17 =	vsel vm3, v24, v17;
	[tilespmem:s7+$0x20] =	vst v20;
	v20 =	vsub.f32 $0.0e+00, v19  }
0x351: {  	s13 =	sadd.s32 s18, s8;
	[tilespmem:s7+$0xFFFFFFF0] =	vst v17;
	v22 =	vsel vm0, v29, v25;
	vm0 =	vlt.f32 v18, $0.0e+00;
	v18 =	vsub.f32 $0.0e+00, v21  }
0x352: {  	s13 =	sshll.u32 s13, $0x4;
	[tilespmem:s7+$0xFFFFFFA0] =	vst v22;
	v17 =	vsel vm0, v20, v19  }
0x353: {  	s13 =	sand.u32 $0x3FFFFFF0, s13;
	v18 =	vsel vm9, v18, v21;
	[tilespmem:s7+$0x10] =	vst v17  }
0x354: {  	s13 =	sadd.s32 s13, s4;
	[tilespmem:s7+$0xFFFFFFC0] =	vst v18  }
0x355: {  	[spmem:s13] =	stream.linear.scatter [tilespmem:s0], [sflag:$0xA], $0xE00, $0x38;
	[tilespmem:$0x1E7F0] =	vst v63  }
0x356: {  	s14 =	sadd.s32 $0x1B600, s8  }
0x357: {  	[spmem:s3] =	stream.indirect.scatter [tilespmem:s9], [sflag:$0x5], $0x10, s14, s11, $0xb8;
	[tilespmem:$0x1E7F0] =	vst v63  }
0x358: {  	_ =	swait.ge [sflag:s17], $0xE00  }
0x359: {  	[sflag:s17] =	ssyncset.done $0x0  }
0x35a: {  	s7 =	simm.s32 $0x1D0C0;
	[sflag:s17] =	ssyncadd.s32 $0xFFFFF200  }
0x35b: {  	v18 =	vld [tilespmem:s7+$0xFFFFFFF0]  }
0x35c: {  	v19 =	vld [tilespmem:s7+$0x30]  }
0x35d: {  	v20 =	vld [tilespmem:s7+$0xFFFFFF80]  }
0x35e: {  	v21 =	vld [tilespmem:s7+$0x70]  }
0x35f: {  	v22 =	vld [tilespmem:s7+$0x50]  }
0x360: {  	v23 =	vld [tilespmem:s7+$0x60]  }
0x361: {  	v17 =	vmov s20;
	v24 =	vld [tilespmem:s7+$0x0]  }
0x362: {  	v25 =	vld [tilespmem:s7+$0x40]  }
0x363: {  	v26 =	vld [tilespmem:s7+$0xFFFFFFD0]  }
0x364: {  	v27 =	vld [tilespmem:s7+$0xFFFFFFE0]  }
0x365: {  	s24 =	simm.s32 $0x0;
	v28 =	vld [tilespmem:s7+$0xFFFFFFA0];
	v29 =	vmul.f32 v18, v16  }
0x366: {  	v30 =	vld.idx.msk [tilespmem:v17+s24+$0x0 ss:$0x1], $0xffff;
	v19 =	vmul.f32 v19, v16;
	v22 =	vmul.f32 v22, v16  }
0x367: {  	v23 =	vmul.f32 v23, v16;
	v21 =	vmul.f32 v21, v16  }
0x368: {  	v20 =	vmul.f32 v20, v16;
	v26 =	vmul.f32 v26, v16  }
0x369: {  	v25 =	vmul.f32 v25, v16;
	v24 =	vmul.f32 v24, v16  }
0x36a: {  	v27 =	vmul.f32 v27, v16;
	v28 =	vmul.f32 v28, v16  }
0x36b: {  	v49 =	vperm.xlane v30, v9;
	v50 =	vperm.xlane v30, v15  }
0x36c: {  	v51 =	vperm.xlane v30, v11;
	v52 =	vperm.xlane v30, v12  }
0x36d: {  	v59 =	vld [tilespmem:s7+$0xFFFFFFC0];
	v53 =	vperm.xlane v30, v2;
	v54 =	vperm.xlane v30, v14  }
0x36e: {  	v31 =	vld [tilespmem:s7+$0xFFFFFFB0];
	v55 =	vperm.xlane v30, v3;
	v38 =	vperm.xlane v30, v1  }
0x36f: {  	v40 =	vperm.xlane v30, v0;
	v58 =	vperm.xlane v30, v4  }
0x370: {  	v42 =	vperm.xlane v30, v5;
	v44 =	vperm.xlane v30, v7  }
0x371: {  	v61 =	vld [tilespmem:s7+$0x20];
	v63 =	vperm.xlane v30, v8;
	v21 =	vadd.f32 v21, v50;
	v34 =	vadd.f32 v19, v51  }
0x372: {  	v48 =	vmul.f32 v59, v16;
	v25 =	vadd.f32 v25, v52;
	v23 =	vadd.f32 v23, v54  }
0x373: {  	v19 =	vmul.f32 v31, v16;
	v28 =	vadd.f32 v28, v53;
	v20 =	vadd.f32 v20, v40  }
0x374: {  	v31 =	vperm.xlane v30, v6;
	v26 =	vadd.f32 v26, v42;
	v29 =	vadd.f32 v29, v44  }
0x375: {  	v50 =	vperm.xlane v30, v10;
	v30 =	vperm.xlane v30, v13;
	v35 =	vadd.f32 v19, v55  }
0x376: {  	v42 =	vmul.f32 v61, v16;
	v33 =	vadd.f32 v48, v58;
	v39 =	vand.u32 $0x7FFFFFFF, v21  }
0x377: {  	v56 =	vand.u32 $0x7FFFFFFF, v34;
	v39 =	vmul.f32 $-2.000000000e+00, v39;
	v41 =	vand.u32 $0x7FFFFFFF, v35  }
0x378: {  	v18 =	vld [tilespmem:s7+$0xFFFFFF90];
	v27 =	vadd.f32 v27, v31;
	v31 =	vand.u32 $0x7FFFFFFF, v25;
	v57 =	vmul.f32 $-2.000000000e+00, v41  }
0x379: {  	vm0 =	vlt.f32 v28, $0.0e+00;
	v36 =	vmul.f32 $-2.000000000e+00, v56;
	v39 =	vmul.f32 $1.442695020e+00, v39  }
0x37a: {  	v43 =	vand.u32 $0x7FFFFFFF, v20;
	v28 =	vand.u32 $0x7FFFFFFF, v28;
	v37 =	vmul.f32 $1.442695020e+00, v57  }
0x37b: {  	v51 =	vand.u32 $0x7FFFFFFF, v29;
	v36 =	vmul.f32 $1.442695020e+00, v36;
	(erf) = vpow2.f32 v39  }
0x37c: {  	v30 =	vadd.f32 v22, v30;
	v22 =	vadd.f32 v24, v63;
	(erf) = vpow2.f32 v37  }
0x37d: {  	v53 =	vand.u32 $0x7FFFFFFF, v33;
	v32 =	vmul.f32 v18, v16;
	(erf) = vpow2.f32 v36  }
0x37e: {  	v58 =	vand.u32 $0x7FFFFFFF, v23;
	v19 =	vmul.f32 $-2.000000000e+00, v31;
	v60 =	vmul.f32 $-2.000000000e+00, v43  }
0x37f: {  	v43 =	vmul.f32 $-2.000000000e+00, v51;
	v24 =	vmul.f32 $-2.000000000e+00, v28;
	v31 =	vand.u32 $0x7FFFFFFF, v27  }
0x380: {  	vm1 =	vlt.f32 v27, $0.0e+00;
	v27 =	vmul.f32 $-2.000000000e+00, v58;
	v31 =	vmul.f32 $-2.000000000e+00, v31  }
0x381: {  	v56 =	vand.u32 $0x7FFFFFFF, v22;
	v19 =	vmul.f32 $1.442695020e+00, v19;
	v62 =	vmul.f32 $1.442695020e+00, v60  }
0x382: {  	vm4 =	vlt.f32 v25, $0.0e+00;
	v18 =	vld [tilespmem:s7+$0x10];
	v55 =	vmul.f32 $1.442695020e+00, v43;
	v59 =	vmul.f32 $-2.000000000e+00, v56  }
0x383: {  	vm5 =	vlt.f32 v21, $0.0e+00;
	v24 =	vmul.f32 $1.442695020e+00, v24;
	v27 =	vmul.f32 $1.442695020e+00, v27  }
0x384: {  	v54 =	vand.u32 $0x7FFFFFFF, v30;
	v28 =	vmul.f32 $1.442695020e+00, v31;
	(erf) = vpow2.f32 v62;
	v31 =	vpop (erf)  }
0x385: {  	v32 =	vadd.f32 v32, v38;
	v39 =	vmul.f32 $-2.000000000e+00, v54;
	(erf) = vpow2.f32 v19;
	v57 =	vpop (erf)  }
0x386: {  	v38 =	vmul.f32 $1.442695020e+00, v59;
	(erf) = vpow2.f32 v28;
	v28 =	vadd.f32 $1.000000000e+00, v57;
	v60 =	vpop (erf)  }
0x387: {  	v18 =	vmul.f32 v18, v16;
	(erf) = vpow2.f32 v55;
	v61 =	vadd.f32 $1.000000000e+00, v60  }
0x388: {  	vm2 =	vlt.f32 v26, $0.0e+00;
	v37 =	vmul.f32 $-2.000000000e+00, v53;
	(erf) = vrcp.f32 v28  }
0x389: {  	v18 =	vadd.f32 v18, v49;
	v62 =	vand.u32 $0x7FFFFFFF, v32;
	(erf) = vrcp.f32 v61  }
0x38a: {  	v49 =	vand.u32 $0x7FFFFFFF, v26;
	v40 =	vmul.f32 $-2.000000000e+00, v62;
	(erf) = vpow2.f32 v27  }
0x38b: {  	vm3 =	vlt.f32 v29, $0.0e+00;
	v39 =	vmul.f32 $1.442695020e+00, v39;
	v36 =	vmul.f32 $-2.000000000e+00, v49  }
0x38c: {  	v52 =	vand.u32 $0x7FFFFFFF, v18;
	v21 =	vmul.f32 $1.442695020e+00, v40;
	(erf) = vpow2.f32 v24  }
0x38d: {  	v19 =	vadd.f32 v42, v50;
	v44 =	vmul.f32 $-2.000000000e+00, v52;
	v45 =	vpop (erf);
	(erf) = vpow2.f32 v38  }
0x38e: {  	v37 =	vmul.f32 $1.442695020e+00, v37;
	v63 =	vadd.f32 $1.000000000e+00, v45;
	v25 =	vpop (erf);
	(erf) = vpow2.f32 v39  }
0x38f: {  	v47 =	vmul.f32 $1.442695020e+00, v44;
	v28 =	vand.u32 $0x7FFFFFFF, v19;
	v26 =	vpop (erf);
	(erf) = vpow2.f32 v21  }
0x390: {  	vm10 =	vlt.f32 v23, $0.0e+00;
	v27 =	vmul.f32 $-2.000000000e+00, v28;
	v21 =	vpop (erf);
	(erf) = vrcp.f32 v63  }
0x391: {  	vm7 =	vlt.f32 v22, $0.0e+00;
	v28 =	vmul.f32 $1.442695020e+00, v36;
	(erf) = vpow2.f32 v37;
	v50 =	vpop (erf)  }
0x392: {  	v48 =	vadd.f32 $1.000000000e+00, v31;
	v51 =	vsub.f32 $1.000000000e+00, v31;
	(erf) = vpow2.f32 v47;
	v31 =	vpop (erf)  }
0x393: {  	v22 =	vsub.f32 $1.000000000e+00, v26;
	v24 =	vadd.f32 $1.000000000e+00, v26;
	(erf) = vpow2.f32 v28;
	v26 =	vpop (erf)  }
0x394: {  	vm12 =	vlt.f32 v20, $0.0e+00;
	v27 =	vmul.f32 $1.442695020e+00, v27;
	v28 =	vadd.f32 $1.000000000e+00, v26  }
0x395: {  	vm8 =	vlt.f32 v30, $0.0e+00;
	v46 =	vsub.f32 $1.000000000e+00, v57;
	v52 =	vsub.f32 $1.000000000e+00, v45;
	v53 =	vpop (erf)  }
0x396: {  	v30 =	vadd.f32 $1.000000000e+00, v25;
	(erf) = vpow2.f32 v27;
	v54 =	vsub.f32 $1.000000000e+00, v26;
	v26 =	vpop (erf)  }
0x397: {  	v49 =	vadd.f32 $1.000000000e+00, v21;
	v27 =	vsub.f32 $1.000000000e+00, v60;
	(erf) = vrcp.f32 v48;
	v20 =	vpop (erf)  }
0x398: {  	(erf) = vrcp.f32 v28;
	v23 =	vsub.f32 $1.000000000e+00, v26;
	v55 =	vadd.f32 $1.000000000e+00, v26;
	v28 =	vpop (erf)  }
0x399: {  	(erf) = vrcp.f32 v24;
	v24 =	vmul.f32 v31, v27;
	v27 =	vadd.f32 $1.000000000e+00, v20;
	v26 =	vpop (erf)  }
0x39a: {  	v29 =	vsub.f32 $1.000000000e+00, v20;
	v20 =	vsub.f32 $1.000000000e+00, v21;
	(erf) = vrcp.f32 v49;
	v21 =	vpop (erf)  }
0x39b: {  	(erf) = vrcp.f32 v30;
	v30 =	vadd.f32 $1.000000000e+00, v28;
	v56 =	vmul.f32 v26, v52;
	v26 =	vpop (erf)  }
0x39c: {  	vm9 =	vlt.f32 v34, $0.0e+00;
	vm11 =	vlt.f32 v35, $0.0e+00;
	v36 =	vmul.f32 v50, v46;
	v31 =	vpop (erf)  }
0x39d: {  	vm6 =	vlt.f32 v32, $0.0e+00;
	(erf) = vrcp.f32 v27;
	v27 =	vadd.f32 $1.000000000e+00, v31  }
0x39e: {  	v32 =	vsub.f32 $1.000000000e+00, v25;
	v40 =	vsub.f32 $0.0e+00, v36;
	(erf) = vrcp.f32 v55  }
0x39f: {  	v25 =	vsub.f32 $1.000000000e+00, v53;
	v57 =	vsub.f32 $0.0e+00, v24;
	(erf) = vrcp.f32 v30;
	v30 =	vpop (erf)  }
0x3a0: {  	v62 =	vadd.f32 $1.000000000e+00, v53;
	v63 =	vsel vm11, v40, v36;
	v58 =	vadd.f32 $1.000000000e+00, v21;
	v61 =	vpop (erf)  }
0x3a1: {  	v24 =	vsel vm9, v57, v24;
	v60 =	vadd.f32 $1.000000000e+00, v30;
	(erf) = vrcp.f32 v27;
	v27 =	vpop (erf)  }
0x3a2: {  	vm9 =	vlt.f32 v33, $0.0e+00;
	v59 =	vsub.f32 $0.0e+00, v56;
	v33 =	vmul.f32 v27, v54  }
0x3a3: {  	[tilespmem:s7+$0x30] =	vst v24;
	v37 =	vadd.f32 $1.000000000e+00, v26;
	v24 =	vmul.f32 v61, v51;
	(erf) = vrcp.f32 v60;
	v35 =	vpop (erf)  }
0x3a4: {  	[tilespmem:s7+$0xFFFFFFB0] =	vst v63;
	v34 =	vsel vm12, v59, v56;
	(erf) = vrcp.f32 v62;
	v27 =	vpop (erf);
	v36 =	vsub.f32 $0.0e+00, v33  }
0x3a5: {  	s8 =	sadd.s32 $0x1C0, s30;
	s14 =	simm.s32 $0x40;
	s24 =	simm.s32 $0x1D1C0;
	v30 =	vsub.f32 $1.000000000e+00, v30;
	[tilespmem:s7+$0xFFFFFF80] =	vst v34;
	v34 =	vsub.f32 $0.0e+00, v24;
	(erf) = vrcp.f32 v58;
	v38 =	vpop (erf)  }
.LBB2_9:
0x3a6: {  	s13 =	sshra.s32 s14, $0x2;
	v39 =	vld [tilespmem:s24+$0xFFFFFFF0];
	p2 =	sne.s32 s14, $0x340;
	s14 =	sadd.s32 $0x40, s14;
	v22 =	vmul.f32 v35, v22;
	v32 =	vmul.f32 v38, v32;
	v36 =	vsel vm10, v36, v33;
	v35 =	vpop (erf)  }
0x3a7: {  	v28 =	vsub.f32 $1.000000000e+00, v28;
	v29 =	vmul.f32 v35, v29;
	[tilespmem:s7+$0x60] =	vst v36;
	v33 =	vpop (erf);
	(erf) = vrcp.f32 v37  }
0x3a8: {  	v35 =	vld [tilespmem:s24+$0x30];
	v36 =	vsub.f32 $0.0e+00, v22;
	v23 =	vmul.f32 v33, v23;
	v33 =	vsub.f32 $0.0e+00, v32;
	v37 =	vpop (erf)  }
0x3a9: {  	v31 =	vsub.f32 $1.000000000e+00, v31;
	v40 =	vsel vm5, v34, v24;
	v38 =	vsub.f32 $0.0e+00, v29  }
0x3aa: {  	v26 =	vsub.f32 $1.000000000e+00, v26;
	v28 =	vmul.f32 v37, v28;
	v34 =	vsub.f32 $0.0e+00, v23;
	[tilespmem:s7+$0x70] =	vst v40;
	v24 =	vpop (erf)  }
0x3ab: {  	v32 =	vsel vm4, v33, v32;
	v37 =	vld [tilespmem:s24+$0xFFFFFF80];
	v31 =	vmul.f32 v24, v31;
	v40 =	vsel vm8, v38, v29  }
0x3ac: {  	v24 =	vmul.f32 v39, v16;
	v38 =	vsub.f32 $0.0e+00, v28;
	v33 =	vld [tilespmem:s24+$0x70];
	v23 =	vsel vm7, v34, v23;
	[tilespmem:s7+$0x50] =	vst v40;
	v29 =	vpop (erf)  }
0x3ad: {  	v22 =	vsel vm1, v36, v22;
	v34 =	vld [tilespmem:s24+$0x50];
	v39 =	vsub.f32 $0.0e+00, v31;
	[tilespmem:s7+$0x0] =	vst v23;
	v23 =	vmul.f32 v29, v30;
	v29 =	vpop (erf)  }
0x3ae: {  	v21 =	vsub.f32 $1.000000000e+00, v21;
	v28 =	vsel vm6, v38, v28;
	v30 =	vld [tilespmem:s24+$0x60];
	v25 =	vmul.f32 v29, v25;
	[tilespmem:s7+$0x40] =	vst v32;
	v29 =	vpop (erf)  }
0x3af: {  	v20 =	vmul.f32 v27, v20;
	v32 =	vld [tilespmem:s24+$0x0];
	v31 =	vsel vm2, v39, v31;
	[tilespmem:s7+$0xFFFFFFE0] =	vst v22;
	v22 =	vsub.f32 $0.0e+00, v23  }
0x3b0: {  	vm1 =	vlt.f32 v19, $0.0e+00;
	v27 =	vmul.f32 v35, v16;
	v35 =	vld [tilespmem:s24+$0x40];
	v36 =	vsub.f32 $0.0e+00, v25;
	[tilespmem:s7+$0xFFFFFFD0] =	vst v31;
	v19 =	vpop (erf)  }
0x3b1: {  	v31 =	vld [tilespmem:s24+$0xFFFFFFD0];
	[tilespmem:s7+$0xFFFFFF90] =	vst v28;
	v28 =	vsub.f32 $0.0e+00, v20;
	v19 =	vmul.f32 v19, v26;
	v22 =	vsel vm1, v22, v23  }
0x3b2: {  	v21 =	vmul.f32 v29, v21;
	v23 =	vsel vm0, v36, v25;
	vm0 =	vlt.f32 v18, $0.0e+00;
	[tilespmem:s7+$0x20] =	vst v22  }
0x3b3: {  	v25 =	vmul.f32 v34, v16;
	[tilespmem:s7+$0xFFFFFFA0] =	vst v23;
	v18 =	vsel vm3, v28, v20;
	v20 =	vsub.f32 $0.0e+00, v19  }
0x3b4: {  	v26 =	vmul.f32 v33, v16;
	v23 =	vmul.f32 v30, v16;
	v28 =	vsub.f32 $0.0e+00, v21;
	v22 =	vld [tilespmem:s24+$0xFFFFFFE0]  }
0x3b5: {  	v29 =	vmul.f32 v37, v16;
	v30 =	vld [tilespmem:s24+$0xFFFFFFA0];
	[tilespmem:s7+$0xFFFFFFF0] =	vst v18;
	v18 =	vsel vm0, v20, v19  }
0x3b6: {  	v19 =	vsel vm9, v28, v21;
	[tilespmem:s7+$0x10] =	vst v18  }
0x3b7: {  	v20 =	vmul.f32 v35, v16;
	v28 =	vmul.f32 v31, v16;
	v18 =	vld [tilespmem:s24+$0xFFFFFF90];
	[tilespmem:s7+$0xFFFFFFC0] =	vst v19;
	s7 =	smov.u32 s24  }
0x3b8: {  	v19 =	vld.idx.msk [tilespmem:v17+s13+$0x0 ss:$0x1], $0xffff  }
0x3b9: {  	v31 =	vmul.f32 v32, v16  }
0x3ba: {  	v21 =	vmul.f32 v22, v16  }
0x3bb: {  	v30 =	vmul.f32 v30, v16  }
0x3bc: {  	v22 =	vld [tilespmem:s24+$0xFFFFFFB0]  }
0x3bd: {  	v32 =	vmul.f32 v18, v16;
	v18 =	vld [tilespmem:s24+$0x10]  }
0x3be: {  	v33 =	vperm.xlane v19, v9;
	v34 =	vperm.xlane v19, v15  }
0x3bf: {  	v35 =	vperm.xlane v19, v11;
	v36 =	vperm.xlane v19, v12  }
0x3c0: {  	v37 =	vperm.xlane v19, v2;
	v38 =	vperm.xlane v19, v14;
	v26 =	vadd.f32 v26, v34  }
0x3c1: {  	v34 =	vmul.f32 v22, v16;
	v22 =	vadd.f32 v27, v35  }
0x3c2: {  	v27 =	vperm.xlane v19, v6;
	v35 =	vadd.f32 v20, v36;
	v18 =	vmul.f32 v18, v16  }
0x3c3: {  	v36 =	vperm.xlane v19, v3;
	v40 =	vand.u32 $0x7FFFFFFF, v26;
	v39 =	vand.u32 $0x7FFFFFFF, v22  }
0x3c4: {  	v20 =	vadd.f32 v23, v38;
	v27 =	vadd.f32 v21, v27;
	v21 =	vand.u32 $0x7FFFFFFF, v35  }
0x3c5: {  	v38 =	vperm.xlane v19, v1;
	v23 =	vadd.f32 v34, v36;
	v21 =	vmul.f32 $-2.000000000e+00, v21  }
0x3c6: {  	v36 =	vmul.f32 $-2.000000000e+00, v39;
	v39 =	vmul.f32 $-2.000000000e+00, v40;
	v34 =	vand.u32 $0x7FFFFFFF, v27  }
0x3c7: {  	v40 =	vperm.xlane v19, v0;
	v41 =	vand.u32 $0x7FFFFFFF, v23;
	v42 =	vmul.f32 $1.442695020e+00, v21  }
0x3c8: {  	v30 =	vadd.f32 v30, v37;
	v37 =	vmul.f32 $-2.000000000e+00, v41;
	v36 =	vmul.f32 $1.442695020e+00, v36  }
0x3c9: {  	v21 =	vadd.f32 v29, v40;
	v29 =	vperm.xlane v19, v4;
	v39 =	vmul.f32 $1.442695020e+00, v39  }
0x3ca: {  	vm0 =	vlt.f32 v30, $0.0e+00;
	v41 =	vperm.xlane v19, v5;
	v37 =	vmul.f32 $1.442695020e+00, v37;
	v40 =	vld [tilespmem:s24+$0xFFFFFFC0]  }
0x3cb: {  	v44 =	vperm.xlane v19, v7;
	v43 =	vand.u32 $0x7FFFFFFF, v21;
	(erf) = vpow2.f32 v39  }
0x3cc: {  	v18 =	vadd.f32 v18, v33;
	v28 =	vadd.f32 v28, v41;
	v39 =	vmul.f32 $-2.000000000e+00, v43;
	v33 =	vld [tilespmem:s24+$0x20]  }
0x3cd: {  	v34 =	vmul.f32 $-2.000000000e+00, v34;
	v41 =	vadd.f32 v24, v44;
	(erf) = vpow2.f32 v37  }
0x3ce: {  	v30 =	vand.u32 $0x7FFFFFFF, v30;
	v24 =	vmul.f32 $1.442695020e+00, v39;
	v37 =	vperm.xlane v19, v8  }
0x3cf: {  	v39 =	vmul.f32 v40, v16;
	v40 =	vand.u32 $0x7FFFFFFF, v28;
	(erf) = vpow2.f32 v36  }
0x3d0: {  	v43 =	vperm.xlane v19, v10;
	v19 =	vperm.xlane v19, v13;
	v36 =	vand.u32 $0x7FFFFFFF, v41  }
0x3d1: {  	v44 =	vand.u32 $0x7FFFFFFF, v18;
	v40 =	vmul.f32 $-2.000000000e+00, v40;
	v45 =	vmul.f32 v33, v16  }
0x3d2: {  	v31 =	vadd.f32 v31, v37;
	v36 =	vmul.f32 $-2.000000000e+00, v36;
	(erf) = vpow2.f32 v24  }
0x3d3: {  	v25 =	vadd.f32 v25, v19;
	v24 =	vadd.f32 v39, v29;
	(erf) = vpow2.f32 v42  }
0x3d4: {  	v29 =	vmul.f32 $-2.000000000e+00, v30;
	v30 =	vmul.f32 $1.442695020e+00, v34;
	v19 =	vadd.f32 v45, v43;
	v33 =	vpop (erf)  }
0x3d5: {  	v37 =	vand.u32 $0x7FFFFFFF, v25;
	v36 =	vmul.f32 $1.442695020e+00, v36;
	v34 =	vand.u32 $0x7FFFFFFF, v24  }
0x3d6: {  	v37 =	vmul.f32 $-2.000000000e+00, v37;
	v45 =	vand.u32 $0x7FFFFFFF, v31;
	v42 =	vpop (erf);
	(erf) = vpow2.f32 v30  }
0x3d7: {  	v43 =	vand.u32 $0x7FFFFFFF, v20;
	v34 =	vmul.f32 $-2.000000000e+00, v34;
	v30 =	vadd.f32 $1.000000000e+00, v42  }
0x3d8: {  	v32 =	vadd.f32 v32, v38;
	v38 =	vmul.f32 $-2.000000000e+00, v45;
	v37 =	vmul.f32 $1.442695020e+00, v37;
	v39 =	vpop (erf)  }
0x3d9: {  	vm1 =	vlt.f32 v27, $0.0e+00;
	v27 =	vmul.f32 $-2.000000000e+00, v43;
	v34 =	vmul.f32 $1.442695020e+00, v34  }
0x3da: {  	v38 =	vmul.f32 $1.442695020e+00, v38;
	v47 =	vadd.f32 $1.000000000e+00, v39;
	(erf) = vpow2.f32 v36  }
0x3db: {  	v45 =	vand.u32 $0x7FFFFFFF, v19;
	v36 =	vand.u32 $0x7FFFFFFF, v32;
	v46 =	vpop (erf);
	(erf) = vrcp.f32 v30  }
0x3dc: {  	v27 =	vmul.f32 $1.442695020e+00, v27;
	v30 =	vadd.f32 $1.000000000e+00, v46;
	(erf) = vrcp.f32 v47;
	v43 =	vpop (erf)  }
0x3dd: {  	vm4 =	vlt.f32 v35, $0.0e+00;
	v44 =	vmul.f32 $-2.000000000e+00, v44;
	v36 =	vmul.f32 $-2.000000000e+00, v36  }
0x3de: {  	vm5 =	vlt.f32 v26, $0.0e+00;
	v29 =	vmul.f32 $1.442695020e+00, v29;
	(erf) = vpow2.f32 v27  }
0x3df: {  	vm2 =	vlt.f32 v28, $0.0e+00;
	v26 =	vmul.f32 $1.442695020e+00, v36;
	v27 =	vmul.f32 $-2.000000000e+00, v45;
	v28 =	vpop (erf)  }
0x3e0: {  	v35 =	vmul.f32 $1.442695020e+00, v40;
	v36 =	vadd.f32 $1.000000000e+00, v28;
	(erf) = vpow2.f32 v29  }
0x3e1: {  	v40 =	vsub.f32 $1.000000000e+00, v42;
	v27 =	vmul.f32 $1.442695020e+00, v27;
	(erf) = vpow2.f32 v38  }
0x3e2: {  	v29 =	vmul.f32 $1.442695020e+00, v44;
	v38 =	vadd.f32 $1.000000000e+00, v33;
	(erf) = vpow2.f32 v37  }
0x3e3: {  	vm9 =	vlt.f32 v22, $0.0e+00;
	vm7 =	vlt.f32 v31, $0.0e+00;
	(erf) = vpow2.f32 v26;
	v26 =	vpop (erf)  }
0x3e4: {  	v31 =	vadd.f32 $1.000000000e+00, v26;
	(erf) = vrcp.f32 v30;
	v30 =	vpop (erf)  }
0x3e5: {  	vm6 =	vlt.f32 v32, $0.0e+00;
	v37 =	vsub.f32 $1.000000000e+00, v33;
	(erf) = vpow2.f32 v34;
	v32 =	vpop (erf)  }
0x3e6: {  	vm11 =	vlt.f32 v23, $0.0e+00;
	v33 =	vsub.f32 $1.000000000e+00, v46;
	(erf) = vpow2.f32 v29  }
0x3e7: {  	vm8 =	vlt.f32 v25, $0.0e+00;
	v22 =	vsub.f32 $1.000000000e+00, v28;
	(erf) = vpow2.f32 v35;
	v23 =	vpop (erf)  }
0x3e8: {  	vm3 =	vlt.f32 v41, $0.0e+00;
	v25 =	vadd.f32 $1.000000000e+00, v23;
	(erf) = vpow2.f32 v27  }
0x3e9: {  	v34 =	vadd.f32 $1.000000000e+00, v43;
	v27 =	vsub.f32 $1.000000000e+00, v39;
	v35 =	vpop (erf);
	(erf) = vrcp.f32 v38  }
0x3ea: {  	vm10 =	vlt.f32 v20, $0.0e+00;
	v38 =	vsub.f32 $1.000000000e+00, v23;
	v20 =	vpop (erf);
	(erf) = vrcp.f32 v25  }
0x3eb: {  	vm12 =	vlt.f32 v21, $0.0e+00;
	v23 =	vsub.f32 $1.000000000e+00, v20;
	(erf) = vrcp.f32 v36;
	v21 =	vpop (erf)  }
0x3ec: {  	v25 =	vmul.f32 v32, v27;
	v27 =	vadd.f32 $1.000000000e+00, v21;
	v28 =	vpop (erf);
	(erf) = vrcp.f32 v31  }
0x3ed: {  	v32 =	vadd.f32 $1.000000000e+00, v20;
	v29 =	vsub.f32 $1.000000000e+00, v21;
	v31 =	vpop (erf);
	(erf) = vrcp.f32 v34  }
0x3ee: {  	v36 =	vmul.f32 v30, v40;
	v20 =	vsub.f32 $1.000000000e+00, v26;
	v41 =	vadd.f32 $1.000000000e+00, v28;
	v21 =	vpop (erf)  }
0x3ef: {  	v30 =	vmul.f32 v31, v33;
	v33 =	vsub.f32 $0.0e+00, v25;
	v26 =	vpop (erf);
	(erf) = vrcp.f32 v27  }
0x3f0: {  	v39 =	vsub.f32 $0.0e+00, v36;
	v40 =	vadd.f32 $1.000000000e+00, v21;
	v31 =	vpop (erf);
	(erf) = vrcp.f32 v32  }
0x3f1: {  	v32 =	vsub.f32 $1.000000000e+00, v43;
	v27 =	vadd.f32 $1.000000000e+00, v31;
	(erf) = vrcp.f32 v41;
	v34 =	vpop (erf)  }
0x3f2: {  	v33 =	vsel vm9, v33, v25;
	v41 =	vsub.f32 $0.0e+00, v30;
	v42 =	vadd.f32 $1.000000000e+00, v34;
	v43 =	vpop (erf)  }
.Ltmp9:
0x3f3: {  	v25 =	vsub.f32 $1.000000000e+00, v35;
	vm9 =	vlt.f32 v24, $0.0e+00;
	[tilespmem:s24+$0x30] =	vst v33;
	(erf) = vrcp.f32 v27;
	v24 =	vpop (erf);
	(pc) =	sbr.rel @p2 .LBB2_9-.Ltmp9, $4  }
0x3f4: {  	v44 =	vsel vm12, v41, v30;
	v41 =	vadd.f32 $1.000000000e+00, v35;
	v33 =	vmul.f32 v24, v38;
	v35 =	vpop (erf)  }
0x3f5: {  	v30 =	vsub.f32 $1.000000000e+00, v34;
	v24 =	vmul.f32 v43, v37;
	[tilespmem:s24+$0xFFFFFF80] =	vst v44;
	v27 =	vpop (erf);
	(erf) = vrcp.f32 v42  }
0x3f6: {  	v34 =	vsel vm11, v39, v36;
	v36 =	vsub.f32 $0.0e+00, v33;
	(erf) = vrcp.f32 v41;
	v38 =	vpop (erf)  }
0x3f7: {  	v37 =	vadd.f32 $1.000000000e+00, v26;
	s24 =	sadd.s32 $0x100, s24;
	[tilespmem:s7+$0xFFFFFFB0] =	vst v34;
	v34 =	vsub.f32 $0.0e+00, v24;
	(erf) = vrcp.f32 v40  }
0x3f8: {  	v17 =	vmul.f32 v35, v22;
	v44 =	vmul.f32 v38, v32  }
0x3f9: {  	v45 =	vpop (erf);
	v28 =	vsub.f32 $1.000000000e+00, v28;
	v31 =	vsub.f32 $1.000000000e+00, v31;
	(erf) = vrcp.f32 v37  }
0x3fa: {  	v33 =	vsel vm10, v36, v33;
	v26 =	vsub.f32 $1.000000000e+00, v26;
	v21 =	vsub.f32 $1.000000000e+00, v21  }
0x3fb: {  	vm14 =	vlt.f32 v19, $0.0e+00;
	v29 =	vmul.f32 v45, v29;
	v46 =	vpop (erf);
	v47 =	vsub.f32 $0.0e+00, v44  }
0x3fc: {  	[tilespmem:s7+$0x60] =	vst v33;
	v24 =	vsel vm5, v34, v24;
	v35 =	vsub.f32 $0.0e+00, v17;
	v23 =	vmul.f32 v46, v23;
	v48 =	vpop (erf)  }
0x3fd: {  	[tilespmem:s7+$0x70] =	vst v24;
	v49 =	vsub.f32 $0.0e+00, v29;
	v28 =	vmul.f32 v48, v28;
	v51 =	vpop (erf);
	v22 =	vsel vm4, v47, v44  }
0x3fe: {  	v50 =	vsub.f32 $0.0e+00, v23;
	v17 =	vsel vm1, v35, v17;
	v52 =	vmul.f32 v51, v31;
	[tilespmem:s7+$0x40] =	vst v22  }
0x3ff: {  	v29 =	vsel vm8, v49, v29;
	v53 =	vsub.f32 $0.0e+00, v28;
	[tilespmem:s7+$0xFFFFFFE0] =	vst v17;
	v17 =	vmul.f32 v27, v20;
	v54 =	vpop (erf)  }
0x400: {  	v23 =	vsel vm7, v50, v23;
	[tilespmem:s7+$0x50] =	vst v29;
	v55 =	vsub.f32 $0.0e+00, v52;
	v56 =	vmul.f32 v54, v30;
	v57 =	vpop (erf)  }
0x401: {  	[tilespmem:s7+$0x0] =	vst v23;
	v28 =	vsel vm6, v53, v28;
	v61 =	vsub.f32 $0.0e+00, v17;
	v25 =	vmul.f32 v57, v25;
	v58 =	vpop (erf)  }
0x402: {  	[tilespmem:s7+$0xFFFFFF90] =	vst v28;
	v24 =	vsel vm2, v55, v52;
	v59 =	vsub.f32 $0.0e+00, v56;
	v21 =	vmul.f32 v58, v21;
	v60 =	vpop (erf)  }
0x403: {  	v17 =	vsel vm3, v61, v17;
	v29 =	vsub.f32 $0.0e+00, v25;
	[tilespmem:s7+$0xFFFFFFD0] =	vst v24;
	v19 =	vmul.f32 v60, v26  }
0x404: {  	vm15 =	vlt.f32 v18, $0.0e+00;
	[tilespmem:s7+$0xFFFFFFF0] =	vst v17;
	v20 =	vsel vm14, v59, v56;
	v18 =	vsub.f32 $0.0e+00, v21  }
0x405: {  	s13 =	sadd.s32 s18, s8;
	v62 =	vsel vm0, v29, v25;
	[tilespmem:s7+$0x20] =	vst v20;
	v63 =	vsub.f32 $0.0e+00, v19  }
0x406: {  	s13 =	sshll.u32 s13, $0x4;
	[tilespmem:s7+$0xFFFFFFA0] =	vst v62;
	v18 =	vsel vm9, v18, v21  }
0x407: {  	s13 =	sand.u32 $0x3FFFFFF0, s13;
	[tilespmem:s7+$0xFFFFFFC0] =	vst v18;
	v17 =	vsel vm15, v63, v19  }
0x408: {  	p2 =	seq.s32 s10, $0x2;
	s14 =	sadd.s32 s13, s4;
	[tilespmem:s7+$0x10] =	vst v17  }
0x409: {  	[spmem:s14] =	stream.linear.scatter [tilespmem:s0], [sflag:$0xA], $0xE00, $0x38;
	[tilespmem:$0x1E7F0] =	vst v63  }
.Ltmp10:
0x40a: {  	s24 =	sadd.s32 $0x1B600, s8;
	(pc) =	sbr.rel @p2 .LBB2_12-.Ltmp10, $4  }
0x40b: {  	[spmem:s3] =	stream.indirect.scatter [tilespmem:s25], [sflag:$0x6], $0x10, s24, s11, $0xb8;
	[tilespmem:$0x1E7F0] =	vst v63  }
0x40c: {  	_ =	swait.ge [sflag:s29], $0xE00  }
0x40d: {  	[sflag:s29] =	ssyncset.done $0x0  }
0x40e: {  	[sflag:s29] =	ssyncadd.s32 $0xFFFFF200  }
0x40f: {  	s7 =	sadd.s32 s30, s28  }
0x410: {  	s7 =	sshll.u32 s7, $0x4  }
0x411: {  	s7 =	sand.u32 $0x3FFFFFF0, s7  }
0x412: {  	s7 =	sadd.s32 s7, s4  }
0x413: {  	[tilespmem:s9], [sflag:$0x1] =	stream.linear.gather [spmem:s7], $0xE00, $0x38;
	[tilespmem:$0x1E7F0] =	vst v63  }
.Ltmp11:
0x414: {  	s30 =	sadd.s32 s30, s21;
	(pc) =	sbr.rel .LBB2_6-.Ltmp11, $4  }
0x415: {  	s10 =	sadd.s32 $0x1, s10;
	s7 =	sshll.u32 s30, $0x4;
	_ =	swait.ge [sflag:s19], $0xE00  }
0x416: {  	s15 =	sadd.s32 $0x1C0, s15;
	s7 =	sand.u32 $0x3FFFFFF0, s7;
	[sflag:s19] =	ssyncset.done $0x0  }
0x417: {  	s20 =	sadd.s32 $0x1C0, s20;
	s7 =	sadd.s32 s7, s4;
	[sflag:s19] =	ssyncadd.s32 $0xFFFFF200  }
0x418: {  	[tilespmem:s25], [sflag:$0x2] =	stream.linear.gather [spmem:s7], $0xE00, $0x38;
	[tilespmem:$0x1E7F0] =	vst v63  }
.LBB2_14:
0x419: {  	s2 =	simm.s32 $0x0  }
0x41a: {  	s7 =	simm.s32 $0x1;
	s13 =	simm.s32 $0x1E760;
	v16 =	vmov s2  }
0x41b: {  	s8 =	simm.s32 $0x80;
	s15 =	simm.s32 $0xB;
	s2 =	simm.s32 $0x1DE40;
	v16 =	vand.u32 $0xFFFFFFFE, v16  }
0x41c: {  	[tilespmem:s2], [sflag:$0xB] =	stream.indirect.gather [spmem:s3], $0x10, s13, s8, $0xb8;
	v18 =	vbroadcast v16, $0x0;
	v16 =	vmov s7;
	[tilespmem:$0x1E7F0] =	vst v63  }
0x41d: {  	s20 =	simm.s32 $0x2;
	_ =	swait.ge [sflag:s15], $0x800  }
0x41e: {  	v19 =	vmov s20;
	[sflag:s15] =	ssyncset.done $0x0  }
0x41f: {  	v19 =	vand.u32 $0xFFFFFFFE, v19;
	[sflag:s15] =	ssyncadd.s32 $0xFFFFF800  }
0x420: {  	s30 =	simm.s32 $0x3;
	v22 =	vbroadcast v19, $0x0;
	v19 =	vld [tilespmem:s2+$0x0]  }
0x421: {  	v21 =	vmov s30;
	v16 =	vld.idx.msk [tilespmem:v16+s31+$0x0], $0xffff  }
0x422: {  	v20 =	vld.idx.msk [tilespmem:v18+s31+$0x0], $0xffff;
	_ =	sdelay $0x1  }
0x423: {  	v17 =	vimm.f32 $0.0e+00;
	s7 =	simm.s32 $0x4;
	v18 =	vimm.f32 $0.0e+00  }
.LBB2_15:
0x424: {  	v23 =	vmov s7;
	p2 =	sne.s32 s7, $0xFE;
	s8 =	smov.u32 s7;
	s7 =	sadd.s32 $0x2, s7  }
.Ltmp12:
0x425: {  	v24 =	vmov v16;
	v23 =	vand.u32 $0xFFFFFFFE, v23;
	s8 =	sadd.s32 $0x1, s8;
	v16 =	vld.idx.msk [tilespmem:v21+s31+$0x0], $0xffff;
	(pc) =	sbr.rel @p2 .LBB2_15-.Ltmp12, $4  }
0x426: {  	s2 =	sadd.s32 $0x10, s2;
	v21 =	vmov s8;
	v25 =	vmul.f32 v20, v19;
	v20 =	vld.idx.msk [tilespmem:v22+s31+$0x0], $0xffff;
	v22 =	vbroadcast v23, $0x0  }
0x427: {  	v23 =	vmul.f32 v24, v19;
	v19 =	vld [tilespmem:s2+$0x0]  }
0x428: {  	v17 =	vadd.f32 v25, v17  }
0x429: {  	v18 =	vadd.f32 v23, v18  }
0x42a: {  	_ =	sdelay $0x3  }
0x42b: {  	v22 =	vld.idx.msk [tilespmem:v22+s31+$0x0], $0xffff;
	s2 =	sadd.s32 $0x10, s2  }
0x42c: {  	v23 =	vld [tilespmem:s2+$0x0];
	_ =	sdelay $0x2  }
0x42d: {  	s15 =	simm.s32 $0x1E750;
	v20 =	vmul.f32 v20, v19  }
0x42e: {  	v24 =	vld.msk [tilespmem:s15+$0x0], $0xffff  }
0x42f: {  	v60 =	vld.idx.msk [tilespmem:v21+s31+$0x0], $0xffff;
	v17 =	vadd.f32 v20, v17;
	v61 =	vmul.f32 v22, v23;
	_ =	sdelay $0x1  }
0x430: {  	s20 =	sld [smem:$0x7EF];
	v17 =	vadd.f32 v61, v17  }
0x431: {  	v16 =	vmul.f32 v16, v19  }
0x432: {  	v62 =	vld.idx.msk [tilespmem:v1+s15+$0x0], $0xffff;
	v17 =	vadd.f32 v24, v17  }
0x433: {  	s7 =	rddreg [dreg:$0xf];
	s8 =	simm.s32 $0x0;
	s2 =	sshll.u32 s20, $0x2;
	v16 =	vadd.f32 v16, v18;
	v63 =	vmul.f32 v60, v23  }
0x434: {  	s13 =	simm.s32 $0x1E7E0;
	s10 =	simm.s32 $0xB;
	s7 =	sadd.s32 s7, s2;
	[tilespmem:$0x1E7E0] =	vst v17  }
0x435: {  	v16 =	vadd.f32 v63, v16;
	[hbm4b:s7+s8] =	stream.linear.scatter [tilespmem:s13], [sflag:$0xB], $0x10, $0x38;
	[tilespmem:$0x1E7F0] =	vst v63  }
0x436: {  	_ =	swait.ge [sflag:s10], $0x10  }
0x437: {  	v16 =	vadd.f32 v62, v16;
	[sflag:s10] =	ssyncset.done $0x0  }
0x438: {  	s30 =	rddreg [dreg:$0x17];
	[sflag:s10] =	ssyncadd.s32 $0xFFFFFFF0  }
.Ltmp13:
0x439: {  	s2 =	sadd.s32 s2, s30;
	[tilespmem:$0x1E7E0] =	vst v16;
	(pc) =	sbr.rel .LBB2_17-.Ltmp13, $4  }
0x43a: {  	[hbm4b:s2+s8] =	stream.linear.scatter [tilespmem:s13], [sflag:$0xB], $0x10, $0x38;
	[tilespmem:$0x1E7F0] =	vst v63  }
0x43b: {  	_ =	swait.ge [sflag:s10], $0x10  }
0x43c: {  	[sflag:s10] =	ssyncset.done $0x0  }
0x43d: {  	[sflag:s10] =	ssyncadd.s32 $0xFFFFFFF0  }
.LBB2_19:
0x43e: {  	_ =	sfence.sel $0x180000  }
0x43f: {  	[bflag:$0x0] =	sbarrier.arrive $0xFFFF  }
0x440: {  	_ =	strace $0x90000047  }
0x441: {  	[bflag:$0x2] =	sbarrier.arrive $0xFFFF  }
0x442: {  	s0 =	rddreg [dreg:$0x5]  }
0x443: {  	s0 =	sadd.s32 @!p0 $0x100000, s0  }
0x444: {  	[sflag:s0] =	ssyncadd.tile.s32 @!p0 $0x1;
	_ =	shalt  }
.Lfunc_end2:
_tile_overlayer_lowered:
.L_overlay_start_2:
0x445: {  	(tag) =	ssettag $0x2  }
0x446: {  	s0 =	rddreg [dreg:$0x0];
	s2 =	stileid.u32  }
0x447: {  	s1 =	rddreg [dreg:$0x1];
	p0 =	sne.s32 s2, $0x0  }
0x448: {  	s3 =	rddreg [dreg:$0x2];
	[bflag:$0x3] =	sbarrier.arrive $0xFFFF;
	s2 =	simm.s32 @!p0 $0x1C0B  }
0x449: {  	[timem:s3], [sflag:s2] =	dma.local @!p0 [hbm:s0], s1  }
0x44a: {  	s0 =	simm.s32 @!p0 $0xB  }
0x44b: {  	_ =	swait.ge @!p0 [sflag:s0], s1  }
0x44c: {  	s1 =	ssub.s32 @!p0 $0x0, s1;
	[sflag:s0] =	ssyncset.done @!p0 $0x0  }
0x44d: {  	[sflag:s0] =	ssyncadd.s32 @!p0 s1  }
0x44e: {  	[bflag:$0x3] =	sbarrier.arrive $0xFFFF  }
0x44f: {  	_ =	shalt  }

</sc_bundles>
